<compile_context>
chip_gen: v7x
topology: tpu7x:2x2x1
jax: 0.10.2.dev20260603
libtpu: 0.0.44.dev20260713+nightly
codegen_flags: <defaults>
</compile_context>

<pallas_src>
import functools

import jax
import jax.numpy as jnp
from jax import lax
from jax.experimental import pallas as pl
from jax.experimental.pallas import tpu as pltpu
from jax.experimental.pallas import tpu_sc as plsc

B, S = 4, 2048
NTOK = B * S
DOUT = 192
NSEG = DOUT // 16
NSEG_L = 8
NJ = 7
EPS = 1e-12

NC, NS = 2, 16
NW = NC * NS
SPAN = NTOK // NW
CH = 64
NCH = SPAN // CH


def _tc_table_body(x_ref, y_ref, h_ref, w_ref, bp_ref, w_mat_ref, b_ref,
                   tl_ref, tr_ref):
    f32 = jnp.float32
    embs = (x_ref, y_ref, x_ref, y_ref, h_ref, w_ref)
    for i, e in enumerate(embs):
        d = jnp.dot(e[...], w_mat_ref[i * 128:(i + 1) * 128, :],
                    preferred_element_type=f32)
        tl_ref[i * 1024:(i + 1) * 1024, :] = d[:, 0:128]
        tr_ref[i * 1024:(i + 1) * 1024, 0:64] = d[:, 128:192]
    bp = bp_ref[...] + b_ref[...]
    tl_ref[6144:8192, :] = bp[:, 0:128]
    tr_ref[6144:8192, 0:64] = bp[:, 128:192]
    tr_ref[:, 64:128] = jnp.zeros((NTOK, 64), f32)


def _build_tables(x_emb, y_emb, h_emb, w_emb, box_pos_emb, w_mat, b):
    return pl.pallas_call(
        _tc_table_body,
        out_shape=(jax.ShapeDtypeStruct((NTOK, 128), jnp.float32),
                   jax.ShapeDtypeStruct((NTOK, 128), jnp.float32)),
    )(x_emb, y_emb, h_emb, w_emb, box_pos_emb, w_mat, b.reshape(1, DOUT))


def _sc_body(tl_hbm, tr_hbm, bbox_hbm, pos_hbm, gam_hbm, bet_hbm,
             outl_hbm, outr_hbm,
             bb0, bb1, pp0, pp1, ix0, ix1, al0, al1, ar0, ar1,
             obl_v, obr_v, gam_v, bet_v, sem0, sem1):
    bbs, pps, ixs = (bb0, bb1), (pp0, pp1), (ix0, ix1)
    als, ars, sems = (al0, al1), (ar0, ar1), (sem0, sem1)
    wid = lax.axis_index("s") * NC + lax.axis_index("c")
    pltpu.sync_copy(gam_hbm, gam_v)
    pltpu.sync_copy(bet_hbm, bet_v)

    def fire(ch, bf):
        base = wid * SPAN + ch * CH
        bb, pp, ix = bbs[bf], pps[bf], ixs[bf]
        al, ar = als[bf], ars[bf]
        pltpu.sync_copy(bbox_hbm.at[pl.ds(base * 4, CH * 4)], bb)
        pltpu.sync_copy(pos_hbm.at[pl.ds(base, CH)], pp)
        for g in range(CH // 16):
            row4 = (lax.iota(jnp.int32, 16) + g * 16) * 4
            b0 = plsc.load_gather(bb, [row4])
            b1 = plsc.load_gather(bb, [row4 + 1])
            b2 = plsc.load_gather(bb, [row4 + 2])
            b3 = plsc.load_gather(bb, [row4 + 3])
            p = pp[pl.ds(g * 16, 16)]
            ix[pl.ds(0 * CH + g * 16, 16)] = b0
            ix[pl.ds(1 * CH + g * 16, 16)] = b1 + 1024
            ix[pl.ds(2 * CH + g * 16, 16)] = b2 + 2048
            ix[pl.ds(3 * CH + g * 16, 16)] = b3 + 3072
            ix[pl.ds(4 * CH + g * 16, 16)] = (b3 - b1) + 4096
            ix[pl.ds(5 * CH + g * 16, 16)] = (b2 - b0) + 5120
            ix[pl.ds(6 * CH + g * 16, 16)] = p + 6144
        zero = jnp.zeros((16,), jnp.float32)

        def zero_body(t, c2):
            for c in range(NSEG_L):
                al[t, pl.ds(c * 16, 16)] = zero
            for c in range(NSEG - NSEG_L):
                ar[t, pl.ds(c * 16, 16)] = zero
            return c2
        lax.fori_loop(0, CH, zero_body, 0)
        hs = []
        for j in range(NJ):
            isl = ix.at[pl.ds(j * CH, CH)]
            hs.append(pltpu.async_copy(tl_hbm.at[isl], al, sems[bf], add=True))
            hs.append(pltpu.async_copy(tr_hbm.at[isl], ar, sems[bf], add=True))
        return hs

    def compute(ch, bf):
        base = wid * SPAN + ch * CH
        al, ar = als[bf], ars[bf]

        def tok_body(t, c2):
            s = jnp.zeros((16,), jnp.float32)
            ss = jnp.zeros((16,), jnp.float32)
            for c in range(NSEG):
                if c < NSEG_L:
                    a = al[t, pl.ds(c * 16, 16)]
                else:
                    a = ar[t, pl.ds((c - NSEG_L) * 16, 16)]
                s = s + a
                ss = ss + a * a
            mu_v = jnp.full((16,), jnp.sum(s), jnp.float32) * (1.0 / DOUT)
            var_v = jnp.full((16,), jnp.sum(ss), jnp.float32) * (1.0 / DOUT) - mu_v * mu_v
            v = var_v + EPS
            yi = jnp.full((16,), 0x5F3759DF, jnp.int32) - lax.shift_right_logical(
                plsc.bitcast(v, jnp.int32), jnp.full((16,), 1, jnp.int32))
            r = plsc.bitcast(yi, jnp.float32)
            for _ in range(3):
                r = r * (1.5 - 0.5 * v * r * r)
            for c in range(NSEG):
                csl = pl.ds(c * 16, 16)
                if c < NSEG_L:
                    a = al[t, csl]
                    obl_v[t, csl] = (a - mu_v) * r * gam_v[csl] + bet_v[csl]
                else:
                    rsl = pl.ds((c - NSEG_L) * 16, 16)
                    a = ar[t, rsl]
                    obr_v[t, rsl] = (a - mu_v) * r * gam_v[csl] + bet_v[csl]
            return c2
        lax.fori_loop(0, CH, tok_body, 0)
        pltpu.sync_copy(obl_v, outl_hbm.at[pl.ds(base, CH), :])
        pltpu.sync_copy(obr_v, outr_hbm.at[pl.ds(base, CH), :])

    handles = {0: fire(0, 0), 1: fire(1, 1)}
    for ch in range(NCH):
        bf = ch % 2
        for h in handles.pop(ch):
            h.wait()
        compute(ch, bf)
        if ch + 2 < NCH:
            handles[ch + 2] = fire(ch + 2, bf)


@functools.partial(
    pl.kernel,
    out_type=(jax.ShapeDtypeStruct((NTOK, 128), jnp.float32),
              jax.ShapeDtypeStruct((NTOK, 128), jnp.float32)),
    mesh=plsc.VectorSubcoreMesh(core_axis_name="c", subcore_axis_name="s",
                                num_cores=NC, num_subcores=NS),
    compiler_params=pltpu.CompilerParams(needs_layout_passes=False,
                                         use_tc_tiling_on_sc=True),
    scratch_types=[
        pltpu.VMEM((CH * 4,), jnp.int32),
        pltpu.VMEM((CH * 4,), jnp.int32),
        pltpu.VMEM((CH,), jnp.int32),
        pltpu.VMEM((CH,), jnp.int32),
        pltpu.VMEM((NJ * CH,), jnp.int32),
        pltpu.VMEM((NJ * CH,), jnp.int32),
        pltpu.VMEM((CH, 128), jnp.float32),
        pltpu.VMEM((CH, 128), jnp.float32),
        pltpu.VMEM((CH, 128), jnp.float32),
        pltpu.VMEM((CH, 128), jnp.float32),
        pltpu.VMEM((CH, 128), jnp.float32),
        pltpu.VMEM((CH, 128), jnp.float32),
        pltpu.VMEM((DOUT,), jnp.float32),
        pltpu.VMEM((DOUT,), jnp.float32),
        pltpu.SemaphoreType.DMA,
        pltpu.SemaphoreType.DMA,
    ],
)
def _sc_gather_ln(tl_hbm, tr_hbm, bbox_hbm, pos_hbm, gam_hbm, bet_hbm,
                  outl_hbm, outr_hbm, *rest):
    _sc_body(tl_hbm, tr_hbm, bbox_hbm, pos_hbm, gam_hbm, bet_hbm,
             outl_hbm, outr_hbm, *rest)


def kernel(bbox, position_ids, x_emb, y_emb, h_emb, w_emb, box_pos_emb, W, b, gamma, beta):
    tl, tr = _build_tables(x_emb, y_emb, h_emb, w_emb, box_pos_emb, W, b)
    bbox_flat = bbox.reshape(NTOK * 4).astype(jnp.int32)
    pos_flat = position_ids.reshape(NTOK).astype(jnp.int32)
    outl, outr = _sc_gather_ln(tl, tr, bbox_flat, pos_flat, gamma, beta)
    out = jnp.concatenate([outl, outr[:, :64]], axis=-1)
    return out.reshape(B, S, DOUT)

# --- scband reference (transcript-rebuilt; emitter-appended) ---
"""Pipeline reference for scband-lilt-layout-embeddings-65807488909583 (READ-ONLY COPY).

The authoritative reference and input builder live on the scoring server;
editing this copy changes nothing except your own understanding.
"""

import jax, jax.numpy as jnp
import numpy as np

B, S = 4, 2048
H = 768
D6 = H // 6            # 128
CSR = 4
DOUT = H // CSR        # 192
MAX2D = 1024
MAXPOS = 2048
PAD = 0
EPS = 1e-12


def setup_inputs(seed: int = 0):
    key = jax.random.key(seed)
    ks = jax.random.split(key, 10)
    # sorted along last axis guarantees bbox[...,3] >= bbox[...,1] and bbox[...,2] >= bbox[...,0]
    bbox = jnp.sort(jax.random.randint(ks[0], (B, S, 4), 0, MAX2D), axis=-1)
    position_ids = jax.random.randint(ks[1], (B, S), 0, MAXPOS)
    x_emb = jax.random.normal(ks[2], (MAX2D, D6), dtype=jnp.float32) * 0.02
    y_emb = jax.random.normal(ks[3], (MAX2D, D6), dtype=jnp.float32) * 0.02
    h_emb = jax.random.normal(ks[4], (MAX2D, D6), dtype=jnp.float32) * 0.02
    w_emb = jax.random.normal(ks[5], (MAX2D, D6), dtype=jnp.float32) * 0.02
    box_pos_emb = jax.random.normal(ks[6], (MAXPOS, DOUT), dtype=jnp.float32) * 0.02
    box_pos_emb = box_pos_emb.at[PAD].set(0.0)  # padding_idx
    W = jax.random.normal(ks[7], (H, DOUT), dtype=jnp.float32) * 0.02
    b = jnp.zeros((DOUT,), dtype=jnp.float32)
    gamma = jnp.ones((DOUT,), dtype=jnp.float32)
    beta = jnp.zeros((DOUT,), dtype=jnp.float32)
    return {
        'bbox': bbox,
        'position_ids': position_ids,
        'x_emb': x_emb,
        'y_emb': y_emb,
        'h_emb': h_emb,
        'w_emb': w_emb,
        'box_pos_emb': box_pos_emb,
        'W': W,
        'b': b,
        'gamma': gamma,
        'beta': beta,
    }


def reference(bbox, position_ids, x_emb, y_emb, h_emb, w_emb, box_pos_emb, W, b, gamma, beta):
    left = jnp.take(x_emb, bbox[:, :, 0], axis=0)
    top = jnp.take(y_emb, bbox[:, :, 1], axis=0)
    right = jnp.take(x_emb, bbox[:, :, 2], axis=0)
    bottom = jnp.take(y_emb, bbox[:, :, 3], axis=0)
    h_pe = jnp.take(h_emb, bbox[:, :, 3] - bbox[:, :, 1], axis=0)
    w_pe = jnp.take(w_emb, bbox[:, :, 2] - bbox[:, :, 0], axis=0)
    spatial = jnp.concatenate([left, top, right, bottom, h_pe, w_pe], axis=-1)
    spatial = spatial @ W + b
    box_pos = jnp.take(box_pos_emb, position_ids, axis=0)
    emb = spatial + box_pos
    mu = jnp.mean(emb, axis=-1, keepdims=True)
    var = jnp.mean((emb - mu) ** 2, axis=-1, keepdims=True)
    out = (emb - mu) / jnp.sqrt(var + EPS) * gamma + beta
    # dropout is identity in eval mode
    return out


if False:  # reference __main__ guard neutralized (emitter)
    inp = setup_inputs()
    o = reference(**inp)
    print(o.shape, o.dtype)

if __name__ == "__main__":
    import jax
    _d = setup_inputs()
    print(jax.jit(kernel)(*tuple(_d.values())))

</pallas_src>

<mosaic_0001>
#map = affine_map<(d0, d1) -> (0, 0)>
#map1 = affine_map<(d0, d1) -> (0)>
module attributes {stable_mosaic.version = 14 : i64} {
  func.func @_sc_gather_ln(%arg0: i32, %arg1: i32, %arg2: memref<8192x128xf32, #tpu.memory_space<hbm>>, %arg3: memref<8192x128xf32, #tpu.memory_space<hbm>>, %arg4: memref<32768xi32, #tpu.memory_space<hbm>>, %arg5: memref<8192xi32, #tpu.memory_space<hbm>>, %arg6: memref<192xf32, #tpu.memory_space<hbm>>, %arg7: memref<192xf32, #tpu.memory_space<hbm>>, %arg8: memref<8192x128xf32, #tpu.memory_space<hbm>>, %arg9: memref<8192x128xf32, #tpu.memory_space<hbm>>, %arg10: memref<256xi32, #tpu.memory_space<vmem>>, %arg11: memref<256xi32, #tpu.memory_space<vmem>>, %arg12: memref<64xi32, #tpu.memory_space<vmem>>, %arg13: memref<64xi32, #tpu.memory_space<vmem>>, %arg14: memref<448xi32, #tpu.memory_space<vmem>>, %arg15: memref<448xi32, #tpu.memory_space<vmem>>, %arg16: memref<64x128xf32, #tpu.memory_space<vmem>>, %arg17: memref<64x128xf32, #tpu.memory_space<vmem>>, %arg18: memref<64x128xf32, #tpu.memory_space<vmem>>, %arg19: memref<64x128xf32, #tpu.memory_space<vmem>>, %arg20: memref<64x128xf32, #tpu.memory_space<vmem>>, %arg21: memref<64x128xf32, #tpu.memory_space<vmem>>, %arg22: memref<192xf32, #tpu.memory_space<vmem>>, %arg23: memref<192xf32, #tpu.memory_space<vmem>>, %arg24: memref<!tpu.dma_semaphore, #tpu.memory_space<semaphore_mem>>, %arg25: memref<!tpu.dma_semaphore, #tpu.memory_space<semaphore_mem>>) attributes {dimension_semantics = [#tpu.dimension_semantics<core_parallel>, #tpu.dimension_semantics<subcore_parallel>], iteration_bounds = array<i64: 2, 16>, scalar_prefetch = 0 : i64, scratch_operands = 16 : i64, tpu.core_type = #tpu.core_type<sc_vector_subcore>, window_params = [{transform_indices = #map}, {transform_indices = #map}, {transform_indices = #map1}, {transform_indices = #map1}, {transform_indices = #map1}, {transform_indices = #map1}, {transform_indices = #map}, {transform_indices = #map}]} {
    %mul3A = arith.constant 2 : i32
    %mul3A_0 = arith.muli %arg1, %mul3A : i32
    %add3A = arith.addi %mul3A_0, %arg0 : i32
    "tpu.region"() ({
      %run_scoped3A = tpu.sem_alloc : memref<!tpu.dma_semaphore, #tpu.memory_space<semaphore_mem>>
      tpu.enqueue_dma source(%arg6 : memref<192xf32, #tpu.memory_space<hbm>>) target(%arg22 : memref<192xf32, #tpu.memory_space<vmem>>) target_semaphore(%run_scoped3A : memref<!tpu.dma_semaphore, #tpu.memory_space<semaphore_mem>>)
      tpu.wait_dma2 semaphore(%run_scoped3A : memref<!tpu.dma_semaphore, #tpu.memory_space<semaphore_mem>>) src(%arg6 : memref<192xf32, #tpu.memory_space<hbm>>) dst(%arg22 : memref<192xf32, #tpu.memory_space<vmem>>)
      tpu.yield
    }) : () -> ()
    "tpu.region"() ({
      %run_scoped3A = tpu.sem_alloc : memref<!tpu.dma_semaphore, #tpu.memory_space<semaphore_mem>>
      tpu.enqueue_dma source(%arg7 : memref<192xf32, #tpu.memory_space<hbm>>) target(%arg23 : memref<192xf32, #tpu.memory_space<vmem>>) target_semaphore(%run_scoped3A : memref<!tpu.dma_semaphore, #tpu.memory_space<semaphore_mem>>)
      tpu.wait_dma2 semaphore(%run_scoped3A : memref<!tpu.dma_semaphore, #tpu.memory_space<semaphore_mem>>) src(%arg7 : memref<192xf32, #tpu.memory_space<hbm>>) dst(%arg23 : memref<192xf32, #tpu.memory_space<vmem>>)
      tpu.yield
    }) : () -> ()
    %mul3A_1 = arith.constant 256 : i32
    %mul3A_2 = arith.muli %add3A, %mul3A_1 : i32
    %add3A_3 = arith.constant 0 : i32
    %add3A_4 = arith.addi %mul3A_2, %add3A_3 : i32
    %mul3A_5 = arith.constant 4 : i32
    %mul3A_6 = arith.muli %add3A_4, %mul3A_5 : i32
    "tpu.region"() ({
      %run_scoped3A = tpu.sem_alloc : memref<!tpu.dma_semaphore, #tpu.memory_space<semaphore_mem>>
      %dma_start3A_1544 = tpu.memref_slice %arg4[%mul3A_6] : memref<32768xi32, #tpu.memory_space<hbm>> -> memref<256xi32, #tpu.memory_space<hbm>>
      %dma_start3A_1545 = tpu.memref_slice %arg4[%mul3A_6] : memref<32768xi32, #tpu.memory_space<hbm>> -> memref<256xi32, #tpu.memory_space<hbm>>
      tpu.enqueue_dma source(%dma_start3A_1545 : memref<256xi32, #tpu.memory_space<hbm>>) target(%arg10 : memref<256xi32, #tpu.memory_space<vmem>>) target_semaphore(%run_scoped3A : memref<!tpu.dma_semaphore, #tpu.memory_space<semaphore_mem>>)
      %dma_wait3A_1546 = tpu.memref_slice %arg4[%mul3A_6] : memref<32768xi32, #tpu.memory_space<hbm>> -> memref<256xi32, #tpu.memory_space<hbm>>
      %dma_wait3A_1547 = tpu.memref_slice %arg4[%mul3A_6] : memref<32768xi32, #tpu.memory_space<hbm>> -> memref<256xi32, #tpu.memory_space<hbm>>
      tpu.wait_dma2 semaphore(%run_scoped3A : memref<!tpu.dma_semaphore, #tpu.memory_space<semaphore_mem>>) src(%dma_wait3A_1547 : memref<256xi32, #tpu.memory_space<hbm>>) dst(%arg10 : memref<256xi32, #tpu.memory_space<vmem>>)
      tpu.yield
    }) : () -> ()
    "tpu.region"() ({
      %run_scoped3A = tpu.sem_alloc : memref<!tpu.dma_semaphore, #tpu.memory_space<semaphore_mem>>
      %dma_start3A_1544 = tpu.memref_slice %arg5[%add3A_4] : memref<8192xi32, #tpu.memory_space<hbm>> -> memref<64xi32, #tpu.memory_space<hbm>>
      %dma_start3A_1545 = tpu.memref_slice %arg5[%add3A_4] : memref<8192xi32, #tpu.memory_space<hbm>> -> memref<64xi32, #tpu.memory_space<hbm>>
      tpu.enqueue_dma source(%dma_start3A_1545 : memref<64xi32, #tpu.memory_space<hbm>>) target(%arg12 : memref<64xi32, #tpu.memory_space<vmem>>) target_semaphore(%run_scoped3A : memref<!tpu.dma_semaphore, #tpu.memory_space<semaphore_mem>>)
      %dma_wait3A_1546 = tpu.memref_slice %arg5[%add3A_4] : memref<8192xi32, #tpu.memory_space<hbm>> -> memref<64xi32, #tpu.memory_space<hbm>>
      %dma_wait3A_1547 = tpu.memref_slice %arg5[%add3A_4] : memref<8192xi32, #tpu.memory_space<hbm>> -> memref<64xi32, #tpu.memory_space<hbm>>
      tpu.wait_dma2 semaphore(%run_scoped3A : memref<!tpu.dma_semaphore, #tpu.memory_space<semaphore_mem>>) src(%dma_wait3A_1547 : memref<64xi32, #tpu.memory_space<hbm>>) dst(%arg12 : memref<64xi32, #tpu.memory_space<vmem>>)
      tpu.yield
    }) : () -> ()
    %iota3A = tpu.iota {dimensions = array<i32: 0>} : vector<16xi32>
    %add3A_7 = arith.constant 0 : i32
    %add3A_8 = vector.broadcast %add3A_7 : i32 to vector<16xi32>
    %add3A_9 = arith.addi %iota3A, %add3A_8 : vector<16xi32>
    %mul3A_10 = arith.constant 4 : i32
    %mul3A_11 = vector.broadcast %mul3A_10 : i32 to vector<16xi32>
    %mul3A_12 = arith.muli %add3A_9, %mul3A_11 : vector<16xi32>
    %gather3A = tpu.vector_load_idx %arg10[%mul3A_12] : memref<256xi32, #tpu.memory_space<vmem>>[vector<16xi32>], vector<16xi32>,
    %add3A_13 = arith.constant 1 : i32
    %add3A_14 = vector.broadcast %add3A_13 : i32 to vector<16xi32>
    %add3A_15 = arith.addi %mul3A_12, %add3A_14 : vector<16xi32>
    %gather3A_16 = tpu.vector_load_idx %arg10[%add3A_15] : memref<256xi32, #tpu.memory_space<vmem>>[vector<16xi32>], vector<16xi32>,
    %add3A_17 = arith.constant 2 : i32
    %add3A_18 = vector.broadcast %add3A_17 : i32 to vector<16xi32>
    %add3A_19 = arith.addi %mul3A_12, %add3A_18 : vector<16xi32>
    %gather3A_20 = tpu.vector_load_idx %arg10[%add3A_19] : memref<256xi32, #tpu.memory_space<vmem>>[vector<16xi32>], vector<16xi32>,
    %add3A_21 = arith.constant 3 : i32
    %add3A_22 = vector.broadcast %add3A_21 : i32 to vector<16xi32>
    %add3A_23 = arith.addi %mul3A_12, %add3A_22 : vector<16xi32>
    %gather3A_24 = tpu.vector_load_idx %arg10[%add3A_23] : memref<256xi32, #tpu.memory_space<vmem>>[vector<16xi32>], vector<16xi32>,
    %get3A = arith.constant 0 : index
    %get3A_25 = tpu.vector_load %arg12[%get3A] {strides = array<i32>} : memref<64xi32, #tpu.memory_space<vmem>>, vector<16xi32>,
    %swap3A = arith.constant 0 : index
    %swap3A_26 = tpu.vector_load %arg14[%swap3A] {strides = array<i32>} : memref<448xi32, #tpu.memory_space<vmem>>, vector<16xi32>,
    tpu.vector_store %arg14[%swap3A], %gather3A {strides = array<i32>} : memref<448xi32, #tpu.memory_space<vmem>>, vector<16xi32>,
    %add3A_27 = arith.constant 1024 : i32
    %add3A_28 = vector.broadcast %add3A_27 : i32 to vector<16xi32>
    %add3A_29 = arith.addi %gather3A_16, %add3A_28 : vector<16xi32>
    %swap3A_30 = arith.constant 64 : index
    %swap3A_31 = tpu.vector_load %arg14[%swap3A_30] {strides = array<i32>} : memref<448xi32, #tpu.memory_space<vmem>>, vector<16xi32>,
    tpu.vector_store %arg14[%swap3A_30], %add3A_29 {strides = array<i32>} : memref<448xi32, #tpu.memory_space<vmem>>, vector<16xi32>,
    %add3A_32 = arith.constant 2048 : i32
    %add3A_33 = vector.broadcast %add3A_32 : i32 to vector<16xi32>
    %add3A_34 = arith.addi %gather3A_20, %add3A_33 : vector<16xi32>
    %swap3A_35 = arith.constant 128 : index
    %swap3A_36 = tpu.vector_load %arg14[%swap3A_35] {strides = array<i32>} : memref<448xi32, #tpu.memory_space<vmem>>, vector<16xi32>,
    tpu.vector_store %arg14[%swap3A_35], %add3A_34 {strides = array<i32>} : memref<448xi32, #tpu.memory_space<vmem>>, vector<16xi32>,
    %add3A_37 = arith.constant 3072 : i32
    %add3A_38 = vector.broadcast %add3A_37 : i32 to vector<16xi32>
    %add3A_39 = arith.addi %gather3A_24, %add3A_38 : vector<16xi32>
    %swap3A_40 = arith.constant 192 : index
    %swap3A_41 = tpu.vector_load %arg14[%swap3A_40] {strides = array<i32>} : memref<448xi32, #tpu.memory_space<vmem>>, vector<16xi32>,
    tpu.vector_store %arg14[%swap3A_40], %add3A_39 {strides = array<i32>} : memref<448xi32, #tpu.memory_space<vmem>>, vector<16xi32>,
    %sub3A = arith.subi %gather3A_24, %gather3A_16 : vector<16xi32>
    %add3A_42 = arith.constant 4096 : i32
    %add3A_43 = vector.broadcast %add3A_42 : i32 to vector<16xi32>
    %add3A_44 = arith.addi %sub3A, %add3A_43 : vector<16xi32>
    %swap3A_45 = arith.constant 256 : index
    %swap3A_46 = tpu.vector_load %arg14[%swap3A_45] {strides = array<i32>} : memref<448xi32, #tpu.memory_space<vmem>>, vector<16xi32>,
    tpu.vector_store %arg14[%swap3A_45], %add3A_44 {strides = array<i32>} : memref<448xi32, #tpu.memory_space<vmem>>, vector<16xi32>,
    %sub3A_47 = arith.subi %gather3A_20, %gather3A : vector<16xi32>
    %add3A_48 = arith.constant 5120 : i32
    %add3A_49 = vector.broadcast %add3A_48 : i32 to vector<16xi32>
    %add3A_50 = arith.addi %sub3A_47, %add3A_49 : vector<16xi32>
    %swap3A_51 = arith.constant 320 : index
    %swap3A_52 = tpu.vector_load %arg14[%swap3A_51] {strides = array<i32>} : memref<448xi32, #tpu.memory_space<vmem>>, vector<16xi32>,
    tpu.vector_store %arg14[%swap3A_51], %add3A_50 {strides = array<i32>} : memref<448xi32, #tpu.memory_space<vmem>>, vector<16xi32>,
    %add3A_53 = arith.constant 6144 : i32
    %add3A_54 = vector.broadcast %add3A_53 : i32 to vector<16xi32>
    %add3A_55 = arith.addi %get3A_25, %add3A_54 : vector<16xi32>
    %swap3A_56 = arith.constant 384 : index
    %swap3A_57 = tpu.vector_load %arg14[%swap3A_56] {strides = array<i32>} : memref<448xi32, #tpu.memory_space<vmem>>, vector<16xi32>,
    tpu.vector_store %arg14[%swap3A_56], %add3A_55 {strides = array<i32>} : memref<448xi32, #tpu.memory_space<vmem>>, vector<16xi32>,
    %iota3A_58 = tpu.iota {dimensions = array<i32: 0>} : vector<16xi32>
    %add3A_59 = arith.constant 16 : i32
    %add3A_60 = vector.broadcast %add3A_59 : i32 to vector<16xi32>
    %add3A_61 = arith.addi %iota3A_58, %add3A_60 : vector<16xi32>
    %mul3A_62 = arith.constant 4 : i32
    %mul3A_63 = vector.broadcast %mul3A_62 : i32 to vector<16xi32>
    %mul3A_64 = arith.muli %add3A_61, %mul3A_63 : vector<16xi32>
    %gather3A_65 = tpu.vector_load_idx %arg10[%mul3A_64] : memref<256xi32, #tpu.memory_space<vmem>>[vector<16xi32>], vector<16xi32>,
    %add3A_66 = arith.constant 1 : i32
    %add3A_67 = vector.broadcast %add3A_66 : i32 to vector<16xi32>
    %add3A_68 = arith.addi %mul3A_64, %add3A_67 : vector<16xi32>
    %gather3A_69 = tpu.vector_load_idx %arg10[%add3A_68] : memref<256xi32, #tpu.memory_space<vmem>>[vector<16xi32>], vector<16xi32>,
    %add3A_70 = arith.constant 2 : i32
    %add3A_71 = vector.broadcast %add3A_70 : i32 to vector<16xi32>
    %add3A_72 = arith.addi %mul3A_64, %add3A_71 : vector<16xi32>
    %gather3A_73 = tpu.vector_load_idx %arg10[%add3A_72] : memref<256xi32, #tpu.memory_space<vmem>>[vector<16xi32>], vector<16xi32>,
    %add3A_74 = arith.constant 3 : i32
    %add3A_75 = vector.broadcast %add3A_74 : i32 to vector<16xi32>
    %add3A_76 = arith.addi %mul3A_64, %add3A_75 : vector<16xi32>
    %gather3A_77 = tpu.vector_load_idx %arg10[%add3A_76] : memref<256xi32, #tpu.memory_space<vmem>>[vector<16xi32>], vector<16xi32>,
    %get3A_78 = arith.constant 16 : index
    %get3A_79 = tpu.vector_load %arg12[%get3A_78] {strides = array<i32>} : memref<64xi32, #tpu.memory_space<vmem>>, vector<16xi32>,
    %swap3A_80 = arith.constant 16 : index
    %swap3A_81 = tpu.vector_load %arg14[%swap3A_80] {strides = array<i32>} : memref<448xi32, #tpu.memory_space<vmem>>, vector<16xi32>,
    tpu.vector_store %arg14[%swap3A_80], %gather3A_65 {strides = array<i32>} : memref<448xi32, #tpu.memory_space<vmem>>, vector<16xi32>,
    %add3A_82 = arith.constant 1024 : i32
    %add3A_83 = vector.broadcast %add3A_82 : i32 to vector<16xi32>
    %add3A_84 = arith.addi %gather3A_69, %add3A_83 : vector<16xi32>
    %swap3A_85 = arith.constant 80 : index
    %swap3A_86 = tpu.vector_load %arg14[%swap3A_85] {strides = array<i32>} : memref<448xi32, #tpu.memory_space<vmem>>, vector<16xi32>,
    tpu.vector_store %arg14[%swap3A_85], %add3A_84 {strides = array<i32>} : memref<448xi32, #tpu.memory_space<vmem>>, vector<16xi32>,
    %add3A_87 = arith.constant 2048 : i32
    %add3A_88 = vector.broadcast %add3A_87 : i32 to vector<16xi32>
    %add3A_89 = arith.addi %gather3A_73, %add3A_88 : vector<16xi32>
    %swap3A_90 = arith.constant 144 : index
    %swap3A_91 = tpu.vector_load %arg14[%swap3A_90] {strides = array<i32>} : memref<448xi32, #tpu.memory_space<vmem>>, vector<16xi32>,
    tpu.vector_store %arg14[%swap3A_90], %add3A_89 {strides = array<i32>} : memref<448xi32, #tpu.memory_space<vmem>>, vector<16xi32>,
    %add3A_92 = arith.constant 3072 : i32
    %add3A_93 = vector.broadcast %add3A_92 : i32 to vector<16xi32>
    %add3A_94 = arith.addi %gather3A_77, %add3A_93 : vector<16xi32>
    %swap3A_95 = arith.constant 208 : index
    %swap3A_96 = tpu.vector_load %arg14[%swap3A_95] {strides = array<i32>} : memref<448xi32, #tpu.memory_space<vmem>>, vector<16xi32>,
    tpu.vector_store %arg14[%swap3A_95], %add3A_94 {strides = array<i32>} : memref<448xi32, #tpu.memory_space<vmem>>, vector<16xi32>,
    %sub3A_97 = arith.subi %gather3A_77, %gather3A_69 : vector<16xi32>
    %add3A_98 = arith.constant 4096 : i32
    %add3A_99 = vector.broadcast %add3A_98 : i32 to vector<16xi32>
    %add3A_100 = arith.addi %sub3A_97, %add3A_99 : vector<16xi32>
    %swap3A_101 = arith.constant 272 : index
    %swap3A_102 = tpu.vector_load %arg14[%swap3A_101] {strides = array<i32>} : memref<448xi32, #tpu.memory_space<vmem>>, vector<16xi32>,
    tpu.vector_store %arg14[%swap3A_101], %add3A_100 {strides = array<i32>} : memref<448xi32, #tpu.memory_space<vmem>>, vector<16xi32>,
    %sub3A_103 = arith.subi %gather3A_73, %gather3A_65 : vector<16xi32>
    %add3A_104 = arith.constant 5120 : i32
    %add3A_105 = vector.broadcast %add3A_104 : i32 to vector<16xi32>
    %add3A_106 = arith.addi %sub3A_103, %add3A_105 : vector<16xi32>
    %swap3A_107 = arith.constant 336 : index
    %swap3A_108 = tpu.vector_load %arg14[%swap3A_107] {strides = array<i32>} : memref<448xi32, #tpu.memory_space<vmem>>, vector<16xi32>,
    tpu.vector_store %arg14[%swap3A_107], %add3A_106 {strides = array<i32>} : memref<448xi32, #tpu.memory_space<vmem>>, vector<16xi32>,
    %add3A_109 = arith.constant 6144 : i32
    %add3A_110 = vector.broadcast %add3A_109 : i32 to vector<16xi32>
    %add3A_111 = arith.addi %get3A_79, %add3A_110 : vector<16xi32>
    %swap3A_112 = arith.constant 400 : index
    %swap3A_113 = tpu.vector_load %arg14[%swap3A_112] {strides = array<i32>} : memref<448xi32, #tpu.memory_space<vmem>>, vector<16xi32>,
    tpu.vector_store %arg14[%swap3A_112], %add3A_111 {strides = array<i32>} : memref<448xi32, #tpu.memory_space<vmem>>, vector<16xi32>,
    %iota3A_114 = tpu.iota {dimensions = array<i32: 0>} : vector<16xi32>
    %add3A_115 = arith.constant 32 : i32
    %add3A_116 = vector.broadcast %add3A_115 : i32 to vector<16xi32>
    %add3A_117 = arith.addi %iota3A_114, %add3A_116 : vector<16xi32>
    %mul3A_118 = arith.constant 4 : i32
    %mul3A_119 = vector.broadcast %mul3A_118 : i32 to vector<16xi32>
    %mul3A_120 = arith.muli %add3A_117, %mul3A_119 : vector<16xi32>
    %gather3A_121 = tpu.vector_load_idx %arg10[%mul3A_120] : memref<256xi32, #tpu.memory_space<vmem>>[vector<16xi32>], vector<16xi32>,
    %add3A_122 = arith.constant 1 : i32
    %add3A_123 = vector.broadcast %add3A_122 : i32 to vector<16xi32>
    %add3A_124 = arith.addi %mul3A_120, %add3A_123 : vector<16xi32>
    %gather3A_125 = tpu.vector_load_idx %arg10[%add3A_124] : memref<256xi32, #tpu.memory_space<vmem>>[vector<16xi32>], vector<16xi32>,
    %add3A_126 = arith.constant 2 : i32
    %add3A_127 = vector.broadcast %add3A_126 : i32 to vector<16xi32>
    %add3A_128 = arith.addi %mul3A_120, %add3A_127 : vector<16xi32>
    %gather3A_129 = tpu.vector_load_idx %arg10[%add3A_128] : memref<256xi32, #tpu.memory_space<vmem>>[vector<16xi32>], vector<16xi32>,
    %add3A_130 = arith.constant 3 : i32
    %add3A_131 = vector.broadcast %add3A_130 : i32 to vector<16xi32>
    %add3A_132 = arith.addi %mul3A_120, %add3A_131 : vector<16xi32>
    %gather3A_133 = tpu.vector_load_idx %arg10[%add3A_132] : memref<256xi32, #tpu.memory_space<vmem>>[vector<16xi32>], vector<16xi32>,
    %get3A_134 = arith.constant 32 : index
    %get3A_135 = tpu.vector_load %arg12[%get3A_134] {strides = array<i32>} : memref<64xi32, #tpu.memory_space<vmem>>, vector<16xi32>,
    %swap3A_136 = arith.constant 32 : index
    %swap3A_137 = tpu.vector_load %arg14[%swap3A_136] {strides = array<i32>} : memref<448xi32, #tpu.memory_space<vmem>>, vector<16xi32>,
    tpu.vector_store %arg14[%swap3A_136], %gather3A_121 {strides = array<i32>} : memref<448xi32, #tpu.memory_space<vmem>>, vector<16xi32>,
    %add3A_138 = arith.constant 1024 : i32
    %add3A_139 = vector.broadcast %add3A_138 : i32 to vector<16xi32>
    %add3A_140 = arith.addi %gather3A_125, %add3A_139 : vector<16xi32>
    %swap3A_141 = arith.constant 96 : index
    %swap3A_142 = tpu.vector_load %arg14[%swap3A_141] {strides = array<i32>} : memref<448xi32, #tpu.memory_space<vmem>>, vector<16xi32>,
    tpu.vector_store %arg14[%swap3A_141], %add3A_140 {strides = array<i32>} : memref<448xi32, #tpu.memory_space<vmem>>, vector<16xi32>,
    %add3A_143 = arith.constant 2048 : i32
    %add3A_144 = vector.broadcast %add3A_143 : i32 to vector<16xi32>
    %add3A_145 = arith.addi %gather3A_129, %add3A_144 : vector<16xi32>
    %swap3A_146 = arith.constant 160 : index
    %swap3A_147 = tpu.vector_load %arg14[%swap3A_146] {strides = array<i32>} : memref<448xi32, #tpu.memory_space<vmem>>, vector<16xi32>,
    tpu.vector_store %arg14[%swap3A_146], %add3A_145 {strides = array<i32>} : memref<448xi32, #tpu.memory_space<vmem>>, vector<16xi32>,
    %add3A_148 = arith.constant 3072 : i32
    %add3A_149 = vector.broadcast %add3A_148 : i32 to vector<16xi32>
    %add3A_150 = arith.addi %gather3A_133, %add3A_149 : vector<16xi32>
    %swap3A_151 = arith.constant 224 : index
    %swap3A_152 = tpu.vector_load %arg14[%swap3A_151] {strides = array<i32>} : memref<448xi32, #tpu.memory_space<vmem>>, vector<16xi32>,
    tpu.vector_store %arg14[%swap3A_151], %add3A_150 {strides = array<i32>} : memref<448xi32, #tpu.memory_space<vmem>>, vector<16xi32>,
    %sub3A_153 = arith.subi %gather3A_133, %gather3A_125 : vector<16xi32>
    %add3A_154 = arith.constant 4096 : i32
    %add3A_155 = vector.broadcast %add3A_154 : i32 to vector<16xi32>
    %add3A_156 = arith.addi %sub3A_153, %add3A_155 : vector<16xi32>
    %swap3A_157 = arith.constant 288 : index
    %swap3A_158 = tpu.vector_load %arg14[%swap3A_157] {strides = array<i32>} : memref<448xi32, #tpu.memory_space<vmem>>, vector<16xi32>,
    tpu.vector_store %arg14[%swap3A_157], %add3A_156 {strides = array<i32>} : memref<448xi32, #tpu.memory_space<vmem>>, vector<16xi32>,
    %sub3A_159 = arith.subi %gather3A_129, %gather3A_121 : vector<16xi32>
    %add3A_160 = arith.constant 5120 : i32
    %add3A_161 = vector.broadcast %add3A_160 : i32 to vector<16xi32>
    %add3A_162 = arith.addi %sub3A_159, %add3A_161 : vector<16xi32>
    %swap3A_163 = arith.constant 352 : index
    %swap3A_164 = tpu.vector_load %arg14[%swap3A_163] {strides = array<i32>} : memref<448xi32, #tpu.memory_space<vmem>>, vector<16xi32>,
    tpu.vector_store %arg14[%swap3A_163], %add3A_162 {strides = array<i32>} : memref<448xi32, #tpu.memory_space<vmem>>, vector<16xi32>,
    %add3A_165 = arith.constant 6144 : i32
    %add3A_166 = vector.broadcast %add3A_165 : i32 to vector<16xi32>
    %add3A_167 = arith.addi %get3A_135, %add3A_166 : vector<16xi32>
    %swap3A_168 = arith.constant 416 : index
    %swap3A_169 = tpu.vector_load %arg14[%swap3A_168] {strides = array<i32>} : memref<448xi32, #tpu.memory_space<vmem>>, vector<16xi32>,
    tpu.vector_store %arg14[%swap3A_168], %add3A_167 {strides = array<i32>} : memref<448xi32, #tpu.memory_space<vmem>>, vector<16xi32>,
    %iota3A_170 = tpu.iota {dimensions = array<i32: 0>} : vector<16xi32>
    %add3A_171 = arith.constant 48 : i32
    %add3A_172 = vector.broadcast %add3A_171 : i32 to vector<16xi32>
    %add3A_173 = arith.addi %iota3A_170, %add3A_172 : vector<16xi32>
    %mul3A_174 = arith.constant 4 : i32
    %mul3A_175 = vector.broadcast %mul3A_174 : i32 to vector<16xi32>
    %mul3A_176 = arith.muli %add3A_173, %mul3A_175 : vector<16xi32>
    %gather3A_177 = tpu.vector_load_idx %arg10[%mul3A_176] : memref<256xi32, #tpu.memory_space<vmem>>[vector<16xi32>], vector<16xi32>,
    %add3A_178 = arith.constant 1 : i32
    %add3A_179 = vector.broadcast %add3A_178 : i32 to vector<16xi32>
    %add3A_180 = arith.addi %mul3A_176, %add3A_179 : vector<16xi32>
    %gather3A_181 = tpu.vector_load_idx %arg10[%add3A_180] : memref<256xi32, #tpu.memory_space<vmem>>[vector<16xi32>], vector<16xi32>,
    %add3A_182 = arith.constant 2 : i32
    %add3A_183 = vector.broadcast %add3A_182 : i32 to vector<16xi32>
    %add3A_184 = arith.addi %mul3A_176, %add3A_183 : vector<16xi32>
    %gather3A_185 = tpu.vector_load_idx %arg10[%add3A_184] : memref<256xi32, #tpu.memory_space<vmem>>[vector<16xi32>], vector<16xi32>,
    %add3A_186 = arith.constant 3 : i32
    %add3A_187 = vector.broadcast %add3A_186 : i32 to vector<16xi32>
    %add3A_188 = arith.addi %mul3A_176, %add3A_187 : vector<16xi32>
    %gather3A_189 = tpu.vector_load_idx %arg10[%add3A_188] : memref<256xi32, #tpu.memory_space<vmem>>[vector<16xi32>], vector<16xi32>,
    %get3A_190 = arith.constant 48 : index
    %get3A_191 = tpu.vector_load %arg12[%get3A_190] {strides = array<i32>} : memref<64xi32, #tpu.memory_space<vmem>>, vector<16xi32>,
    %swap3A_192 = arith.constant 48 : index
    %swap3A_193 = tpu.vector_load %arg14[%swap3A_192] {strides = array<i32>} : memref<448xi32, #tpu.memory_space<vmem>>, vector<16xi32>,
    tpu.vector_store %arg14[%swap3A_192], %gather3A_177 {strides = array<i32>} : memref<448xi32, #tpu.memory_space<vmem>>, vector<16xi32>,
    %add3A_194 = arith.constant 1024 : i32
    %add3A_195 = vector.broadcast %add3A_194 : i32 to vector<16xi32>
    %add3A_196 = arith.addi %gather3A_181, %add3A_195 : vector<16xi32>
    %swap3A_197 = arith.constant 112 : index
    %swap3A_198 = tpu.vector_load %arg14[%swap3A_197] {strides = array<i32>} : memref<448xi32, #tpu.memory_space<vmem>>, vector<16xi32>,
    tpu.vector_store %arg14[%swap3A_197], %add3A_196 {strides = array<i32>} : memref<448xi32, #tpu.memory_space<vmem>>, vector<16xi32>,
    %add3A_199 = arith.constant 2048 : i32
    %add3A_200 = vector.broadcast %add3A_199 : i32 to vector<16xi32>
    %add3A_201 = arith.addi %gather3A_185, %add3A_200 : vector<16xi32>
    %swap3A_202 = arith.constant 176 : index
    %swap3A_203 = tpu.vector_load %arg14[%swap3A_202] {strides = array<i32>} : memref<448xi32, #tpu.memory_space<vmem>>, vector<16xi32>,
    tpu.vector_store %arg14[%swap3A_202], %add3A_201 {strides = array<i32>} : memref<448xi32, #tpu.memory_space<vmem>>, vector<16xi32>,
    %add3A_204 = arith.constant 3072 : i32
    %add3A_205 = vector.broadcast %add3A_204 : i32 to vector<16xi32>
    %add3A_206 = arith.addi %gather3A_189, %add3A_205 : vector<16xi32>
    %swap3A_207 = arith.constant 240 : index
    %swap3A_208 = tpu.vector_load %arg14[%swap3A_207] {strides = array<i32>} : memref<448xi32, #tpu.memory_space<vmem>>, vector<16xi32>,
    tpu.vector_store %arg14[%swap3A_207], %add3A_206 {strides = array<i32>} : memref<448xi32, #tpu.memory_space<vmem>>, vector<16xi32>,
    %sub3A_209 = arith.subi %gather3A_189, %gather3A_181 : vector<16xi32>
    %add3A_210 = arith.constant 4096 : i32
    %add3A_211 = vector.broadcast %add3A_210 : i32 to vector<16xi32>
    %add3A_212 = arith.addi %sub3A_209, %add3A_211 : vector<16xi32>
    %swap3A_213 = arith.constant 304 : index
    %swap3A_214 = tpu.vector_load %arg14[%swap3A_213] {strides = array<i32>} : memref<448xi32, #tpu.memory_space<vmem>>, vector<16xi32>,
    tpu.vector_store %arg14[%swap3A_213], %add3A_212 {strides = array<i32>} : memref<448xi32, #tpu.memory_space<vmem>>, vector<16xi32>,
    %sub3A_215 = arith.subi %gather3A_185, %gather3A_177 : vector<16xi32>
    %add3A_216 = arith.constant 5120 : i32
    %add3A_217 = vector.broadcast %add3A_216 : i32 to vector<16xi32>
    %add3A_218 = arith.addi %sub3A_215, %add3A_217 : vector<16xi32>
    %swap3A_219 = arith.constant 368 : index
    %swap3A_220 = tpu.vector_load %arg14[%swap3A_219] {strides = array<i32>} : memref<448xi32, #tpu.memory_space<vmem>>, vector<16xi32>,
    tpu.vector_store %arg14[%swap3A_219], %add3A_218 {strides = array<i32>} : memref<448xi32, #tpu.memory_space<vmem>>, vector<16xi32>,
    %add3A_221 = arith.constant 6144 : i32
    %add3A_222 = vector.broadcast %add3A_221 : i32 to vector<16xi32>
    %add3A_223 = arith.addi %get3A_191, %add3A_222 : vector<16xi32>
    %swap3A_224 = arith.constant 432 : index
    %swap3A_225 = tpu.vector_load %arg14[%swap3A_224] {strides = array<i32>} : memref<448xi32, #tpu.memory_space<vmem>>, vector<16xi32>,
    tpu.vector_store %arg14[%swap3A_224], %add3A_223 {strides = array<i32>} : memref<448xi32, #tpu.memory_space<vmem>>, vector<16xi32>,
    %broadcast_in_dim3A = arith.constant 0.000000e+00 : f32
    %broadcast_in_dim3A_226 = vector.broadcast %broadcast_in_dim3A : f32 to vector<16xf32>
    %scan3A = arith.constant 0 : i32
    %scan3A_227 = arith.constant 0 : i32
    %scan3A_228 = arith.constant 64 : i32
    %scan3A_229 = arith.addi %scan3A_227, %scan3A_228 : i32
    %scan3A_230 = arith.constant 1 : i32
    scf.for %scan3A_1544 = %scan3A_227 to %scan3A_229 step %scan3A_230  : i32 {
      %swap3A_1545 = arith.index_cast %scan3A_1544 : i32 to index
      %swap3A_1546 = arith.constant 0 : index
      %swap3A_1547 = tpu.vector_load %arg16[%swap3A_1545, %swap3A_1546] {strides = array<i32>} : memref<64x128xf32, #tpu.memory_space<vmem>>, vector<16xf32>,
      tpu.vector_store %arg16[%swap3A_1545, %swap3A_1546], %broadcast_in_dim3A_226 {strides = array<i32>} : memref<64x128xf32, #tpu.memory_space<vmem>>, vector<16xf32>,
      %swap3A_1548 = arith.index_cast %scan3A_1544 : i32 to index
      %swap3A_1549 = arith.constant 16 : index
      %swap3A_1550 = tpu.vector_load %arg16[%swap3A_1548, %swap3A_1549] {strides = array<i32>} : memref<64x128xf32, #tpu.memory_space<vmem>>, vector<16xf32>,
      tpu.vector_store %arg16[%swap3A_1548, %swap3A_1549], %broadcast_in_dim3A_226 {strides = array<i32>} : memref<64x128xf32, #tpu.memory_space<vmem>>, vector<16xf32>,
      %swap3A_1551 = arith.index_cast %scan3A_1544 : i32 to index
      %swap3A_1552 = arith.constant 32 : index
      %swap3A_1553 = tpu.vector_load %arg16[%swap3A_1551, %swap3A_1552] {strides = array<i32>} : memref<64x128xf32, #tpu.memory_space<vmem>>, vector<16xf32>,
      tpu.vector_store %arg16[%swap3A_1551, %swap3A_1552], %broadcast_in_dim3A_226 {strides = array<i32>} : memref<64x128xf32, #tpu.memory_space<vmem>>, vector<16xf32>,
      %swap3A_1554 = arith.index_cast %scan3A_1544 : i32 to index
      %swap3A_1555 = arith.constant 48 : index
      %swap3A_1556 = tpu.vector_load %arg16[%swap3A_1554, %swap3A_1555] {strides = array<i32>} : memref<64x128xf32, #tpu.memory_space<vmem>>, vector<16xf32>,
      tpu.vector_store %arg16[%swap3A_1554, %swap3A_1555], %broadcast_in_dim3A_226 {strides = array<i32>} : memref<64x128xf32, #tpu.memory_space<vmem>>, vector<16xf32>,
      %swap3A_1557 = arith.index_cast %scan3A_1544 : i32 to index
      %swap3A_1558 = arith.constant 64 : index
      %swap3A_1559 = tpu.vector_load %arg16[%swap3A_1557, %swap3A_1558] {strides = array<i32>} : memref<64x128xf32, #tpu.memory_space<vmem>>, vector<16xf32>,
      tpu.vector_store %arg16[%swap3A_1557, %swap3A_1558], %broadcast_in_dim3A_226 {strides = array<i32>} : memref<64x128xf32, #tpu.memory_space<vmem>>, vector<16xf32>,
      %swap3A_1560 = arith.index_cast %scan3A_1544 : i32 to index
      %swap3A_1561 = arith.constant 80 : index
      %swap3A_1562 = tpu.vector_load %arg16[%swap3A_1560, %swap3A_1561] {strides = array<i32>} : memref<64x128xf32, #tpu.memory_space<vmem>>, vector<16xf32>,
      tpu.vector_store %arg16[%swap3A_1560, %swap3A_1561], %broadcast_in_dim3A_226 {strides = array<i32>} : memref<64x128xf32, #tpu.memory_space<vmem>>, vector<16xf32>,
      %swap3A_1563 = arith.index_cast %scan3A_1544 : i32 to index
      %swap3A_1564 = arith.constant 96 : index
      %swap3A_1565 = tpu.vector_load %arg16[%swap3A_1563, %swap3A_1564] {strides = array<i32>} : memref<64x128xf32, #tpu.memory_space<vmem>>, vector<16xf32>,
      tpu.vector_store %arg16[%swap3A_1563, %swap3A_1564], %broadcast_in_dim3A_226 {strides = array<i32>} : memref<64x128xf32, #tpu.memory_space<vmem>>, vector<16xf32>,
      %swap3A_1566 = arith.index_cast %scan3A_1544 : i32 to index
      %swap3A_1567 = arith.constant 112 : index
      %swap3A_1568 = tpu.vector_load %arg16[%swap3A_1566, %swap3A_1567] {strides = array<i32>} : memref<64x128xf32, #tpu.memory_space<vmem>>, vector<16xf32>,
      tpu.vector_store %arg16[%swap3A_1566, %swap3A_1567], %broadcast_in_dim3A_226 {strides = array<i32>} : memref<64x128xf32, #tpu.memory_space<vmem>>, vector<16xf32>,
      %swap3A_1569 = arith.index_cast %scan3A_1544 : i32 to index
      %swap3A_1570 = arith.constant 0 : index
      %swap3A_1571 = tpu.vector_load %arg18[%swap3A_1569, %swap3A_1570] {strides = array<i32>} : memref<64x128xf32, #tpu.memory_space<vmem>>, vector<16xf32>,
      tpu.vector_store %arg18[%swap3A_1569, %swap3A_1570], %broadcast_in_dim3A_226 {strides = array<i32>} : memref<64x128xf32, #tpu.memory_space<vmem>>, vector<16xf32>,
      %swap3A_1572 = arith.index_cast %scan3A_1544 : i32 to index
      %swap3A_1573 = arith.constant 16 : index
      %swap3A_1574 = tpu.vector_load %arg18[%swap3A_1572, %swap3A_1573] {strides = array<i32>} : memref<64x128xf32, #tpu.memory_space<vmem>>, vector<16xf32>,
      tpu.vector_store %arg18[%swap3A_1572, %swap3A_1573], %broadcast_in_dim3A_226 {strides = array<i32>} : memref<64x128xf32, #tpu.memory_space<vmem>>, vector<16xf32>,
      %swap3A_1575 = arith.index_cast %scan3A_1544 : i32 to index
      %swap3A_1576 = arith.constant 32 : index
      %swap3A_1577 = tpu.vector_load %arg18[%swap3A_1575, %swap3A_1576] {strides = array<i32>} : memref<64x128xf32, #tpu.memory_space<vmem>>, vector<16xf32>,
      tpu.vector_store %arg18[%swap3A_1575, %swap3A_1576], %broadcast_in_dim3A_226 {strides = array<i32>} : memref<64x128xf32, #tpu.memory_space<vmem>>, vector<16xf32>,
      %swap3A_1578 = arith.index_cast %scan3A_1544 : i32 to index
      %swap3A_1579 = arith.constant 48 : index
      %swap3A_1580 = tpu.vector_load %arg18[%swap3A_1578, %swap3A_1579] {strides = array<i32>} : memref<64x128xf32, #tpu.memory_space<vmem>>, vector<16xf32>,
      tpu.vector_store %arg18[%swap3A_1578, %swap3A_1579], %broadcast_in_dim3A_226 {strides = array<i32>} : memref<64x128xf32, #tpu.memory_space<vmem>>, vector<16xf32>,
    }
    %scan3A_231 = arith.constant 64 : i32
    %dma_start3A = arith.constant 0 : i32
    %dma_start3A_232 = tpu.memref_slice %arg14[%dma_start3A] : memref<448xi32, #tpu.memory_space<vmem>> -> memref<64xi32, #tpu.memory_space<vmem>>
    %dma_start3A_233 = arith.constant 0 : i32
    %dma_start3A_234 = arith.constant 0 : i32
    %dma_start3A_235 = tpu.memref_slice %arg2[%dma_start3A_233, %dma_start3A_234] : memref<8192x128xf32, #tpu.memory_space<hbm>> -> memref<8192x128xf32, #tpu.memory_space<hbm>>
    tpu.enqueue_indirect_dma source(%dma_start3A_235 : memref<8192x128xf32, #tpu.memory_space<hbm>>) target(%arg16 : memref<64x128xf32, #tpu.memory_space<vmem>>) offsets(%dma_start3A_232 : memref<64xi32, #tpu.memory_space<vmem>>) semaphore(%arg24 : memref<!tpu.dma_semaphore, #tpu.memory_space<semaphore_mem>>) {add = true}
    %dma_start3A_236 = arith.constant 0 : i32
    %dma_start3A_237 = tpu.memref_slice %arg14[%dma_start3A_236] : memref<448xi32, #tpu.memory_space<vmem>> -> memref<64xi32, #tpu.memory_space<vmem>>
    %dma_start3A_238 = arith.constant 0 : i32
    %dma_start3A_239 = arith.constant 0 : i32
    %dma_start3A_240 = tpu.memref_slice %arg3[%dma_start3A_238, %dma_start3A_239] : memref<8192x128xf32, #tpu.memory_space<hbm>> -> memref<8192x128xf32, #tpu.memory_space<hbm>>
    tpu.enqueue_indirect_dma source(%dma_start3A_240 : memref<8192x128xf32, #tpu.memory_space<hbm>>) target(%arg18 : memref<64x128xf32, #tpu.memory_space<vmem>>) offsets(%dma_start3A_237 : memref<64xi32, #tpu.memory_space<vmem>>) semaphore(%arg24 : memref<!tpu.dma_semaphore, #tpu.memory_space<semaphore_mem>>) {add = true}
    %dma_start3A_241 = arith.constant 64 : i32
    %dma_start3A_242 = tpu.memref_slice %arg14[%dma_start3A_241] : memref<448xi32, #tpu.memory_space<vmem>> -> memref<64xi32, #tpu.memory_space<vmem>>
    %dma_start3A_243 = arith.constant 0 : i32
    %dma_start3A_244 = arith.constant 0 : i32
    %dma_start3A_245 = tpu.memref_slice %arg2[%dma_start3A_243, %dma_start3A_244] : memref<8192x128xf32, #tpu.memory_space<hbm>> -> memref<8192x128xf32, #tpu.memory_space<hbm>>
    tpu.enqueue_indirect_dma source(%dma_start3A_245 : memref<8192x128xf32, #tpu.memory_space<hbm>>) target(%arg16 : memref<64x128xf32, #tpu.memory_space<vmem>>) offsets(%dma_start3A_242 : memref<64xi32, #tpu.memory_space<vmem>>) semaphore(%arg24 : memref<!tpu.dma_semaphore, #tpu.memory_space<semaphore_mem>>) {add = true}
    %dma_start3A_246 = arith.constant 64 : i32
    %dma_start3A_247 = tpu.memref_slice %arg14[%dma_start3A_246] : memref<448xi32, #tpu.memory_space<vmem>> -> memref<64xi32, #tpu.memory_space<vmem>>
    %dma_start3A_248 = arith.constant 0 : i32
    %dma_start3A_249 = arith.constant 0 : i32
    %dma_start3A_250 = tpu.memref_slice %arg3[%dma_start3A_248, %dma_start3A_249] : memref<8192x128xf32, #tpu.memory_space<hbm>> -> memref<8192x128xf32, #tpu.memory_space<hbm>>
    tpu.enqueue_indirect_dma source(%dma_start3A_250 : memref<8192x128xf32, #tpu.memory_space<hbm>>) target(%arg18 : memref<64x128xf32, #tpu.memory_space<vmem>>) offsets(%dma_start3A_247 : memref<64xi32, #tpu.memory_space<vmem>>) semaphore(%arg24 : memref<!tpu.dma_semaphore, #tpu.memory_space<semaphore_mem>>) {add = true}
    %dma_start3A_251 = arith.constant 128 : i32
    %dma_start3A_252 = tpu.memref_slice %arg14[%dma_start3A_251] : memref<448xi32, #tpu.memory_space<vmem>> -> memref<64xi32, #tpu.memory_space<vmem>>
    %dma_start3A_253 = arith.constant 0 : i32
    %dma_start3A_254 = arith.constant 0 : i32
    %dma_start3A_255 = tpu.memref_slice %arg2[%dma_start3A_253, %dma_start3A_254] : memref<8192x128xf32, #tpu.memory_space<hbm>> -> memref<8192x128xf32, #tpu.memory_space<hbm>>
    tpu.enqueue_indirect_dma source(%dma_start3A_255 : memref<8192x128xf32, #tpu.memory_space<hbm>>) target(%arg16 : memref<64x128xf32, #tpu.memory_space<vmem>>) offsets(%dma_start3A_252 : memref<64xi32, #tpu.memory_space<vmem>>) semaphore(%arg24 : memref<!tpu.dma_semaphore, #tpu.memory_space<semaphore_mem>>) {add = true}
    %dma_start3A_256 = arith.constant 128 : i32
    %dma_start3A_257 = tpu.memref_slice %arg14[%dma_start3A_256] : memref<448xi32, #tpu.memory_space<vmem>> -> memref<64xi32, #tpu.memory_space<vmem>>
    %dma_start3A_258 = arith.constant 0 : i32
    %dma_start3A_259 = arith.constant 0 : i32
    %dma_start3A_260 = tpu.memref_slice %arg3[%dma_start3A_258, %dma_start3A_259] : memref<8192x128xf32, #tpu.memory_space<hbm>> -> memref<8192x128xf32, #tpu.memory_space<hbm>>
    tpu.enqueue_indirect_dma source(%dma_start3A_260 : memref<8192x128xf32, #tpu.memory_space<hbm>>) target(%arg18 : memref<64x128xf32, #tpu.memory_space<vmem>>) offsets(%dma_start3A_257 : memref<64xi32, #tpu.memory_space<vmem>>) semaphore(%arg24 : memref<!tpu.dma_semaphore, #tpu.memory_space<semaphore_mem>>) {add = true}
    %dma_start3A_261 = arith.constant 192 : i32
    %dma_start3A_262 = tpu.memref_slice %arg14[%dma_start3A_261] : memref<448xi32, #tpu.memory_space<vmem>> -> memref<64xi32, #tpu.memory_space<vmem>>
    %dma_start3A_263 = arith.constant 0 : i32
    %dma_start3A_264 = arith.constant 0 : i32
    %dma_start3A_265 = tpu.memref_slice %arg2[%dma_start3A_263, %dma_start3A_264] : memref<8192x128xf32, #tpu.memory_space<hbm>> -> memref<8192x128xf32, #tpu.memory_space<hbm>>
    tpu.enqueue_indirect_dma source(%dma_start3A_265 : memref<8192x128xf32, #tpu.memory_space<hbm>>) target(%arg16 : memref<64x128xf32, #tpu.memory_space<vmem>>) offsets(%dma_start3A_262 : memref<64xi32, #tpu.memory_space<vmem>>) semaphore(%arg24 : memref<!tpu.dma_semaphore, #tpu.memory_space<semaphore_mem>>) {add = true}
    %dma_start3A_266 = arith.constant 192 : i32
    %dma_start3A_267 = tpu.memref_slice %arg14[%dma_start3A_266] : memref<448xi32, #tpu.memory_space<vmem>> -> memref<64xi32, #tpu.memory_space<vmem>>
    %dma_start3A_268 = arith.constant 0 : i32
    %dma_start3A_269 = arith.constant 0 : i32
    %dma_start3A_270 = tpu.memref_slice %arg3[%dma_start3A_268, %dma_start3A_269] : memref<8192x128xf32, #tpu.memory_space<hbm>> -> memref<8192x128xf32, #tpu.memory_space<hbm>>
    tpu.enqueue_indirect_dma source(%dma_start3A_270 : memref<8192x128xf32, #tpu.memory_space<hbm>>) target(%arg18 : memref<64x128xf32, #tpu.memory_space<vmem>>) offsets(%dma_start3A_267 : memref<64xi32, #tpu.memory_space<vmem>>) semaphore(%arg24 : memref<!tpu.dma_semaphore, #tpu.memory_space<semaphore_mem>>) {add = true}
    %dma_start3A_271 = arith.constant 256 : i32
    %dma_start3A_272 = tpu.memref_slice %arg14[%dma_start3A_271] : memref<448xi32, #tpu.memory_space<vmem>> -> memref<64xi32, #tpu.memory_space<vmem>>
    %dma_start3A_273 = arith.constant 0 : i32
    %dma_start3A_274 = arith.constant 0 : i32
    %dma_start3A_275 = tpu.memref_slice %arg2[%dma_start3A_273, %dma_start3A_274] : memref<8192x128xf32, #tpu.memory_space<hbm>> -> memref<8192x128xf32, #tpu.memory_space<hbm>>
    tpu.enqueue_indirect_dma source(%dma_start3A_275 : memref<8192x128xf32, #tpu.memory_space<hbm>>) target(%arg16 : memref<64x128xf32, #tpu.memory_space<vmem>>) offsets(%dma_start3A_272 : memref<64xi32, #tpu.memory_space<vmem>>) semaphore(%arg24 : memref<!tpu.dma_semaphore, #tpu.memory_space<semaphore_mem>>) {add = true}
    %dma_start3A_276 = arith.constant 256 : i32
    %dma_start3A_277 = tpu.memref_slice %arg14[%dma_start3A_276] : memref<448xi32, #tpu.memory_space<vmem>> -> memref<64xi32, #tpu.memory_space<vmem>>
    %dma_start3A_278 = arith.constant 0 : i32
    %dma_start3A_279 = arith.constant 0 : i32
    %dma_start3A_280 = tpu.memref_slice %arg3[%dma_start3A_278, %dma_start3A_279] : memref<8192x128xf32, #tpu.memory_space<hbm>> -> memref<8192x128xf32, #tpu.memory_space<hbm>>
    tpu.enqueue_indirect_dma source(%dma_start3A_280 : memref<8192x128xf32, #tpu.memory_space<hbm>>) target(%arg18 : memref<64x128xf32, #tpu.memory_space<vmem>>) offsets(%dma_start3A_277 : memref<64xi32, #tpu.memory_space<vmem>>) semaphore(%arg24 : memref<!tpu.dma_semaphore, #tpu.memory_space<semaphore_mem>>) {add = true}
    %dma_start3A_281 = arith.constant 320 : i32
    %dma_start3A_282 = tpu.memref_slice %arg14[%dma_start3A_281] : memref<448xi32, #tpu.memory_space<vmem>> -> memref<64xi32, #tpu.memory_space<vmem>>
    %dma_start3A_283 = arith.constant 0 : i32
    %dma_start3A_284 = arith.constant 0 : i32
    %dma_start3A_285 = tpu.memref_slice %arg2[%dma_start3A_283, %dma_start3A_284] : memref<8192x128xf32, #tpu.memory_space<hbm>> -> memref<8192x128xf32, #tpu.memory_space<hbm>>
    tpu.enqueue_indirect_dma source(%dma_start3A_285 : memref<8192x128xf32, #tpu.memory_space<hbm>>) target(%arg16 : memref<64x128xf32, #tpu.memory_space<vmem>>) offsets(%dma_start3A_282 : memref<64xi32, #tpu.memory_space<vmem>>) semaphore(%arg24 : memref<!tpu.dma_semaphore, #tpu.memory_space<semaphore_mem>>) {add = true}
    %dma_start3A_286 = arith.constant 320 : i32
    %dma_start3A_287 = tpu.memref_slice %arg14[%dma_start3A_286] : memref<448xi32, #tpu.memory_space<vmem>> -> memref<64xi32, #tpu.memory_space<vmem>>
    %dma_start3A_288 = arith.constant 0 : i32
    %dma_start3A_289 = arith.constant 0 : i32
    %dma_start3A_290 = tpu.memref_slice %arg3[%dma_start3A_288, %dma_start3A_289] : memref<8192x128xf32, #tpu.memory_space<hbm>> -> memref<8192x128xf32, #tpu.memory_space<hbm>>
    tpu.enqueue_indirect_dma source(%dma_start3A_290 : memref<8192x128xf32, #tpu.memory_space<hbm>>) target(%arg18 : memref<64x128xf32, #tpu.memory_space<vmem>>) offsets(%dma_start3A_287 : memref<64xi32, #tpu.memory_space<vmem>>) semaphore(%arg24 : memref<!tpu.dma_semaphore, #tpu.memory_space<semaphore_mem>>) {add = true}
    %dma_start3A_291 = arith.constant 384 : i32
    %dma_start3A_292 = tpu.memref_slice %arg14[%dma_start3A_291] : memref<448xi32, #tpu.memory_space<vmem>> -> memref<64xi32, #tpu.memory_space<vmem>>
    %dma_start3A_293 = arith.constant 0 : i32
    %dma_start3A_294 = arith.constant 0 : i32
    %dma_start3A_295 = tpu.memref_slice %arg2[%dma_start3A_293, %dma_start3A_294] : memref<8192x128xf32, #tpu.memory_space<hbm>> -> memref<8192x128xf32, #tpu.memory_space<hbm>>
    tpu.enqueue_indirect_dma source(%dma_start3A_295 : memref<8192x128xf32, #tpu.memory_space<hbm>>) target(%arg16 : memref<64x128xf32, #tpu.memory_space<vmem>>) offsets(%dma_start3A_292 : memref<64xi32, #tpu.memory_space<vmem>>) semaphore(%arg24 : memref<!tpu.dma_semaphore, #tpu.memory_space<semaphore_mem>>) {add = true}
    %dma_start3A_296 = arith.constant 384 : i32
    %dma_start3A_297 = tpu.memref_slice %arg14[%dma_start3A_296] : memref<448xi32, #tpu.memory_space<vmem>> -> memref<64xi32, #tpu.memory_space<vmem>>
    %dma_start3A_298 = arith.constant 0 : i32
    %dma_start3A_299 = arith.constant 0 : i32
    %dma_start3A_300 = tpu.memref_slice %arg3[%dma_start3A_298, %dma_start3A_299] : memref<8192x128xf32, #tpu.memory_space<hbm>> -> memref<8192x128xf32, #tpu.memory_space<hbm>>
    tpu.enqueue_indirect_dma source(%dma_start3A_300 : memref<8192x128xf32, #tpu.memory_space<hbm>>) target(%arg18 : memref<64x128xf32, #tpu.memory_space<vmem>>) offsets(%dma_start3A_297 : memref<64xi32, #tpu.memory_space<vmem>>) semaphore(%arg24 : memref<!tpu.dma_semaphore, #tpu.memory_space<semaphore_mem>>) {add = true}
    %mul3A_301 = arith.constant 256 : i32
    %mul3A_302 = arith.muli %add3A, %mul3A_301 : i32
    %add3A_303 = arith.constant 64 : i32
    %add3A_304 = arith.addi %mul3A_302, %add3A_303 : i32
    %mul3A_305 = arith.constant 4 : i32
    %mul3A_306 = arith.muli %add3A_304, %mul3A_305 : i32
    "tpu.region"() ({
      %run_scoped3A = tpu.sem_alloc : memref<!tpu.dma_semaphore, #tpu.memory_space<semaphore_mem>>
      %dma_start3A_1544 = tpu.memref_slice %arg4[%mul3A_306] : memref<32768xi32, #tpu.memory_space<hbm>> -> memref<256xi32, #tpu.memory_space<hbm>>
      %dma_start3A_1545 = tpu.memref_slice %arg4[%mul3A_306] : memref<32768xi32, #tpu.memory_space<hbm>> -> memref<256xi32, #tpu.memory_space<hbm>>
      tpu.enqueue_dma source(%dma_start3A_1545 : memref<256xi32, #tpu.memory_space<hbm>>) target(%arg11 : memref<256xi32, #tpu.memory_space<vmem>>) target_semaphore(%run_scoped3A : memref<!tpu.dma_semaphore, #tpu.memory_space<semaphore_mem>>)
      %dma_wait3A_1546 = tpu.memref_slice %arg4[%mul3A_306] : memref<32768xi32, #tpu.memory_space<hbm>> -> memref<256xi32, #tpu.memory_space<hbm>>
      %dma_wait3A_1547 = tpu.memref_slice %arg4[%mul3A_306] : memref<32768xi32, #tpu.memory_space<hbm>> -> memref<256xi32, #tpu.memory_space<hbm>>
      tpu.wait_dma2 semaphore(%run_scoped3A : memref<!tpu.dma_semaphore, #tpu.memory_space<semaphore_mem>>) src(%dma_wait3A_1547 : memref<256xi32, #tpu.memory_space<hbm>>) dst(%arg11 : memref<256xi32, #tpu.memory_space<vmem>>)
      tpu.yield
    }) : () -> ()
    "tpu.region"() ({
      %run_scoped3A = tpu.sem_alloc : memref<!tpu.dma_semaphore, #tpu.memory_space<semaphore_mem>>
      %dma_start3A_1544 = tpu.memref_slice %arg5[%add3A_304] : memref<8192xi32, #tpu.memory_space<hbm>> -> memref<64xi32, #tpu.memory_space<hbm>>
      %dma_start3A_1545 = tpu.memref_slice %arg5[%add3A_304] : memref<8192xi32, #tpu.memory_space<hbm>> -> memref<64xi32, #tpu.memory_space<hbm>>
      tpu.enqueue_dma source(%dma_start3A_1545 : memref<64xi32, #tpu.memory_space<hbm>>) target(%arg13 : memref<64xi32, #tpu.memory_space<vmem>>) target_semaphore(%run_scoped3A : memref<!tpu.dma_semaphore, #tpu.memory_space<semaphore_mem>>)
      %dma_wait3A_1546 = tpu.memref_slice %arg5[%add3A_304] : memref<8192xi32, #tpu.memory_space<hbm>> -> memref<64xi32, #tpu.memory_space<hbm>>
      %dma_wait3A_1547 = tpu.memref_slice %arg5[%add3A_304] : memref<8192xi32, #tpu.memory_space<hbm>> -> memref<64xi32, #tpu.memory_space<hbm>>
      tpu.wait_dma2 semaphore(%run_scoped3A : memref<!tpu.dma_semaphore, #tpu.memory_space<semaphore_mem>>) src(%dma_wait3A_1547 : memref<64xi32, #tpu.memory_space<hbm>>) dst(%arg13 : memref<64xi32, #tpu.memory_space<vmem>>)
      tpu.yield
    }) : () -> ()
    %iota3A_307 = tpu.iota {dimensions = array<i32: 0>} : vector<16xi32>
    %add3A_308 = arith.constant 0 : i32
    %add3A_309 = vector.broadcast %add3A_308 : i32 to vector<16xi32>
    %add3A_310 = arith.addi %iota3A_307, %add3A_309 : vector<16xi32>
    %mul3A_311 = arith.constant 4 : i32
    %mul3A_312 = vector.broadcast %mul3A_311 : i32 to vector<16xi32>
    %mul3A_313 = arith.muli %add3A_310, %mul3A_312 : vector<16xi32>
    %gather3A_314 = tpu.vector_load_idx %arg11[%mul3A_313] : memref<256xi32, #tpu.memory_space<vmem>>[vector<16xi32>], vector<16xi32>,
    %add3A_315 = arith.constant 1 : i32
    %add3A_316 = vector.broadcast %add3A_315 : i32 to vector<16xi32>
    %add3A_317 = arith.addi %mul3A_313, %add3A_316 : vector<16xi32>
    %gather3A_318 = tpu.vector_load_idx %arg11[%add3A_317] : memref<256xi32, #tpu.memory_space<vmem>>[vector<16xi32>], vector<16xi32>,
    %add3A_319 = arith.constant 2 : i32
    %add3A_320 = vector.broadcast %add3A_319 : i32 to vector<16xi32>
    %add3A_321 = arith.addi %mul3A_313, %add3A_320 : vector<16xi32>
    %gather3A_322 = tpu.vector_load_idx %arg11[%add3A_321] : memref<256xi32, #tpu.memory_space<vmem>>[vector<16xi32>], vector<16xi32>,
    %add3A_323 = arith.constant 3 : i32
    %add3A_324 = vector.broadcast %add3A_323 : i32 to vector<16xi32>
    %add3A_325 = arith.addi %mul3A_313, %add3A_324 : vector<16xi32>
    %gather3A_326 = tpu.vector_load_idx %arg11[%add3A_325] : memref<256xi32, #tpu.memory_space<vmem>>[vector<16xi32>], vector<16xi32>,
    %get3A_327 = arith.constant 0 : index
    %get3A_328 = tpu.vector_load %arg13[%get3A_327] {strides = array<i32>} : memref<64xi32, #tpu.memory_space<vmem>>, vector<16xi32>,
    %swap3A_329 = arith.constant 0 : index
    %swap3A_330 = tpu.vector_load %arg15[%swap3A_329] {strides = array<i32>} : memref<448xi32, #tpu.memory_space<vmem>>, vector<16xi32>,
    tpu.vector_store %arg15[%swap3A_329], %gather3A_314 {strides = array<i32>} : memref<448xi32, #tpu.memory_space<vmem>>, vector<16xi32>,
    %add3A_331 = arith.constant 1024 : i32
    %add3A_332 = vector.broadcast %add3A_331 : i32 to vector<16xi32>
    %add3A_333 = arith.addi %gather3A_318, %add3A_332 : vector<16xi32>
    %swap3A_334 = arith.constant 64 : index
    %swap3A_335 = tpu.vector_load %arg15[%swap3A_334] {strides = array<i32>} : memref<448xi32, #tpu.memory_space<vmem>>, vector<16xi32>,
    tpu.vector_store %arg15[%swap3A_334], %add3A_333 {strides = array<i32>} : memref<448xi32, #tpu.memory_space<vmem>>, vector<16xi32>,
    %add3A_336 = arith.constant 2048 : i32
    %add3A_337 = vector.broadcast %add3A_336 : i32 to vector<16xi32>
    %add3A_338 = arith.addi %gather3A_322, %add3A_337 : vector<16xi32>
    %swap3A_339 = arith.constant 128 : index
    %swap3A_340 = tpu.vector_load %arg15[%swap3A_339] {strides = array<i32>} : memref<448xi32, #tpu.memory_space<vmem>>, vector<16xi32>,
    tpu.vector_store %arg15[%swap3A_339], %add3A_338 {strides = array<i32>} : memref<448xi32, #tpu.memory_space<vmem>>, vector<16xi32>,
    %add3A_341 = arith.constant 3072 : i32
    %add3A_342 = vector.broadcast %add3A_341 : i32 to vector<16xi32>
    %add3A_343 = arith.addi %gather3A_326, %add3A_342 : vector<16xi32>
    %swap3A_344 = arith.constant 192 : index
    %swap3A_345 = tpu.vector_load %arg15[%swap3A_344] {strides = array<i32>} : memref<448xi32, #tpu.memory_space<vmem>>, vector<16xi32>,
    tpu.vector_store %arg15[%swap3A_344], %add3A_343 {strides = array<i32>} : memref<448xi32, #tpu.memory_space<vmem>>, vector<16xi32>,
    %sub3A_346 = arith.subi %gather3A_326, %gather3A_318 : vector<16xi32>
    %add3A_347 = arith.constant 4096 : i32
    %add3A_348 = vector.broadcast %add3A_347 : i32 to vector<16xi32>
    %add3A_349 = arith.addi %sub3A_346, %add3A_348 : vector<16xi32>
    %swap3A_350 = arith.constant 256 : index
    %swap3A_351 = tpu.vector_load %arg15[%swap3A_350] {strides = array<i32>} : memref<448xi32, #tpu.memory_space<vmem>>, vector<16xi32>,
    tpu.vector_store %arg15[%swap3A_350], %add3A_349 {strides = array<i32>} : memref<448xi32, #tpu.memory_space<vmem>>, vector<16xi32>,
    %sub3A_352 = arith.subi %gather3A_322, %gather3A_314 : vector<16xi32>
    %add3A_353 = arith.constant 5120 : i32
    %add3A_354 = vector.broadcast %add3A_353 : i32 to vector<16xi32>
    %add3A_355 = arith.addi %sub3A_352, %add3A_354 : vector<16xi32>
    %swap3A_356 = arith.constant 320 : index
    %swap3A_357 = tpu.vector_load %arg15[%swap3A_356] {strides = array<i32>} : memref<448xi32, #tpu.memory_space<vmem>>, vector<16xi32>,
    tpu.vector_store %arg15[%swap3A_356], %add3A_355 {strides = array<i32>} : memref<448xi32, #tpu.memory_space<vmem>>, vector<16xi32>,
    %add3A_358 = arith.constant 6144 : i32
    %add3A_359 = vector.broadcast %add3A_358 : i32 to vector<16xi32>
    %add3A_360 = arith.addi %get3A_328, %add3A_359 : vector<16xi32>
    %swap3A_361 = arith.constant 384 : index
    %swap3A_362 = tpu.vector_load %arg15[%swap3A_361] {strides = array<i32>} : memref<448xi32, #tpu.memory_space<vmem>>, vector<16xi32>,
    tpu.vector_store %arg15[%swap3A_361], %add3A_360 {strides = array<i32>} : memref<448xi32, #tpu.memory_space<vmem>>, vector<16xi32>,
    %iota3A_363 = tpu.iota {dimensions = array<i32: 0>} : vector<16xi32>
    %add3A_364 = arith.constant 16 : i32
    %add3A_365 = vector.broadcast %add3A_364 : i32 to vector<16xi32>
    %add3A_366 = arith.addi %iota3A_363, %add3A_365 : vector<16xi32>
    %mul3A_367 = arith.constant 4 : i32
    %mul3A_368 = vector.broadcast %mul3A_367 : i32 to vector<16xi32>
    %mul3A_369 = arith.muli %add3A_366, %mul3A_368 : vector<16xi32>
    %gather3A_370 = tpu.vector_load_idx %arg11[%mul3A_369] : memref<256xi32, #tpu.memory_space<vmem>>[vector<16xi32>], vector<16xi32>,
    %add3A_371 = arith.constant 1 : i32
    %add3A_372 = vector.broadcast %add3A_371 : i32 to vector<16xi32>
    %add3A_373 = arith.addi %mul3A_369, %add3A_372 : vector<16xi32>
    %gather3A_374 = tpu.vector_load_idx %arg11[%add3A_373] : memref<256xi32, #tpu.memory_space<vmem>>[vector<16xi32>], vector<16xi32>,
    %add3A_375 = arith.constant 2 : i32
    %add3A_376 = vector.broadcast %add3A_375 : i32 to vector<16xi32>
    %add3A_377 = arith.addi %mul3A_369, %add3A_376 : vector<16xi32>
    %gather3A_378 = tpu.vector_load_idx %arg11[%add3A_377] : memref<256xi32, #tpu.memory_space<vmem>>[vector<16xi32>], vector<16xi32>,
    %add3A_379 = arith.constant 3 : i32
    %add3A_380 = vector.broadcast %add3A_379 : i32 to vector<16xi32>
    %add3A_381 = arith.addi %mul3A_369, %add3A_380 : vector<16xi32>
    %gather3A_382 = tpu.vector_load_idx %arg11[%add3A_381] : memref<256xi32, #tpu.memory_space<vmem>>[vector<16xi32>], vector<16xi32>,
    %get3A_383 = arith.constant 16 : index
    %get3A_384 = tpu.vector_load %arg13[%get3A_383] {strides = array<i32>} : memref<64xi32, #tpu.memory_space<vmem>>, vector<16xi32>,
    %swap3A_385 = arith.constant 16 : index
    %swap3A_386 = tpu.vector_load %arg15[%swap3A_385] {strides = array<i32>} : memref<448xi32, #tpu.memory_space<vmem>>, vector<16xi32>,
    tpu.vector_store %arg15[%swap3A_385], %gather3A_370 {strides = array<i32>} : memref<448xi32, #tpu.memory_space<vmem>>, vector<16xi32>,
    %add3A_387 = arith.constant 1024 : i32
    %add3A_388 = vector.broadcast %add3A_387 : i32 to vector<16xi32>
    %add3A_389 = arith.addi %gather3A_374, %add3A_388 : vector<16xi32>
    %swap3A_390 = arith.constant 80 : index
    %swap3A_391 = tpu.vector_load %arg15[%swap3A_390] {strides = array<i32>} : memref<448xi32, #tpu.memory_space<vmem>>, vector<16xi32>,
    tpu.vector_store %arg15[%swap3A_390], %add3A_389 {strides = array<i32>} : memref<448xi32, #tpu.memory_space<vmem>>, vector<16xi32>,
    %add3A_392 = arith.constant 2048 : i32
    %add3A_393 = vector.broadcast %add3A_392 : i32 to vector<16xi32>
    %add3A_394 = arith.addi %gather3A_378, %add3A_393 : vector<16xi32>
    %swap3A_395 = arith.constant 144 : index
    %swap3A_396 = tpu.vector_load %arg15[%swap3A_395] {strides = array<i32>} : memref<448xi32, #tpu.memory_space<vmem>>, vector<16xi32>,
    tpu.vector_store %arg15[%swap3A_395], %add3A_394 {strides = array<i32>} : memref<448xi32, #tpu.memory_space<vmem>>, vector<16xi32>,
    %add3A_397 = arith.constant 3072 : i32
    %add3A_398 = vector.broadcast %add3A_397 : i32 to vector<16xi32>
    %add3A_399 = arith.addi %gather3A_382, %add3A_398 : vector<16xi32>
    %swap3A_400 = arith.constant 208 : index
    %swap3A_401 = tpu.vector_load %arg15[%swap3A_400] {strides = array<i32>} : memref<448xi32, #tpu.memory_space<vmem>>, vector<16xi32>,
    tpu.vector_store %arg15[%swap3A_400], %add3A_399 {strides = array<i32>} : memref<448xi32, #tpu.memory_space<vmem>>, vector<16xi32>,
    %sub3A_402 = arith.subi %gather3A_382, %gather3A_374 : vector<16xi32>
    %add3A_403 = arith.constant 4096 : i32
    %add3A_404 = vector.broadcast %add3A_403 : i32 to vector<16xi32>
    %add3A_405 = arith.addi %sub3A_402, %add3A_404 : vector<16xi32>
    %swap3A_406 = arith.constant 272 : index
    %swap3A_407 = tpu.vector_load %arg15[%swap3A_406] {strides = array<i32>} : memref<448xi32, #tpu.memory_space<vmem>>, vector<16xi32>,
    tpu.vector_store %arg15[%swap3A_406], %add3A_405 {strides = array<i32>} : memref<448xi32, #tpu.memory_space<vmem>>, vector<16xi32>,
    %sub3A_408 = arith.subi %gather3A_378, %gather3A_370 : vector<16xi32>
    %add3A_409 = arith.constant 5120 : i32
    %add3A_410 = vector.broadcast %add3A_409 : i32 to vector<16xi32>
    %add3A_411 = arith.addi %sub3A_408, %add3A_410 : vector<16xi32>
    %swap3A_412 = arith.constant 336 : index
    %swap3A_413 = tpu.vector_load %arg15[%swap3A_412] {strides = array<i32>} : memref<448xi32, #tpu.memory_space<vmem>>, vector<16xi32>,
    tpu.vector_store %arg15[%swap3A_412], %add3A_411 {strides = array<i32>} : memref<448xi32, #tpu.memory_space<vmem>>, vector<16xi32>,
    %add3A_414 = arith.constant 6144 : i32
    %add3A_415 = vector.broadcast %add3A_414 : i32 to vector<16xi32>
    %add3A_416 = arith.addi %get3A_384, %add3A_415 : vector<16xi32>
    %swap3A_417 = arith.constant 400 : index
    %swap3A_418 = tpu.vector_load %arg15[%swap3A_417] {strides = array<i32>} : memref<448xi32, #tpu.memory_space<vmem>>, vector<16xi32>,
    tpu.vector_store %arg15[%swap3A_417], %add3A_416 {strides = array<i32>} : memref<448xi32, #tpu.memory_space<vmem>>, vector<16xi32>,
    %iota3A_419 = tpu.iota {dimensions = array<i32: 0>} : vector<16xi32>
    %add3A_420 = arith.constant 32 : i32
    %add3A_421 = vector.broadcast %add3A_420 : i32 to vector<16xi32>
    %add3A_422 = arith.addi %iota3A_419, %add3A_421 : vector<16xi32>
    %mul3A_423 = arith.constant 4 : i32
    %mul3A_424 = vector.broadcast %mul3A_423 : i32 to vector<16xi32>
    %mul3A_425 = arith.muli %add3A_422, %mul3A_424 : vector<16xi32>
    %gather3A_426 = tpu.vector_load_idx %arg11[%mul3A_425] : memref<256xi32, #tpu.memory_space<vmem>>[vector<16xi32>], vector<16xi32>,
    %add3A_427 = arith.constant 1 : i32
    %add3A_428 = vector.broadcast %add3A_427 : i32 to vector<16xi32>
    %add3A_429 = arith.addi %mul3A_425, %add3A_428 : vector<16xi32>
    %gather3A_430 = tpu.vector_load_idx %arg11[%add3A_429] : memref<256xi32, #tpu.memory_space<vmem>>[vector<16xi32>], vector<16xi32>,
    %add3A_431 = arith.constant 2 : i32
    %add3A_432 = vector.broadcast %add3A_431 : i32 to vector<16xi32>
    %add3A_433 = arith.addi %mul3A_425, %add3A_432 : vector<16xi32>
    %gather3A_434 = tpu.vector_load_idx %arg11[%add3A_433] : memref<256xi32, #tpu.memory_space<vmem>>[vector<16xi32>], vector<16xi32>,
    %add3A_435 = arith.constant 3 : i32
    %add3A_436 = vector.broadcast %add3A_435 : i32 to vector<16xi32>
    %add3A_437 = arith.addi %mul3A_425, %add3A_436 : vector<16xi32>
    %gather3A_438 = tpu.vector_load_idx %arg11[%add3A_437] : memref<256xi32, #tpu.memory_space<vmem>>[vector<16xi32>], vector<16xi32>,
    %get3A_439 = arith.constant 32 : index
    %get3A_440 = tpu.vector_load %arg13[%get3A_439] {strides = array<i32>} : memref<64xi32, #tpu.memory_space<vmem>>, vector<16xi32>,
    %swap3A_441 = arith.constant 32 : index
    %swap3A_442 = tpu.vector_load %arg15[%swap3A_441] {strides = array<i32>} : memref<448xi32, #tpu.memory_space<vmem>>, vector<16xi32>,
    tpu.vector_store %arg15[%swap3A_441], %gather3A_426 {strides = array<i32>} : memref<448xi32, #tpu.memory_space<vmem>>, vector<16xi32>,
    %add3A_443 = arith.constant 1024 : i32
    %add3A_444 = vector.broadcast %add3A_443 : i32 to vector<16xi32>
    %add3A_445 = arith.addi %gather3A_430, %add3A_444 : vector<16xi32>
    %swap3A_446 = arith.constant 96 : index
    %swap3A_447 = tpu.vector_load %arg15[%swap3A_446] {strides = array<i32>} : memref<448xi32, #tpu.memory_space<vmem>>, vector<16xi32>,
    tpu.vector_store %arg15[%swap3A_446], %add3A_445 {strides = array<i32>} : memref<448xi32, #tpu.memory_space<vmem>>, vector<16xi32>,
    %add3A_448 = arith.constant 2048 : i32
    %add3A_449 = vector.broadcast %add3A_448 : i32 to vector<16xi32>
    %add3A_450 = arith.addi %gather3A_434, %add3A_449 : vector<16xi32>
    %swap3A_451 = arith.constant 160 : index
    %swap3A_452 = tpu.vector_load %arg15[%swap3A_451] {strides = array<i32>} : memref<448xi32, #tpu.memory_space<vmem>>, vector<16xi32>,
    tpu.vector_store %arg15[%swap3A_451], %add3A_450 {strides = array<i32>} : memref<448xi32, #tpu.memory_space<vmem>>, vector<16xi32>,
    %add3A_453 = arith.constant 3072 : i32
    %add3A_454 = vector.broadcast %add3A_453 : i32 to vector<16xi32>
    %add3A_455 = arith.addi %gather3A_438, %add3A_454 : vector<16xi32>
    %swap3A_456 = arith.constant 224 : index
    %swap3A_457 = tpu.vector_load %arg15[%swap3A_456] {strides = array<i32>} : memref<448xi32, #tpu.memory_space<vmem>>, vector<16xi32>,
    tpu.vector_store %arg15[%swap3A_456], %add3A_455 {strides = array<i32>} : memref<448xi32, #tpu.memory_space<vmem>>, vector<16xi32>,
    %sub3A_458 = arith.subi %gather3A_438, %gather3A_430 : vector<16xi32>
    %add3A_459 = arith.constant 4096 : i32
    %add3A_460 = vector.broadcast %add3A_459 : i32 to vector<16xi32>
    %add3A_461 = arith.addi %sub3A_458, %add3A_460 : vector<16xi32>
    %swap3A_462 = arith.constant 288 : index
    %swap3A_463 = tpu.vector_load %arg15[%swap3A_462] {strides = array<i32>} : memref<448xi32, #tpu.memory_space<vmem>>, vector<16xi32>,
    tpu.vector_store %arg15[%swap3A_462], %add3A_461 {strides = array<i32>} : memref<448xi32, #tpu.memory_space<vmem>>, vector<16xi32>,
    %sub3A_464 = arith.subi %gather3A_434, %gather3A_426 : vector<16xi32>
    %add3A_465 = arith.constant 5120 : i32
    %add3A_466 = vector.broadcast %add3A_465 : i32 to vector<16xi32>
    %add3A_467 = arith.addi %sub3A_464, %add3A_466 : vector<16xi32>
    %swap3A_468 = arith.constant 352 : index
    %swap3A_469 = tpu.vector_load %arg15[%swap3A_468] {strides = array<i32>} : memref<448xi32, #tpu.memory_space<vmem>>, vector<16xi32>,
    tpu.vector_store %arg15[%swap3A_468], %add3A_467 {strides = array<i32>} : memref<448xi32, #tpu.memory_space<vmem>>, vector<16xi32>,
    %add3A_470 = arith.constant 6144 : i32
    %add3A_471 = vector.broadcast %add3A_470 : i32 to vector<16xi32>
    %add3A_472 = arith.addi %get3A_440, %add3A_471 : vector<16xi32>
    %swap3A_473 = arith.constant 416 : index
    %swap3A_474 = tpu.vector_load %arg15[%swap3A_473] {strides = array<i32>} : memref<448xi32, #tpu.memory_space<vmem>>, vector<16xi32>,
    tpu.vector_store %arg15[%swap3A_473], %add3A_472 {strides = array<i32>} : memref<448xi32, #tpu.memory_space<vmem>>, vector<16xi32>,
    %iota3A_475 = tpu.iota {dimensions = array<i32: 0>} : vector<16xi32>
    %add3A_476 = arith.constant 48 : i32
    %add3A_477 = vector.broadcast %add3A_476 : i32 to vector<16xi32>
    %add3A_478 = arith.addi %iota3A_475, %add3A_477 : vector<16xi32>
    %mul3A_479 = arith.constant 4 : i32
    %mul3A_480 = vector.broadcast %mul3A_479 : i32 to vector<16xi32>
    %mul3A_481 = arith.muli %add3A_478, %mul3A_480 : vector<16xi32>
    %gather3A_482 = tpu.vector_load_idx %arg11[%mul3A_481] : memref<256xi32, #tpu.memory_space<vmem>>[vector<16xi32>], vector<16xi32>,
    %add3A_483 = arith.constant 1 : i32
    %add3A_484 = vector.broadcast %add3A_483 : i32 to vector<16xi32>
    %add3A_485 = arith.addi %mul3A_481, %add3A_484 : vector<16xi32>
    %gather3A_486 = tpu.vector_load_idx %arg11[%add3A_485] : memref<256xi32, #tpu.memory_space<vmem>>[vector<16xi32>], vector<16xi32>,
    %add3A_487 = arith.constant 2 : i32
    %add3A_488 = vector.broadcast %add3A_487 : i32 to vector<16xi32>
    %add3A_489 = arith.addi %mul3A_481, %add3A_488 : vector<16xi32>
    %gather3A_490 = tpu.vector_load_idx %arg11[%add3A_489] : memref<256xi32, #tpu.memory_space<vmem>>[vector<16xi32>], vector<16xi32>,
    %add3A_491 = arith.constant 3 : i32
    %add3A_492 = vector.broadcast %add3A_491 : i32 to vector<16xi32>
    %add3A_493 = arith.addi %mul3A_481, %add3A_492 : vector<16xi32>
    %gather3A_494 = tpu.vector_load_idx %arg11[%add3A_493] : memref<256xi32, #tpu.memory_space<vmem>>[vector<16xi32>], vector<16xi32>,
    %get3A_495 = arith.constant 48 : index
    %get3A_496 = tpu.vector_load %arg13[%get3A_495] {strides = array<i32>} : memref<64xi32, #tpu.memory_space<vmem>>, vector<16xi32>,
    %swap3A_497 = arith.constant 48 : index
    %swap3A_498 = tpu.vector_load %arg15[%swap3A_497] {strides = array<i32>} : memref<448xi32, #tpu.memory_space<vmem>>, vector<16xi32>,
    tpu.vector_store %arg15[%swap3A_497], %gather3A_482 {strides = array<i32>} : memref<448xi32, #tpu.memory_space<vmem>>, vector<16xi32>,
    %add3A_499 = arith.constant 1024 : i32
    %add3A_500 = vector.broadcast %add3A_499 : i32 to vector<16xi32>
    %add3A_501 = arith.addi %gather3A_486, %add3A_500 : vector<16xi32>
    %swap3A_502 = arith.constant 112 : index
    %swap3A_503 = tpu.vector_load %arg15[%swap3A_502] {strides = array<i32>} : memref<448xi32, #tpu.memory_space<vmem>>, vector<16xi32>,
    tpu.vector_store %arg15[%swap3A_502], %add3A_501 {strides = array<i32>} : memref<448xi32, #tpu.memory_space<vmem>>, vector<16xi32>,
    %add3A_504 = arith.constant 2048 : i32
    %add3A_505 = vector.broadcast %add3A_504 : i32 to vector<16xi32>
    %add3A_506 = arith.addi %gather3A_490, %add3A_505 : vector<16xi32>
    %swap3A_507 = arith.constant 176 : index
    %swap3A_508 = tpu.vector_load %arg15[%swap3A_507] {strides = array<i32>} : memref<448xi32, #tpu.memory_space<vmem>>, vector<16xi32>,
    tpu.vector_store %arg15[%swap3A_507], %add3A_506 {strides = array<i32>} : memref<448xi32, #tpu.memory_space<vmem>>, vector<16xi32>,
    %add3A_509 = arith.constant 3072 : i32
    %add3A_510 = vector.broadcast %add3A_509 : i32 to vector<16xi32>
    %add3A_511 = arith.addi %gather3A_494, %add3A_510 : vector<16xi32>
    %swap3A_512 = arith.constant 240 : index
    %swap3A_513 = tpu.vector_load %arg15[%swap3A_512] {strides = array<i32>} : memref<448xi32, #tpu.memory_space<vmem>>, vector<16xi32>,
    tpu.vector_store %arg15[%swap3A_512], %add3A_511 {strides = array<i32>} : memref<448xi32, #tpu.memory_space<vmem>>, vector<16xi32>,
    %sub3A_514 = arith.subi %gather3A_494, %gather3A_486 : vector<16xi32>
    %add3A_515 = arith.constant 4096 : i32
    %add3A_516 = vector.broadcast %add3A_515 : i32 to vector<16xi32>
    %add3A_517 = arith.addi %sub3A_514, %add3A_516 : vector<16xi32>
    %swap3A_518 = arith.constant 304 : index
    %swap3A_519 = tpu.vector_load %arg15[%swap3A_518] {strides = array<i32>} : memref<448xi32, #tpu.memory_space<vmem>>, vector<16xi32>,
    tpu.vector_store %arg15[%swap3A_518], %add3A_517 {strides = array<i32>} : memref<448xi32, #tpu.memory_space<vmem>>, vector<16xi32>,
    %sub3A_520 = arith.subi %gather3A_490, %gather3A_482 : vector<16xi32>
    %add3A_521 = arith.constant 5120 : i32
    %add3A_522 = vector.broadcast %add3A_521 : i32 to vector<16xi32>
    %add3A_523 = arith.addi %sub3A_520, %add3A_522 : vector<16xi32>
    %swap3A_524 = arith.constant 368 : index
    %swap3A_525 = tpu.vector_load %arg15[%swap3A_524] {strides = array<i32>} : memref<448xi32, #tpu.memory_space<vmem>>, vector<16xi32>,
    tpu.vector_store %arg15[%swap3A_524], %add3A_523 {strides = array<i32>} : memref<448xi32, #tpu.memory_space<vmem>>, vector<16xi32>,
    %add3A_526 = arith.constant 6144 : i32
    %add3A_527 = vector.broadcast %add3A_526 : i32 to vector<16xi32>
    %add3A_528 = arith.addi %get3A_496, %add3A_527 : vector<16xi32>
    %swap3A_529 = arith.constant 432 : index
    %swap3A_530 = tpu.vector_load %arg15[%swap3A_529] {strides = array<i32>} : memref<448xi32, #tpu.memory_space<vmem>>, vector<16xi32>,
    tpu.vector_store %arg15[%swap3A_529], %add3A_528 {strides = array<i32>} : memref<448xi32, #tpu.memory_space<vmem>>, vector<16xi32>,
    %broadcast_in_dim3A_531 = arith.constant 0.000000e+00 : f32
    %broadcast_in_dim3A_532 = vector.broadcast %broadcast_in_dim3A_531 : f32 to vector<16xf32>
    %scan3A_533 = arith.constant 0 : i32
    %scan3A_534 = arith.constant 0 : i32
    %scan3A_535 = arith.constant 64 : i32
    %scan3A_536 = arith.addi %scan3A_534, %scan3A_535 : i32
    %scan3A_537 = arith.constant 1 : i32
    scf.for %scan3A_1544 = %scan3A_534 to %scan3A_536 step %scan3A_537  : i32 {
      %swap3A_1545 = arith.index_cast %scan3A_1544 : i32 to index
      %swap3A_1546 = arith.constant 0 : index
      %swap3A_1547 = tpu.vector_load %arg17[%swap3A_1545, %swap3A_1546] {strides = array<i32>} : memref<64x128xf32, #tpu.memory_space<vmem>>, vector<16xf32>,
      tpu.vector_store %arg17[%swap3A_1545, %swap3A_1546], %broadcast_in_dim3A_532 {strides = array<i32>} : memref<64x128xf32, #tpu.memory_space<vmem>>, vector<16xf32>,
      %swap3A_1548 = arith.index_cast %scan3A_1544 : i32 to index
      %swap3A_1549 = arith.constant 16 : index
      %swap3A_1550 = tpu.vector_load %arg17[%swap3A_1548, %swap3A_1549] {strides = array<i32>} : memref<64x128xf32, #tpu.memory_space<vmem>>, vector<16xf32>,
      tpu.vector_store %arg17[%swap3A_1548, %swap3A_1549], %broadcast_in_dim3A_532 {strides = array<i32>} : memref<64x128xf32, #tpu.memory_space<vmem>>, vector<16xf32>,
      %swap3A_1551 = arith.index_cast %scan3A_1544 : i32 to index
      %swap3A_1552 = arith.constant 32 : index
      %swap3A_1553 = tpu.vector_load %arg17[%swap3A_1551, %swap3A_1552] {strides = array<i32>} : memref<64x128xf32, #tpu.memory_space<vmem>>, vector<16xf32>,
      tpu.vector_store %arg17[%swap3A_1551, %swap3A_1552], %broadcast_in_dim3A_532 {strides = array<i32>} : memref<64x128xf32, #tpu.memory_space<vmem>>, vector<16xf32>,
      %swap3A_1554 = arith.index_cast %scan3A_1544 : i32 to index
      %swap3A_1555 = arith.constant 48 : index
      %swap3A_1556 = tpu.vector_load %arg17[%swap3A_1554, %swap3A_1555] {strides = array<i32>} : memref<64x128xf32, #tpu.memory_space<vmem>>, vector<16xf32>,
      tpu.vector_store %arg17[%swap3A_1554, %swap3A_1555], %broadcast_in_dim3A_532 {strides = array<i32>} : memref<64x128xf32, #tpu.memory_space<vmem>>, vector<16xf32>,
      %swap3A_1557 = arith.index_cast %scan3A_1544 : i32 to index
      %swap3A_1558 = arith.constant 64 : index
      %swap3A_1559 = tpu.vector_load %arg17[%swap3A_1557, %swap3A_1558] {strides = array<i32>} : memref<64x128xf32, #tpu.memory_space<vmem>>, vector<16xf32>,
      tpu.vector_store %arg17[%swap3A_1557, %swap3A_1558], %broadcast_in_dim3A_532 {strides = array<i32>} : memref<64x128xf32, #tpu.memory_space<vmem>>, vector<16xf32>,
      %swap3A_1560 = arith.index_cast %scan3A_1544 : i32 to index
      %swap3A_1561 = arith.constant 80 : index
      %swap3A_1562 = tpu.vector_load %arg17[%swap3A_1560, %swap3A_1561] {strides = array<i32>} : memref<64x128xf32, #tpu.memory_space<vmem>>, vector<16xf32>,
      tpu.vector_store %arg17[%swap3A_1560, %swap3A_1561], %broadcast_in_dim3A_532 {strides = array<i32>} : memref<64x128xf32, #tpu.memory_space<vmem>>, vector<16xf32>,
      %swap3A_1563 = arith.index_cast %scan3A_1544 : i32 to index
      %swap3A_1564 = arith.constant 96 : index
      %swap3A_1565 = tpu.vector_load %arg17[%swap3A_1563, %swap3A_1564] {strides = array<i32>} : memref<64x128xf32, #tpu.memory_space<vmem>>, vector<16xf32>,
      tpu.vector_store %arg17[%swap3A_1563, %swap3A_1564], %broadcast_in_dim3A_532 {strides = array<i32>} : memref<64x128xf32, #tpu.memory_space<vmem>>, vector<16xf32>,
      %swap3A_1566 = arith.index_cast %scan3A_1544 : i32 to index
      %swap3A_1567 = arith.constant 112 : index
      %swap3A_1568 = tpu.vector_load %arg17[%swap3A_1566, %swap3A_1567] {strides = array<i32>} : memref<64x128xf32, #tpu.memory_space<vmem>>, vector<16xf32>,
      tpu.vector_store %arg17[%swap3A_1566, %swap3A_1567], %broadcast_in_dim3A_532 {strides = array<i32>} : memref<64x128xf32, #tpu.memory_space<vmem>>, vector<16xf32>,
      %swap3A_1569 = arith.index_cast %scan3A_1544 : i32 to index
      %swap3A_1570 = arith.constant 0 : index
      %swap3A_1571 = tpu.vector_load %arg19[%swap3A_1569, %swap3A_1570] {strides = array<i32>} : memref<64x128xf32, #tpu.memory_space<vmem>>, vector<16xf32>,
      tpu.vector_store %arg19[%swap3A_1569, %swap3A_1570], %broadcast_in_dim3A_532 {strides = array<i32>} : memref<64x128xf32, #tpu.memory_space<vmem>>, vector<16xf32>,
      %swap3A_1572 = arith.index_cast %scan3A_1544 : i32 to index
      %swap3A_1573 = arith.constant 16 : index
      %swap3A_1574 = tpu.vector_load %arg19[%swap3A_1572, %swap3A_1573] {strides = array<i32>} : memref<64x128xf32, #tpu.memory_space<vmem>>, vector<16xf32>,
      tpu.vector_store %arg19[%swap3A_1572, %swap3A_1573], %broadcast_in_dim3A_532 {strides = array<i32>} : memref<64x128xf32, #tpu.memory_space<vmem>>, vector<16xf32>,
      %swap3A_1575 = arith.index_cast %scan3A_1544 : i32 to index
      %swap3A_1576 = arith.constant 32 : index
      %swap3A_1577 = tpu.vector_load %arg19[%swap3A_1575, %swap3A_1576] {strides = array<i32>} : memref<64x128xf32, #tpu.memory_space<vmem>>, vector<16xf32>,
      tpu.vector_store %arg19[%swap3A_1575, %swap3A_1576], %broadcast_in_dim3A_532 {strides = array<i32>} : memref<64x128xf32, #tpu.memory_space<vmem>>, vector<16xf32>,
      %swap3A_1578 = arith.index_cast %scan3A_1544 : i32 to index
      %swap3A_1579 = arith.constant 48 : index
      %swap3A_1580 = tpu.vector_load %arg19[%swap3A_1578, %swap3A_1579] {strides = array<i32>} : memref<64x128xf32, #tpu.memory_space<vmem>>, vector<16xf32>,
      tpu.vector_store %arg19[%swap3A_1578, %swap3A_1579], %broadcast_in_dim3A_532 {strides = array<i32>} : memref<64x128xf32, #tpu.memory_space<vmem>>, vector<16xf32>,
    }
    %scan3A_538 = arith.constant 64 : i32
    %dma_start3A_539 = arith.constant 0 : i32
    %dma_start3A_540 = tpu.memref_slice %arg15[%dma_start3A_539] : memref<448xi32, #tpu.memory_space<vmem>> -> memref<64xi32, #tpu.memory_space<vmem>>
    %dma_start3A_541 = arith.constant 0 : i32
    %dma_start3A_542 = arith.constant 0 : i32
    %dma_start3A_543 = tpu.memref_slice %arg2[%dma_start3A_541, %dma_start3A_542] : memref<8192x128xf32, #tpu.memory_space<hbm>> -> memref<8192x128xf32, #tpu.memory_space<hbm>>
    tpu.enqueue_indirect_dma source(%dma_start3A_543 : memref<8192x128xf32, #tpu.memory_space<hbm>>) target(%arg17 : memref<64x128xf32, #tpu.memory_space<vmem>>) offsets(%dma_start3A_540 : memref<64xi32, #tpu.memory_space<vmem>>) semaphore(%arg25 : memref<!tpu.dma_semaphore, #tpu.memory_space<semaphore_mem>>) {add = true}
    %dma_start3A_544 = arith.constant 0 : i32
    %dma_start3A_545 = tpu.memref_slice %arg15[%dma_start3A_544] : memref<448xi32, #tpu.memory_space<vmem>> -> memref<64xi32, #tpu.memory_space<vmem>>
    %dma_start3A_546 = arith.constant 0 : i32
    %dma_start3A_547 = arith.constant 0 : i32
    %dma_start3A_548 = tpu.memref_slice %arg3[%dma_start3A_546, %dma_start3A_547] : memref<8192x128xf32, #tpu.memory_space<hbm>> -> memref<8192x128xf32, #tpu.memory_space<hbm>>
    tpu.enqueue_indirect_dma source(%dma_start3A_548 : memref<8192x128xf32, #tpu.memory_space<hbm>>) target(%arg19 : memref<64x128xf32, #tpu.memory_space<vmem>>) offsets(%dma_start3A_545 : memref<64xi32, #tpu.memory_space<vmem>>) semaphore(%arg25 : memref<!tpu.dma_semaphore, #tpu.memory_space<semaphore_mem>>) {add = true}
    %dma_start3A_549 = arith.constant 64 : i32
    %dma_start3A_550 = tpu.memref_slice %arg15[%dma_start3A_549] : memref<448xi32, #tpu.memory_space<vmem>> -> memref<64xi32, #tpu.memory_space<vmem>>
    %dma_start3A_551 = arith.constant 0 : i32
    %dma_start3A_552 = arith.constant 0 : i32
    %dma_start3A_553 = tpu.memref_slice %arg2[%dma_start3A_551, %dma_start3A_552] : memref<8192x128xf32, #tpu.memory_space<hbm>> -> memref<8192x128xf32, #tpu.memory_space<hbm>>
    tpu.enqueue_indirect_dma source(%dma_start3A_553 : memref<8192x128xf32, #tpu.memory_space<hbm>>) target(%arg17 : memref<64x128xf32, #tpu.memory_space<vmem>>) offsets(%dma_start3A_550 : memref<64xi32, #tpu.memory_space<vmem>>) semaphore(%arg25 : memref<!tpu.dma_semaphore, #tpu.memory_space<semaphore_mem>>) {add = true}
    %dma_start3A_554 = arith.constant 64 : i32
    %dma_start3A_555 = tpu.memref_slice %arg15[%dma_start3A_554] : memref<448xi32, #tpu.memory_space<vmem>> -> memref<64xi32, #tpu.memory_space<vmem>>
    %dma_start3A_556 = arith.constant 0 : i32
    %dma_start3A_557 = arith.constant 0 : i32
    %dma_start3A_558 = tpu.memref_slice %arg3[%dma_start3A_556, %dma_start3A_557] : memref<8192x128xf32, #tpu.memory_space<hbm>> -> memref<8192x128xf32, #tpu.memory_space<hbm>>
    tpu.enqueue_indirect_dma source(%dma_start3A_558 : memref<8192x128xf32, #tpu.memory_space<hbm>>) target(%arg19 : memref<64x128xf32, #tpu.memory_space<vmem>>) offsets(%dma_start3A_555 : memref<64xi32, #tpu.memory_space<vmem>>) semaphore(%arg25 : memref<!tpu.dma_semaphore, #tpu.memory_space<semaphore_mem>>) {add = true}
    %dma_start3A_559 = arith.constant 128 : i32
    %dma_start3A_560 = tpu.memref_slice %arg15[%dma_start3A_559] : memref<448xi32, #tpu.memory_space<vmem>> -> memref<64xi32, #tpu.memory_space<vmem>>
    %dma_start3A_561 = arith.constant 0 : i32
    %dma_start3A_562 = arith.constant 0 : i32
    %dma_start3A_563 = tpu.memref_slice %arg2[%dma_start3A_561, %dma_start3A_562] : memref<8192x128xf32, #tpu.memory_space<hbm>> -> memref<8192x128xf32, #tpu.memory_space<hbm>>
    tpu.enqueue_indirect_dma source(%dma_start3A_563 : memref<8192x128xf32, #tpu.memory_space<hbm>>) target(%arg17 : memref<64x128xf32, #tpu.memory_space<vmem>>) offsets(%dma_start3A_560 : memref<64xi32, #tpu.memory_space<vmem>>) semaphore(%arg25 : memref<!tpu.dma_semaphore, #tpu.memory_space<semaphore_mem>>) {add = true}
    %dma_start3A_564 = arith.constant 128 : i32
    %dma_start3A_565 = tpu.memref_slice %arg15[%dma_start3A_564] : memref<448xi32, #tpu.memory_space<vmem>> -> memref<64xi32, #tpu.memory_space<vmem>>
    %dma_start3A_566 = arith.constant 0 : i32
    %dma_start3A_567 = arith.constant 0 : i32
    %dma_start3A_568 = tpu.memref_slice %arg3[%dma_start3A_566, %dma_start3A_567] : memref<8192x128xf32, #tpu.memory_space<hbm>> -> memref<8192x128xf32, #tpu.memory_space<hbm>>
    tpu.enqueue_indirect_dma source(%dma_start3A_568 : memref<8192x128xf32, #tpu.memory_space<hbm>>) target(%arg19 : memref<64x128xf32, #tpu.memory_space<vmem>>) offsets(%dma_start3A_565 : memref<64xi32, #tpu.memory_space<vmem>>) semaphore(%arg25 : memref<!tpu.dma_semaphore, #tpu.memory_space<semaphore_mem>>) {add = true}
    %dma_start3A_569 = arith.constant 192 : i32
    %dma_start3A_570 = tpu.memref_slice %arg15[%dma_start3A_569] : memref<448xi32, #tpu.memory_space<vmem>> -> memref<64xi32, #tpu.memory_space<vmem>>
    %dma_start3A_571 = arith.constant 0 : i32
    %dma_start3A_572 = arith.constant 0 : i32
    %dma_start3A_573 = tpu.memref_slice %arg2[%dma_start3A_571, %dma_start3A_572] : memref<8192x128xf32, #tpu.memory_space<hbm>> -> memref<8192x128xf32, #tpu.memory_space<hbm>>
    tpu.enqueue_indirect_dma source(%dma_start3A_573 : memref<8192x128xf32, #tpu.memory_space<hbm>>) target(%arg17 : memref<64x128xf32, #tpu.memory_space<vmem>>) offsets(%dma_start3A_570 : memref<64xi32, #tpu.memory_space<vmem>>) semaphore(%arg25 : memref<!tpu.dma_semaphore, #tpu.memory_space<semaphore_mem>>) {add = true}
    %dma_start3A_574 = arith.constant 192 : i32
    %dma_start3A_575 = tpu.memref_slice %arg15[%dma_start3A_574] : memref<448xi32, #tpu.memory_space<vmem>> -> memref<64xi32, #tpu.memory_space<vmem>>
    %dma_start3A_576 = arith.constant 0 : i32
    %dma_start3A_577 = arith.constant 0 : i32
    %dma_start3A_578 = tpu.memref_slice %arg3[%dma_start3A_576, %dma_start3A_577] : memref<8192x128xf32, #tpu.memory_space<hbm>> -> memref<8192x128xf32, #tpu.memory_space<hbm>>
    tpu.enqueue_indirect_dma source(%dma_start3A_578 : memref<8192x128xf32, #tpu.memory_space<hbm>>) target(%arg19 : memref<64x128xf32, #tpu.memory_space<vmem>>) offsets(%dma_start3A_575 : memref<64xi32, #tpu.memory_space<vmem>>) semaphore(%arg25 : memref<!tpu.dma_semaphore, #tpu.memory_space<semaphore_mem>>) {add = true}
    %dma_start3A_579 = arith.constant 256 : i32
    %dma_start3A_580 = tpu.memref_slice %arg15[%dma_start3A_579] : memref<448xi32, #tpu.memory_space<vmem>> -> memref<64xi32, #tpu.memory_space<vmem>>
    %dma_start3A_581 = arith.constant 0 : i32
    %dma_start3A_582 = arith.constant 0 : i32
    %dma_start3A_583 = tpu.memref_slice %arg2[%dma_start3A_581, %dma_start3A_582] : memref<8192x128xf32, #tpu.memory_space<hbm>> -> memref<8192x128xf32, #tpu.memory_space<hbm>>
    tpu.enqueue_indirect_dma source(%dma_start3A_583 : memref<8192x128xf32, #tpu.memory_space<hbm>>) target(%arg17 : memref<64x128xf32, #tpu.memory_space<vmem>>) offsets(%dma_start3A_580 : memref<64xi32, #tpu.memory_space<vmem>>) semaphore(%arg25 : memref<!tpu.dma_semaphore, #tpu.memory_space<semaphore_mem>>) {add = true}
    %dma_start3A_584 = arith.constant 256 : i32
    %dma_start3A_585 = tpu.memref_slice %arg15[%dma_start3A_584] : memref<448xi32, #tpu.memory_space<vmem>> -> memref<64xi32, #tpu.memory_space<vmem>>
    %dma_start3A_586 = arith.constant 0 : i32
    %dma_start3A_587 = arith.constant 0 : i32
    %dma_start3A_588 = tpu.memref_slice %arg3[%dma_start3A_586, %dma_start3A_587] : memref<8192x128xf32, #tpu.memory_space<hbm>> -> memref<8192x128xf32, #tpu.memory_space<hbm>>
    tpu.enqueue_indirect_dma source(%dma_start3A_588 : memref<8192x128xf32, #tpu.memory_space<hbm>>) target(%arg19 : memref<64x128xf32, #tpu.memory_space<vmem>>) offsets(%dma_start3A_585 : memref<64xi32, #tpu.memory_space<vmem>>) semaphore(%arg25 : memref<!tpu.dma_semaphore, #tpu.memory_space<semaphore_mem>>) {add = true}
    %dma_start3A_589 = arith.constant 320 : i32
    %dma_start3A_590 = tpu.memref_slice %arg15[%dma_start3A_589] : memref<448xi32, #tpu.memory_space<vmem>> -> memref<64xi32, #tpu.memory_space<vmem>>
    %dma_start3A_591 = arith.constant 0 : i32
    %dma_start3A_592 = arith.constant 0 : i32
    %dma_start3A_593 = tpu.memref_slice %arg2[%dma_start3A_591, %dma_start3A_592] : memref<8192x128xf32, #tpu.memory_space<hbm>> -> memref<8192x128xf32, #tpu.memory_space<hbm>>
    tpu.enqueue_indirect_dma source(%dma_start3A_593 : memref<8192x128xf32, #tpu.memory_space<hbm>>) target(%arg17 : memref<64x128xf32, #tpu.memory_space<vmem>>) offsets(%dma_start3A_590 : memref<64xi32, #tpu.memory_space<vmem>>) semaphore(%arg25 : memref<!tpu.dma_semaphore, #tpu.memory_space<semaphore_mem>>) {add = true}
    %dma_start3A_594 = arith.constant 320 : i32
    %dma_start3A_595 = tpu.memref_slice %arg15[%dma_start3A_594] : memref<448xi32, #tpu.memory_space<vmem>> -> memref<64xi32, #tpu.memory_space<vmem>>
    %dma_start3A_596 = arith.constant 0 : i32
    %dma_start3A_597 = arith.constant 0 : i32
    %dma_start3A_598 = tpu.memref_slice %arg3[%dma_start3A_596, %dma_start3A_597] : memref<8192x128xf32, #tpu.memory_space<hbm>> -> memref<8192x128xf32, #tpu.memory_space<hbm>>
    tpu.enqueue_indirect_dma source(%dma_start3A_598 : memref<8192x128xf32, #tpu.memory_space<hbm>>) target(%arg19 : memref<64x128xf32, #tpu.memory_space<vmem>>) offsets(%dma_start3A_595 : memref<64xi32, #tpu.memory_space<vmem>>) semaphore(%arg25 : memref<!tpu.dma_semaphore, #tpu.memory_space<semaphore_mem>>) {add = true}
    %dma_start3A_599 = arith.constant 384 : i32
    %dma_start3A_600 = tpu.memref_slice %arg15[%dma_start3A_599] : memref<448xi32, #tpu.memory_space<vmem>> -> memref<64xi32, #tpu.memory_space<vmem>>
    %dma_start3A_601 = arith.constant 0 : i32
    %dma_start3A_602 = arith.constant 0 : i32
    %dma_start3A_603 = tpu.memref_slice %arg2[%dma_start3A_601, %dma_start3A_602] : memref<8192x128xf32, #tpu.memory_space<hbm>> -> memref<8192x128xf32, #tpu.memory_space<hbm>>
    tpu.enqueue_indirect_dma source(%dma_start3A_603 : memref<8192x128xf32, #tpu.memory_space<hbm>>) target(%arg17 : memref<64x128xf32, #tpu.memory_space<vmem>>) offsets(%dma_start3A_600 : memref<64xi32, #tpu.memory_space<vmem>>) semaphore(%arg25 : memref<!tpu.dma_semaphore, #tpu.memory_space<semaphore_mem>>) {add = true}
    %dma_start3A_604 = arith.constant 384 : i32
    %dma_start3A_605 = tpu.memref_slice %arg15[%dma_start3A_604] : memref<448xi32, #tpu.memory_space<vmem>> -> memref<64xi32, #tpu.memory_space<vmem>>
    %dma_start3A_606 = arith.constant 0 : i32
    %dma_start3A_607 = arith.constant 0 : i32
    %dma_start3A_608 = tpu.memref_slice %arg3[%dma_start3A_606, %dma_start3A_607] : memref<8192x128xf32, #tpu.memory_space<hbm>> -> memref<8192x128xf32, #tpu.memory_space<hbm>>
    tpu.enqueue_indirect_dma source(%dma_start3A_608 : memref<8192x128xf32, #tpu.memory_space<hbm>>) target(%arg19 : memref<64x128xf32, #tpu.memory_space<vmem>>) offsets(%dma_start3A_605 : memref<64xi32, #tpu.memory_space<vmem>>) semaphore(%arg25 : memref<!tpu.dma_semaphore, #tpu.memory_space<semaphore_mem>>) {add = true}
    %dma_wait3A = arith.constant 0 : i32
    %dma_wait3A_609 = tpu.memref_slice %arg14[%dma_wait3A] : memref<448xi32, #tpu.memory_space<vmem>> -> memref<64xi32, #tpu.memory_space<vmem>>
    %dma_wait3A_610 = arith.constant 0 : i32
    %dma_wait3A_611 = arith.constant 0 : i32
    %dma_wait3A_612 = tpu.memref_slice %arg2[%dma_wait3A_610, %dma_wait3A_611] : memref<8192x128xf32, #tpu.memory_space<hbm>> -> memref<8192x128xf32, #tpu.memory_space<hbm>>
    tpu.wait_indirect_dma semaphore(%arg24 : memref<!tpu.dma_semaphore, #tpu.memory_space<semaphore_mem>>) src(%dma_wait3A_612 : memref<8192x128xf32, #tpu.memory_space<hbm>>) dst(%arg16 : memref<64x128xf32, #tpu.memory_space<vmem>>)
    %dma_wait3A_613 = arith.constant 0 : i32
    %dma_wait3A_614 = tpu.memref_slice %arg14[%dma_wait3A_613] : memref<448xi32, #tpu.memory_space<vmem>> -> memref<64xi32, #tpu.memory_space<vmem>>
    %dma_wait3A_615 = arith.constant 0 : i32
    %dma_wait3A_616 = arith.constant 0 : i32
    %dma_wait3A_617 = tpu.memref_slice %arg3[%dma_wait3A_615, %dma_wait3A_616] : memref<8192x128xf32, #tpu.memory_space<hbm>> -> memref<8192x128xf32, #tpu.memory_space<hbm>>
    tpu.wait_indirect_dma semaphore(%arg24 : memref<!tpu.dma_semaphore, #tpu.memory_space<semaphore_mem>>) src(%dma_wait3A_617 : memref<8192x128xf32, #tpu.memory_space<hbm>>) dst(%arg18 : memref<64x128xf32, #tpu.memory_space<vmem>>)
    %dma_wait3A_618 = arith.constant 64 : i32
    %dma_wait3A_619 = tpu.memref_slice %arg14[%dma_wait3A_618] : memref<448xi32, #tpu.memory_space<vmem>> -> memref<64xi32, #tpu.memory_space<vmem>>
    %dma_wait3A_620 = arith.constant 0 : i32
    %dma_wait3A_621 = arith.constant 0 : i32
    %dma_wait3A_622 = tpu.memref_slice %arg2[%dma_wait3A_620, %dma_wait3A_621] : memref<8192x128xf32, #tpu.memory_space<hbm>> -> memref<8192x128xf32, #tpu.memory_space<hbm>>
    tpu.wait_indirect_dma semaphore(%arg24 : memref<!tpu.dma_semaphore, #tpu.memory_space<semaphore_mem>>) src(%dma_wait3A_622 : memref<8192x128xf32, #tpu.memory_space<hbm>>) dst(%arg16 : memref<64x128xf32, #tpu.memory_space<vmem>>)
    %dma_wait3A_623 = arith.constant 64 : i32
    %dma_wait3A_624 = tpu.memref_slice %arg14[%dma_wait3A_623] : memref<448xi32, #tpu.memory_space<vmem>> -> memref<64xi32, #tpu.memory_space<vmem>>
    %dma_wait3A_625 = arith.constant 0 : i32
    %dma_wait3A_626 = arith.constant 0 : i32
    %dma_wait3A_627 = tpu.memref_slice %arg3[%dma_wait3A_625, %dma_wait3A_626] : memref<8192x128xf32, #tpu.memory_space<hbm>> -> memref<8192x128xf32, #tpu.memory_space<hbm>>
    tpu.wait_indirect_dma semaphore(%arg24 : memref<!tpu.dma_semaphore, #tpu.memory_space<semaphore_mem>>) src(%dma_wait3A_627 : memref<8192x128xf32, #tpu.memory_space<hbm>>) dst(%arg18 : memref<64x128xf32, #tpu.memory_space<vmem>>)
    %dma_wait3A_628 = arith.constant 128 : i32
    %dma_wait3A_629 = tpu.memref_slice %arg14[%dma_wait3A_628] : memref<448xi32, #tpu.memory_space<vmem>> -> memref<64xi32, #tpu.memory_space<vmem>>
    %dma_wait3A_630 = arith.constant 0 : i32
    %dma_wait3A_631 = arith.constant 0 : i32
    %dma_wait3A_632 = tpu.memref_slice %arg2[%dma_wait3A_630, %dma_wait3A_631] : memref<8192x128xf32, #tpu.memory_space<hbm>> -> memref<8192x128xf32, #tpu.memory_space<hbm>>
    tpu.wait_indirect_dma semaphore(%arg24 : memref<!tpu.dma_semaphore, #tpu.memory_space<semaphore_mem>>) src(%dma_wait3A_632 : memref<8192x128xf32, #tpu.memory_space<hbm>>) dst(%arg16 : memref<64x128xf32, #tpu.memory_space<vmem>>)
    %dma_wait3A_633 = arith.constant 128 : i32
    %dma_wait3A_634 = tpu.memref_slice %arg14[%dma_wait3A_633] : memref<448xi32, #tpu.memory_space<vmem>> -> memref<64xi32, #tpu.memory_space<vmem>>
    %dma_wait3A_635 = arith.constant 0 : i32
    %dma_wait3A_636 = arith.constant 0 : i32
    %dma_wait3A_637 = tpu.memref_slice %arg3[%dma_wait3A_635, %dma_wait3A_636] : memref<8192x128xf32, #tpu.memory_space<hbm>> -> memref<8192x128xf32, #tpu.memory_space<hbm>>
    tpu.wait_indirect_dma semaphore(%arg24 : memref<!tpu.dma_semaphore, #tpu.memory_space<semaphore_mem>>) src(%dma_wait3A_637 : memref<8192x128xf32, #tpu.memory_space<hbm>>) dst(%arg18 : memref<64x128xf32, #tpu.memory_space<vmem>>)
    %dma_wait3A_638 = arith.constant 192 : i32
    %dma_wait3A_639 = tpu.memref_slice %arg14[%dma_wait3A_638] : memref<448xi32, #tpu.memory_space<vmem>> -> memref<64xi32, #tpu.memory_space<vmem>>
    %dma_wait3A_640 = arith.constant 0 : i32
    %dma_wait3A_641 = arith.constant 0 : i32
    %dma_wait3A_642 = tpu.memref_slice %arg2[%dma_wait3A_640, %dma_wait3A_641] : memref<8192x128xf32, #tpu.memory_space<hbm>> -> memref<8192x128xf32, #tpu.memory_space<hbm>>
    tpu.wait_indirect_dma semaphore(%arg24 : memref<!tpu.dma_semaphore, #tpu.memory_space<semaphore_mem>>) src(%dma_wait3A_642 : memref<8192x128xf32, #tpu.memory_space<hbm>>) dst(%arg16 : memref<64x128xf32, #tpu.memory_space<vmem>>)
    %dma_wait3A_643 = arith.constant 192 : i32
    %dma_wait3A_644 = tpu.memref_slice %arg14[%dma_wait3A_643] : memref<448xi32, #tpu.memory_space<vmem>> -> memref<64xi32, #tpu.memory_space<vmem>>
    %dma_wait3A_645 = arith.constant 0 : i32
    %dma_wait3A_646 = arith.constant 0 : i32
    %dma_wait3A_647 = tpu.memref_slice %arg3[%dma_wait3A_645, %dma_wait3A_646] : memref<8192x128xf32, #tpu.memory_space<hbm>> -> memref<8192x128xf32, #tpu.memory_space<hbm>>
    tpu.wait_indirect_dma semaphore(%arg24 : memref<!tpu.dma_semaphore, #tpu.memory_space<semaphore_mem>>) src(%dma_wait3A_647 : memref<8192x128xf32, #tpu.memory_space<hbm>>) dst(%arg18 : memref<64x128xf32, #tpu.memory_space<vmem>>)
    %dma_wait3A_648 = arith.constant 256 : i32
    %dma_wait3A_649 = tpu.memref_slice %arg14[%dma_wait3A_648] : memref<448xi32, #tpu.memory_space<vmem>> -> memref<64xi32, #tpu.memory_space<vmem>>
    %dma_wait3A_650 = arith.constant 0 : i32
    %dma_wait3A_651 = arith.constant 0 : i32
    %dma_wait3A_652 = tpu.memref_slice %arg2[%dma_wait3A_650, %dma_wait3A_651] : memref<8192x128xf32, #tpu.memory_space<hbm>> -> memref<8192x128xf32, #tpu.memory_space<hbm>>
    tpu.wait_indirect_dma semaphore(%arg24 : memref<!tpu.dma_semaphore, #tpu.memory_space<semaphore_mem>>) src(%dma_wait3A_652 : memref<8192x128xf32, #tpu.memory_space<hbm>>) dst(%arg16 : memref<64x128xf32, #tpu.memory_space<vmem>>)
    %dma_wait3A_653 = arith.constant 256 : i32
    %dma_wait3A_654 = tpu.memref_slice %arg14[%dma_wait3A_653] : memref<448xi32, #tpu.memory_space<vmem>> -> memref<64xi32, #tpu.memory_space<vmem>>
    %dma_wait3A_655 = arith.constant 0 : i32
    %dma_wait3A_656 = arith.constant 0 : i32
    %dma_wait3A_657 = tpu.memref_slice %arg3[%dma_wait3A_655, %dma_wait3A_656] : memref<8192x128xf32, #tpu.memory_space<hbm>> -> memref<8192x128xf32, #tpu.memory_space<hbm>>
    tpu.wait_indirect_dma semaphore(%arg24 : memref<!tpu.dma_semaphore, #tpu.memory_space<semaphore_mem>>) src(%dma_wait3A_657 : memref<8192x128xf32, #tpu.memory_space<hbm>>) dst(%arg18 : memref<64x128xf32, #tpu.memory_space<vmem>>)
    %dma_wait3A_658 = arith.constant 320 : i32
    %dma_wait3A_659 = tpu.memref_slice %arg14[%dma_wait3A_658] : memref<448xi32, #tpu.memory_space<vmem>> -> memref<64xi32, #tpu.memory_space<vmem>>
    %dma_wait3A_660 = arith.constant 0 : i32
    %dma_wait3A_661 = arith.constant 0 : i32
    %dma_wait3A_662 = tpu.memref_slice %arg2[%dma_wait3A_660, %dma_wait3A_661] : memref<8192x128xf32, #tpu.memory_space<hbm>> -> memref<8192x128xf32, #tpu.memory_space<hbm>>
    tpu.wait_indirect_dma semaphore(%arg24 : memref<!tpu.dma_semaphore, #tpu.memory_space<semaphore_mem>>) src(%dma_wait3A_662 : memref<8192x128xf32, #tpu.memory_space<hbm>>) dst(%arg16 : memref<64x128xf32, #tpu.memory_space<vmem>>)
    %dma_wait3A_663 = arith.constant 320 : i32
    %dma_wait3A_664 = tpu.memref_slice %arg14[%dma_wait3A_663] : memref<448xi32, #tpu.memory_space<vmem>> -> memref<64xi32, #tpu.memory_space<vmem>>
    %dma_wait3A_665 = arith.constant 0 : i32
    %dma_wait3A_666 = arith.constant 0 : i32
    %dma_wait3A_667 = tpu.memref_slice %arg3[%dma_wait3A_665, %dma_wait3A_666] : memref<8192x128xf32, #tpu.memory_space<hbm>> -> memref<8192x128xf32, #tpu.memory_space<hbm>>
    tpu.wait_indirect_dma semaphore(%arg24 : memref<!tpu.dma_semaphore, #tpu.memory_space<semaphore_mem>>) src(%dma_wait3A_667 : memref<8192x128xf32, #tpu.memory_space<hbm>>) dst(%arg18 : memref<64x128xf32, #tpu.memory_space<vmem>>)
    %dma_wait3A_668 = arith.constant 384 : i32
    %dma_wait3A_669 = tpu.memref_slice %arg14[%dma_wait3A_668] : memref<448xi32, #tpu.memory_space<vmem>> -> memref<64xi32, #tpu.memory_space<vmem>>
    %dma_wait3A_670 = arith.constant 0 : i32
    %dma_wait3A_671 = arith.constant 0 : i32
    %dma_wait3A_672 = tpu.memref_slice %arg2[%dma_wait3A_670, %dma_wait3A_671] : memref<8192x128xf32, #tpu.memory_space<hbm>> -> memref<8192x128xf32, #tpu.memory_space<hbm>>
    tpu.wait_indirect_dma semaphore(%arg24 : memref<!tpu.dma_semaphore, #tpu.memory_space<semaphore_mem>>) src(%dma_wait3A_672 : memref<8192x128xf32, #tpu.memory_space<hbm>>) dst(%arg16 : memref<64x128xf32, #tpu.memory_space<vmem>>)
    %dma_wait3A_673 = arith.constant 384 : i32
    %dma_wait3A_674 = tpu.memref_slice %arg14[%dma_wait3A_673] : memref<448xi32, #tpu.memory_space<vmem>> -> memref<64xi32, #tpu.memory_space<vmem>>
    %dma_wait3A_675 = arith.constant 0 : i32
    %dma_wait3A_676 = arith.constant 0 : i32
    %dma_wait3A_677 = tpu.memref_slice %arg3[%dma_wait3A_675, %dma_wait3A_676] : memref<8192x128xf32, #tpu.memory_space<hbm>> -> memref<8192x128xf32, #tpu.memory_space<hbm>>
    tpu.wait_indirect_dma semaphore(%arg24 : memref<!tpu.dma_semaphore, #tpu.memory_space<semaphore_mem>>) src(%dma_wait3A_677 : memref<8192x128xf32, #tpu.memory_space<hbm>>) dst(%arg18 : memref<64x128xf32, #tpu.memory_space<vmem>>)
    %mul3A_678 = arith.constant 256 : i32
    %mul3A_679 = arith.muli %add3A, %mul3A_678 : i32
    %add3A_680 = arith.constant 0 : i32
    %add3A_681 = arith.addi %mul3A_679, %add3A_680 : i32
    %scan3A_682 = arith.constant 0 : i32
    %scan3A_683 = arith.constant 0 : i32
    %scan3A_684 = arith.constant 64 : i32
    %scan3A_685 = arith.addi %scan3A_683, %scan3A_684 : i32
    %scan3A_686 = arith.constant 1 : i32
    scf.for %scan3A_1544 = %scan3A_683 to %scan3A_685 step %scan3A_686  : i32 {
      %broadcast_in_dim3A_1545 = arith.constant 0.000000e+00 : f32
      %broadcast_in_dim3A_1546 = vector.broadcast %broadcast_in_dim3A_1545 : f32 to vector<16xf32>
      %broadcast_in_dim3A_1547 = arith.constant 0.000000e+00 : f32
      %broadcast_in_dim3A_1548 = vector.broadcast %broadcast_in_dim3A_1547 : f32 to vector<16xf32>
      %get3A_1549 = arith.index_cast %scan3A_1544 : i32 to index
      %get3A_1550 = arith.constant 0 : index
      %get3A_1551 = tpu.vector_load %arg16[%get3A_1549, %get3A_1550] {strides = array<i32>} : memref<64x128xf32, #tpu.memory_space<vmem>>, vector<16xf32>,
      %add3A_1552 = arith.addf %broadcast_in_dim3A_1546, %get3A_1551 : vector<16xf32>
      %mul3A_1553 = arith.mulf %get3A_1551, %get3A_1551 : vector<16xf32>
      %add3A_1554 = arith.addf %broadcast_in_dim3A_1548, %mul3A_1553 : vector<16xf32>
      %get3A_1555 = arith.index_cast %scan3A_1544 : i32 to index
      %get3A_1556 = arith.constant 16 : index
      %get3A_1557 = tpu.vector_load %arg16[%get3A_1555, %get3A_1556] {strides = array<i32>} : memref<64x128xf32, #tpu.memory_space<vmem>>, vector<16xf32>,
      %add3A_1558 = arith.addf %add3A_1552, %get3A_1557 : vector<16xf32>
      %mul3A_1559 = arith.mulf %get3A_1557, %get3A_1557 : vector<16xf32>
      %add3A_1560 = arith.addf %add3A_1554, %mul3A_1559 : vector<16xf32>
      %get3A_1561 = arith.index_cast %scan3A_1544 : i32 to index
      %get3A_1562 = arith.constant 32 : index
      %get3A_1563 = tpu.vector_load %arg16[%get3A_1561, %get3A_1562] {strides = array<i32>} : memref<64x128xf32, #tpu.memory_space<vmem>>, vector<16xf32>,
      %add3A_1564 = arith.addf %add3A_1558, %get3A_1563 : vector<16xf32>
      %mul3A_1565 = arith.mulf %get3A_1563, %get3A_1563 : vector<16xf32>
      %add3A_1566 = arith.addf %add3A_1560, %mul3A_1565 : vector<16xf32>
      %get3A_1567 = arith.index_cast %scan3A_1544 : i32 to index
      %get3A_1568 = arith.constant 48 : index
      %get3A_1569 = tpu.vector_load %arg16[%get3A_1567, %get3A_1568] {strides = array<i32>} : memref<64x128xf32, #tpu.memory_space<vmem>>, vector<16xf32>,
      %add3A_1570 = arith.addf %add3A_1564, %get3A_1569 : vector<16xf32>
      %mul3A_1571 = arith.mulf %get3A_1569, %get3A_1569 : vector<16xf32>
      %add3A_1572 = arith.addf %add3A_1566, %mul3A_1571 : vector<16xf32>
      %get3A_1573 = arith.index_cast %scan3A_1544 : i32 to index
      %get3A_1574 = arith.constant 64 : index
      %get3A_1575 = tpu.vector_load %arg16[%get3A_1573, %get3A_1574] {strides = array<i32>} : memref<64x128xf32, #tpu.memory_space<vmem>>, vector<16xf32>,
      %add3A_1576 = arith.addf %add3A_1570, %get3A_1575 : vector<16xf32>
      %mul3A_1577 = arith.mulf %get3A_1575, %get3A_1575 : vector<16xf32>
      %add3A_1578 = arith.addf %add3A_1572, %mul3A_1577 : vector<16xf32>
      %get3A_1579 = arith.index_cast %scan3A_1544 : i32 to index
      %get3A_1580 = arith.constant 80 : index
      %get3A_1581 = tpu.vector_load %arg16[%get3A_1579, %get3A_1580] {strides = array<i32>} : memref<64x128xf32, #tpu.memory_space<vmem>>, vector<16xf32>,
      %add3A_1582 = arith.addf %add3A_1576, %get3A_1581 : vector<16xf32>
      %mul3A_1583 = arith.mulf %get3A_1581, %get3A_1581 : vector<16xf32>
      %add3A_1584 = arith.addf %add3A_1578, %mul3A_1583 : vector<16xf32>
      %get3A_1585 = arith.index_cast %scan3A_1544 : i32 to index
      %get3A_1586 = arith.constant 96 : index
      %get3A_1587 = tpu.vector_load %arg16[%get3A_1585, %get3A_1586] {strides = array<i32>} : memref<64x128xf32, #tpu.memory_space<vmem>>, vector<16xf32>,
      %add3A_1588 = arith.addf %add3A_1582, %get3A_1587 : vector<16xf32>
      %mul3A_1589 = arith.mulf %get3A_1587, %get3A_1587 : vector<16xf32>
      %add3A_1590 = arith.addf %add3A_1584, %mul3A_1589 : vector<16xf32>
      %get3A_1591 = arith.index_cast %scan3A_1544 : i32 to index
      %get3A_1592 = arith.constant 112 : index
      %get3A_1593 = tpu.vector_load %arg16[%get3A_1591, %get3A_1592] {strides = array<i32>} : memref<64x128xf32, #tpu.memory_space<vmem>>, vector<16xf32>,
      %add3A_1594 = arith.addf %add3A_1588, %get3A_1593 : vector<16xf32>
      %mul3A_1595 = arith.mulf %get3A_1593, %get3A_1593 : vector<16xf32>
      %add3A_1596 = arith.addf %add3A_1590, %mul3A_1595 : vector<16xf32>
      %get3A_1597 = arith.index_cast %scan3A_1544 : i32 to index
      %get3A_1598 = arith.constant 0 : index
      %get3A_1599 = tpu.vector_load %arg18[%get3A_1597, %get3A_1598] {strides = array<i32>} : memref<64x128xf32, #tpu.memory_space<vmem>>, vector<16xf32>,
      %add3A_1600 = arith.addf %add3A_1594, %get3A_1599 : vector<16xf32>
      %mul3A_1601 = arith.mulf %get3A_1599, %get3A_1599 : vector<16xf32>
      %add3A_1602 = arith.addf %add3A_1596, %mul3A_1601 : vector<16xf32>
      %get3A_1603 = arith.index_cast %scan3A_1544 : i32 to index
      %get3A_1604 = arith.constant 16 : index
      %get3A_1605 = tpu.vector_load %arg18[%get3A_1603, %get3A_1604] {strides = array<i32>} : memref<64x128xf32, #tpu.memory_space<vmem>>, vector<16xf32>,
      %add3A_1606 = arith.addf %add3A_1600, %get3A_1605 : vector<16xf32>
      %mul3A_1607 = arith.mulf %get3A_1605, %get3A_1605 : vector<16xf32>
      %add3A_1608 = arith.addf %add3A_1602, %mul3A_1607 : vector<16xf32>
      %get3A_1609 = arith.index_cast %scan3A_1544 : i32 to index
      %get3A_1610 = arith.constant 32 : index
      %get3A_1611 = tpu.vector_load %arg18[%get3A_1609, %get3A_1610] {strides = array<i32>} : memref<64x128xf32, #tpu.memory_space<vmem>>, vector<16xf32>,
      %add3A_1612 = arith.addf %add3A_1606, %get3A_1611 : vector<16xf32>
      %mul3A_1613 = arith.mulf %get3A_1611, %get3A_1611 : vector<16xf32>
      %add3A_1614 = arith.addf %add3A_1608, %mul3A_1613 : vector<16xf32>
      %get3A_1615 = arith.index_cast %scan3A_1544 : i32 to index
      %get3A_1616 = arith.constant 48 : index
      %get3A_1617 = tpu.vector_load %arg18[%get3A_1615, %get3A_1616] {strides = array<i32>} : memref<64x128xf32, #tpu.memory_space<vmem>>, vector<16xf32>,
      %add3A_1618 = arith.addf %add3A_1612, %get3A_1617 : vector<16xf32>
      %mul3A_1619 = arith.mulf %get3A_1617, %get3A_1617 : vector<16xf32>
      %add3A_1620 = arith.addf %add3A_1614, %mul3A_1619 : vector<16xf32>
      %reduce_sum3A = arith.constant true
      %reduce_sum3A_1621 = vector.broadcast %reduce_sum3A : i1 to vector<16xi1>
      %reduce_sum3A_1622 = tpu.scan <sum>, %add3A_1618 masked %reduce_sum3A_1621 : vector<16xf32>, vector<16xi1> -> vector<16xf32>
      %reduce_sum3A_1623 = vector.extract %reduce_sum3A_1622[15] : f32 from vector<16xf32>
      %broadcast_in_dim3A_1624 = vector.broadcast %reduce_sum3A_1623 : f32 to vector<16xf32>
      %mul3A_1625 = arith.constant 0.00520833349 : f32
      %mul3A_1626 = vector.broadcast %mul3A_1625 : f32 to vector<16xf32>
      %mul3A_1627 = arith.mulf %broadcast_in_dim3A_1624, %mul3A_1626 : vector<16xf32>
      %reduce_sum3A_1628 = arith.constant true
      %reduce_sum3A_1629 = vector.broadcast %reduce_sum3A_1628 : i1 to vector<16xi1>
      %reduce_sum3A_1630 = tpu.scan <sum>, %add3A_1620 masked %reduce_sum3A_1629 : vector<16xf32>, vector<16xi1> -> vector<16xf32>
      %reduce_sum3A_1631 = vector.extract %reduce_sum3A_1630[15] : f32 from vector<16xf32>
      %broadcast_in_dim3A_1632 = vector.broadcast %reduce_sum3A_1631 : f32 to vector<16xf32>
      %mul3A_1633 = arith.constant 0.00520833349 : f32
      %mul3A_1634 = vector.broadcast %mul3A_1633 : f32 to vector<16xf32>
      %mul3A_1635 = arith.mulf %broadcast_in_dim3A_1632, %mul3A_1634 : vector<16xf32>
      %mul3A_1636 = arith.mulf %mul3A_1627, %mul3A_1627 : vector<16xf32>
      %sub3A_1637 = arith.subf %mul3A_1635, %mul3A_1636 : vector<16xf32>
      %add3A_1638 = arith.constant 9.99999996E-13 : f32
      %add3A_1639 = vector.broadcast %add3A_1638 : f32 to vector<16xf32>
      %add3A_1640 = arith.addf %sub3A_1637, %add3A_1639 : vector<16xf32>
      %broadcast_in_dim3A_1641 = arith.constant 1597463007 : i32
      %broadcast_in_dim3A_1642 = vector.broadcast %broadcast_in_dim3A_1641 : i32 to vector<16xi32>
      %bitcast3A = vector.bitcast %add3A_1640 : vector<16xf32> to vector<16xi32>
      %broadcast_in_dim3A_1643 = arith.constant 1 : i32
      %broadcast_in_dim3A_1644 = vector.broadcast %broadcast_in_dim3A_1643 : i32 to vector<16xi32>
      %shift_right_logical3A = arith.shrui %bitcast3A, %broadcast_in_dim3A_1644 : vector<16xi32>
      %sub3A_1645 = arith.subi %broadcast_in_dim3A_1642, %shift_right_logical3A : vector<16xi32>
      %bitcast3A_1646 = vector.bitcast %sub3A_1645 : vector<16xi32> to vector<16xf32>
      %mul3A_1647 = arith.constant 5.000000e-01 : f32
      %mul3A_1648 = vector.broadcast %mul3A_1647 : f32 to vector<16xf32>
      %mul3A_1649 = arith.mulf %mul3A_1648, %add3A_1640 : vector<16xf32>
      %mul3A_1650 = arith.mulf %mul3A_1649, %bitcast3A_1646 : vector<16xf32>
      %mul3A_1651 = arith.mulf %mul3A_1650, %bitcast3A_1646 : vector<16xf32>
      %sub3A_1652 = arith.constant 1.500000e+00 : f32
      %sub3A_1653 = vector.broadcast %sub3A_1652 : f32 to vector<16xf32>
      %sub3A_1654 = arith.subf %sub3A_1653, %mul3A_1651 : vector<16xf32>
      %mul3A_1655 = arith.mulf %bitcast3A_1646, %sub3A_1654 : vector<16xf32>
      %mul3A_1656 = arith.constant 5.000000e-01 : f32
      %mul3A_1657 = vector.broadcast %mul3A_1656 : f32 to vector<16xf32>
      %mul3A_1658 = arith.mulf %mul3A_1657, %add3A_1640 : vector<16xf32>
      %mul3A_1659 = arith.mulf %mul3A_1658, %mul3A_1655 : vector<16xf32>
      %mul3A_1660 = arith.mulf %mul3A_1659, %mul3A_1655 : vector<16xf32>
      %sub3A_1661 = arith.constant 1.500000e+00 : f32
      %sub3A_1662 = vector.broadcast %sub3A_1661 : f32 to vector<16xf32>
      %sub3A_1663 = arith.subf %sub3A_1662, %mul3A_1660 : vector<16xf32>
      %mul3A_1664 = arith.mulf %mul3A_1655, %sub3A_1663 : vector<16xf32>
      %mul3A_1665 = arith.constant 5.000000e-01 : f32
      %mul3A_1666 = vector.broadcast %mul3A_1665 : f32 to vector<16xf32>
      %mul3A_1667 = arith.mulf %mul3A_1666, %add3A_1640 : vector<16xf32>
      %mul3A_1668 = arith.mulf %mul3A_1667, %mul3A_1664 : vector<16xf32>
      %mul3A_1669 = arith.mulf %mul3A_1668, %mul3A_1664 : vector<16xf32>
      %sub3A_1670 = arith.constant 1.500000e+00 : f32
      %sub3A_1671 = vector.broadcast %sub3A_1670 : f32 to vector<16xf32>
      %sub3A_1672 = arith.subf %sub3A_1671, %mul3A_1669 : vector<16xf32>
      %mul3A_1673 = arith.mulf %mul3A_1664, %sub3A_1672 : vector<16xf32>
      %get3A_1674 = arith.index_cast %scan3A_1544 : i32 to index
      %get3A_1675 = arith.constant 0 : index
      %get3A_1676 = tpu.vector_load %arg16[%get3A_1674, %get3A_1675] {strides = array<i32>} : memref<64x128xf32, #tpu.memory_space<vmem>>, vector<16xf32>,
      %sub3A_1677 = arith.subf %get3A_1676, %mul3A_1627 : vector<16xf32>
      %mul3A_1678 = arith.mulf %sub3A_1677, %mul3A_1673 : vector<16xf32>
      %get3A_1679 = arith.constant 0 : index
      %get3A_1680 = tpu.vector_load %arg22[%get3A_1679] {strides = array<i32>} : memref<192xf32, #tpu.memory_space<vmem>>, vector<16xf32>,
      %mul3A_1681 = arith.mulf %mul3A_1678, %get3A_1680 : vector<16xf32>
      %get3A_1682 = arith.constant 0 : index
      %get3A_1683 = tpu.vector_load %arg23[%get3A_1682] {strides = array<i32>} : memref<192xf32, #tpu.memory_space<vmem>>, vector<16xf32>,
      %add3A_1684 = arith.addf %mul3A_1681, %get3A_1683 : vector<16xf32>
      %swap3A_1685 = arith.index_cast %scan3A_1544 : i32 to index
      %swap3A_1686 = arith.constant 0 : index
      %swap3A_1687 = tpu.vector_load %arg20[%swap3A_1685, %swap3A_1686] {strides = array<i32>} : memref<64x128xf32, #tpu.memory_space<vmem>>, vector<16xf32>,
      tpu.vector_store %arg20[%swap3A_1685, %swap3A_1686], %add3A_1684 {strides = array<i32>} : memref<64x128xf32, #tpu.memory_space<vmem>>, vector<16xf32>,
      %get3A_1688 = arith.index_cast %scan3A_1544 : i32 to index
      %get3A_1689 = arith.constant 16 : index
      %get3A_1690 = tpu.vector_load %arg16[%get3A_1688, %get3A_1689] {strides = array<i32>} : memref<64x128xf32, #tpu.memory_space<vmem>>, vector<16xf32>,
      %sub3A_1691 = arith.subf %get3A_1690, %mul3A_1627 : vector<16xf32>
      %mul3A_1692 = arith.mulf %sub3A_1691, %mul3A_1673 : vector<16xf32>
      %get3A_1693 = arith.constant 16 : index
      %get3A_1694 = tpu.vector_load %arg22[%get3A_1693] {strides = array<i32>} : memref<192xf32, #tpu.memory_space<vmem>>, vector<16xf32>,
      %mul3A_1695 = arith.mulf %mul3A_1692, %get3A_1694 : vector<16xf32>
      %get3A_1696 = arith.constant 16 : index
      %get3A_1697 = tpu.vector_load %arg23[%get3A_1696] {strides = array<i32>} : memref<192xf32, #tpu.memory_space<vmem>>, vector<16xf32>,
      %add3A_1698 = arith.addf %mul3A_1695, %get3A_1697 : vector<16xf32>
      %swap3A_1699 = arith.index_cast %scan3A_1544 : i32 to index
      %swap3A_1700 = arith.constant 16 : index
      %swap3A_1701 = tpu.vector_load %arg20[%swap3A_1699, %swap3A_1700] {strides = array<i32>} : memref<64x128xf32, #tpu.memory_space<vmem>>, vector<16xf32>,
      tpu.vector_store %arg20[%swap3A_1699, %swap3A_1700], %add3A_1698 {strides = array<i32>} : memref<64x128xf32, #tpu.memory_space<vmem>>, vector<16xf32>,
      %get3A_1702 = arith.index_cast %scan3A_1544 : i32 to index
      %get3A_1703 = arith.constant 32 : index
      %get3A_1704 = tpu.vector_load %arg16[%get3A_1702, %get3A_1703] {strides = array<i32>} : memref<64x128xf32, #tpu.memory_space<vmem>>, vector<16xf32>,
      %sub3A_1705 = arith.subf %get3A_1704, %mul3A_1627 : vector<16xf32>
      %mul3A_1706 = arith.mulf %sub3A_1705, %mul3A_1673 : vector<16xf32>
      %get3A_1707 = arith.constant 32 : index
      %get3A_1708 = tpu.vector_load %arg22[%get3A_1707] {strides = array<i32>} : memref<192xf32, #tpu.memory_space<vmem>>, vector<16xf32>,
      %mul3A_1709 = arith.mulf %mul3A_1706, %get3A_1708 : vector<16xf32>
      %get3A_1710 = arith.constant 32 : index
      %get3A_1711 = tpu.vector_load %arg23[%get3A_1710] {strides = array<i32>} : memref<192xf32, #tpu.memory_space<vmem>>, vector<16xf32>,
      %add3A_1712 = arith.addf %mul3A_1709, %get3A_1711 : vector<16xf32>
      %swap3A_1713 = arith.index_cast %scan3A_1544 : i32 to index
      %swap3A_1714 = arith.constant 32 : index
      %swap3A_1715 = tpu.vector_load %arg20[%swap3A_1713, %swap3A_1714] {strides = array<i32>} : memref<64x128xf32, #tpu.memory_space<vmem>>, vector<16xf32>,
      tpu.vector_store %arg20[%swap3A_1713, %swap3A_1714], %add3A_1712 {strides = array<i32>} : memref<64x128xf32, #tpu.memory_space<vmem>>, vector<16xf32>,
      %get3A_1716 = arith.index_cast %scan3A_1544 : i32 to index
      %get3A_1717 = arith.constant 48 : index
      %get3A_1718 = tpu.vector_load %arg16[%get3A_1716, %get3A_1717] {strides = array<i32>} : memref<64x128xf32, #tpu.memory_space<vmem>>, vector<16xf32>,
      %sub3A_1719 = arith.subf %get3A_1718, %mul3A_1627 : vector<16xf32>
      %mul3A_1720 = arith.mulf %sub3A_1719, %mul3A_1673 : vector<16xf32>
      %get3A_1721 = arith.constant 48 : index
      %get3A_1722 = tpu.vector_load %arg22[%get3A_1721] {strides = array<i32>} : memref<192xf32, #tpu.memory_space<vmem>>, vector<16xf32>,
      %mul3A_1723 = arith.mulf %mul3A_1720, %get3A_1722 : vector<16xf32>
      %get3A_1724 = arith.constant 48 : index
      %get3A_1725 = tpu.vector_load %arg23[%get3A_1724] {strides = array<i32>} : memref<192xf32, #tpu.memory_space<vmem>>, vector<16xf32>,
      %add3A_1726 = arith.addf %mul3A_1723, %get3A_1725 : vector<16xf32>
      %swap3A_1727 = arith.index_cast %scan3A_1544 : i32 to index
      %swap3A_1728 = arith.constant 48 : index
      %swap3A_1729 = tpu.vector_load %arg20[%swap3A_1727, %swap3A_1728] {strides = array<i32>} : memref<64x128xf32, #tpu.memory_space<vmem>>, vector<16xf32>,
      tpu.vector_store %arg20[%swap3A_1727, %swap3A_1728], %add3A_1726 {strides = array<i32>} : memref<64x128xf32, #tpu.memory_space<vmem>>, vector<16xf32>,
      %get3A_1730 = arith.index_cast %scan3A_1544 : i32 to index
      %get3A_1731 = arith.constant 64 : index
      %get3A_1732 = tpu.vector_load %arg16[%get3A_1730, %get3A_1731] {strides = array<i32>} : memref<64x128xf32, #tpu.memory_space<vmem>>, vector<16xf32>,
      %sub3A_1733 = arith.subf %get3A_1732, %mul3A_1627 : vector<16xf32>
      %mul3A_1734 = arith.mulf %sub3A_1733, %mul3A_1673 : vector<16xf32>
      %get3A_1735 = arith.constant 64 : index
      %get3A_1736 = tpu.vector_load %arg22[%get3A_1735] {strides = array<i32>} : memref<192xf32, #tpu.memory_space<vmem>>, vector<16xf32>,
      %mul3A_1737 = arith.mulf %mul3A_1734, %get3A_1736 : vector<16xf32>
      %get3A_1738 = arith.constant 64 : index
      %get3A_1739 = tpu.vector_load %arg23[%get3A_1738] {strides = array<i32>} : memref<192xf32, #tpu.memory_space<vmem>>, vector<16xf32>,
      %add3A_1740 = arith.addf %mul3A_1737, %get3A_1739 : vector<16xf32>
      %swap3A_1741 = arith.index_cast %scan3A_1544 : i32 to index
      %swap3A_1742 = arith.constant 64 : index
      %swap3A_1743 = tpu.vector_load %arg20[%swap3A_1741, %swap3A_1742] {strides = array<i32>} : memref<64x128xf32, #tpu.memory_space<vmem>>, vector<16xf32>,
      tpu.vector_store %arg20[%swap3A_1741, %swap3A_1742], %add3A_1740 {strides = array<i32>} : memref<64x128xf32, #tpu.memory_space<vmem>>, vector<16xf32>,
      %get3A_1744 = arith.index_cast %scan3A_1544 : i32 to index
      %get3A_1745 = arith.constant 80 : index
      %get3A_1746 = tpu.vector_load %arg16[%get3A_1744, %get3A_1745] {strides = array<i32>} : memref<64x128xf32, #tpu.memory_space<vmem>>, vector<16xf32>,
      %sub3A_1747 = arith.subf %get3A_1746, %mul3A_1627 : vector<16xf32>
      %mul3A_1748 = arith.mulf %sub3A_1747, %mul3A_1673 : vector<16xf32>
      %get3A_1749 = arith.constant 80 : index
      %get3A_1750 = tpu.vector_load %arg22[%get3A_1749] {strides = array<i32>} : memref<192xf32, #tpu.memory_space<vmem>>, vector<16xf32>,
      %mul3A_1751 = arith.mulf %mul3A_1748, %get3A_1750 : vector<16xf32>
      %get3A_1752 = arith.constant 80 : index
      %get3A_1753 = tpu.vector_load %arg23[%get3A_1752] {strides = array<i32>} : memref<192xf32, #tpu.memory_space<vmem>>, vector<16xf32>,
      %add3A_1754 = arith.addf %mul3A_1751, %get3A_1753 : vector<16xf32>
      %swap3A_1755 = arith.index_cast %scan3A_1544 : i32 to index
      %swap3A_1756 = arith.constant 80 : index
      %swap3A_1757 = tpu.vector_load %arg20[%swap3A_1755, %swap3A_1756] {strides = array<i32>} : memref<64x128xf32, #tpu.memory_space<vmem>>, vector<16xf32>,
      tpu.vector_store %arg20[%swap3A_1755, %swap3A_1756], %add3A_1754 {strides = array<i32>} : memref<64x128xf32, #tpu.memory_space<vmem>>, vector<16xf32>,
      %get3A_1758 = arith.index_cast %scan3A_1544 : i32 to index
      %get3A_1759 = arith.constant 96 : index
      %get3A_1760 = tpu.vector_load %arg16[%get3A_1758, %get3A_1759] {strides = array<i32>} : memref<64x128xf32, #tpu.memory_space<vmem>>, vector<16xf32>,
      %sub3A_1761 = arith.subf %get3A_1760, %mul3A_1627 : vector<16xf32>
      %mul3A_1762 = arith.mulf %sub3A_1761, %mul3A_1673 : vector<16xf32>
      %get3A_1763 = arith.constant 96 : index
      %get3A_1764 = tpu.vector_load %arg22[%get3A_1763] {strides = array<i32>} : memref<192xf32, #tpu.memory_space<vmem>>, vector<16xf32>,
      %mul3A_1765 = arith.mulf %mul3A_1762, %get3A_1764 : vector<16xf32>
      %get3A_1766 = arith.constant 96 : index
      %get3A_1767 = tpu.vector_load %arg23[%get3A_1766] {strides = array<i32>} : memref<192xf32, #tpu.memory_space<vmem>>, vector<16xf32>,
      %add3A_1768 = arith.addf %mul3A_1765, %get3A_1767 : vector<16xf32>
      %swap3A_1769 = arith.index_cast %scan3A_1544 : i32 to index
      %swap3A_1770 = arith.constant 96 : index
      %swap3A_1771 = tpu.vector_load %arg20[%swap3A_1769, %swap3A_1770] {strides = array<i32>} : memref<64x128xf32, #tpu.memory_space<vmem>>, vector<16xf32>,
      tpu.vector_store %arg20[%swap3A_1769, %swap3A_1770], %add3A_1768 {strides = array<i32>} : memref<64x128xf32, #tpu.memory_space<vmem>>, vector<16xf32>,
      %get3A_1772 = arith.index_cast %scan3A_1544 : i32 to index
      %get3A_1773 = arith.constant 112 : index
      %get3A_1774 = tpu.vector_load %arg16[%get3A_1772, %get3A_1773] {strides = array<i32>} : memref<64x128xf32, #tpu.memory_space<vmem>>, vector<16xf32>,
      %sub3A_1775 = arith.subf %get3A_1774, %mul3A_1627 : vector<16xf32>
      %mul3A_1776 = arith.mulf %sub3A_1775, %mul3A_1673 : vector<16xf32>
      %get3A_1777 = arith.constant 112 : index
      %get3A_1778 = tpu.vector_load %arg22[%get3A_1777] {strides = array<i32>} : memref<192xf32, #tpu.memory_space<vmem>>, vector<16xf32>,
      %mul3A_1779 = arith.mulf %mul3A_1776, %get3A_1778 : vector<16xf32>
      %get3A_1780 = arith.constant 112 : index
      %get3A_1781 = tpu.vector_load %arg23[%get3A_1780] {strides = array<i32>} : memref<192xf32, #tpu.memory_space<vmem>>, vector<16xf32>,
      %add3A_1782 = arith.addf %mul3A_1779, %get3A_1781 : vector<16xf32>
      %swap3A_1783 = arith.index_cast %scan3A_1544 : i32 to index
      %swap3A_1784 = arith.constant 112 : index
      %swap3A_1785 = tpu.vector_load %arg20[%swap3A_1783, %swap3A_1784] {strides = array<i32>} : memref<64x128xf32, #tpu.memory_space<vmem>>, vector<16xf32>,
      tpu.vector_store %arg20[%swap3A_1783, %swap3A_1784], %add3A_1782 {strides = array<i32>} : memref<64x128xf32, #tpu.memory_space<vmem>>, vector<16xf32>,
      %get3A_1786 = arith.index_cast %scan3A_1544 : i32 to index
      %get3A_1787 = arith.constant 0 : index
      %get3A_1788 = tpu.vector_load %arg18[%get3A_1786, %get3A_1787] {strides = array<i32>} : memref<64x128xf32, #tpu.memory_space<vmem>>, vector<16xf32>,
      %sub3A_1789 = arith.subf %get3A_1788, %mul3A_1627 : vector<16xf32>
      %mul3A_1790 = arith.mulf %sub3A_1789, %mul3A_1673 : vector<16xf32>
      %get3A_1791 = arith.constant 128 : index
      %get3A_1792 = tpu.vector_load %arg22[%get3A_1791] {strides = array<i32>} : memref<192xf32, #tpu.memory_space<vmem>>, vector<16xf32>,
      %mul3A_1793 = arith.mulf %mul3A_1790, %get3A_1792 : vector<16xf32>
      %get3A_1794 = arith.constant 128 : index
      %get3A_1795 = tpu.vector_load %arg23[%get3A_1794] {strides = array<i32>} : memref<192xf32, #tpu.memory_space<vmem>>, vector<16xf32>,
      %add3A_1796 = arith.addf %mul3A_1793, %get3A_1795 : vector<16xf32>
      %swap3A_1797 = arith.index_cast %scan3A_1544 : i32 to index
      %swap3A_1798 = arith.constant 0 : index
      %swap3A_1799 = tpu.vector_load %arg21[%swap3A_1797, %swap3A_1798] {strides = array<i32>} : memref<64x128xf32, #tpu.memory_space<vmem>>, vector<16xf32>,
      tpu.vector_store %arg21[%swap3A_1797, %swap3A_1798], %add3A_1796 {strides = array<i32>} : memref<64x128xf32, #tpu.memory_space<vmem>>, vector<16xf32>,
      %get3A_1800 = arith.index_cast %scan3A_1544 : i32 to index
      %get3A_1801 = arith.constant 16 : index
      %get3A_1802 = tpu.vector_load %arg18[%get3A_1800, %get3A_1801] {strides = array<i32>} : memref<64x128xf32, #tpu.memory_space<vmem>>, vector<16xf32>,
      %sub3A_1803 = arith.subf %get3A_1802, %mul3A_1627 : vector<16xf32>
      %mul3A_1804 = arith.mulf %sub3A_1803, %mul3A_1673 : vector<16xf32>
      %get3A_1805 = arith.constant 144 : index
      %get3A_1806 = tpu.vector_load %arg22[%get3A_1805] {strides = array<i32>} : memref<192xf32, #tpu.memory_space<vmem>>, vector<16xf32>,
      %mul3A_1807 = arith.mulf %mul3A_1804, %get3A_1806 : vector<16xf32>
      %get3A_1808 = arith.constant 144 : index
      %get3A_1809 = tpu.vector_load %arg23[%get3A_1808] {strides = array<i32>} : memref<192xf32, #tpu.memory_space<vmem>>, vector<16xf32>,
      %add3A_1810 = arith.addf %mul3A_1807, %get3A_1809 : vector<16xf32>
      %swap3A_1811 = arith.index_cast %scan3A_1544 : i32 to index
      %swap3A_1812 = arith.constant 16 : index
      %swap3A_1813 = tpu.vector_load %arg21[%swap3A_1811, %swap3A_1812] {strides = array<i32>} : memref<64x128xf32, #tpu.memory_space<vmem>>, vector<16xf32>,
      tpu.vector_store %arg21[%swap3A_1811, %swap3A_1812], %add3A_1810 {strides = array<i32>} : memref<64x128xf32, #tpu.memory_space<vmem>>, vector<16xf32>,
      %get3A_1814 = arith.index_cast %scan3A_1544 : i32 to index
      %get3A_1815 = arith.constant 32 : index
      %get3A_1816 = tpu.vector_load %arg18[%get3A_1814, %get3A_1815] {strides = array<i32>} : memref<64x128xf32, #tpu.memory_space<vmem>>, vector<16xf32>,
      %sub3A_1817 = arith.subf %get3A_1816, %mul3A_1627 : vector<16xf32>
      %mul3A_1818 = arith.mulf %sub3A_1817, %mul3A_1673 : vector<16xf32>
      %get3A_1819 = arith.constant 160 : index
      %get3A_1820 = tpu.vector_load %arg22[%get3A_1819] {strides = array<i32>} : memref<192xf32, #tpu.memory_space<vmem>>, vector<16xf32>,
      %mul3A_1821 = arith.mulf %mul3A_1818, %get3A_1820 : vector<16xf32>
      %get3A_1822 = arith.constant 160 : index
      %get3A_1823 = tpu.vector_load %arg23[%get3A_1822] {strides = array<i32>} : memref<192xf32, #tpu.memory_space<vmem>>, vector<16xf32>,
      %add3A_1824 = arith.addf %mul3A_1821, %get3A_1823 : vector<16xf32>
      %swap3A_1825 = arith.index_cast %scan3A_1544 : i32 to index
      %swap3A_1826 = arith.constant 32 : index
      %swap3A_1827 = tpu.vector_load %arg21[%swap3A_1825, %swap3A_1826] {strides = array<i32>} : memref<64x128xf32, #tpu.memory_space<vmem>>, vector<16xf32>,
      tpu.vector_store %arg21[%swap3A_1825, %swap3A_1826], %add3A_1824 {strides = array<i32>} : memref<64x128xf32, #tpu.memory_space<vmem>>, vector<16xf32>,
      %get3A_1828 = arith.index_cast %scan3A_1544 : i32 to index
      %get3A_1829 = arith.constant 48 : index
      %get3A_1830 = tpu.vector_load %arg18[%get3A_1828, %get3A_1829] {strides = array<i32>} : memref<64x128xf32, #tpu.memory_space<vmem>>, vector<16xf32>,
      %sub3A_1831 = arith.subf %get3A_1830, %mul3A_1627 : vector<16xf32>
      %mul3A_1832 = arith.mulf %sub3A_1831, %mul3A_1673 : vector<16xf32>
      %get3A_1833 = arith.constant 176 : index
      %get3A_1834 = tpu.vector_load %arg22[%get3A_1833] {strides = array<i32>} : memref<192xf32, #tpu.memory_space<vmem>>, vector<16xf32>,
      %mul3A_1835 = arith.mulf %mul3A_1832, %get3A_1834 : vector<16xf32>
      %get3A_1836 = arith.constant 176 : index
      %get3A_1837 = tpu.vector_load %arg23[%get3A_1836] {strides = array<i32>} : memref<192xf32, #tpu.memory_space<vmem>>, vector<16xf32>,
      %add3A_1838 = arith.addf %mul3A_1835, %get3A_1837 : vector<16xf32>
      %swap3A_1839 = arith.index_cast %scan3A_1544 : i32 to index
      %swap3A_1840 = arith.constant 48 : index
      %swap3A_1841 = tpu.vector_load %arg21[%swap3A_1839, %swap3A_1840] {strides = array<i32>} : memref<64x128xf32, #tpu.memory_space<vmem>>, vector<16xf32>,
      tpu.vector_store %arg21[%swap3A_1839, %swap3A_1840], %add3A_1838 {strides = array<i32>} : memref<64x128xf32, #tpu.memory_space<vmem>>, vector<16xf32>,
    }
    %scan3A_687 = arith.constant 64 : i32
    "tpu.region"() ({
      %run_scoped3A = tpu.sem_alloc : memref<!tpu.dma_semaphore, #tpu.memory_space<semaphore_mem>>
      %dma_start3A_1544 = arith.constant 0 : i32
      %dma_start3A_1545 = tpu.memref_slice %arg8[%add3A_681, %dma_start3A_1544] : memref<8192x128xf32, #tpu.memory_space<hbm>> -> memref<64x128xf32, #tpu.memory_space<hbm>>
      %dma_start3A_1546 = arith.constant 0 : i32
      %dma_start3A_1547 = tpu.memref_slice %arg8[%add3A_681, %dma_start3A_1546] : memref<8192x128xf32, #tpu.memory_space<hbm>> -> memref<64x128xf32, #tpu.memory_space<hbm>>
      tpu.enqueue_dma source(%arg20 : memref<64x128xf32, #tpu.memory_space<vmem>>) target(%dma_start3A_1547 : memref<64x128xf32, #tpu.memory_space<hbm>>) target_semaphore(%run_scoped3A : memref<!tpu.dma_semaphore, #tpu.memory_space<semaphore_mem>>)
      %dma_wait3A_1548 = arith.constant 0 : i32
      %dma_wait3A_1549 = tpu.memref_slice %arg8[%add3A_681, %dma_wait3A_1548] : memref<8192x128xf32, #tpu.memory_space<hbm>> -> memref<64x128xf32, #tpu.memory_space<hbm>>
      %dma_wait3A_1550 = arith.constant 0 : i32
      %dma_wait3A_1551 = tpu.memref_slice %arg8[%add3A_681, %dma_wait3A_1550] : memref<8192x128xf32, #tpu.memory_space<hbm>> -> memref<64x128xf32, #tpu.memory_space<hbm>>
      tpu.wait_dma2 semaphore(%run_scoped3A : memref<!tpu.dma_semaphore, #tpu.memory_space<semaphore_mem>>) src(%arg20 : memref<64x128xf32, #tpu.memory_space<vmem>>) dst(%dma_wait3A_1551 : memref<64x128xf32, #tpu.memory_space<hbm>>)
      tpu.yield
    }) : () -> ()
    "tpu.region"() ({
      %run_scoped3A = tpu.sem_alloc : memref<!tpu.dma_semaphore, #tpu.memory_space<semaphore_mem>>
      %dma_start3A_1544 = arith.constant 0 : i32
      %dma_start3A_1545 = tpu.memref_slice %arg9[%add3A_681, %dma_start3A_1544] : memref<8192x128xf32, #tpu.memory_space<hbm>> -> memref<64x128xf32, #tpu.memory_space<hbm>>
      %dma_start3A_1546 = arith.constant 0 : i32
      %dma_start3A_1547 = tpu.memref_slice %arg9[%add3A_681, %dma_start3A_1546] : memref<8192x128xf32, #tpu.memory_space<hbm>> -> memref<64x128xf32, #tpu.memory_space<hbm>>
      tpu.enqueue_dma source(%arg21 : memref<64x128xf32, #tpu.memory_space<vmem>>) target(%dma_start3A_1547 : memref<64x128xf32, #tpu.memory_space<hbm>>) target_semaphore(%run_scoped3A : memref<!tpu.dma_semaphore, #tpu.memory_space<semaphore_mem>>)
      %dma_wait3A_1548 = arith.constant 0 : i32
      %dma_wait3A_1549 = tpu.memref_slice %arg9[%add3A_681, %dma_wait3A_1548] : memref<8192x128xf32, #tpu.memory_space<hbm>> -> memref<64x128xf32, #tpu.memory_space<hbm>>
      %dma_wait3A_1550 = arith.constant 0 : i32
      %dma_wait3A_1551 = tpu.memref_slice %arg9[%add3A_681, %dma_wait3A_1550] : memref<8192x128xf32, #tpu.memory_space<hbm>> -> memref<64x128xf32, #tpu.memory_space<hbm>>
      tpu.wait_dma2 semaphore(%run_scoped3A : memref<!tpu.dma_semaphore, #tpu.memory_space<semaphore_mem>>) src(%arg21 : memref<64x128xf32, #tpu.memory_space<vmem>>) dst(%dma_wait3A_1551 : memref<64x128xf32, #tpu.memory_space<hbm>>)
      tpu.yield
    }) : () -> ()
    %mul3A_688 = arith.constant 256 : i32
    %mul3A_689 = arith.muli %add3A, %mul3A_688 : i32
    %add3A_690 = arith.constant 128 : i32
    %add3A_691 = arith.addi %mul3A_689, %add3A_690 : i32
    %mul3A_692 = arith.constant 4 : i32
    %mul3A_693 = arith.muli %add3A_691, %mul3A_692 : i32
    "tpu.region"() ({
      %run_scoped3A = tpu.sem_alloc : memref<!tpu.dma_semaphore, #tpu.memory_space<semaphore_mem>>
      %dma_start3A_1544 = tpu.memref_slice %arg4[%mul3A_693] : memref<32768xi32, #tpu.memory_space<hbm>> -> memref<256xi32, #tpu.memory_space<hbm>>
      %dma_start3A_1545 = tpu.memref_slice %arg4[%mul3A_693] : memref<32768xi32, #tpu.memory_space<hbm>> -> memref<256xi32, #tpu.memory_space<hbm>>
      tpu.enqueue_dma source(%dma_start3A_1545 : memref<256xi32, #tpu.memory_space<hbm>>) target(%arg10 : memref<256xi32, #tpu.memory_space<vmem>>) target_semaphore(%run_scoped3A : memref<!tpu.dma_semaphore, #tpu.memory_space<semaphore_mem>>)
      %dma_wait3A_1546 = tpu.memref_slice %arg4[%mul3A_693] : memref<32768xi32, #tpu.memory_space<hbm>> -> memref<256xi32, #tpu.memory_space<hbm>>
      %dma_wait3A_1547 = tpu.memref_slice %arg4[%mul3A_693] : memref<32768xi32, #tpu.memory_space<hbm>> -> memref<256xi32, #tpu.memory_space<hbm>>
      tpu.wait_dma2 semaphore(%run_scoped3A : memref<!tpu.dma_semaphore, #tpu.memory_space<semaphore_mem>>) src(%dma_wait3A_1547 : memref<256xi32, #tpu.memory_space<hbm>>) dst(%arg10 : memref<256xi32, #tpu.memory_space<vmem>>)
      tpu.yield
    }) : () -> ()
    "tpu.region"() ({
      %run_scoped3A = tpu.sem_alloc : memref<!tpu.dma_semaphore, #tpu.memory_space<semaphore_mem>>
      %dma_start3A_1544 = tpu.memref_slice %arg5[%add3A_691] : memref<8192xi32, #tpu.memory_space<hbm>> -> memref<64xi32, #tpu.memory_space<hbm>>
      %dma_start3A_1545 = tpu.memref_slice %arg5[%add3A_691] : memref<8192xi32, #tpu.memory_space<hbm>> -> memref<64xi32, #tpu.memory_space<hbm>>
      tpu.enqueue_dma source(%dma_start3A_1545 : memref<64xi32, #tpu.memory_space<hbm>>) target(%arg12 : memref<64xi32, #tpu.memory_space<vmem>>) target_semaphore(%run_scoped3A : memref<!tpu.dma_semaphore, #tpu.memory_space<semaphore_mem>>)
      %dma_wait3A_1546 = tpu.memref_slice %arg5[%add3A_691] : memref<8192xi32, #tpu.memory_space<hbm>> -> memref<64xi32, #tpu.memory_space<hbm>>
      %dma_wait3A_1547 = tpu.memref_slice %arg5[%add3A_691] : memref<8192xi32, #tpu.memory_space<hbm>> -> memref<64xi32, #tpu.memory_space<hbm>>
      tpu.wait_dma2 semaphore(%run_scoped3A : memref<!tpu.dma_semaphore, #tpu.memory_space<semaphore_mem>>) src(%dma_wait3A_1547 : memref<64xi32, #tpu.memory_space<hbm>>) dst(%arg12 : memref<64xi32, #tpu.memory_space<vmem>>)
      tpu.yield
    }) : () -> ()
    %iota3A_694 = tpu.iota {dimensions = array<i32: 0>} : vector<16xi32>
    %add3A_695 = arith.constant 0 : i32
    %add3A_696 = vector.broadcast %add3A_695 : i32 to vector<16xi32>
    %add3A_697 = arith.addi %iota3A_694, %add3A_696 : vector<16xi32>
    %mul3A_698 = arith.constant 4 : i32
    %mul3A_699 = vector.broadcast %mul3A_698 : i32 to vector<16xi32>
    %mul3A_700 = arith.muli %add3A_697, %mul3A_699 : vector<16xi32>
    %gather3A_701 = tpu.vector_load_idx %arg10[%mul3A_700] : memref<256xi32, #tpu.memory_space<vmem>>[vector<16xi32>], vector<16xi32>,
    %add3A_702 = arith.constant 1 : i32
    %add3A_703 = vector.broadcast %add3A_702 : i32 to vector<16xi32>
    %add3A_704 = arith.addi %mul3A_700, %add3A_703 : vector<16xi32>
    %gather3A_705 = tpu.vector_load_idx %arg10[%add3A_704] : memref<256xi32, #tpu.memory_space<vmem>>[vector<16xi32>], vector<16xi32>,
    %add3A_706 = arith.constant 2 : i32
    %add3A_707 = vector.broadcast %add3A_706 : i32 to vector<16xi32>
    %add3A_708 = arith.addi %mul3A_700, %add3A_707 : vector<16xi32>
    %gather3A_709 = tpu.vector_load_idx %arg10[%add3A_708] : memref<256xi32, #tpu.memory_space<vmem>>[vector<16xi32>], vector<16xi32>,
    %add3A_710 = arith.constant 3 : i32
    %add3A_711 = vector.broadcast %add3A_710 : i32 to vector<16xi32>
    %add3A_712 = arith.addi %mul3A_700, %add3A_711 : vector<16xi32>
    %gather3A_713 = tpu.vector_load_idx %arg10[%add3A_712] : memref<256xi32, #tpu.memory_space<vmem>>[vector<16xi32>], vector<16xi32>,
    %get3A_714 = arith.constant 0 : index
    %get3A_715 = tpu.vector_load %arg12[%get3A_714] {strides = array<i32>} : memref<64xi32, #tpu.memory_space<vmem>>, vector<16xi32>,
    %swap3A_716 = arith.constant 0 : index
    %swap3A_717 = tpu.vector_load %arg14[%swap3A_716] {strides = array<i32>} : memref<448xi32, #tpu.memory_space<vmem>>, vector<16xi32>,
    tpu.vector_store %arg14[%swap3A_716], %gather3A_701 {strides = array<i32>} : memref<448xi32, #tpu.memory_space<vmem>>, vector<16xi32>,
    %add3A_718 = arith.constant 1024 : i32
    %add3A_719 = vector.broadcast %add3A_718 : i32 to vector<16xi32>
    %add3A_720 = arith.addi %gather3A_705, %add3A_719 : vector<16xi32>
    %swap3A_721 = arith.constant 64 : index
    %swap3A_722 = tpu.vector_load %arg14[%swap3A_721] {strides = array<i32>} : memref<448xi32, #tpu.memory_space<vmem>>, vector<16xi32>,
    tpu.vector_store %arg14[%swap3A_721], %add3A_720 {strides = array<i32>} : memref<448xi32, #tpu.memory_space<vmem>>, vector<16xi32>,
    %add3A_723 = arith.constant 2048 : i32
    %add3A_724 = vector.broadcast %add3A_723 : i32 to vector<16xi32>
    %add3A_725 = arith.addi %gather3A_709, %add3A_724 : vector<16xi32>
    %swap3A_726 = arith.constant 128 : index
    %swap3A_727 = tpu.vector_load %arg14[%swap3A_726] {strides = array<i32>} : memref<448xi32, #tpu.memory_space<vmem>>, vector<16xi32>,
    tpu.vector_store %arg14[%swap3A_726], %add3A_725 {strides = array<i32>} : memref<448xi32, #tpu.memory_space<vmem>>, vector<16xi32>,
    %add3A_728 = arith.constant 3072 : i32
    %add3A_729 = vector.broadcast %add3A_728 : i32 to vector<16xi32>
    %add3A_730 = arith.addi %gather3A_713, %add3A_729 : vector<16xi32>
    %swap3A_731 = arith.constant 192 : index
    %swap3A_732 = tpu.vector_load %arg14[%swap3A_731] {strides = array<i32>} : memref<448xi32, #tpu.memory_space<vmem>>, vector<16xi32>,
    tpu.vector_store %arg14[%swap3A_731], %add3A_730 {strides = array<i32>} : memref<448xi32, #tpu.memory_space<vmem>>, vector<16xi32>,
    %sub3A_733 = arith.subi %gather3A_713, %gather3A_705 : vector<16xi32>
    %add3A_734 = arith.constant 4096 : i32
    %add3A_735 = vector.broadcast %add3A_734 : i32 to vector<16xi32>
    %add3A_736 = arith.addi %sub3A_733, %add3A_735 : vector<16xi32>
    %swap3A_737 = arith.constant 256 : index
    %swap3A_738 = tpu.vector_load %arg14[%swap3A_737] {strides = array<i32>} : memref<448xi32, #tpu.memory_space<vmem>>, vector<16xi32>,
    tpu.vector_store %arg14[%swap3A_737], %add3A_736 {strides = array<i32>} : memref<448xi32, #tpu.memory_space<vmem>>, vector<16xi32>,
    %sub3A_739 = arith.subi %gather3A_709, %gather3A_701 : vector<16xi32>
    %add3A_740 = arith.constant 5120 : i32
    %add3A_741 = vector.broadcast %add3A_740 : i32 to vector<16xi32>
    %add3A_742 = arith.addi %sub3A_739, %add3A_741 : vector<16xi32>
    %swap3A_743 = arith.constant 320 : index
    %swap3A_744 = tpu.vector_load %arg14[%swap3A_743] {strides = array<i32>} : memref<448xi32, #tpu.memory_space<vmem>>, vector<16xi32>,
    tpu.vector_store %arg14[%swap3A_743], %add3A_742 {strides = array<i32>} : memref<448xi32, #tpu.memory_space<vmem>>, vector<16xi32>,
    %add3A_745 = arith.constant 6144 : i32
    %add3A_746 = vector.broadcast %add3A_745 : i32 to vector<16xi32>
    %add3A_747 = arith.addi %get3A_715, %add3A_746 : vector<16xi32>
    %swap3A_748 = arith.constant 384 : index
    %swap3A_749 = tpu.vector_load %arg14[%swap3A_748] {strides = array<i32>} : memref<448xi32, #tpu.memory_space<vmem>>, vector<16xi32>,
    tpu.vector_store %arg14[%swap3A_748], %add3A_747 {strides = array<i32>} : memref<448xi32, #tpu.memory_space<vmem>>, vector<16xi32>,
    %iota3A_750 = tpu.iota {dimensions = array<i32: 0>} : vector<16xi32>
    %add3A_751 = arith.constant 16 : i32
    %add3A_752 = vector.broadcast %add3A_751 : i32 to vector<16xi32>
    %add3A_753 = arith.addi %iota3A_750, %add3A_752 : vector<16xi32>
    %mul3A_754 = arith.constant 4 : i32
    %mul3A_755 = vector.broadcast %mul3A_754 : i32 to vector<16xi32>
    %mul3A_756 = arith.muli %add3A_753, %mul3A_755 : vector<16xi32>
    %gather3A_757 = tpu.vector_load_idx %arg10[%mul3A_756] : memref<256xi32, #tpu.memory_space<vmem>>[vector<16xi32>], vector<16xi32>,
    %add3A_758 = arith.constant 1 : i32
    %add3A_759 = vector.broadcast %add3A_758 : i32 to vector<16xi32>
    %add3A_760 = arith.addi %mul3A_756, %add3A_759 : vector<16xi32>
    %gather3A_761 = tpu.vector_load_idx %arg10[%add3A_760] : memref<256xi32, #tpu.memory_space<vmem>>[vector<16xi32>], vector<16xi32>,
    %add3A_762 = arith.constant 2 : i32
    %add3A_763 = vector.broadcast %add3A_762 : i32 to vector<16xi32>
    %add3A_764 = arith.addi %mul3A_756, %add3A_763 : vector<16xi32>
    %gather3A_765 = tpu.vector_load_idx %arg10[%add3A_764] : memref<256xi32, #tpu.memory_space<vmem>>[vector<16xi32>], vector<16xi32>,
    %add3A_766 = arith.constant 3 : i32
    %add3A_767 = vector.broadcast %add3A_766 : i32 to vector<16xi32>
    %add3A_768 = arith.addi %mul3A_756, %add3A_767 : vector<16xi32>
    %gather3A_769 = tpu.vector_load_idx %arg10[%add3A_768] : memref<256xi32, #tpu.memory_space<vmem>>[vector<16xi32>], vector<16xi32>,
    %get3A_770 = arith.constant 16 : index
    %get3A_771 = tpu.vector_load %arg12[%get3A_770] {strides = array<i32>} : memref<64xi32, #tpu.memory_space<vmem>>, vector<16xi32>,
    %swap3A_772 = arith.constant 16 : index
    %swap3A_773 = tpu.vector_load %arg14[%swap3A_772] {strides = array<i32>} : memref<448xi32, #tpu.memory_space<vmem>>, vector<16xi32>,
    tpu.vector_store %arg14[%swap3A_772], %gather3A_757 {strides = array<i32>} : memref<448xi32, #tpu.memory_space<vmem>>, vector<16xi32>,
    %add3A_774 = arith.constant 1024 : i32
    %add3A_775 = vector.broadcast %add3A_774 : i32 to vector<16xi32>
    %add3A_776 = arith.addi %gather3A_761, %add3A_775 : vector<16xi32>
    %swap3A_777 = arith.constant 80 : index
    %swap3A_778 = tpu.vector_load %arg14[%swap3A_777] {strides = array<i32>} : memref<448xi32, #tpu.memory_space<vmem>>, vector<16xi32>,
    tpu.vector_store %arg14[%swap3A_777], %add3A_776 {strides = array<i32>} : memref<448xi32, #tpu.memory_space<vmem>>, vector<16xi32>,
    %add3A_779 = arith.constant 2048 : i32
    %add3A_780 = vector.broadcast %add3A_779 : i32 to vector<16xi32>
    %add3A_781 = arith.addi %gather3A_765, %add3A_780 : vector<16xi32>
    %swap3A_782 = arith.constant 144 : index
    %swap3A_783 = tpu.vector_load %arg14[%swap3A_782] {strides = array<i32>} : memref<448xi32, #tpu.memory_space<vmem>>, vector<16xi32>,
    tpu.vector_store %arg14[%swap3A_782], %add3A_781 {strides = array<i32>} : memref<448xi32, #tpu.memory_space<vmem>>, vector<16xi32>,
    %add3A_784 = arith.constant 3072 : i32
    %add3A_785 = vector.broadcast %add3A_784 : i32 to vector<16xi32>
    %add3A_786 = arith.addi %gather3A_769, %add3A_785 : vector<16xi32>
    %swap3A_787 = arith.constant 208 : index
    %swap3A_788 = tpu.vector_load %arg14[%swap3A_787] {strides = array<i32>} : memref<448xi32, #tpu.memory_space<vmem>>, vector<16xi32>,
    tpu.vector_store %arg14[%swap3A_787], %add3A_786 {strides = array<i32>} : memref<448xi32, #tpu.memory_space<vmem>>, vector<16xi32>,
    %sub3A_789 = arith.subi %gather3A_769, %gather3A_761 : vector<16xi32>
    %add3A_790 = arith.constant 4096 : i32
    %add3A_791 = vector.broadcast %add3A_790 : i32 to vector<16xi32>
    %add3A_792 = arith.addi %sub3A_789, %add3A_791 : vector<16xi32>
    %swap3A_793 = arith.constant 272 : index
    %swap3A_794 = tpu.vector_load %arg14[%swap3A_793] {strides = array<i32>} : memref<448xi32, #tpu.memory_space<vmem>>, vector<16xi32>,
    tpu.vector_store %arg14[%swap3A_793], %add3A_792 {strides = array<i32>} : memref<448xi32, #tpu.memory_space<vmem>>, vector<16xi32>,
    %sub3A_795 = arith.subi %gather3A_765, %gather3A_757 : vector<16xi32>
    %add3A_796 = arith.constant 5120 : i32
    %add3A_797 = vector.broadcast %add3A_796 : i32 to vector<16xi32>
    %add3A_798 = arith.addi %sub3A_795, %add3A_797 : vector<16xi32>
    %swap3A_799 = arith.constant 336 : index
    %swap3A_800 = tpu.vector_load %arg14[%swap3A_799] {strides = array<i32>} : memref<448xi32, #tpu.memory_space<vmem>>, vector<16xi32>,
    tpu.vector_store %arg14[%swap3A_799], %add3A_798 {strides = array<i32>} : memref<448xi32, #tpu.memory_space<vmem>>, vector<16xi32>,
    %add3A_801 = arith.constant 6144 : i32
    %add3A_802 = vector.broadcast %add3A_801 : i32 to vector<16xi32>
    %add3A_803 = arith.addi %get3A_771, %add3A_802 : vector<16xi32>
    %swap3A_804 = arith.constant 400 : index
    %swap3A_805 = tpu.vector_load %arg14[%swap3A_804] {strides = array<i32>} : memref<448xi32, #tpu.memory_space<vmem>>, vector<16xi32>,
    tpu.vector_store %arg14[%swap3A_804], %add3A_803 {strides = array<i32>} : memref<448xi32, #tpu.memory_space<vmem>>, vector<16xi32>,
    %iota3A_806 = tpu.iota {dimensions = array<i32: 0>} : vector<16xi32>
    %add3A_807 = arith.constant 32 : i32
    %add3A_808 = vector.broadcast %add3A_807 : i32 to vector<16xi32>
    %add3A_809 = arith.addi %iota3A_806, %add3A_808 : vector<16xi32>
    %mul3A_810 = arith.constant 4 : i32
    %mul3A_811 = vector.broadcast %mul3A_810 : i32 to vector<16xi32>
    %mul3A_812 = arith.muli %add3A_809, %mul3A_811 : vector<16xi32>
    %gather3A_813 = tpu.vector_load_idx %arg10[%mul3A_812] : memref<256xi32, #tpu.memory_space<vmem>>[vector<16xi32>], vector<16xi32>,
    %add3A_814 = arith.constant 1 : i32
    %add3A_815 = vector.broadcast %add3A_814 : i32 to vector<16xi32>
    %add3A_816 = arith.addi %mul3A_812, %add3A_815 : vector<16xi32>
    %gather3A_817 = tpu.vector_load_idx %arg10[%add3A_816] : memref<256xi32, #tpu.memory_space<vmem>>[vector<16xi32>], vector<16xi32>,
    %add3A_818 = arith.constant 2 : i32
    %add3A_819 = vector.broadcast %add3A_818 : i32 to vector<16xi32>
    %add3A_820 = arith.addi %mul3A_812, %add3A_819 : vector<16xi32>
    %gather3A_821 = tpu.vector_load_idx %arg10[%add3A_820] : memref<256xi32, #tpu.memory_space<vmem>>[vector<16xi32>], vector<16xi32>,
    %add3A_822 = arith.constant 3 : i32
    %add3A_823 = vector.broadcast %add3A_822 : i32 to vector<16xi32>
    %add3A_824 = arith.addi %mul3A_812, %add3A_823 : vector<16xi32>
    %gather3A_825 = tpu.vector_load_idx %arg10[%add3A_824] : memref<256xi32, #tpu.memory_space<vmem>>[vector<16xi32>], vector<16xi32>,
    %get3A_826 = arith.constant 32 : index
    %get3A_827 = tpu.vector_load %arg12[%get3A_826] {strides = array<i32>} : memref<64xi32, #tpu.memory_space<vmem>>, vector<16xi32>,
    %swap3A_828 = arith.constant 32 : index
    %swap3A_829 = tpu.vector_load %arg14[%swap3A_828] {strides = array<i32>} : memref<448xi32, #tpu.memory_space<vmem>>, vector<16xi32>,
    tpu.vector_store %arg14[%swap3A_828], %gather3A_813 {strides = array<i32>} : memref<448xi32, #tpu.memory_space<vmem>>, vector<16xi32>,
    %add3A_830 = arith.constant 1024 : i32
    %add3A_831 = vector.broadcast %add3A_830 : i32 to vector<16xi32>
    %add3A_832 = arith.addi %gather3A_817, %add3A_831 : vector<16xi32>
    %swap3A_833 = arith.constant 96 : index
    %swap3A_834 = tpu.vector_load %arg14[%swap3A_833] {strides = array<i32>} : memref<448xi32, #tpu.memory_space<vmem>>, vector<16xi32>,
    tpu.vector_store %arg14[%swap3A_833], %add3A_832 {strides = array<i32>} : memref<448xi32, #tpu.memory_space<vmem>>, vector<16xi32>,
    %add3A_835 = arith.constant 2048 : i32
    %add3A_836 = vector.broadcast %add3A_835 : i32 to vector<16xi32>
    %add3A_837 = arith.addi %gather3A_821, %add3A_836 : vector<16xi32>
    %swap3A_838 = arith.constant 160 : index
    %swap3A_839 = tpu.vector_load %arg14[%swap3A_838] {strides = array<i32>} : memref<448xi32, #tpu.memory_space<vmem>>, vector<16xi32>,
    tpu.vector_store %arg14[%swap3A_838], %add3A_837 {strides = array<i32>} : memref<448xi32, #tpu.memory_space<vmem>>, vector<16xi32>,
    %add3A_840 = arith.constant 3072 : i32
    %add3A_841 = vector.broadcast %add3A_840 : i32 to vector<16xi32>
    %add3A_842 = arith.addi %gather3A_825, %add3A_841 : vector<16xi32>
    %swap3A_843 = arith.constant 224 : index
    %swap3A_844 = tpu.vector_load %arg14[%swap3A_843] {strides = array<i32>} : memref<448xi32, #tpu.memory_space<vmem>>, vector<16xi32>,
    tpu.vector_store %arg14[%swap3A_843], %add3A_842 {strides = array<i32>} : memref<448xi32, #tpu.memory_space<vmem>>, vector<16xi32>,
    %sub3A_845 = arith.subi %gather3A_825, %gather3A_817 : vector<16xi32>
    %add3A_846 = arith.constant 4096 : i32
    %add3A_847 = vector.broadcast %add3A_846 : i32 to vector<16xi32>
    %add3A_848 = arith.addi %sub3A_845, %add3A_847 : vector<16xi32>
    %swap3A_849 = arith.constant 288 : index
    %swap3A_850 = tpu.vector_load %arg14[%swap3A_849] {strides = array<i32>} : memref<448xi32, #tpu.memory_space<vmem>>, vector<16xi32>,
    tpu.vector_store %arg14[%swap3A_849], %add3A_848 {strides = array<i32>} : memref<448xi32, #tpu.memory_space<vmem>>, vector<16xi32>,
    %sub3A_851 = arith.subi %gather3A_821, %gather3A_813 : vector<16xi32>
    %add3A_852 = arith.constant 5120 : i32
    %add3A_853 = vector.broadcast %add3A_852 : i32 to vector<16xi32>
    %add3A_854 = arith.addi %sub3A_851, %add3A_853 : vector<16xi32>
    %swap3A_855 = arith.constant 352 : index
    %swap3A_856 = tpu.vector_load %arg14[%swap3A_855] {strides = array<i32>} : memref<448xi32, #tpu.memory_space<vmem>>, vector<16xi32>,
    tpu.vector_store %arg14[%swap3A_855], %add3A_854 {strides = array<i32>} : memref<448xi32, #tpu.memory_space<vmem>>, vector<16xi32>,
    %add3A_857 = arith.constant 6144 : i32
    %add3A_858 = vector.broadcast %add3A_857 : i32 to vector<16xi32>
    %add3A_859 = arith.addi %get3A_827, %add3A_858 : vector<16xi32>
    %swap3A_860 = arith.constant 416 : index
    %swap3A_861 = tpu.vector_load %arg14[%swap3A_860] {strides = array<i32>} : memref<448xi32, #tpu.memory_space<vmem>>, vector<16xi32>,
    tpu.vector_store %arg14[%swap3A_860], %add3A_859 {strides = array<i32>} : memref<448xi32, #tpu.memory_space<vmem>>, vector<16xi32>,
    %iota3A_862 = tpu.iota {dimensions = array<i32: 0>} : vector<16xi32>
    %add3A_863 = arith.constant 48 : i32
    %add3A_864 = vector.broadcast %add3A_863 : i32 to vector<16xi32>
    %add3A_865 = arith.addi %iota3A_862, %add3A_864 : vector<16xi32>
    %mul3A_866 = arith.constant 4 : i32
    %mul3A_867 = vector.broadcast %mul3A_866 : i32 to vector<16xi32>
    %mul3A_868 = arith.muli %add3A_865, %mul3A_867 : vector<16xi32>
    %gather3A_869 = tpu.vector_load_idx %arg10[%mul3A_868] : memref<256xi32, #tpu.memory_space<vmem>>[vector<16xi32>], vector<16xi32>,
    %add3A_870 = arith.constant 1 : i32
    %add3A_871 = vector.broadcast %add3A_870 : i32 to vector<16xi32>
    %add3A_872 = arith.addi %mul3A_868, %add3A_871 : vector<16xi32>
    %gather3A_873 = tpu.vector_load_idx %arg10[%add3A_872] : memref<256xi32, #tpu.memory_space<vmem>>[vector<16xi32>], vector<16xi32>,
    %add3A_874 = arith.constant 2 : i32
    %add3A_875 = vector.broadcast %add3A_874 : i32 to vector<16xi32>
    %add3A_876 = arith.addi %mul3A_868, %add3A_875 : vector<16xi32>
    %gather3A_877 = tpu.vector_load_idx %arg10[%add3A_876] : memref<256xi32, #tpu.memory_space<vmem>>[vector<16xi32>], vector<16xi32>,
    %add3A_878 = arith.constant 3 : i32
    %add3A_879 = vector.broadcast %add3A_878 : i32 to vector<16xi32>
    %add3A_880 = arith.addi %mul3A_868, %add3A_879 : vector<16xi32>
    %gather3A_881 = tpu.vector_load_idx %arg10[%add3A_880] : memref<256xi32, #tpu.memory_space<vmem>>[vector<16xi32>], vector<16xi32>,
    %get3A_882 = arith.constant 48 : index
    %get3A_883 = tpu.vector_load %arg12[%get3A_882] {strides = array<i32>} : memref<64xi32, #tpu.memory_space<vmem>>, vector<16xi32>,
    %swap3A_884 = arith.constant 48 : index
    %swap3A_885 = tpu.vector_load %arg14[%swap3A_884] {strides = array<i32>} : memref<448xi32, #tpu.memory_space<vmem>>, vector<16xi32>,
    tpu.vector_store %arg14[%swap3A_884], %gather3A_869 {strides = array<i32>} : memref<448xi32, #tpu.memory_space<vmem>>, vector<16xi32>,
    %add3A_886 = arith.constant 1024 : i32
    %add3A_887 = vector.broadcast %add3A_886 : i32 to vector<16xi32>
    %add3A_888 = arith.addi %gather3A_873, %add3A_887 : vector<16xi32>
    %swap3A_889 = arith.constant 112 : index
    %swap3A_890 = tpu.vector_load %arg14[%swap3A_889] {strides = array<i32>} : memref<448xi32, #tpu.memory_space<vmem>>, vector<16xi32>,
    tpu.vector_store %arg14[%swap3A_889], %add3A_888 {strides = array<i32>} : memref<448xi32, #tpu.memory_space<vmem>>, vector<16xi32>,
    %add3A_891 = arith.constant 2048 : i32
    %add3A_892 = vector.broadcast %add3A_891 : i32 to vector<16xi32>
    %add3A_893 = arith.addi %gather3A_877, %add3A_892 : vector<16xi32>
    %swap3A_894 = arith.constant 176 : index
    %swap3A_895 = tpu.vector_load %arg14[%swap3A_894] {strides = array<i32>} : memref<448xi32, #tpu.memory_space<vmem>>, vector<16xi32>,
    tpu.vector_store %arg14[%swap3A_894], %add3A_893 {strides = array<i32>} : memref<448xi32, #tpu.memory_space<vmem>>, vector<16xi32>,
    %add3A_896 = arith.constant 3072 : i32
    %add3A_897 = vector.broadcast %add3A_896 : i32 to vector<16xi32>
    %add3A_898 = arith.addi %gather3A_881, %add3A_897 : vector<16xi32>
    %swap3A_899 = arith.constant 240 : index
    %swap3A_900 = tpu.vector_load %arg14[%swap3A_899] {strides = array<i32>} : memref<448xi32, #tpu.memory_space<vmem>>, vector<16xi32>,
    tpu.vector_store %arg14[%swap3A_899], %add3A_898 {strides = array<i32>} : memref<448xi32, #tpu.memory_space<vmem>>, vector<16xi32>,
    %sub3A_901 = arith.subi %gather3A_881, %gather3A_873 : vector<16xi32>
    %add3A_902 = arith.constant 4096 : i32
    %add3A_903 = vector.broadcast %add3A_902 : i32 to vector<16xi32>
    %add3A_904 = arith.addi %sub3A_901, %add3A_903 : vector<16xi32>
    %swap3A_905 = arith.constant 304 : index
    %swap3A_906 = tpu.vector_load %arg14[%swap3A_905] {strides = array<i32>} : memref<448xi32, #tpu.memory_space<vmem>>, vector<16xi32>,
    tpu.vector_store %arg14[%swap3A_905], %add3A_904 {strides = array<i32>} : memref<448xi32, #tpu.memory_space<vmem>>, vector<16xi32>,
    %sub3A_907 = arith.subi %gather3A_877, %gather3A_869 : vector<16xi32>
    %add3A_908 = arith.constant 5120 : i32
    %add3A_909 = vector.broadcast %add3A_908 : i32 to vector<16xi32>
    %add3A_910 = arith.addi %sub3A_907, %add3A_909 : vector<16xi32>
    %swap3A_911 = arith.constant 368 : index
    %swap3A_912 = tpu.vector_load %arg14[%swap3A_911] {strides = array<i32>} : memref<448xi32, #tpu.memory_space<vmem>>, vector<16xi32>,
    tpu.vector_store %arg14[%swap3A_911], %add3A_910 {strides = array<i32>} : memref<448xi32, #tpu.memory_space<vmem>>, vector<16xi32>,
    %add3A_913 = arith.constant 6144 : i32
    %add3A_914 = vector.broadcast %add3A_913 : i32 to vector<16xi32>
    %add3A_915 = arith.addi %get3A_883, %add3A_914 : vector<16xi32>
    %swap3A_916 = arith.constant 432 : index
    %swap3A_917 = tpu.vector_load %arg14[%swap3A_916] {strides = array<i32>} : memref<448xi32, #tpu.memory_space<vmem>>, vector<16xi32>,
    tpu.vector_store %arg14[%swap3A_916], %add3A_915 {strides = array<i32>} : memref<448xi32, #tpu.memory_space<vmem>>, vector<16xi32>,
    %broadcast_in_dim3A_918 = arith.constant 0.000000e+00 : f32
    %broadcast_in_dim3A_919 = vector.broadcast %broadcast_in_dim3A_918 : f32 to vector<16xf32>
    %scan3A_920 = arith.constant 0 : i32
    %scan3A_921 = arith.constant 0 : i32
    %scan3A_922 = arith.constant 64 : i32
    %scan3A_923 = arith.addi %scan3A_921, %scan3A_922 : i32
    %scan3A_924 = arith.constant 1 : i32
    scf.for %scan3A_1544 = %scan3A_921 to %scan3A_923 step %scan3A_924  : i32 {
      %swap3A_1545 = arith.index_cast %scan3A_1544 : i32 to index
      %swap3A_1546 = arith.constant 0 : index
      %swap3A_1547 = tpu.vector_load %arg16[%swap3A_1545, %swap3A_1546] {strides = array<i32>} : memref<64x128xf32, #tpu.memory_space<vmem>>, vector<16xf32>,
      tpu.vector_store %arg16[%swap3A_1545, %swap3A_1546], %broadcast_in_dim3A_919 {strides = array<i32>} : memref<64x128xf32, #tpu.memory_space<vmem>>, vector<16xf32>,
      %swap3A_1548 = arith.index_cast %scan3A_1544 : i32 to index
      %swap3A_1549 = arith.constant 16 : index
      %swap3A_1550 = tpu.vector_load %arg16[%swap3A_1548, %swap3A_1549] {strides = array<i32>} : memref<64x128xf32, #tpu.memory_space<vmem>>, vector<16xf32>,
      tpu.vector_store %arg16[%swap3A_1548, %swap3A_1549], %broadcast_in_dim3A_919 {strides = array<i32>} : memref<64x128xf32, #tpu.memory_space<vmem>>, vector<16xf32>,
      %swap3A_1551 = arith.index_cast %scan3A_1544 : i32 to index
      %swap3A_1552 = arith.constant 32 : index
      %swap3A_1553 = tpu.vector_load %arg16[%swap3A_1551, %swap3A_1552] {strides = array<i32>} : memref<64x128xf32, #tpu.memory_space<vmem>>, vector<16xf32>,
      tpu.vector_store %arg16[%swap3A_1551, %swap3A_1552], %broadcast_in_dim3A_919 {strides = array<i32>} : memref<64x128xf32, #tpu.memory_space<vmem>>, vector<16xf32>,
      %swap3A_1554 = arith.index_cast %scan3A_1544 : i32 to index
      %swap3A_1555 = arith.constant 48 : index
      %swap3A_1556 = tpu.vector_load %arg16[%swap3A_1554, %swap3A_1555] {strides = array<i32>} : memref<64x128xf32, #tpu.memory_space<vmem>>, vector<16xf32>,
      tpu.vector_store %arg16[%swap3A_1554, %swap3A_1555], %broadcast_in_dim3A_919 {strides = array<i32>} : memref<64x128xf32, #tpu.memory_space<vmem>>, vector<16xf32>,
      %swap3A_1557 = arith.index_cast %scan3A_1544 : i32 to index
      %swap3A_1558 = arith.constant 64 : index
      %swap3A_1559 = tpu.vector_load %arg16[%swap3A_1557, %swap3A_1558] {strides = array<i32>} : memref<64x128xf32, #tpu.memory_space<vmem>>, vector<16xf32>,
      tpu.vector_store %arg16[%swap3A_1557, %swap3A_1558], %broadcast_in_dim3A_919 {strides = array<i32>} : memref<64x128xf32, #tpu.memory_space<vmem>>, vector<16xf32>,
      %swap3A_1560 = arith.index_cast %scan3A_1544 : i32 to index
      %swap3A_1561 = arith.constant 80 : index
      %swap3A_1562 = tpu.vector_load %arg16[%swap3A_1560, %swap3A_1561] {strides = array<i32>} : memref<64x128xf32, #tpu.memory_space<vmem>>, vector<16xf32>,
      tpu.vector_store %arg16[%swap3A_1560, %swap3A_1561], %broadcast_in_dim3A_919 {strides = array<i32>} : memref<64x128xf32, #tpu.memory_space<vmem>>, vector<16xf32>,
      %swap3A_1563 = arith.index_cast %scan3A_1544 : i32 to index
      %swap3A_1564 = arith.constant 96 : index
      %swap3A_1565 = tpu.vector_load %arg16[%swap3A_1563, %swap3A_1564] {strides = array<i32>} : memref<64x128xf32, #tpu.memory_space<vmem>>, vector<16xf32>,
      tpu.vector_store %arg16[%swap3A_1563, %swap3A_1564], %broadcast_in_dim3A_919 {strides = array<i32>} : memref<64x128xf32, #tpu.memory_space<vmem>>, vector<16xf32>,
      %swap3A_1566 = arith.index_cast %scan3A_1544 : i32 to index
      %swap3A_1567 = arith.constant 112 : index
      %swap3A_1568 = tpu.vector_load %arg16[%swap3A_1566, %swap3A_1567] {strides = array<i32>} : memref<64x128xf32, #tpu.memory_space<vmem>>, vector<16xf32>,
      tpu.vector_store %arg16[%swap3A_1566, %swap3A_1567], %broadcast_in_dim3A_919 {strides = array<i32>} : memref<64x128xf32, #tpu.memory_space<vmem>>, vector<16xf32>,
      %swap3A_1569 = arith.index_cast %scan3A_1544 : i32 to index
      %swap3A_1570 = arith.constant 0 : index
      %swap3A_1571 = tpu.vector_load %arg18[%swap3A_1569, %swap3A_1570] {strides = array<i32>} : memref<64x128xf32, #tpu.memory_space<vmem>>, vector<16xf32>,
      tpu.vector_store %arg18[%swap3A_1569, %swap3A_1570], %broadcast_in_dim3A_919 {strides = array<i32>} : memref<64x128xf32, #tpu.memory_space<vmem>>, vector<16xf32>,
      %swap3A_1572 = arith.index_cast %scan3A_1544 : i32 to index
      %swap3A_1573 = arith.constant 16 : index
      %swap3A_1574 = tpu.vector_load %arg18[%swap3A_1572, %swap3A_1573] {strides = array<i32>} : memref<64x128xf32, #tpu.memory_space<vmem>>, vector<16xf32>,
      tpu.vector_store %arg18[%swap3A_1572, %swap3A_1573], %broadcast_in_dim3A_919 {strides = array<i32>} : memref<64x128xf32, #tpu.memory_space<vmem>>, vector<16xf32>,
      %swap3A_1575 = arith.index_cast %scan3A_1544 : i32 to index
      %swap3A_1576 = arith.constant 32 : index
      %swap3A_1577 = tpu.vector_load %arg18[%swap3A_1575, %swap3A_1576] {strides = array<i32>} : memref<64x128xf32, #tpu.memory_space<vmem>>, vector<16xf32>,
      tpu.vector_store %arg18[%swap3A_1575, %swap3A_1576], %broadcast_in_dim3A_919 {strides = array<i32>} : memref<64x128xf32, #tpu.memory_space<vmem>>, vector<16xf32>,
      %swap3A_1578 = arith.index_cast %scan3A_1544 : i32 to index
      %swap3A_1579 = arith.constant 48 : index
      %swap3A_1580 = tpu.vector_load %arg18[%swap3A_1578, %swap3A_1579] {strides = array<i32>} : memref<64x128xf32, #tpu.memory_space<vmem>>, vector<16xf32>,
      tpu.vector_store %arg18[%swap3A_1578, %swap3A_1579], %broadcast_in_dim3A_919 {strides = array<i32>} : memref<64x128xf32, #tpu.memory_space<vmem>>, vector<16xf32>,
    }
    %scan3A_925 = arith.constant 64 : i32
    %dma_start3A_926 = arith.constant 0 : i32
    %dma_start3A_927 = tpu.memref_slice %arg14[%dma_start3A_926] : memref<448xi32, #tpu.memory_space<vmem>> -> memref<64xi32, #tpu.memory_space<vmem>>
    %dma_start3A_928 = arith.constant 0 : i32
    %dma_start3A_929 = arith.constant 0 : i32
    %dma_start3A_930 = tpu.memref_slice %arg2[%dma_start3A_928, %dma_start3A_929] : memref<8192x128xf32, #tpu.memory_space<hbm>> -> memref<8192x128xf32, #tpu.memory_space<hbm>>
    tpu.enqueue_indirect_dma source(%dma_start3A_930 : memref<8192x128xf32, #tpu.memory_space<hbm>>) target(%arg16 : memref<64x128xf32, #tpu.memory_space<vmem>>) offsets(%dma_start3A_927 : memref<64xi32, #tpu.memory_space<vmem>>) semaphore(%arg24 : memref<!tpu.dma_semaphore, #tpu.memory_space<semaphore_mem>>) {add = true}
    %dma_start3A_931 = arith.constant 0 : i32
    %dma_start3A_932 = tpu.memref_slice %arg14[%dma_start3A_931] : memref<448xi32, #tpu.memory_space<vmem>> -> memref<64xi32, #tpu.memory_space<vmem>>
    %dma_start3A_933 = arith.constant 0 : i32
    %dma_start3A_934 = arith.constant 0 : i32
    %dma_start3A_935 = tpu.memref_slice %arg3[%dma_start3A_933, %dma_start3A_934] : memref<8192x128xf32, #tpu.memory_space<hbm>> -> memref<8192x128xf32, #tpu.memory_space<hbm>>
    tpu.enqueue_indirect_dma source(%dma_start3A_935 : memref<8192x128xf32, #tpu.memory_space<hbm>>) target(%arg18 : memref<64x128xf32, #tpu.memory_space<vmem>>) offsets(%dma_start3A_932 : memref<64xi32, #tpu.memory_space<vmem>>) semaphore(%arg24 : memref<!tpu.dma_semaphore, #tpu.memory_space<semaphore_mem>>) {add = true}
    %dma_start3A_936 = arith.constant 64 : i32
    %dma_start3A_937 = tpu.memref_slice %arg14[%dma_start3A_936] : memref<448xi32, #tpu.memory_space<vmem>> -> memref<64xi32, #tpu.memory_space<vmem>>
    %dma_start3A_938 = arith.constant 0 : i32
    %dma_start3A_939 = arith.constant 0 : i32
    %dma_start3A_940 = tpu.memref_slice %arg2[%dma_start3A_938, %dma_start3A_939] : memref<8192x128xf32, #tpu.memory_space<hbm>> -> memref<8192x128xf32, #tpu.memory_space<hbm>>
    tpu.enqueue_indirect_dma source(%dma_start3A_940 : memref<8192x128xf32, #tpu.memory_space<hbm>>) target(%arg16 : memref<64x128xf32, #tpu.memory_space<vmem>>) offsets(%dma_start3A_937 : memref<64xi32, #tpu.memory_space<vmem>>) semaphore(%arg24 : memref<!tpu.dma_semaphore, #tpu.memory_space<semaphore_mem>>) {add = true}
    %dma_start3A_941 = arith.constant 64 : i32
    %dma_start3A_942 = tpu.memref_slice %arg14[%dma_start3A_941] : memref<448xi32, #tpu.memory_space<vmem>> -> memref<64xi32, #tpu.memory_space<vmem>>
    %dma_start3A_943 = arith.constant 0 : i32
    %dma_start3A_944 = arith.constant 0 : i32
    %dma_start3A_945 = tpu.memref_slice %arg3[%dma_start3A_943, %dma_start3A_944] : memref<8192x128xf32, #tpu.memory_space<hbm>> -> memref<8192x128xf32, #tpu.memory_space<hbm>>
    tpu.enqueue_indirect_dma source(%dma_start3A_945 : memref<8192x128xf32, #tpu.memory_space<hbm>>) target(%arg18 : memref<64x128xf32, #tpu.memory_space<vmem>>) offsets(%dma_start3A_942 : memref<64xi32, #tpu.memory_space<vmem>>) semaphore(%arg24 : memref<!tpu.dma_semaphore, #tpu.memory_space<semaphore_mem>>) {add = true}
    %dma_start3A_946 = arith.constant 128 : i32
    %dma_start3A_947 = tpu.memref_slice %arg14[%dma_start3A_946] : memref<448xi32, #tpu.memory_space<vmem>> -> memref<64xi32, #tpu.memory_space<vmem>>
    %dma_start3A_948 = arith.constant 0 : i32
    %dma_start3A_949 = arith.constant 0 : i32
    %dma_start3A_950 = tpu.memref_slice %arg2[%dma_start3A_948, %dma_start3A_949] : memref<8192x128xf32, #tpu.memory_space<hbm>> -> memref<8192x128xf32, #tpu.memory_space<hbm>>
    tpu.enqueue_indirect_dma source(%dma_start3A_950 : memref<8192x128xf32, #tpu.memory_space<hbm>>) target(%arg16 : memref<64x128xf32, #tpu.memory_space<vmem>>) offsets(%dma_start3A_947 : memref<64xi32, #tpu.memory_space<vmem>>) semaphore(%arg24 : memref<!tpu.dma_semaphore, #tpu.memory_space<semaphore_mem>>) {add = true}
    %dma_start3A_951 = arith.constant 128 : i32
    %dma_start3A_952 = tpu.memref_slice %arg14[%dma_start3A_951] : memref<448xi32, #tpu.memory_space<vmem>> -> memref<64xi32, #tpu.memory_space<vmem>>
    %dma_start3A_953 = arith.constant 0 : i32
    %dma_start3A_954 = arith.constant 0 : i32
    %dma_start3A_955 = tpu.memref_slice %arg3[%dma_start3A_953, %dma_start3A_954] : memref<8192x128xf32, #tpu.memory_space<hbm>> -> memref<8192x128xf32, #tpu.memory_space<hbm>>
    tpu.enqueue_indirect_dma source(%dma_start3A_955 : memref<8192x128xf32, #tpu.memory_space<hbm>>) target(%arg18 : memref<64x128xf32, #tpu.memory_space<vmem>>) offsets(%dma_start3A_952 : memref<64xi32, #tpu.memory_space<vmem>>) semaphore(%arg24 : memref<!tpu.dma_semaphore, #tpu.memory_space<semaphore_mem>>) {add = true}
    %dma_start3A_956 = arith.constant 192 : i32
    %dma_start3A_957 = tpu.memref_slice %arg14[%dma_start3A_956] : memref<448xi32, #tpu.memory_space<vmem>> -> memref<64xi32, #tpu.memory_space<vmem>>
    %dma_start3A_958 = arith.constant 0 : i32
    %dma_start3A_959 = arith.constant 0 : i32
    %dma_start3A_960 = tpu.memref_slice %arg2[%dma_start3A_958, %dma_start3A_959] : memref<8192x128xf32, #tpu.memory_space<hbm>> -> memref<8192x128xf32, #tpu.memory_space<hbm>>
    tpu.enqueue_indirect_dma source(%dma_start3A_960 : memref<8192x128xf32, #tpu.memory_space<hbm>>) target(%arg16 : memref<64x128xf32, #tpu.memory_space<vmem>>) offsets(%dma_start3A_957 : memref<64xi32, #tpu.memory_space<vmem>>) semaphore(%arg24 : memref<!tpu.dma_semaphore, #tpu.memory_space<semaphore_mem>>) {add = true}
    %dma_start3A_961 = arith.constant 192 : i32
    %dma_start3A_962 = tpu.memref_slice %arg14[%dma_start3A_961] : memref<448xi32, #tpu.memory_space<vmem>> -> memref<64xi32, #tpu.memory_space<vmem>>
    %dma_start3A_963 = arith.constant 0 : i32
    %dma_start3A_964 = arith.constant 0 : i32
    %dma_start3A_965 = tpu.memref_slice %arg3[%dma_start3A_963, %dma_start3A_964] : memref<8192x128xf32, #tpu.memory_space<hbm>> -> memref<8192x128xf32, #tpu.memory_space<hbm>>
    tpu.enqueue_indirect_dma source(%dma_start3A_965 : memref<8192x128xf32, #tpu.memory_space<hbm>>) target(%arg18 : memref<64x128xf32, #tpu.memory_space<vmem>>) offsets(%dma_start3A_962 : memref<64xi32, #tpu.memory_space<vmem>>) semaphore(%arg24 : memref<!tpu.dma_semaphore, #tpu.memory_space<semaphore_mem>>) {add = true}
    %dma_start3A_966 = arith.constant 256 : i32
    %dma_start3A_967 = tpu.memref_slice %arg14[%dma_start3A_966] : memref<448xi32, #tpu.memory_space<vmem>> -> memref<64xi32, #tpu.memory_space<vmem>>
    %dma_start3A_968 = arith.constant 0 : i32
    %dma_start3A_969 = arith.constant 0 : i32
    %dma_start3A_970 = tpu.memref_slice %arg2[%dma_start3A_968, %dma_start3A_969] : memref<8192x128xf32, #tpu.memory_space<hbm>> -> memref<8192x128xf32, #tpu.memory_space<hbm>>
    tpu.enqueue_indirect_dma source(%dma_start3A_970 : memref<8192x128xf32, #tpu.memory_space<hbm>>) target(%arg16 : memref<64x128xf32, #tpu.memory_space<vmem>>) offsets(%dma_start3A_967 : memref<64xi32, #tpu.memory_space<vmem>>) semaphore(%arg24 : memref<!tpu.dma_semaphore, #tpu.memory_space<semaphore_mem>>) {add = true}
    %dma_start3A_971 = arith.constant 256 : i32
    %dma_start3A_972 = tpu.memref_slice %arg14[%dma_start3A_971] : memref<448xi32, #tpu.memory_space<vmem>> -> memref<64xi32, #tpu.memory_space<vmem>>
    %dma_start3A_973 = arith.constant 0 : i32
    %dma_start3A_974 = arith.constant 0 : i32
    %dma_start3A_975 = tpu.memref_slice %arg3[%dma_start3A_973, %dma_start3A_974] : memref<8192x128xf32, #tpu.memory_space<hbm>> -> memref<8192x128xf32, #tpu.memory_space<hbm>>
    tpu.enqueue_indirect_dma source(%dma_start3A_975 : memref<8192x128xf32, #tpu.memory_space<hbm>>) target(%arg18 : memref<64x128xf32, #tpu.memory_space<vmem>>) offsets(%dma_start3A_972 : memref<64xi32, #tpu.memory_space<vmem>>) semaphore(%arg24 : memref<!tpu.dma_semaphore, #tpu.memory_space<semaphore_mem>>) {add = true}
    %dma_start3A_976 = arith.constant 320 : i32
    %dma_start3A_977 = tpu.memref_slice %arg14[%dma_start3A_976] : memref<448xi32, #tpu.memory_space<vmem>> -> memref<64xi32, #tpu.memory_space<vmem>>
    %dma_start3A_978 = arith.constant 0 : i32
    %dma_start3A_979 = arith.constant 0 : i32
    %dma_start3A_980 = tpu.memref_slice %arg2[%dma_start3A_978, %dma_start3A_979] : memref<8192x128xf32, #tpu.memory_space<hbm>> -> memref<8192x128xf32, #tpu.memory_space<hbm>>
    tpu.enqueue_indirect_dma source(%dma_start3A_980 : memref<8192x128xf32, #tpu.memory_space<hbm>>) target(%arg16 : memref<64x128xf32, #tpu.memory_space<vmem>>) offsets(%dma_start3A_977 : memref<64xi32, #tpu.memory_space<vmem>>) semaphore(%arg24 : memref<!tpu.dma_semaphore, #tpu.memory_space<semaphore_mem>>) {add = true}
    %dma_start3A_981 = arith.constant 320 : i32
    %dma_start3A_982 = tpu.memref_slice %arg14[%dma_start3A_981] : memref<448xi32, #tpu.memory_space<vmem>> -> memref<64xi32, #tpu.memory_space<vmem>>
    %dma_start3A_983 = arith.constant 0 : i32
    %dma_start3A_984 = arith.constant 0 : i32
    %dma_start3A_985 = tpu.memref_slice %arg3[%dma_start3A_983, %dma_start3A_984] : memref<8192x128xf32, #tpu.memory_space<hbm>> -> memref<8192x128xf32, #tpu.memory_space<hbm>>
    tpu.enqueue_indirect_dma source(%dma_start3A_985 : memref<8192x128xf32, #tpu.memory_space<hbm>>) target(%arg18 : memref<64x128xf32, #tpu.memory_space<vmem>>) offsets(%dma_start3A_982 : memref<64xi32, #tpu.memory_space<vmem>>) semaphore(%arg24 : memref<!tpu.dma_semaphore, #tpu.memory_space<semaphore_mem>>) {add = true}
    %dma_start3A_986 = arith.constant 384 : i32
    %dma_start3A_987 = tpu.memref_slice %arg14[%dma_start3A_986] : memref<448xi32, #tpu.memory_space<vmem>> -> memref<64xi32, #tpu.memory_space<vmem>>
    %dma_start3A_988 = arith.constant 0 : i32
    %dma_start3A_989 = arith.constant 0 : i32
    %dma_start3A_990 = tpu.memref_slice %arg2[%dma_start3A_988, %dma_start3A_989] : memref<8192x128xf32, #tpu.memory_space<hbm>> -> memref<8192x128xf32, #tpu.memory_space<hbm>>
    tpu.enqueue_indirect_dma source(%dma_start3A_990 : memref<8192x128xf32, #tpu.memory_space<hbm>>) target(%arg16 : memref<64x128xf32, #tpu.memory_space<vmem>>) offsets(%dma_start3A_987 : memref<64xi32, #tpu.memory_space<vmem>>) semaphore(%arg24 : memref<!tpu.dma_semaphore, #tpu.memory_space<semaphore_mem>>) {add = true}
    %dma_start3A_991 = arith.constant 384 : i32
    %dma_start3A_992 = tpu.memref_slice %arg14[%dma_start3A_991] : memref<448xi32, #tpu.memory_space<vmem>> -> memref<64xi32, #tpu.memory_space<vmem>>
    %dma_start3A_993 = arith.constant 0 : i32
    %dma_start3A_994 = arith.constant 0 : i32
    %dma_start3A_995 = tpu.memref_slice %arg3[%dma_start3A_993, %dma_start3A_994] : memref<8192x128xf32, #tpu.memory_space<hbm>> -> memref<8192x128xf32, #tpu.memory_space<hbm>>
    tpu.enqueue_indirect_dma source(%dma_start3A_995 : memref<8192x128xf32, #tpu.memory_space<hbm>>) target(%arg18 : memref<64x128xf32, #tpu.memory_space<vmem>>) offsets(%dma_start3A_992 : memref<64xi32, #tpu.memory_space<vmem>>) semaphore(%arg24 : memref<!tpu.dma_semaphore, #tpu.memory_space<semaphore_mem>>) {add = true}
    %dma_wait3A_996 = arith.constant 0 : i32
    %dma_wait3A_997 = tpu.memref_slice %arg15[%dma_wait3A_996] : memref<448xi32, #tpu.memory_space<vmem>> -> memref<64xi32, #tpu.memory_space<vmem>>
    %dma_wait3A_998 = arith.constant 0 : i32
    %dma_wait3A_999 = arith.constant 0 : i32
    %dma_wait3A_1000 = tpu.memref_slice %arg2[%dma_wait3A_998, %dma_wait3A_999] : memref<8192x128xf32, #tpu.memory_space<hbm>> -> memref<8192x128xf32, #tpu.memory_space<hbm>>
    tpu.wait_indirect_dma semaphore(%arg25 : memref<!tpu.dma_semaphore, #tpu.memory_space<semaphore_mem>>) src(%dma_wait3A_1000 : memref<8192x128xf32, #tpu.memory_space<hbm>>) dst(%arg17 : memref<64x128xf32, #tpu.memory_space<vmem>>)
    %dma_wait3A_1001 = arith.constant 0 : i32
    %dma_wait3A_1002 = tpu.memref_slice %arg15[%dma_wait3A_1001] : memref<448xi32, #tpu.memory_space<vmem>> -> memref<64xi32, #tpu.memory_space<vmem>>
    %dma_wait3A_1003 = arith.constant 0 : i32
    %dma_wait3A_1004 = arith.constant 0 : i32
    %dma_wait3A_1005 = tpu.memref_slice %arg3[%dma_wait3A_1003, %dma_wait3A_1004] : memref<8192x128xf32, #tpu.memory_space<hbm>> -> memref<8192x128xf32, #tpu.memory_space<hbm>>
    tpu.wait_indirect_dma semaphore(%arg25 : memref<!tpu.dma_semaphore, #tpu.memory_space<semaphore_mem>>) src(%dma_wait3A_1005 : memref<8192x128xf32, #tpu.memory_space<hbm>>) dst(%arg19 : memref<64x128xf32, #tpu.memory_space<vmem>>)
    %dma_wait3A_1006 = arith.constant 64 : i32
    %dma_wait3A_1007 = tpu.memref_slice %arg15[%dma_wait3A_1006] : memref<448xi32, #tpu.memory_space<vmem>> -> memref<64xi32, #tpu.memory_space<vmem>>
    %dma_wait3A_1008 = arith.constant 0 : i32
    %dma_wait3A_1009 = arith.constant 0 : i32
    %dma_wait3A_1010 = tpu.memref_slice %arg2[%dma_wait3A_1008, %dma_wait3A_1009] : memref<8192x128xf32, #tpu.memory_space<hbm>> -> memref<8192x128xf32, #tpu.memory_space<hbm>>
    tpu.wait_indirect_dma semaphore(%arg25 : memref<!tpu.dma_semaphore, #tpu.memory_space<semaphore_mem>>) src(%dma_wait3A_1010 : memref<8192x128xf32, #tpu.memory_space<hbm>>) dst(%arg17 : memref<64x128xf32, #tpu.memory_space<vmem>>)
    %dma_wait3A_1011 = arith.constant 64 : i32
    %dma_wait3A_1012 = tpu.memref_slice %arg15[%dma_wait3A_1011] : memref<448xi32, #tpu.memory_space<vmem>> -> memref<64xi32, #tpu.memory_space<vmem>>
    %dma_wait3A_1013 = arith.constant 0 : i32
    %dma_wait3A_1014 = arith.constant 0 : i32
    %dma_wait3A_1015 = tpu.memref_slice %arg3[%dma_wait3A_1013, %dma_wait3A_1014] : memref<8192x128xf32, #tpu.memory_space<hbm>> -> memref<8192x128xf32, #tpu.memory_space<hbm>>
    tpu.wait_indirect_dma semaphore(%arg25 : memref<!tpu.dma_semaphore, #tpu.memory_space<semaphore_mem>>) src(%dma_wait3A_1015 : memref<8192x128xf32, #tpu.memory_space<hbm>>) dst(%arg19 : memref<64x128xf32, #tpu.memory_space<vmem>>)
    %dma_wait3A_1016 = arith.constant 128 : i32
    %dma_wait3A_1017 = tpu.memref_slice %arg15[%dma_wait3A_1016] : memref<448xi32, #tpu.memory_space<vmem>> -> memref<64xi32, #tpu.memory_space<vmem>>
    %dma_wait3A_1018 = arith.constant 0 : i32
    %dma_wait3A_1019 = arith.constant 0 : i32
    %dma_wait3A_1020 = tpu.memref_slice %arg2[%dma_wait3A_1018, %dma_wait3A_1019] : memref<8192x128xf32, #tpu.memory_space<hbm>> -> memref<8192x128xf32, #tpu.memory_space<hbm>>
    tpu.wait_indirect_dma semaphore(%arg25 : memref<!tpu.dma_semaphore, #tpu.memory_space<semaphore_mem>>) src(%dma_wait3A_1020 : memref<8192x128xf32, #tpu.memory_space<hbm>>) dst(%arg17 : memref<64x128xf32, #tpu.memory_space<vmem>>)
    %dma_wait3A_1021 = arith.constant 128 : i32
    %dma_wait3A_1022 = tpu.memref_slice %arg15[%dma_wait3A_1021] : memref<448xi32, #tpu.memory_space<vmem>> -> memref<64xi32, #tpu.memory_space<vmem>>
    %dma_wait3A_1023 = arith.constant 0 : i32
    %dma_wait3A_1024 = arith.constant 0 : i32
    %dma_wait3A_1025 = tpu.memref_slice %arg3[%dma_wait3A_1023, %dma_wait3A_1024] : memref<8192x128xf32, #tpu.memory_space<hbm>> -> memref<8192x128xf32, #tpu.memory_space<hbm>>
    tpu.wait_indirect_dma semaphore(%arg25 : memref<!tpu.dma_semaphore, #tpu.memory_space<semaphore_mem>>) src(%dma_wait3A_1025 : memref<8192x128xf32, #tpu.memory_space<hbm>>) dst(%arg19 : memref<64x128xf32, #tpu.memory_space<vmem>>)
    %dma_wait3A_1026 = arith.constant 192 : i32
    %dma_wait3A_1027 = tpu.memref_slice %arg15[%dma_wait3A_1026] : memref<448xi32, #tpu.memory_space<vmem>> -> memref<64xi32, #tpu.memory_space<vmem>>
    %dma_wait3A_1028 = arith.constant 0 : i32
    %dma_wait3A_1029 = arith.constant 0 : i32
    %dma_wait3A_1030 = tpu.memref_slice %arg2[%dma_wait3A_1028, %dma_wait3A_1029] : memref<8192x128xf32, #tpu.memory_space<hbm>> -> memref<8192x128xf32, #tpu.memory_space<hbm>>
    tpu.wait_indirect_dma semaphore(%arg25 : memref<!tpu.dma_semaphore, #tpu.memory_space<semaphore_mem>>) src(%dma_wait3A_1030 : memref<8192x128xf32, #tpu.memory_space<hbm>>) dst(%arg17 : memref<64x128xf32, #tpu.memory_space<vmem>>)
    %dma_wait3A_1031 = arith.constant 192 : i32
    %dma_wait3A_1032 = tpu.memref_slice %arg15[%dma_wait3A_1031] : memref<448xi32, #tpu.memory_space<vmem>> -> memref<64xi32, #tpu.memory_space<vmem>>
    %dma_wait3A_1033 = arith.constant 0 : i32
    %dma_wait3A_1034 = arith.constant 0 : i32
    %dma_wait3A_1035 = tpu.memref_slice %arg3[%dma_wait3A_1033, %dma_wait3A_1034] : memref<8192x128xf32, #tpu.memory_space<hbm>> -> memref<8192x128xf32, #tpu.memory_space<hbm>>
    tpu.wait_indirect_dma semaphore(%arg25 : memref<!tpu.dma_semaphore, #tpu.memory_space<semaphore_mem>>) src(%dma_wait3A_1035 : memref<8192x128xf32, #tpu.memory_space<hbm>>) dst(%arg19 : memref<64x128xf32, #tpu.memory_space<vmem>>)
    %dma_wait3A_1036 = arith.constant 256 : i32
    %dma_wait3A_1037 = tpu.memref_slice %arg15[%dma_wait3A_1036] : memref<448xi32, #tpu.memory_space<vmem>> -> memref<64xi32, #tpu.memory_space<vmem>>
    %dma_wait3A_1038 = arith.constant 0 : i32
    %dma_wait3A_1039 = arith.constant 0 : i32
    %dma_wait3A_1040 = tpu.memref_slice %arg2[%dma_wait3A_1038, %dma_wait3A_1039] : memref<8192x128xf32, #tpu.memory_space<hbm>> -> memref<8192x128xf32, #tpu.memory_space<hbm>>
    tpu.wait_indirect_dma semaphore(%arg25 : memref<!tpu.dma_semaphore, #tpu.memory_space<semaphore_mem>>) src(%dma_wait3A_1040 : memref<8192x128xf32, #tpu.memory_space<hbm>>) dst(%arg17 : memref<64x128xf32, #tpu.memory_space<vmem>>)
    %dma_wait3A_1041 = arith.constant 256 : i32
    %dma_wait3A_1042 = tpu.memref_slice %arg15[%dma_wait3A_1041] : memref<448xi32, #tpu.memory_space<vmem>> -> memref<64xi32, #tpu.memory_space<vmem>>
    %dma_wait3A_1043 = arith.constant 0 : i32
    %dma_wait3A_1044 = arith.constant 0 : i32
    %dma_wait3A_1045 = tpu.memref_slice %arg3[%dma_wait3A_1043, %dma_wait3A_1044] : memref<8192x128xf32, #tpu.memory_space<hbm>> -> memref<8192x128xf32, #tpu.memory_space<hbm>>
    tpu.wait_indirect_dma semaphore(%arg25 : memref<!tpu.dma_semaphore, #tpu.memory_space<semaphore_mem>>) src(%dma_wait3A_1045 : memref<8192x128xf32, #tpu.memory_space<hbm>>) dst(%arg19 : memref<64x128xf32, #tpu.memory_space<vmem>>)
    %dma_wait3A_1046 = arith.constant 320 : i32
    %dma_wait3A_1047 = tpu.memref_slice %arg15[%dma_wait3A_1046] : memref<448xi32, #tpu.memory_space<vmem>> -> memref<64xi32, #tpu.memory_space<vmem>>
    %dma_wait3A_1048 = arith.constant 0 : i32
    %dma_wait3A_1049 = arith.constant 0 : i32
    %dma_wait3A_1050 = tpu.memref_slice %arg2[%dma_wait3A_1048, %dma_wait3A_1049] : memref<8192x128xf32, #tpu.memory_space<hbm>> -> memref<8192x128xf32, #tpu.memory_space<hbm>>
    tpu.wait_indirect_dma semaphore(%arg25 : memref<!tpu.dma_semaphore, #tpu.memory_space<semaphore_mem>>) src(%dma_wait3A_1050 : memref<8192x128xf32, #tpu.memory_space<hbm>>) dst(%arg17 : memref<64x128xf32, #tpu.memory_space<vmem>>)
    %dma_wait3A_1051 = arith.constant 320 : i32
    %dma_wait3A_1052 = tpu.memref_slice %arg15[%dma_wait3A_1051] : memref<448xi32, #tpu.memory_space<vmem>> -> memref<64xi32, #tpu.memory_space<vmem>>
    %dma_wait3A_1053 = arith.constant 0 : i32
    %dma_wait3A_1054 = arith.constant 0 : i32
    %dma_wait3A_1055 = tpu.memref_slice %arg3[%dma_wait3A_1053, %dma_wait3A_1054] : memref<8192x128xf32, #tpu.memory_space<hbm>> -> memref<8192x128xf32, #tpu.memory_space<hbm>>
    tpu.wait_indirect_dma semaphore(%arg25 : memref<!tpu.dma_semaphore, #tpu.memory_space<semaphore_mem>>) src(%dma_wait3A_1055 : memref<8192x128xf32, #tpu.memory_space<hbm>>) dst(%arg19 : memref<64x128xf32, #tpu.memory_space<vmem>>)
    %dma_wait3A_1056 = arith.constant 384 : i32
    %dma_wait3A_1057 = tpu.memref_slice %arg15[%dma_wait3A_1056] : memref<448xi32, #tpu.memory_space<vmem>> -> memref<64xi32, #tpu.memory_space<vmem>>
    %dma_wait3A_1058 = arith.constant 0 : i32
    %dma_wait3A_1059 = arith.constant 0 : i32
    %dma_wait3A_1060 = tpu.memref_slice %arg2[%dma_wait3A_1058, %dma_wait3A_1059] : memref<8192x128xf32, #tpu.memory_space<hbm>> -> memref<8192x128xf32, #tpu.memory_space<hbm>>
    tpu.wait_indirect_dma semaphore(%arg25 : memref<!tpu.dma_semaphore, #tpu.memory_space<semaphore_mem>>) src(%dma_wait3A_1060 : memref<8192x128xf32, #tpu.memory_space<hbm>>) dst(%arg17 : memref<64x128xf32, #tpu.memory_space<vmem>>)
    %dma_wait3A_1061 = arith.constant 384 : i32
    %dma_wait3A_1062 = tpu.memref_slice %arg15[%dma_wait3A_1061] : memref<448xi32, #tpu.memory_space<vmem>> -> memref<64xi32, #tpu.memory_space<vmem>>
    %dma_wait3A_1063 = arith.constant 0 : i32
    %dma_wait3A_1064 = arith.constant 0 : i32
    %dma_wait3A_1065 = tpu.memref_slice %arg3[%dma_wait3A_1063, %dma_wait3A_1064] : memref<8192x128xf32, #tpu.memory_space<hbm>> -> memref<8192x128xf32, #tpu.memory_space<hbm>>
    tpu.wait_indirect_dma semaphore(%arg25 : memref<!tpu.dma_semaphore, #tpu.memory_space<semaphore_mem>>) src(%dma_wait3A_1065 : memref<8192x128xf32, #tpu.memory_space<hbm>>) dst(%arg19 : memref<64x128xf32, #tpu.memory_space<vmem>>)
    %mul3A_1066 = arith.constant 256 : i32
    %mul3A_1067 = arith.muli %add3A, %mul3A_1066 : i32
    %add3A_1068 = arith.constant 64 : i32
    %add3A_1069 = arith.addi %mul3A_1067, %add3A_1068 : i32
    %scan3A_1070 = arith.constant 0 : i32
    %scan3A_1071 = arith.constant 0 : i32
    %scan3A_1072 = arith.constant 64 : i32
    %scan3A_1073 = arith.addi %scan3A_1071, %scan3A_1072 : i32
    %scan3A_1074 = arith.constant 1 : i32
    scf.for %scan3A_1544 = %scan3A_1071 to %scan3A_1073 step %scan3A_1074  : i32 {
      %broadcast_in_dim3A_1545 = arith.constant 0.000000e+00 : f32
      %broadcast_in_dim3A_1546 = vector.broadcast %broadcast_in_dim3A_1545 : f32 to vector<16xf32>
      %broadcast_in_dim3A_1547 = arith.constant 0.000000e+00 : f32
      %broadcast_in_dim3A_1548 = vector.broadcast %broadcast_in_dim3A_1547 : f32 to vector<16xf32>
      %get3A_1549 = arith.index_cast %scan3A_1544 : i32 to index
      %get3A_1550 = arith.constant 0 : index
      %get3A_1551 = tpu.vector_load %arg17[%get3A_1549, %get3A_1550] {strides = array<i32>} : memref<64x128xf32, #tpu.memory_space<vmem>>, vector<16xf32>,
      %add3A_1552 = arith.addf %broadcast_in_dim3A_1546, %get3A_1551 : vector<16xf32>
      %mul3A_1553 = arith.mulf %get3A_1551, %get3A_1551 : vector<16xf32>
      %add3A_1554 = arith.addf %broadcast_in_dim3A_1548, %mul3A_1553 : vector<16xf32>
      %get3A_1555 = arith.index_cast %scan3A_1544 : i32 to index
      %get3A_1556 = arith.constant 16 : index
      %get3A_1557 = tpu.vector_load %arg17[%get3A_1555, %get3A_1556] {strides = array<i32>} : memref<64x128xf32, #tpu.memory_space<vmem>>, vector<16xf32>,
      %add3A_1558 = arith.addf %add3A_1552, %get3A_1557 : vector<16xf32>
      %mul3A_1559 = arith.mulf %get3A_1557, %get3A_1557 : vector<16xf32>
      %add3A_1560 = arith.addf %add3A_1554, %mul3A_1559 : vector<16xf32>
      %get3A_1561 = arith.index_cast %scan3A_1544 : i32 to index
      %get3A_1562 = arith.constant 32 : index
      %get3A_1563 = tpu.vector_load %arg17[%get3A_1561, %get3A_1562] {strides = array<i32>} : memref<64x128xf32, #tpu.memory_space<vmem>>, vector<16xf32>,
      %add3A_1564 = arith.addf %add3A_1558, %get3A_1563 : vector<16xf32>
      %mul3A_1565 = arith.mulf %get3A_1563, %get3A_1563 : vector<16xf32>
      %add3A_1566 = arith.addf %add3A_1560, %mul3A_1565 : vector<16xf32>
      %get3A_1567 = arith.index_cast %scan3A_1544 : i32 to index
      %get3A_1568 = arith.constant 48 : index
      %get3A_1569 = tpu.vector_load %arg17[%get3A_1567, %get3A_1568] {strides = array<i32>} : memref<64x128xf32, #tpu.memory_space<vmem>>, vector<16xf32>,
      %add3A_1570 = arith.addf %add3A_1564, %get3A_1569 : vector<16xf32>
      %mul3A_1571 = arith.mulf %get3A_1569, %get3A_1569 : vector<16xf32>
      %add3A_1572 = arith.addf %add3A_1566, %mul3A_1571 : vector<16xf32>
      %get3A_1573 = arith.index_cast %scan3A_1544 : i32 to index
      %get3A_1574 = arith.constant 64 : index
      %get3A_1575 = tpu.vector_load %arg17[%get3A_1573, %get3A_1574] {strides = array<i32>} : memref<64x128xf32, #tpu.memory_space<vmem>>, vector<16xf32>,
      %add3A_1576 = arith.addf %add3A_1570, %get3A_1575 : vector<16xf32>
      %mul3A_1577 = arith.mulf %get3A_1575, %get3A_1575 : vector<16xf32>
      %add3A_1578 = arith.addf %add3A_1572, %mul3A_1577 : vector<16xf32>
      %get3A_1579 = arith.index_cast %scan3A_1544 : i32 to index
      %get3A_1580 = arith.constant 80 : index
      %get3A_1581 = tpu.vector_load %arg17[%get3A_1579, %get3A_1580] {strides = array<i32>} : memref<64x128xf32, #tpu.memory_space<vmem>>, vector<16xf32>,
      %add3A_1582 = arith.addf %add3A_1576, %get3A_1581 : vector<16xf32>
      %mul3A_1583 = arith.mulf %get3A_1581, %get3A_1581 : vector<16xf32>
      %add3A_1584 = arith.addf %add3A_1578, %mul3A_1583 : vector<16xf32>
      %get3A_1585 = arith.index_cast %scan3A_1544 : i32 to index
      %get3A_1586 = arith.constant 96 : index
      %get3A_1587 = tpu.vector_load %arg17[%get3A_1585, %get3A_1586] {strides = array<i32>} : memref<64x128xf32, #tpu.memory_space<vmem>>, vector<16xf32>,
      %add3A_1588 = arith.addf %add3A_1582, %get3A_1587 : vector<16xf32>
      %mul3A_1589 = arith.mulf %get3A_1587, %get3A_1587 : vector<16xf32>
      %add3A_1590 = arith.addf %add3A_1584, %mul3A_1589 : vector<16xf32>
      %get3A_1591 = arith.index_cast %scan3A_1544 : i32 to index
      %get3A_1592 = arith.constant 112 : index
      %get3A_1593 = tpu.vector_load %arg17[%get3A_1591, %get3A_1592] {strides = array<i32>} : memref<64x128xf32, #tpu.memory_space<vmem>>, vector<16xf32>,
      %add3A_1594 = arith.addf %add3A_1588, %get3A_1593 : vector<16xf32>
      %mul3A_1595 = arith.mulf %get3A_1593, %get3A_1593 : vector<16xf32>
      %add3A_1596 = arith.addf %add3A_1590, %mul3A_1595 : vector<16xf32>
      %get3A_1597 = arith.index_cast %scan3A_1544 : i32 to index
      %get3A_1598 = arith.constant 0 : index
      %get3A_1599 = tpu.vector_load %arg19[%get3A_1597, %get3A_1598] {strides = array<i32>} : memref<64x128xf32, #tpu.memory_space<vmem>>, vector<16xf32>,
      %add3A_1600 = arith.addf %add3A_1594, %get3A_1599 : vector<16xf32>
      %mul3A_1601 = arith.mulf %get3A_1599, %get3A_1599 : vector<16xf32>
      %add3A_1602 = arith.addf %add3A_1596, %mul3A_1601 : vector<16xf32>
      %get3A_1603 = arith.index_cast %scan3A_1544 : i32 to index
      %get3A_1604 = arith.constant 16 : index
      %get3A_1605 = tpu.vector_load %arg19[%get3A_1603, %get3A_1604] {strides = array<i32>} : memref<64x128xf32, #tpu.memory_space<vmem>>, vector<16xf32>,
      %add3A_1606 = arith.addf %add3A_1600, %get3A_1605 : vector<16xf32>
      %mul3A_1607 = arith.mulf %get3A_1605, %get3A_1605 : vector<16xf32>
      %add3A_1608 = arith.addf %add3A_1602, %mul3A_1607 : vector<16xf32>
      %get3A_1609 = arith.index_cast %scan3A_1544 : i32 to index
      %get3A_1610 = arith.constant 32 : index
      %get3A_1611 = tpu.vector_load %arg19[%get3A_1609, %get3A_1610] {strides = array<i32>} : memref<64x128xf32, #tpu.memory_space<vmem>>, vector<16xf32>,
      %add3A_1612 = arith.addf %add3A_1606, %get3A_1611 : vector<16xf32>
      %mul3A_1613 = arith.mulf %get3A_1611, %get3A_1611 : vector<16xf32>
      %add3A_1614 = arith.addf %add3A_1608, %mul3A_1613 : vector<16xf32>
      %get3A_1615 = arith.index_cast %scan3A_1544 : i32 to index
      %get3A_1616 = arith.constant 48 : index
      %get3A_1617 = tpu.vector_load %arg19[%get3A_1615, %get3A_1616] {strides = array<i32>} : memref<64x128xf32, #tpu.memory_space<vmem>>, vector<16xf32>,
      %add3A_1618 = arith.addf %add3A_1612, %get3A_1617 : vector<16xf32>
      %mul3A_1619 = arith.mulf %get3A_1617, %get3A_1617 : vector<16xf32>
      %add3A_1620 = arith.addf %add3A_1614, %mul3A_1619 : vector<16xf32>
      %reduce_sum3A = arith.constant true
      %reduce_sum3A_1621 = vector.broadcast %reduce_sum3A : i1 to vector<16xi1>
      %reduce_sum3A_1622 = tpu.scan <sum>, %add3A_1618 masked %reduce_sum3A_1621 : vector<16xf32>, vector<16xi1> -> vector<16xf32>
      %reduce_sum3A_1623 = vector.extract %reduce_sum3A_1622[15] : f32 from vector<16xf32>
      %broadcast_in_dim3A_1624 = vector.broadcast %reduce_sum3A_1623 : f32 to vector<16xf32>
      %mul3A_1625 = arith.constant 0.00520833349 : f32
      %mul3A_1626 = vector.broadcast %mul3A_1625 : f32 to vector<16xf32>
      %mul3A_1627 = arith.mulf %broadcast_in_dim3A_1624, %mul3A_1626 : vector<16xf32>
      %reduce_sum3A_1628 = arith.constant true
      %reduce_sum3A_1629 = vector.broadcast %reduce_sum3A_1628 : i1 to vector<16xi1>
      %reduce_sum3A_1630 = tpu.scan <sum>, %add3A_1620 masked %reduce_sum3A_1629 : vector<16xf32>, vector<16xi1> -> vector<16xf32>
      %reduce_sum3A_1631 = vector.extract %reduce_sum3A_1630[15] : f32 from vector<16xf32>
      %broadcast_in_dim3A_1632 = vector.broadcast %reduce_sum3A_1631 : f32 to vector<16xf32>
      %mul3A_1633 = arith.constant 0.00520833349 : f32
      %mul3A_1634 = vector.broadcast %mul3A_1633 : f32 to vector<16xf32>
      %mul3A_1635 = arith.mulf %broadcast_in_dim3A_1632, %mul3A_1634 : vector<16xf32>
      %mul3A_1636 = arith.mulf %mul3A_1627, %mul3A_1627 : vector<16xf32>
      %sub3A_1637 = arith.subf %mul3A_1635, %mul3A_1636 : vector<16xf32>
      %add3A_1638 = arith.constant 9.99999996E-13 : f32
      %add3A_1639 = vector.broadcast %add3A_1638 : f32 to vector<16xf32>
      %add3A_1640 = arith.addf %sub3A_1637, %add3A_1639 : vector<16xf32>
      %broadcast_in_dim3A_1641 = arith.constant 1597463007 : i32
      %broadcast_in_dim3A_1642 = vector.broadcast %broadcast_in_dim3A_1641 : i32 to vector<16xi32>
      %bitcast3A = vector.bitcast %add3A_1640 : vector<16xf32> to vector<16xi32>
      %broadcast_in_dim3A_1643 = arith.constant 1 : i32
      %broadcast_in_dim3A_1644 = vector.broadcast %broadcast_in_dim3A_1643 : i32 to vector<16xi32>
      %shift_right_logical3A = arith.shrui %bitcast3A, %broadcast_in_dim3A_1644 : vector<16xi32>
      %sub3A_1645 = arith.subi %broadcast_in_dim3A_1642, %shift_right_logical3A : vector<16xi32>
      %bitcast3A_1646 = vector.bitcast %sub3A_1645 : vector<16xi32> to vector<16xf32>
      %mul3A_1647 = arith.constant 5.000000e-01 : f32
      %mul3A_1648 = vector.broadcast %mul3A_1647 : f32 to vector<16xf32>
      %mul3A_1649 = arith.mulf %mul3A_1648, %add3A_1640 : vector<16xf32>
      %mul3A_1650 = arith.mulf %mul3A_1649, %bitcast3A_1646 : vector<16xf32>
      %mul3A_1651 = arith.mulf %mul3A_1650, %bitcast3A_1646 : vector<16xf32>
      %sub3A_1652 = arith.constant 1.500000e+00 : f32
      %sub3A_1653 = vector.broadcast %sub3A_1652 : f32 to vector<16xf32>
      %sub3A_1654 = arith.subf %sub3A_1653, %mul3A_1651 : vector<16xf32>
      %mul3A_1655 = arith.mulf %bitcast3A_1646, %sub3A_1654 : vector<16xf32>
      %mul3A_1656 = arith.constant 5.000000e-01 : f32
      %mul3A_1657 = vector.broadcast %mul3A_1656 : f32 to vector<16xf32>
      %mul3A_1658 = arith.mulf %mul3A_1657, %add3A_1640 : vector<16xf32>
      %mul3A_1659 = arith.mulf %mul3A_1658, %mul3A_1655 : vector<16xf32>
      %mul3A_1660 = arith.mulf %mul3A_1659, %mul3A_1655 : vector<16xf32>
      %sub3A_1661 = arith.constant 1.500000e+00 : f32
      %sub3A_1662 = vector.broadcast %sub3A_1661 : f32 to vector<16xf32>
      %sub3A_1663 = arith.subf %sub3A_1662, %mul3A_1660 : vector<16xf32>
      %mul3A_1664 = arith.mulf %mul3A_1655, %sub3A_1663 : vector<16xf32>
      %mul3A_1665 = arith.constant 5.000000e-01 : f32
      %mul3A_1666 = vector.broadcast %mul3A_1665 : f32 to vector<16xf32>
      %mul3A_1667 = arith.mulf %mul3A_1666, %add3A_1640 : vector<16xf32>
      %mul3A_1668 = arith.mulf %mul3A_1667, %mul3A_1664 : vector<16xf32>
      %mul3A_1669 = arith.mulf %mul3A_1668, %mul3A_1664 : vector<16xf32>
      %sub3A_1670 = arith.constant 1.500000e+00 : f32
      %sub3A_1671 = vector.broadcast %sub3A_1670 : f32 to vector<16xf32>
      %sub3A_1672 = arith.subf %sub3A_1671, %mul3A_1669 : vector<16xf32>
      %mul3A_1673 = arith.mulf %mul3A_1664, %sub3A_1672 : vector<16xf32>
      %get3A_1674 = arith.index_cast %scan3A_1544 : i32 to index
      %get3A_1675 = arith.constant 0 : index
      %get3A_1676 = tpu.vector_load %arg17[%get3A_1674, %get3A_1675] {strides = array<i32>} : memref<64x128xf32, #tpu.memory_space<vmem>>, vector<16xf32>,
      %sub3A_1677 = arith.subf %get3A_1676, %mul3A_1627 : vector<16xf32>
      %mul3A_1678 = arith.mulf %sub3A_1677, %mul3A_1673 : vector<16xf32>
      %get3A_1679 = arith.constant 0 : index
      %get3A_1680 = tpu.vector_load %arg22[%get3A_1679] {strides = array<i32>} : memref<192xf32, #tpu.memory_space<vmem>>, vector<16xf32>,
      %mul3A_1681 = arith.mulf %mul3A_1678, %get3A_1680 : vector<16xf32>
      %get3A_1682 = arith.constant 0 : index
      %get3A_1683 = tpu.vector_load %arg23[%get3A_1682] {strides = array<i32>} : memref<192xf32, #tpu.memory_space<vmem>>, vector<16xf32>,
      %add3A_1684 = arith.addf %mul3A_1681, %get3A_1683 : vector<16xf32>
      %swap3A_1685 = arith.index_cast %scan3A_1544 : i32 to index
      %swap3A_1686 = arith.constant 0 : index
      %swap3A_1687 = tpu.vector_load %arg20[%swap3A_1685, %swap3A_1686] {strides = array<i32>} : memref<64x128xf32, #tpu.memory_space<vmem>>, vector<16xf32>,
      tpu.vector_store %arg20[%swap3A_1685, %swap3A_1686], %add3A_1684 {strides = array<i32>} : memref<64x128xf32, #tpu.memory_space<vmem>>, vector<16xf32>,
      %get3A_1688 = arith.index_cast %scan3A_1544 : i32 to index
      %get3A_1689 = arith.constant 16 : index
      %get3A_1690 = tpu.vector_load %arg17[%get3A_1688, %get3A_1689] {strides = array<i32>} : memref<64x128xf32, #tpu.memory_space<vmem>>, vector<16xf32>,
      %sub3A_1691 = arith.subf %get3A_1690, %mul3A_1627 : vector<16xf32>
      %mul3A_1692 = arith.mulf %sub3A_1691, %mul3A_1673 : vector<16xf32>
      %get3A_1693 = arith.constant 16 : index
      %get3A_1694 = tpu.vector_load %arg22[%get3A_1693] {strides = array<i32>} : memref<192xf32, #tpu.memory_space<vmem>>, vector<16xf32>,
      %mul3A_1695 = arith.mulf %mul3A_1692, %get3A_1694 : vector<16xf32>
      %get3A_1696 = arith.constant 16 : index
      %get3A_1697 = tpu.vector_load %arg23[%get3A_1696] {strides = array<i32>} : memref<192xf32, #tpu.memory_space<vmem>>, vector<16xf32>,
      %add3A_1698 = arith.addf %mul3A_1695, %get3A_1697 : vector<16xf32>
      %swap3A_1699 = arith.index_cast %scan3A_1544 : i32 to index
      %swap3A_1700 = arith.constant 16 : index
      %swap3A_1701 = tpu.vector_load %arg20[%swap3A_1699, %swap3A_1700] {strides = array<i32>} : memref<64x128xf32, #tpu.memory_space<vmem>>, vector<16xf32>,
      tpu.vector_store %arg20[%swap3A_1699, %swap3A_1700], %add3A_1698 {strides = array<i32>} : memref<64x128xf32, #tpu.memory_space<vmem>>, vector<16xf32>,
      %get3A_1702 = arith.index_cast %scan3A_1544 : i32 to index
      %get3A_1703 = arith.constant 32 : index
      %get3A_1704 = tpu.vector_load %arg17[%get3A_1702, %get3A_1703] {strides = array<i32>} : memref<64x128xf32, #tpu.memory_space<vmem>>, vector<16xf32>,
      %sub3A_1705 = arith.subf %get3A_1704, %mul3A_1627 : vector<16xf32>
      %mul3A_1706 = arith.mulf %sub3A_1705, %mul3A_1673 : vector<16xf32>
      %get3A_1707 = arith.constant 32 : index
      %get3A_1708 = tpu.vector_load %arg22[%get3A_1707] {strides = array<i32>} : memref<192xf32, #tpu.memory_space<vmem>>, vector<16xf32>,
      %mul3A_1709 = arith.mulf %mul3A_1706, %get3A_1708 : vector<16xf32>
      %get3A_1710 = arith.constant 32 : index
      %get3A_1711 = tpu.vector_load %arg23[%get3A_1710] {strides = array<i32>} : memref<192xf32, #tpu.memory_space<vmem>>, vector<16xf32>,
      %add3A_1712 = arith.addf %mul3A_1709, %get3A_1711 : vector<16xf32>
      %swap3A_1713 = arith.index_cast %scan3A_1544 : i32 to index
      %swap3A_1714 = arith.constant 32 : index
      %swap3A_1715 = tpu.vector_load %arg20[%swap3A_1713, %swap3A_1714] {strides = array<i32>} : memref<64x128xf32, #tpu.memory_space<vmem>>, vector<16xf32>,
      tpu.vector_store %arg20[%swap3A_1713, %swap3A_1714], %add3A_1712 {strides = array<i32>} : memref<64x128xf32, #tpu.memory_space<vmem>>, vector<16xf32>,
      %get3A_1716 = arith.index_cast %scan3A_1544 : i32 to index
      %get3A_1717 = arith.constant 48 : index
      %get3A_1718 = tpu.vector_load %arg17[%get3A_1716, %get3A_1717] {strides = array<i32>} : memref<64x128xf32, #tpu.memory_space<vmem>>, vector<16xf32>,
      %sub3A_1719 = arith.subf %get3A_1718, %mul3A_1627 : vector<16xf32>
      %mul3A_1720 = arith.mulf %sub3A_1719, %mul3A_1673 : vector<16xf32>
      %get3A_1721 = arith.constant 48 : index
      %get3A_1722 = tpu.vector_load %arg22[%get3A_1721] {strides = array<i32>} : memref<192xf32, #tpu.memory_space<vmem>>, vector<16xf32>,
      %mul3A_1723 = arith.mulf %mul3A_1720, %get3A_1722 : vector<16xf32>
      %get3A_1724 = arith.constant 48 : index
      %get3A_1725 = tpu.vector_load %arg23[%get3A_1724] {strides = array<i32>} : memref<192xf32, #tpu.memory_space<vmem>>, vector<16xf32>,
      %add3A_1726 = arith.addf %mul3A_1723, %get3A_1725 : vector<16xf32>
      %swap3A_1727 = arith.index_cast %scan3A_1544 : i32 to index
      %swap3A_1728 = arith.constant 48 : index
      %swap3A_1729 = tpu.vector_load %arg20[%swap3A_1727, %swap3A_1728] {strides = array<i32>} : memref<64x128xf32, #tpu.memory_space<vmem>>, vector<16xf32>,
      tpu.vector_store %arg20[%swap3A_1727, %swap3A_1728], %add3A_1726 {strides = array<i32>} : memref<64x128xf32, #tpu.memory_space<vmem>>, vector<16xf32>,
      %get3A_1730 = arith.index_cast %scan3A_1544 : i32 to index
      %get3A_1731 = arith.constant 64 : index
      %get3A_1732 = tpu.vector_load %arg17[%get3A_1730, %get3A_1731] {strides = array<i32>} : memref<64x128xf32, #tpu.memory_space<vmem>>, vector<16xf32>,
      %sub3A_1733 = arith.subf %get3A_1732, %mul3A_1627 : vector<16xf32>
      %mul3A_1734 = arith.mulf %sub3A_1733, %mul3A_1673 : vector<16xf32>
      %get3A_1735 = arith.constant 64 : index
      %get3A_1736 = tpu.vector_load %arg22[%get3A_1735] {strides = array<i32>} : memref<192xf32, #tpu.memory_space<vmem>>, vector<16xf32>,
      %mul3A_1737 = arith.mulf %mul3A_1734, %get3A_1736 : vector<16xf32>
      %get3A_1738 = arith.constant 64 : index
      %get3A_1739 = tpu.vector_load %arg23[%get3A_1738] {strides = array<i32>} : memref<192xf32, #tpu.memory_space<vmem>>, vector<16xf32>,
      %add3A_1740 = arith.addf %mul3A_1737, %get3A_1739 : vector<16xf32>
      %swap3A_1741 = arith.index_cast %scan3A_1544 : i32 to index
      %swap3A_1742 = arith.constant 64 : index
      %swap3A_1743 = tpu.vector_load %arg20[%swap3A_1741, %swap3A_1742] {strides = array<i32>} : memref<64x128xf32, #tpu.memory_space<vmem>>, vector<16xf32>,
      tpu.vector_store %arg20[%swap3A_1741, %swap3A_1742], %add3A_1740 {strides = array<i32>} : memref<64x128xf32, #tpu.memory_space<vmem>>, vector<16xf32>,
      %get3A_1744 = arith.index_cast %scan3A_1544 : i32 to index
      %get3A_1745 = arith.constant 80 : index
      %get3A_1746 = tpu.vector_load %arg17[%get3A_1744, %get3A_1745] {strides = array<i32>} : memref<64x128xf32, #tpu.memory_space<vmem>>, vector<16xf32>,
      %sub3A_1747 = arith.subf %get3A_1746, %mul3A_1627 : vector<16xf32>
      %mul3A_1748 = arith.mulf %sub3A_1747, %mul3A_1673 : vector<16xf32>
      %get3A_1749 = arith.constant 80 : index
      %get3A_1750 = tpu.vector_load %arg22[%get3A_1749] {strides = array<i32>} : memref<192xf32, #tpu.memory_space<vmem>>, vector<16xf32>,
      %mul3A_1751 = arith.mulf %mul3A_1748, %get3A_1750 : vector<16xf32>
      %get3A_1752 = arith.constant 80 : index
      %get3A_1753 = tpu.vector_load %arg23[%get3A_1752] {strides = array<i32>} : memref<192xf32, #tpu.memory_space<vmem>>, vector<16xf32>,
      %add3A_1754 = arith.addf %mul3A_1751, %get3A_1753 : vector<16xf32>
      %swap3A_1755 = arith.index_cast %scan3A_1544 : i32 to index
      %swap3A_1756 = arith.constant 80 : index
      %swap3A_1757 = tpu.vector_load %arg20[%swap3A_1755, %swap3A_1756] {strides = array<i32>} : memref<64x128xf32, #tpu.memory_space<vmem>>, vector<16xf32>,
      tpu.vector_store %arg20[%swap3A_1755, %swap3A_1756], %add3A_1754 {strides = array<i32>} : memref<64x128xf32, #tpu.memory_space<vmem>>, vector<16xf32>,
      %get3A_1758 = arith.index_cast %scan3A_1544 : i32 to index
      %get3A_1759 = arith.constant 96 : index
      %get3A_1760 = tpu.vector_load %arg17[%get3A_1758, %get3A_1759] {strides = array<i32>} : memref<64x128xf32, #tpu.memory_space<vmem>>, vector<16xf32>,
      %sub3A_1761 = arith.subf %get3A_1760, %mul3A_1627 : vector<16xf32>
      %mul3A_1762 = arith.mulf %sub3A_1761, %mul3A_1673 : vector<16xf32>
      %get3A_1763 = arith.constant 96 : index
      %get3A_1764 = tpu.vector_load %arg22[%get3A_1763] {strides = array<i32>} : memref<192xf32, #tpu.memory_space<vmem>>, vector<16xf32>,
      %mul3A_1765 = arith.mulf %mul3A_1762, %get3A_1764 : vector<16xf32>
      %get3A_1766 = arith.constant 96 : index
      %get3A_1767 = tpu.vector_load %arg23[%get3A_1766] {strides = array<i32>} : memref<192xf32, #tpu.memory_space<vmem>>, vector<16xf32>,
      %add3A_1768 = arith.addf %mul3A_1765, %get3A_1767 : vector<16xf32>
      %swap3A_1769 = arith.index_cast %scan3A_1544 : i32 to index
      %swap3A_1770 = arith.constant 96 : index
      %swap3A_1771 = tpu.vector_load %arg20[%swap3A_1769, %swap3A_1770] {strides = array<i32>} : memref<64x128xf32, #tpu.memory_space<vmem>>, vector<16xf32>,
      tpu.vector_store %arg20[%swap3A_1769, %swap3A_1770], %add3A_1768 {strides = array<i32>} : memref<64x128xf32, #tpu.memory_space<vmem>>, vector<16xf32>,
      %get3A_1772 = arith.index_cast %scan3A_1544 : i32 to index
      %get3A_1773 = arith.constant 112 : index
      %get3A_1774 = tpu.vector_load %arg17[%get3A_1772, %get3A_1773] {strides = array<i32>} : memref<64x128xf32, #tpu.memory_space<vmem>>, vector<16xf32>,
      %sub3A_1775 = arith.subf %get3A_1774, %mul3A_1627 : vector<16xf32>
      %mul3A_1776 = arith.mulf %sub3A_1775, %mul3A_1673 : vector<16xf32>
      %get3A_1777 = arith.constant 112 : index
      %get3A_1778 = tpu.vector_load %arg22[%get3A_1777] {strides = array<i32>} : memref<192xf32, #tpu.memory_space<vmem>>, vector<16xf32>,
      %mul3A_1779 = arith.mulf %mul3A_1776, %get3A_1778 : vector<16xf32>
      %get3A_1780 = arith.constant 112 : index
      %get3A_1781 = tpu.vector_load %arg23[%get3A_1780] {strides = array<i32>} : memref<192xf32, #tpu.memory_space<vmem>>, vector<16xf32>,
      %add3A_1782 = arith.addf %mul3A_1779, %get3A_1781 : vector<16xf32>
      %swap3A_1783 = arith.index_cast %scan3A_1544 : i32 to index
      %swap3A_1784 = arith.constant 112 : index
      %swap3A_1785 = tpu.vector_load %arg20[%swap3A_1783, %swap3A_1784] {strides = array<i32>} : memref<64x128xf32, #tpu.memory_space<vmem>>, vector<16xf32>,
      tpu.vector_store %arg20[%swap3A_1783, %swap3A_1784], %add3A_1782 {strides = array<i32>} : memref<64x128xf32, #tpu.memory_space<vmem>>, vector<16xf32>,
      %get3A_1786 = arith.index_cast %scan3A_1544 : i32 to index
      %get3A_1787 = arith.constant 0 : index
      %get3A_1788 = tpu.vector_load %arg19[%get3A_1786, %get3A_1787] {strides = array<i32>} : memref<64x128xf32, #tpu.memory_space<vmem>>, vector<16xf32>,
      %sub3A_1789 = arith.subf %get3A_1788, %mul3A_1627 : vector<16xf32>
      %mul3A_1790 = arith.mulf %sub3A_1789, %mul3A_1673 : vector<16xf32>
      %get3A_1791 = arith.constant 128 : index
      %get3A_1792 = tpu.vector_load %arg22[%get3A_1791] {strides = array<i32>} : memref<192xf32, #tpu.memory_space<vmem>>, vector<16xf32>,
      %mul3A_1793 = arith.mulf %mul3A_1790, %get3A_1792 : vector<16xf32>
      %get3A_1794 = arith.constant 128 : index
      %get3A_1795 = tpu.vector_load %arg23[%get3A_1794] {strides = array<i32>} : memref<192xf32, #tpu.memory_space<vmem>>, vector<16xf32>,
      %add3A_1796 = arith.addf %mul3A_1793, %get3A_1795 : vector<16xf32>
      %swap3A_1797 = arith.index_cast %scan3A_1544 : i32 to index
      %swap3A_1798 = arith.constant 0 : index
      %swap3A_1799 = tpu.vector_load %arg21[%swap3A_1797, %swap3A_1798] {strides = array<i32>} : memref<64x128xf32, #tpu.memory_space<vmem>>, vector<16xf32>,
      tpu.vector_store %arg21[%swap3A_1797, %swap3A_1798], %add3A_1796 {strides = array<i32>} : memref<64x128xf32, #tpu.memory_space<vmem>>, vector<16xf32>,
      %get3A_1800 = arith.index_cast %scan3A_1544 : i32 to index
      %get3A_1801 = arith.constant 16 : index
      %get3A_1802 = tpu.vector_load %arg19[%get3A_1800, %get3A_1801] {strides = array<i32>} : memref<64x128xf32, #tpu.memory_space<vmem>>, vector<16xf32>,
      %sub3A_1803 = arith.subf %get3A_1802, %mul3A_1627 : vector<16xf32>
      %mul3A_1804 = arith.mulf %sub3A_1803, %mul3A_1673 : vector<16xf32>
      %get3A_1805 = arith.constant 144 : index
      %get3A_1806 = tpu.vector_load %arg22[%get3A_1805] {strides = array<i32>} : memref<192xf32, #tpu.memory_space<vmem>>, vector<16xf32>,
      %mul3A_1807 = arith.mulf %mul3A_1804, %get3A_1806 : vector<16xf32>
      %get3A_1808 = arith.constant 144 : index
      %get3A_1809 = tpu.vector_load %arg23[%get3A_1808] {strides = array<i32>} : memref<192xf32, #tpu.memory_space<vmem>>, vector<16xf32>,
      %add3A_1810 = arith.addf %mul3A_1807, %get3A_1809 : vector<16xf32>
      %swap3A_1811 = arith.index_cast %scan3A_1544 : i32 to index
      %swap3A_1812 = arith.constant 16 : index
      %swap3A_1813 = tpu.vector_load %arg21[%swap3A_1811, %swap3A_1812] {strides = array<i32>} : memref<64x128xf32, #tpu.memory_space<vmem>>, vector<16xf32>,
      tpu.vector_store %arg21[%swap3A_1811, %swap3A_1812], %add3A_1810 {strides = array<i32>} : memref<64x128xf32, #tpu.memory_space<vmem>>, vector<16xf32>,
      %get3A_1814 = arith.index_cast %scan3A_1544 : i32 to index
      %get3A_1815 = arith.constant 32 : index
      %get3A_1816 = tpu.vector_load %arg19[%get3A_1814, %get3A_1815] {strides = array<i32>} : memref<64x128xf32, #tpu.memory_space<vmem>>, vector<16xf32>,
      %sub3A_1817 = arith.subf %get3A_1816, %mul3A_1627 : vector<16xf32>
      %mul3A_1818 = arith.mulf %sub3A_1817, %mul3A_1673 : vector<16xf32>
      %get3A_1819 = arith.constant 160 : index
      %get3A_1820 = tpu.vector_load %arg22[%get3A_1819] {strides = array<i32>} : memref<192xf32, #tpu.memory_space<vmem>>, vector<16xf32>,
      %mul3A_1821 = arith.mulf %mul3A_1818, %get3A_1820 : vector<16xf32>
      %get3A_1822 = arith.constant 160 : index
      %get3A_1823 = tpu.vector_load %arg23[%get3A_1822] {strides = array<i32>} : memref<192xf32, #tpu.memory_space<vmem>>, vector<16xf32>,
      %add3A_1824 = arith.addf %mul3A_1821, %get3A_1823 : vector<16xf32>
      %swap3A_1825 = arith.index_cast %scan3A_1544 : i32 to index
      %swap3A_1826 = arith.constant 32 : index
      %swap3A_1827 = tpu.vector_load %arg21[%swap3A_1825, %swap3A_1826] {strides = array<i32>} : memref<64x128xf32, #tpu.memory_space<vmem>>, vector<16xf32>,
      tpu.vector_store %arg21[%swap3A_1825, %swap3A_1826], %add3A_1824 {strides = array<i32>} : memref<64x128xf32, #tpu.memory_space<vmem>>, vector<16xf32>,
      %get3A_1828 = arith.index_cast %scan3A_1544 : i32 to index
      %get3A_1829 = arith.constant 48 : index
      %get3A_1830 = tpu.vector_load %arg19[%get3A_1828, %get3A_1829] {strides = array<i32>} : memref<64x128xf32, #tpu.memory_space<vmem>>, vector<16xf32>,
      %sub3A_1831 = arith.subf %get3A_1830, %mul3A_1627 : vector<16xf32>
      %mul3A_1832 = arith.mulf %sub3A_1831, %mul3A_1673 : vector<16xf32>
      %get3A_1833 = arith.constant 176 : index
      %get3A_1834 = tpu.vector_load %arg22[%get3A_1833] {strides = array<i32>} : memref<192xf32, #tpu.memory_space<vmem>>, vector<16xf32>,
      %mul3A_1835 = arith.mulf %mul3A_1832, %get3A_1834 : vector<16xf32>
      %get3A_1836 = arith.constant 176 : index
      %get3A_1837 = tpu.vector_load %arg23[%get3A_1836] {strides = array<i32>} : memref<192xf32, #tpu.memory_space<vmem>>, vector<16xf32>,
      %add3A_1838 = arith.addf %mul3A_1835, %get3A_1837 : vector<16xf32>
      %swap3A_1839 = arith.index_cast %scan3A_1544 : i32 to index
      %swap3A_1840 = arith.constant 48 : index
      %swap3A_1841 = tpu.vector_load %arg21[%swap3A_1839, %swap3A_1840] {strides = array<i32>} : memref<64x128xf32, #tpu.memory_space<vmem>>, vector<16xf32>,
      tpu.vector_store %arg21[%swap3A_1839, %swap3A_1840], %add3A_1838 {strides = array<i32>} : memref<64x128xf32, #tpu.memory_space<vmem>>, vector<16xf32>,
    }
    %scan3A_1075 = arith.constant 64 : i32
    "tpu.region"() ({
      %run_scoped3A = tpu.sem_alloc : memref<!tpu.dma_semaphore, #tpu.memory_space<semaphore_mem>>
      %dma_start3A_1544 = arith.constant 0 : i32
      %dma_start3A_1545 = tpu.memref_slice %arg8[%add3A_1069, %dma_start3A_1544] : memref<8192x128xf32, #tpu.memory_space<hbm>> -> memref<64x128xf32, #tpu.memory_space<hbm>>
      %dma_start3A_1546 = arith.constant 0 : i32
      %dma_start3A_1547 = tpu.memref_slice %arg8[%add3A_1069, %dma_start3A_1546] : memref<8192x128xf32, #tpu.memory_space<hbm>> -> memref<64x128xf32, #tpu.memory_space<hbm>>
      tpu.enqueue_dma source(%arg20 : memref<64x128xf32, #tpu.memory_space<vmem>>) target(%dma_start3A_1547 : memref<64x128xf32, #tpu.memory_space<hbm>>) target_semaphore(%run_scoped3A : memref<!tpu.dma_semaphore, #tpu.memory_space<semaphore_mem>>)
      %dma_wait3A_1548 = arith.constant 0 : i32
      %dma_wait3A_1549 = tpu.memref_slice %arg8[%add3A_1069, %dma_wait3A_1548] : memref<8192x128xf32, #tpu.memory_space<hbm>> -> memref<64x128xf32, #tpu.memory_space<hbm>>
      %dma_wait3A_1550 = arith.constant 0 : i32
      %dma_wait3A_1551 = tpu.memref_slice %arg8[%add3A_1069, %dma_wait3A_1550] : memref<8192x128xf32, #tpu.memory_space<hbm>> -> memref<64x128xf32, #tpu.memory_space<hbm>>
      tpu.wait_dma2 semaphore(%run_scoped3A : memref<!tpu.dma_semaphore, #tpu.memory_space<semaphore_mem>>) src(%arg20 : memref<64x128xf32, #tpu.memory_space<vmem>>) dst(%dma_wait3A_1551 : memref<64x128xf32, #tpu.memory_space<hbm>>)
      tpu.yield
    }) : () -> ()
    "tpu.region"() ({
      %run_scoped3A = tpu.sem_alloc : memref<!tpu.dma_semaphore, #tpu.memory_space<semaphore_mem>>
      %dma_start3A_1544 = arith.constant 0 : i32
      %dma_start3A_1545 = tpu.memref_slice %arg9[%add3A_1069, %dma_start3A_1544] : memref<8192x128xf32, #tpu.memory_space<hbm>> -> memref<64x128xf32, #tpu.memory_space<hbm>>
      %dma_start3A_1546 = arith.constant 0 : i32
      %dma_start3A_1547 = tpu.memref_slice %arg9[%add3A_1069, %dma_start3A_1546] : memref<8192x128xf32, #tpu.memory_space<hbm>> -> memref<64x128xf32, #tpu.memory_space<hbm>>
      tpu.enqueue_dma source(%arg21 : memref<64x128xf32, #tpu.memory_space<vmem>>) target(%dma_start3A_1547 : memref<64x128xf32, #tpu.memory_space<hbm>>) target_semaphore(%run_scoped3A : memref<!tpu.dma_semaphore, #tpu.memory_space<semaphore_mem>>)
      %dma_wait3A_1548 = arith.constant 0 : i32
      %dma_wait3A_1549 = tpu.memref_slice %arg9[%add3A_1069, %dma_wait3A_1548] : memref<8192x128xf32, #tpu.memory_space<hbm>> -> memref<64x128xf32, #tpu.memory_space<hbm>>
      %dma_wait3A_1550 = arith.constant 0 : i32
      %dma_wait3A_1551 = tpu.memref_slice %arg9[%add3A_1069, %dma_wait3A_1550] : memref<8192x128xf32, #tpu.memory_space<hbm>> -> memref<64x128xf32, #tpu.memory_space<hbm>>
      tpu.wait_dma2 semaphore(%run_scoped3A : memref<!tpu.dma_semaphore, #tpu.memory_space<semaphore_mem>>) src(%arg21 : memref<64x128xf32, #tpu.memory_space<vmem>>) dst(%dma_wait3A_1551 : memref<64x128xf32, #tpu.memory_space<hbm>>)
      tpu.yield
    }) : () -> ()
    %mul3A_1076 = arith.constant 256 : i32
    %mul3A_1077 = arith.muli %add3A, %mul3A_1076 : i32
    %add3A_1078 = arith.constant 192 : i32
    %add3A_1079 = arith.addi %mul3A_1077, %add3A_1078 : i32
    %mul3A_1080 = arith.constant 4 : i32
    %mul3A_1081 = arith.muli %add3A_1079, %mul3A_1080 : i32
    "tpu.region"() ({
      %run_scoped3A = tpu.sem_alloc : memref<!tpu.dma_semaphore, #tpu.memory_space<semaphore_mem>>
      %dma_start3A_1544 = tpu.memref_slice %arg4[%mul3A_1081] : memref<32768xi32, #tpu.memory_space<hbm>> -> memref<256xi32, #tpu.memory_space<hbm>>
      %dma_start3A_1545 = tpu.memref_slice %arg4[%mul3A_1081] : memref<32768xi32, #tpu.memory_space<hbm>> -> memref<256xi32, #tpu.memory_space<hbm>>
      tpu.enqueue_dma source(%dma_start3A_1545 : memref<256xi32, #tpu.memory_space<hbm>>) target(%arg11 : memref<256xi32, #tpu.memory_space<vmem>>) target_semaphore(%run_scoped3A : memref<!tpu.dma_semaphore, #tpu.memory_space<semaphore_mem>>)
      %dma_wait3A_1546 = tpu.memref_slice %arg4[%mul3A_1081] : memref<32768xi32, #tpu.memory_space<hbm>> -> memref<256xi32, #tpu.memory_space<hbm>>
      %dma_wait3A_1547 = tpu.memref_slice %arg4[%mul3A_1081] : memref<32768xi32, #tpu.memory_space<hbm>> -> memref<256xi32, #tpu.memory_space<hbm>>
      tpu.wait_dma2 semaphore(%run_scoped3A : memref<!tpu.dma_semaphore, #tpu.memory_space<semaphore_mem>>) src(%dma_wait3A_1547 : memref<256xi32, #tpu.memory_space<hbm>>) dst(%arg11 : memref<256xi32, #tpu.memory_space<vmem>>)
      tpu.yield
    }) : () -> ()
    "tpu.region"() ({
      %run_scoped3A = tpu.sem_alloc : memref<!tpu.dma_semaphore, #tpu.memory_space<semaphore_mem>>
      %dma_start3A_1544 = tpu.memref_slice %arg5[%add3A_1079] : memref<8192xi32, #tpu.memory_space<hbm>> -> memref<64xi32, #tpu.memory_space<hbm>>
      %dma_start3A_1545 = tpu.memref_slice %arg5[%add3A_1079] : memref<8192xi32, #tpu.memory_space<hbm>> -> memref<64xi32, #tpu.memory_space<hbm>>
      tpu.enqueue_dma source(%dma_start3A_1545 : memref<64xi32, #tpu.memory_space<hbm>>) target(%arg13 : memref<64xi32, #tpu.memory_space<vmem>>) target_semaphore(%run_scoped3A : memref<!tpu.dma_semaphore, #tpu.memory_space<semaphore_mem>>)
      %dma_wait3A_1546 = tpu.memref_slice %arg5[%add3A_1079] : memref<8192xi32, #tpu.memory_space<hbm>> -> memref<64xi32, #tpu.memory_space<hbm>>
      %dma_wait3A_1547 = tpu.memref_slice %arg5[%add3A_1079] : memref<8192xi32, #tpu.memory_space<hbm>> -> memref<64xi32, #tpu.memory_space<hbm>>
      tpu.wait_dma2 semaphore(%run_scoped3A : memref<!tpu.dma_semaphore, #tpu.memory_space<semaphore_mem>>) src(%dma_wait3A_1547 : memref<64xi32, #tpu.memory_space<hbm>>) dst(%arg13 : memref<64xi32, #tpu.memory_space<vmem>>)
      tpu.yield
    }) : () -> ()
    %iota3A_1082 = tpu.iota {dimensions = array<i32: 0>} : vector<16xi32>
    %add3A_1083 = arith.constant 0 : i32
    %add3A_1084 = vector.broadcast %add3A_1083 : i32 to vector<16xi32>
    %add3A_1085 = arith.addi %iota3A_1082, %add3A_1084 : vector<16xi32>
    %mul3A_1086 = arith.constant 4 : i32
    %mul3A_1087 = vector.broadcast %mul3A_1086 : i32 to vector<16xi32>
    %mul3A_1088 = arith.muli %add3A_1085, %mul3A_1087 : vector<16xi32>
    %gather3A_1089 = tpu.vector_load_idx %arg11[%mul3A_1088] : memref<256xi32, #tpu.memory_space<vmem>>[vector<16xi32>], vector<16xi32>,
    %add3A_1090 = arith.constant 1 : i32
    %add3A_1091 = vector.broadcast %add3A_1090 : i32 to vector<16xi32>
    %add3A_1092 = arith.addi %mul3A_1088, %add3A_1091 : vector<16xi32>
    %gather3A_1093 = tpu.vector_load_idx %arg11[%add3A_1092] : memref<256xi32, #tpu.memory_space<vmem>>[vector<16xi32>], vector<16xi32>,
    %add3A_1094 = arith.constant 2 : i32
    %add3A_1095 = vector.broadcast %add3A_1094 : i32 to vector<16xi32>
    %add3A_1096 = arith.addi %mul3A_1088, %add3A_1095 : vector<16xi32>
    %gather3A_1097 = tpu.vector_load_idx %arg11[%add3A_1096] : memref<256xi32, #tpu.memory_space<vmem>>[vector<16xi32>], vector<16xi32>,
    %add3A_1098 = arith.constant 3 : i32
    %add3A_1099 = vector.broadcast %add3A_1098 : i32 to vector<16xi32>
    %add3A_1100 = arith.addi %mul3A_1088, %add3A_1099 : vector<16xi32>
    %gather3A_1101 = tpu.vector_load_idx %arg11[%add3A_1100] : memref<256xi32, #tpu.memory_space<vmem>>[vector<16xi32>], vector<16xi32>,
    %get3A_1102 = arith.constant 0 : index
    %get3A_1103 = tpu.vector_load %arg13[%get3A_1102] {strides = array<i32>} : memref<64xi32, #tpu.memory_space<vmem>>, vector<16xi32>,
    %swap3A_1104 = arith.constant 0 : index
    %swap3A_1105 = tpu.vector_load %arg15[%swap3A_1104] {strides = array<i32>} : memref<448xi32, #tpu.memory_space<vmem>>, vector<16xi32>,
    tpu.vector_store %arg15[%swap3A_1104], %gather3A_1089 {strides = array<i32>} : memref<448xi32, #tpu.memory_space<vmem>>, vector<16xi32>,
    %add3A_1106 = arith.constant 1024 : i32
    %add3A_1107 = vector.broadcast %add3A_1106 : i32 to vector<16xi32>
    %add3A_1108 = arith.addi %gather3A_1093, %add3A_1107 : vector<16xi32>
    %swap3A_1109 = arith.constant 64 : index
    %swap3A_1110 = tpu.vector_load %arg15[%swap3A_1109] {strides = array<i32>} : memref<448xi32, #tpu.memory_space<vmem>>, vector<16xi32>,
    tpu.vector_store %arg15[%swap3A_1109], %add3A_1108 {strides = array<i32>} : memref<448xi32, #tpu.memory_space<vmem>>, vector<16xi32>,
    %add3A_1111 = arith.constant 2048 : i32
    %add3A_1112 = vector.broadcast %add3A_1111 : i32 to vector<16xi32>
    %add3A_1113 = arith.addi %gather3A_1097, %add3A_1112 : vector<16xi32>
    %swap3A_1114 = arith.constant 128 : index
    %swap3A_1115 = tpu.vector_load %arg15[%swap3A_1114] {strides = array<i32>} : memref<448xi32, #tpu.memory_space<vmem>>, vector<16xi32>,
    tpu.vector_store %arg15[%swap3A_1114], %add3A_1113 {strides = array<i32>} : memref<448xi32, #tpu.memory_space<vmem>>, vector<16xi32>,
    %add3A_1116 = arith.constant 3072 : i32
    %add3A_1117 = vector.broadcast %add3A_1116 : i32 to vector<16xi32>
    %add3A_1118 = arith.addi %gather3A_1101, %add3A_1117 : vector<16xi32>
    %swap3A_1119 = arith.constant 192 : index
    %swap3A_1120 = tpu.vector_load %arg15[%swap3A_1119] {strides = array<i32>} : memref<448xi32, #tpu.memory_space<vmem>>, vector<16xi32>,
    tpu.vector_store %arg15[%swap3A_1119], %add3A_1118 {strides = array<i32>} : memref<448xi32, #tpu.memory_space<vmem>>, vector<16xi32>,
    %sub3A_1121 = arith.subi %gather3A_1101, %gather3A_1093 : vector<16xi32>
    %add3A_1122 = arith.constant 4096 : i32
    %add3A_1123 = vector.broadcast %add3A_1122 : i32 to vector<16xi32>
    %add3A_1124 = arith.addi %sub3A_1121, %add3A_1123 : vector<16xi32>
    %swap3A_1125 = arith.constant 256 : index
    %swap3A_1126 = tpu.vector_load %arg15[%swap3A_1125] {strides = array<i32>} : memref<448xi32, #tpu.memory_space<vmem>>, vector<16xi32>,
    tpu.vector_store %arg15[%swap3A_1125], %add3A_1124 {strides = array<i32>} : memref<448xi32, #tpu.memory_space<vmem>>, vector<16xi32>,
    %sub3A_1127 = arith.subi %gather3A_1097, %gather3A_1089 : vector<16xi32>
    %add3A_1128 = arith.constant 5120 : i32
    %add3A_1129 = vector.broadcast %add3A_1128 : i32 to vector<16xi32>
    %add3A_1130 = arith.addi %sub3A_1127, %add3A_1129 : vector<16xi32>
    %swap3A_1131 = arith.constant 320 : index
    %swap3A_1132 = tpu.vector_load %arg15[%swap3A_1131] {strides = array<i32>} : memref<448xi32, #tpu.memory_space<vmem>>, vector<16xi32>,
    tpu.vector_store %arg15[%swap3A_1131], %add3A_1130 {strides = array<i32>} : memref<448xi32, #tpu.memory_space<vmem>>, vector<16xi32>,
    %add3A_1133 = arith.constant 6144 : i32
    %add3A_1134 = vector.broadcast %add3A_1133 : i32 to vector<16xi32>
    %add3A_1135 = arith.addi %get3A_1103, %add3A_1134 : vector<16xi32>
    %swap3A_1136 = arith.constant 384 : index
    %swap3A_1137 = tpu.vector_load %arg15[%swap3A_1136] {strides = array<i32>} : memref<448xi32, #tpu.memory_space<vmem>>, vector<16xi32>,
    tpu.vector_store %arg15[%swap3A_1136], %add3A_1135 {strides = array<i32>} : memref<448xi32, #tpu.memory_space<vmem>>, vector<16xi32>,
    %iota3A_1138 = tpu.iota {dimensions = array<i32: 0>} : vector<16xi32>
    %add3A_1139 = arith.constant 16 : i32
    %add3A_1140 = vector.broadcast %add3A_1139 : i32 to vector<16xi32>
    %add3A_1141 = arith.addi %iota3A_1138, %add3A_1140 : vector<16xi32>
    %mul3A_1142 = arith.constant 4 : i32
    %mul3A_1143 = vector.broadcast %mul3A_1142 : i32 to vector<16xi32>
    %mul3A_1144 = arith.muli %add3A_1141, %mul3A_1143 : vector<16xi32>
    %gather3A_1145 = tpu.vector_load_idx %arg11[%mul3A_1144] : memref<256xi32, #tpu.memory_space<vmem>>[vector<16xi32>], vector<16xi32>,
    %add3A_1146 = arith.constant 1 : i32
    %add3A_1147 = vector.broadcast %add3A_1146 : i32 to vector<16xi32>
    %add3A_1148 = arith.addi %mul3A_1144, %add3A_1147 : vector<16xi32>
    %gather3A_1149 = tpu.vector_load_idx %arg11[%add3A_1148] : memref<256xi32, #tpu.memory_space<vmem>>[vector<16xi32>], vector<16xi32>,
    %add3A_1150 = arith.constant 2 : i32
    %add3A_1151 = vector.broadcast %add3A_1150 : i32 to vector<16xi32>
    %add3A_1152 = arith.addi %mul3A_1144, %add3A_1151 : vector<16xi32>
    %gather3A_1153 = tpu.vector_load_idx %arg11[%add3A_1152] : memref<256xi32, #tpu.memory_space<vmem>>[vector<16xi32>], vector<16xi32>,
    %add3A_1154 = arith.constant 3 : i32
    %add3A_1155 = vector.broadcast %add3A_1154 : i32 to vector<16xi32>
    %add3A_1156 = arith.addi %mul3A_1144, %add3A_1155 : vector<16xi32>
    %gather3A_1157 = tpu.vector_load_idx %arg11[%add3A_1156] : memref<256xi32, #tpu.memory_space<vmem>>[vector<16xi32>], vector<16xi32>,
    %get3A_1158 = arith.constant 16 : index
    %get3A_1159 = tpu.vector_load %arg13[%get3A_1158] {strides = array<i32>} : memref<64xi32, #tpu.memory_space<vmem>>, vector<16xi32>,
    %swap3A_1160 = arith.constant 16 : index
    %swap3A_1161 = tpu.vector_load %arg15[%swap3A_1160] {strides = array<i32>} : memref<448xi32, #tpu.memory_space<vmem>>, vector<16xi32>,
    tpu.vector_store %arg15[%swap3A_1160], %gather3A_1145 {strides = array<i32>} : memref<448xi32, #tpu.memory_space<vmem>>, vector<16xi32>,
    %add3A_1162 = arith.constant 1024 : i32
    %add3A_1163 = vector.broadcast %add3A_1162 : i32 to vector<16xi32>
    %add3A_1164 = arith.addi %gather3A_1149, %add3A_1163 : vector<16xi32>
    %swap3A_1165 = arith.constant 80 : index
    %swap3A_1166 = tpu.vector_load %arg15[%swap3A_1165] {strides = array<i32>} : memref<448xi32, #tpu.memory_space<vmem>>, vector<16xi32>,
    tpu.vector_store %arg15[%swap3A_1165], %add3A_1164 {strides = array<i32>} : memref<448xi32, #tpu.memory_space<vmem>>, vector<16xi32>,
    %add3A_1167 = arith.constant 2048 : i32
    %add3A_1168 = vector.broadcast %add3A_1167 : i32 to vector<16xi32>
    %add3A_1169 = arith.addi %gather3A_1153, %add3A_1168 : vector<16xi32>
    %swap3A_1170 = arith.constant 144 : index
    %swap3A_1171 = tpu.vector_load %arg15[%swap3A_1170] {strides = array<i32>} : memref<448xi32, #tpu.memory_space<vmem>>, vector<16xi32>,
    tpu.vector_store %arg15[%swap3A_1170], %add3A_1169 {strides = array<i32>} : memref<448xi32, #tpu.memory_space<vmem>>, vector<16xi32>,
    %add3A_1172 = arith.constant 3072 : i32
    %add3A_1173 = vector.broadcast %add3A_1172 : i32 to vector<16xi32>
    %add3A_1174 = arith.addi %gather3A_1157, %add3A_1173 : vector<16xi32>
    %swap3A_1175 = arith.constant 208 : index
    %swap3A_1176 = tpu.vector_load %arg15[%swap3A_1175] {strides = array<i32>} : memref<448xi32, #tpu.memory_space<vmem>>, vector<16xi32>,
    tpu.vector_store %arg15[%swap3A_1175], %add3A_1174 {strides = array<i32>} : memref<448xi32, #tpu.memory_space<vmem>>, vector<16xi32>,
    %sub3A_1177 = arith.subi %gather3A_1157, %gather3A_1149 : vector<16xi32>
    %add3A_1178 = arith.constant 4096 : i32
    %add3A_1179 = vector.broadcast %add3A_1178 : i32 to vector<16xi32>
    %add3A_1180 = arith.addi %sub3A_1177, %add3A_1179 : vector<16xi32>
    %swap3A_1181 = arith.constant 272 : index
    %swap3A_1182 = tpu.vector_load %arg15[%swap3A_1181] {strides = array<i32>} : memref<448xi32, #tpu.memory_space<vmem>>, vector<16xi32>,
    tpu.vector_store %arg15[%swap3A_1181], %add3A_1180 {strides = array<i32>} : memref<448xi32, #tpu.memory_space<vmem>>, vector<16xi32>,
    %sub3A_1183 = arith.subi %gather3A_1153, %gather3A_1145 : vector<16xi32>
    %add3A_1184 = arith.constant 5120 : i32
    %add3A_1185 = vector.broadcast %add3A_1184 : i32 to vector<16xi32>
    %add3A_1186 = arith.addi %sub3A_1183, %add3A_1185 : vector<16xi32>
    %swap3A_1187 = arith.constant 336 : index
    %swap3A_1188 = tpu.vector_load %arg15[%swap3A_1187] {strides = array<i32>} : memref<448xi32, #tpu.memory_space<vmem>>, vector<16xi32>,
    tpu.vector_store %arg15[%swap3A_1187], %add3A_1186 {strides = array<i32>} : memref<448xi32, #tpu.memory_space<vmem>>, vector<16xi32>,
    %add3A_1189 = arith.constant 6144 : i32
    %add3A_1190 = vector.broadcast %add3A_1189 : i32 to vector<16xi32>
    %add3A_1191 = arith.addi %get3A_1159, %add3A_1190 : vector<16xi32>
    %swap3A_1192 = arith.constant 400 : index
    %swap3A_1193 = tpu.vector_load %arg15[%swap3A_1192] {strides = array<i32>} : memref<448xi32, #tpu.memory_space<vmem>>, vector<16xi32>,
    tpu.vector_store %arg15[%swap3A_1192], %add3A_1191 {strides = array<i32>} : memref<448xi32, #tpu.memory_space<vmem>>, vector<16xi32>,
    %iota3A_1194 = tpu.iota {dimensions = array<i32: 0>} : vector<16xi32>
    %add3A_1195 = arith.constant 32 : i32
    %add3A_1196 = vector.broadcast %add3A_1195 : i32 to vector<16xi32>
    %add3A_1197 = arith.addi %iota3A_1194, %add3A_1196 : vector<16xi32>
    %mul3A_1198 = arith.constant 4 : i32
    %mul3A_1199 = vector.broadcast %mul3A_1198 : i32 to vector<16xi32>
    %mul3A_1200 = arith.muli %add3A_1197, %mul3A_1199 : vector<16xi32>
    %gather3A_1201 = tpu.vector_load_idx %arg11[%mul3A_1200] : memref<256xi32, #tpu.memory_space<vmem>>[vector<16xi32>], vector<16xi32>,
    %add3A_1202 = arith.constant 1 : i32
    %add3A_1203 = vector.broadcast %add3A_1202 : i32 to vector<16xi32>
    %add3A_1204 = arith.addi %mul3A_1200, %add3A_1203 : vector<16xi32>
    %gather3A_1205 = tpu.vector_load_idx %arg11[%add3A_1204] : memref<256xi32, #tpu.memory_space<vmem>>[vector<16xi32>], vector<16xi32>,
    %add3A_1206 = arith.constant 2 : i32
    %add3A_1207 = vector.broadcast %add3A_1206 : i32 to vector<16xi32>
    %add3A_1208 = arith.addi %mul3A_1200, %add3A_1207 : vector<16xi32>
    %gather3A_1209 = tpu.vector_load_idx %arg11[%add3A_1208] : memref<256xi32, #tpu.memory_space<vmem>>[vector<16xi32>], vector<16xi32>,
    %add3A_1210 = arith.constant 3 : i32
    %add3A_1211 = vector.broadcast %add3A_1210 : i32 to vector<16xi32>
    %add3A_1212 = arith.addi %mul3A_1200, %add3A_1211 : vector<16xi32>
    %gather3A_1213 = tpu.vector_load_idx %arg11[%add3A_1212] : memref<256xi32, #tpu.memory_space<vmem>>[vector<16xi32>], vector<16xi32>,
    %get3A_1214 = arith.constant 32 : index
    %get3A_1215 = tpu.vector_load %arg13[%get3A_1214] {strides = array<i32>} : memref<64xi32, #tpu.memory_space<vmem>>, vector<16xi32>,
    %swap3A_1216 = arith.constant 32 : index
    %swap3A_1217 = tpu.vector_load %arg15[%swap3A_1216] {strides = array<i32>} : memref<448xi32, #tpu.memory_space<vmem>>, vector<16xi32>,
    tpu.vector_store %arg15[%swap3A_1216], %gather3A_1201 {strides = array<i32>} : memref<448xi32, #tpu.memory_space<vmem>>, vector<16xi32>,
    %add3A_1218 = arith.constant 1024 : i32
    %add3A_1219 = vector.broadcast %add3A_1218 : i32 to vector<16xi32>
    %add3A_1220 = arith.addi %gather3A_1205, %add3A_1219 : vector<16xi32>
    %swap3A_1221 = arith.constant 96 : index
    %swap3A_1222 = tpu.vector_load %arg15[%swap3A_1221] {strides = array<i32>} : memref<448xi32, #tpu.memory_space<vmem>>, vector<16xi32>,
    tpu.vector_store %arg15[%swap3A_1221], %add3A_1220 {strides = array<i32>} : memref<448xi32, #tpu.memory_space<vmem>>, vector<16xi32>,
    %add3A_1223 = arith.constant 2048 : i32
    %add3A_1224 = vector.broadcast %add3A_1223 : i32 to vector<16xi32>
    %add3A_1225 = arith.addi %gather3A_1209, %add3A_1224 : vector<16xi32>
    %swap3A_1226 = arith.constant 160 : index
    %swap3A_1227 = tpu.vector_load %arg15[%swap3A_1226] {strides = array<i32>} : memref<448xi32, #tpu.memory_space<vmem>>, vector<16xi32>,
    tpu.vector_store %arg15[%swap3A_1226], %add3A_1225 {strides = array<i32>} : memref<448xi32, #tpu.memory_space<vmem>>, vector<16xi32>,
    %add3A_1228 = arith.constant 3072 : i32
    %add3A_1229 = vector.broadcast %add3A_1228 : i32 to vector<16xi32>
    %add3A_1230 = arith.addi %gather3A_1213, %add3A_1229 : vector<16xi32>
    %swap3A_1231 = arith.constant 224 : index
    %swap3A_1232 = tpu.vector_load %arg15[%swap3A_1231] {strides = array<i32>} : memref<448xi32, #tpu.memory_space<vmem>>, vector<16xi32>,
    tpu.vector_store %arg15[%swap3A_1231], %add3A_1230 {strides = array<i32>} : memref<448xi32, #tpu.memory_space<vmem>>, vector<16xi32>,
    %sub3A_1233 = arith.subi %gather3A_1213, %gather3A_1205 : vector<16xi32>
    %add3A_1234 = arith.constant 4096 : i32
    %add3A_1235 = vector.broadcast %add3A_1234 : i32 to vector<16xi32>
    %add3A_1236 = arith.addi %sub3A_1233, %add3A_1235 : vector<16xi32>
    %swap3A_1237 = arith.constant 288 : index
    %swap3A_1238 = tpu.vector_load %arg15[%swap3A_1237] {strides = array<i32>} : memref<448xi32, #tpu.memory_space<vmem>>, vector<16xi32>,
    tpu.vector_store %arg15[%swap3A_1237], %add3A_1236 {strides = array<i32>} : memref<448xi32, #tpu.memory_space<vmem>>, vector<16xi32>,
    %sub3A_1239 = arith.subi %gather3A_1209, %gather3A_1201 : vector<16xi32>
    %add3A_1240 = arith.constant 5120 : i32
    %add3A_1241 = vector.broadcast %add3A_1240 : i32 to vector<16xi32>
    %add3A_1242 = arith.addi %sub3A_1239, %add3A_1241 : vector<16xi32>
    %swap3A_1243 = arith.constant 352 : index
    %swap3A_1244 = tpu.vector_load %arg15[%swap3A_1243] {strides = array<i32>} : memref<448xi32, #tpu.memory_space<vmem>>, vector<16xi32>,
    tpu.vector_store %arg15[%swap3A_1243], %add3A_1242 {strides = array<i32>} : memref<448xi32, #tpu.memory_space<vmem>>, vector<16xi32>,
    %add3A_1245 = arith.constant 6144 : i32
    %add3A_1246 = vector.broadcast %add3A_1245 : i32 to vector<16xi32>
    %add3A_1247 = arith.addi %get3A_1215, %add3A_1246 : vector<16xi32>
    %swap3A_1248 = arith.constant 416 : index
    %swap3A_1249 = tpu.vector_load %arg15[%swap3A_1248] {strides = array<i32>} : memref<448xi32, #tpu.memory_space<vmem>>, vector<16xi32>,
    tpu.vector_store %arg15[%swap3A_1248], %add3A_1247 {strides = array<i32>} : memref<448xi32, #tpu.memory_space<vmem>>, vector<16xi32>,
    %iota3A_1250 = tpu.iota {dimensions = array<i32: 0>} : vector<16xi32>
    %add3A_1251 = arith.constant 48 : i32
    %add3A_1252 = vector.broadcast %add3A_1251 : i32 to vector<16xi32>
    %add3A_1253 = arith.addi %iota3A_1250, %add3A_1252 : vector<16xi32>
    %mul3A_1254 = arith.constant 4 : i32
    %mul3A_1255 = vector.broadcast %mul3A_1254 : i32 to vector<16xi32>
    %mul3A_1256 = arith.muli %add3A_1253, %mul3A_1255 : vector<16xi32>
    %gather3A_1257 = tpu.vector_load_idx %arg11[%mul3A_1256] : memref<256xi32, #tpu.memory_space<vmem>>[vector<16xi32>], vector<16xi32>,
    %add3A_1258 = arith.constant 1 : i32
    %add3A_1259 = vector.broadcast %add3A_1258 : i32 to vector<16xi32>
    %add3A_1260 = arith.addi %mul3A_1256, %add3A_1259 : vector<16xi32>
    %gather3A_1261 = tpu.vector_load_idx %arg11[%add3A_1260] : memref<256xi32, #tpu.memory_space<vmem>>[vector<16xi32>], vector<16xi32>,
    %add3A_1262 = arith.constant 2 : i32
    %add3A_1263 = vector.broadcast %add3A_1262 : i32 to vector<16xi32>
    %add3A_1264 = arith.addi %mul3A_1256, %add3A_1263 : vector<16xi32>
    %gather3A_1265 = tpu.vector_load_idx %arg11[%add3A_1264] : memref<256xi32, #tpu.memory_space<vmem>>[vector<16xi32>], vector<16xi32>,
    %add3A_1266 = arith.constant 3 : i32
    %add3A_1267 = vector.broadcast %add3A_1266 : i32 to vector<16xi32>
    %add3A_1268 = arith.addi %mul3A_1256, %add3A_1267 : vector<16xi32>
    %gather3A_1269 = tpu.vector_load_idx %arg11[%add3A_1268] : memref<256xi32, #tpu.memory_space<vmem>>[vector<16xi32>], vector<16xi32>,
    %get3A_1270 = arith.constant 48 : index
    %get3A_1271 = tpu.vector_load %arg13[%get3A_1270] {strides = array<i32>} : memref<64xi32, #tpu.memory_space<vmem>>, vector<16xi32>,
    %swap3A_1272 = arith.constant 48 : index
    %swap3A_1273 = tpu.vector_load %arg15[%swap3A_1272] {strides = array<i32>} : memref<448xi32, #tpu.memory_space<vmem>>, vector<16xi32>,
    tpu.vector_store %arg15[%swap3A_1272], %gather3A_1257 {strides = array<i32>} : memref<448xi32, #tpu.memory_space<vmem>>, vector<16xi32>,
    %add3A_1274 = arith.constant 1024 : i32
    %add3A_1275 = vector.broadcast %add3A_1274 : i32 to vector<16xi32>
    %add3A_1276 = arith.addi %gather3A_1261, %add3A_1275 : vector<16xi32>
    %swap3A_1277 = arith.constant 112 : index
    %swap3A_1278 = tpu.vector_load %arg15[%swap3A_1277] {strides = array<i32>} : memref<448xi32, #tpu.memory_space<vmem>>, vector<16xi32>,
    tpu.vector_store %arg15[%swap3A_1277], %add3A_1276 {strides = array<i32>} : memref<448xi32, #tpu.memory_space<vmem>>, vector<16xi32>,
    %add3A_1279 = arith.constant 2048 : i32
    %add3A_1280 = vector.broadcast %add3A_1279 : i32 to vector<16xi32>
    %add3A_1281 = arith.addi %gather3A_1265, %add3A_1280 : vector<16xi32>
    %swap3A_1282 = arith.constant 176 : index
    %swap3A_1283 = tpu.vector_load %arg15[%swap3A_1282] {strides = array<i32>} : memref<448xi32, #tpu.memory_space<vmem>>, vector<16xi32>,
    tpu.vector_store %arg15[%swap3A_1282], %add3A_1281 {strides = array<i32>} : memref<448xi32, #tpu.memory_space<vmem>>, vector<16xi32>,
    %add3A_1284 = arith.constant 3072 : i32
    %add3A_1285 = vector.broadcast %add3A_1284 : i32 to vector<16xi32>
    %add3A_1286 = arith.addi %gather3A_1269, %add3A_1285 : vector<16xi32>
    %swap3A_1287 = arith.constant 240 : index
    %swap3A_1288 = tpu.vector_load %arg15[%swap3A_1287] {strides = array<i32>} : memref<448xi32, #tpu.memory_space<vmem>>, vector<16xi32>,
    tpu.vector_store %arg15[%swap3A_1287], %add3A_1286 {strides = array<i32>} : memref<448xi32, #tpu.memory_space<vmem>>, vector<16xi32>,
    %sub3A_1289 = arith.subi %gather3A_1269, %gather3A_1261 : vector<16xi32>
    %add3A_1290 = arith.constant 4096 : i32
    %add3A_1291 = vector.broadcast %add3A_1290 : i32 to vector<16xi32>
    %add3A_1292 = arith.addi %sub3A_1289, %add3A_1291 : vector<16xi32>
    %swap3A_1293 = arith.constant 304 : index
    %swap3A_1294 = tpu.vector_load %arg15[%swap3A_1293] {strides = array<i32>} : memref<448xi32, #tpu.memory_space<vmem>>, vector<16xi32>,
    tpu.vector_store %arg15[%swap3A_1293], %add3A_1292 {strides = array<i32>} : memref<448xi32, #tpu.memory_space<vmem>>, vector<16xi32>,
    %sub3A_1295 = arith.subi %gather3A_1265, %gather3A_1257 : vector<16xi32>
    %add3A_1296 = arith.constant 5120 : i32
    %add3A_1297 = vector.broadcast %add3A_1296 : i32 to vector<16xi32>
    %add3A_1298 = arith.addi %sub3A_1295, %add3A_1297 : vector<16xi32>
    %swap3A_1299 = arith.constant 368 : index
    %swap3A_1300 = tpu.vector_load %arg15[%swap3A_1299] {strides = array<i32>} : memref<448xi32, #tpu.memory_space<vmem>>, vector<16xi32>,
    tpu.vector_store %arg15[%swap3A_1299], %add3A_1298 {strides = array<i32>} : memref<448xi32, #tpu.memory_space<vmem>>, vector<16xi32>,
    %add3A_1301 = arith.constant 6144 : i32
    %add3A_1302 = vector.broadcast %add3A_1301 : i32 to vector<16xi32>
    %add3A_1303 = arith.addi %get3A_1271, %add3A_1302 : vector<16xi32>
    %swap3A_1304 = arith.constant 432 : index
    %swap3A_1305 = tpu.vector_load %arg15[%swap3A_1304] {strides = array<i32>} : memref<448xi32, #tpu.memory_space<vmem>>, vector<16xi32>,
    tpu.vector_store %arg15[%swap3A_1304], %add3A_1303 {strides = array<i32>} : memref<448xi32, #tpu.memory_space<vmem>>, vector<16xi32>,
    %broadcast_in_dim3A_1306 = arith.constant 0.000000e+00 : f32
    %broadcast_in_dim3A_1307 = vector.broadcast %broadcast_in_dim3A_1306 : f32 to vector<16xf32>
    %scan3A_1308 = arith.constant 0 : i32
    %scan3A_1309 = arith.constant 0 : i32
    %scan3A_1310 = arith.constant 64 : i32
    %scan3A_1311 = arith.addi %scan3A_1309, %scan3A_1310 : i32
    %scan3A_1312 = arith.constant 1 : i32
    scf.for %scan3A_1544 = %scan3A_1309 to %scan3A_1311 step %scan3A_1312  : i32 {
      %swap3A_1545 = arith.index_cast %scan3A_1544 : i32 to index
      %swap3A_1546 = arith.constant 0 : index
      %swap3A_1547 = tpu.vector_load %arg17[%swap3A_1545, %swap3A_1546] {strides = array<i32>} : memref<64x128xf32, #tpu.memory_space<vmem>>, vector<16xf32>,
      tpu.vector_store %arg17[%swap3A_1545, %swap3A_1546], %broadcast_in_dim3A_1307 {strides = array<i32>} : memref<64x128xf32, #tpu.memory_space<vmem>>, vector<16xf32>,
      %swap3A_1548 = arith.index_cast %scan3A_1544 : i32 to index
      %swap3A_1549 = arith.constant 16 : index
      %swap3A_1550 = tpu.vector_load %arg17[%swap3A_1548, %swap3A_1549] {strides = array<i32>} : memref<64x128xf32, #tpu.memory_space<vmem>>, vector<16xf32>,
      tpu.vector_store %arg17[%swap3A_1548, %swap3A_1549], %broadcast_in_dim3A_1307 {strides = array<i32>} : memref<64x128xf32, #tpu.memory_space<vmem>>, vector<16xf32>,
      %swap3A_1551 = arith.index_cast %scan3A_1544 : i32 to index
      %swap3A_1552 = arith.constant 32 : index
      %swap3A_1553 = tpu.vector_load %arg17[%swap3A_1551, %swap3A_1552] {strides = array<i32>} : memref<64x128xf32, #tpu.memory_space<vmem>>, vector<16xf32>,
      tpu.vector_store %arg17[%swap3A_1551, %swap3A_1552], %broadcast_in_dim3A_1307 {strides = array<i32>} : memref<64x128xf32, #tpu.memory_space<vmem>>, vector<16xf32>,
      %swap3A_1554 = arith.index_cast %scan3A_1544 : i32 to index
      %swap3A_1555 = arith.constant 48 : index
      %swap3A_1556 = tpu.vector_load %arg17[%swap3A_1554, %swap3A_1555] {strides = array<i32>} : memref<64x128xf32, #tpu.memory_space<vmem>>, vector<16xf32>,
      tpu.vector_store %arg17[%swap3A_1554, %swap3A_1555], %broadcast_in_dim3A_1307 {strides = array<i32>} : memref<64x128xf32, #tpu.memory_space<vmem>>, vector<16xf32>,
      %swap3A_1557 = arith.index_cast %scan3A_1544 : i32 to index
      %swap3A_1558 = arith.constant 64 : index
      %swap3A_1559 = tpu.vector_load %arg17[%swap3A_1557, %swap3A_1558] {strides = array<i32>} : memref<64x128xf32, #tpu.memory_space<vmem>>, vector<16xf32>,
      tpu.vector_store %arg17[%swap3A_1557, %swap3A_1558], %broadcast_in_dim3A_1307 {strides = array<i32>} : memref<64x128xf32, #tpu.memory_space<vmem>>, vector<16xf32>,
      %swap3A_1560 = arith.index_cast %scan3A_1544 : i32 to index
      %swap3A_1561 = arith.constant 80 : index
      %swap3A_1562 = tpu.vector_load %arg17[%swap3A_1560, %swap3A_1561] {strides = array<i32>} : memref<64x128xf32, #tpu.memory_space<vmem>>, vector<16xf32>,
      tpu.vector_store %arg17[%swap3A_1560, %swap3A_1561], %broadcast_in_dim3A_1307 {strides = array<i32>} : memref<64x128xf32, #tpu.memory_space<vmem>>, vector<16xf32>,
      %swap3A_1563 = arith.index_cast %scan3A_1544 : i32 to index
      %swap3A_1564 = arith.constant 96 : index
      %swap3A_1565 = tpu.vector_load %arg17[%swap3A_1563, %swap3A_1564] {strides = array<i32>} : memref<64x128xf32, #tpu.memory_space<vmem>>, vector<16xf32>,
      tpu.vector_store %arg17[%swap3A_1563, %swap3A_1564], %broadcast_in_dim3A_1307 {strides = array<i32>} : memref<64x128xf32, #tpu.memory_space<vmem>>, vector<16xf32>,
      %swap3A_1566 = arith.index_cast %scan3A_1544 : i32 to index
      %swap3A_1567 = arith.constant 112 : index
      %swap3A_1568 = tpu.vector_load %arg17[%swap3A_1566, %swap3A_1567] {strides = array<i32>} : memref<64x128xf32, #tpu.memory_space<vmem>>, vector<16xf32>,
      tpu.vector_store %arg17[%swap3A_1566, %swap3A_1567], %broadcast_in_dim3A_1307 {strides = array<i32>} : memref<64x128xf32, #tpu.memory_space<vmem>>, vector<16xf32>,
      %swap3A_1569 = arith.index_cast %scan3A_1544 : i32 to index
      %swap3A_1570 = arith.constant 0 : index
      %swap3A_1571 = tpu.vector_load %arg19[%swap3A_1569, %swap3A_1570] {strides = array<i32>} : memref<64x128xf32, #tpu.memory_space<vmem>>, vector<16xf32>,
      tpu.vector_store %arg19[%swap3A_1569, %swap3A_1570], %broadcast_in_dim3A_1307 {strides = array<i32>} : memref<64x128xf32, #tpu.memory_space<vmem>>, vector<16xf32>,
      %swap3A_1572 = arith.index_cast %scan3A_1544 : i32 to index
      %swap3A_1573 = arith.constant 16 : index
      %swap3A_1574 = tpu.vector_load %arg19[%swap3A_1572, %swap3A_1573] {strides = array<i32>} : memref<64x128xf32, #tpu.memory_space<vmem>>, vector<16xf32>,
      tpu.vector_store %arg19[%swap3A_1572, %swap3A_1573], %broadcast_in_dim3A_1307 {strides = array<i32>} : memref<64x128xf32, #tpu.memory_space<vmem>>, vector<16xf32>,
      %swap3A_1575 = arith.index_cast %scan3A_1544 : i32 to index
      %swap3A_1576 = arith.constant 32 : index
      %swap3A_1577 = tpu.vector_load %arg19[%swap3A_1575, %swap3A_1576] {strides = array<i32>} : memref<64x128xf32, #tpu.memory_space<vmem>>, vector<16xf32>,
      tpu.vector_store %arg19[%swap3A_1575, %swap3A_1576], %broadcast_in_dim3A_1307 {strides = array<i32>} : memref<64x128xf32, #tpu.memory_space<vmem>>, vector<16xf32>,
      %swap3A_1578 = arith.index_cast %scan3A_1544 : i32 to index
      %swap3A_1579 = arith.constant 48 : index
      %swap3A_1580 = tpu.vector_load %arg19[%swap3A_1578, %swap3A_1579] {strides = array<i32>} : memref<64x128xf32, #tpu.memory_space<vmem>>, vector<16xf32>,
      tpu.vector_store %arg19[%swap3A_1578, %swap3A_1579], %broadcast_in_dim3A_1307 {strides = array<i32>} : memref<64x128xf32, #tpu.memory_space<vmem>>, vector<16xf32>,
    }
    %scan3A_1313 = arith.constant 64 : i32
    %dma_start3A_1314 = arith.constant 0 : i32
    %dma_start3A_1315 = tpu.memref_slice %arg15[%dma_start3A_1314] : memref<448xi32, #tpu.memory_space<vmem>> -> memref<64xi32, #tpu.memory_space<vmem>>
    %dma_start3A_1316 = arith.constant 0 : i32
    %dma_start3A_1317 = arith.constant 0 : i32
    %dma_start3A_1318 = tpu.memref_slice %arg2[%dma_start3A_1316, %dma_start3A_1317] : memref<8192x128xf32, #tpu.memory_space<hbm>> -> memref<8192x128xf32, #tpu.memory_space<hbm>>
    tpu.enqueue_indirect_dma source(%dma_start3A_1318 : memref<8192x128xf32, #tpu.memory_space<hbm>>) target(%arg17 : memref<64x128xf32, #tpu.memory_space<vmem>>) offsets(%dma_start3A_1315 : memref<64xi32, #tpu.memory_space<vmem>>) semaphore(%arg25 : memref<!tpu.dma_semaphore, #tpu.memory_space<semaphore_mem>>) {add = true}
    %dma_start3A_1319 = arith.constant 0 : i32
    %dma_start3A_1320 = tpu.memref_slice %arg15[%dma_start3A_1319] : memref<448xi32, #tpu.memory_space<vmem>> -> memref<64xi32, #tpu.memory_space<vmem>>
    %dma_start3A_1321 = arith.constant 0 : i32
    %dma_start3A_1322 = arith.constant 0 : i32
    %dma_start3A_1323 = tpu.memref_slice %arg3[%dma_start3A_1321, %dma_start3A_1322] : memref<8192x128xf32, #tpu.memory_space<hbm>> -> memref<8192x128xf32, #tpu.memory_space<hbm>>
    tpu.enqueue_indirect_dma source(%dma_start3A_1323 : memref<8192x128xf32, #tpu.memory_space<hbm>>) target(%arg19 : memref<64x128xf32, #tpu.memory_space<vmem>>) offsets(%dma_start3A_1320 : memref<64xi32, #tpu.memory_space<vmem>>) semaphore(%arg25 : memref<!tpu.dma_semaphore, #tpu.memory_space<semaphore_mem>>) {add = true}
    %dma_start3A_1324 = arith.constant 64 : i32
    %dma_start3A_1325 = tpu.memref_slice %arg15[%dma_start3A_1324] : memref<448xi32, #tpu.memory_space<vmem>> -> memref<64xi32, #tpu.memory_space<vmem>>
    %dma_start3A_1326 = arith.constant 0 : i32
    %dma_start3A_1327 = arith.constant 0 : i32
    %dma_start3A_1328 = tpu.memref_slice %arg2[%dma_start3A_1326, %dma_start3A_1327] : memref<8192x128xf32, #tpu.memory_space<hbm>> -> memref<8192x128xf32, #tpu.memory_space<hbm>>
    tpu.enqueue_indirect_dma source(%dma_start3A_1328 : memref<8192x128xf32, #tpu.memory_space<hbm>>) target(%arg17 : memref<64x128xf32, #tpu.memory_space<vmem>>) offsets(%dma_start3A_1325 : memref<64xi32, #tpu.memory_space<vmem>>) semaphore(%arg25 : memref<!tpu.dma_semaphore, #tpu.memory_space<semaphore_mem>>) {add = true}
    %dma_start3A_1329 = arith.constant 64 : i32
    %dma_start3A_1330 = tpu.memref_slice %arg15[%dma_start3A_1329] : memref<448xi32, #tpu.memory_space<vmem>> -> memref<64xi32, #tpu.memory_space<vmem>>
    %dma_start3A_1331 = arith.constant 0 : i32
    %dma_start3A_1332 = arith.constant 0 : i32
    %dma_start3A_1333 = tpu.memref_slice %arg3[%dma_start3A_1331, %dma_start3A_1332] : memref<8192x128xf32, #tpu.memory_space<hbm>> -> memref<8192x128xf32, #tpu.memory_space<hbm>>
    tpu.enqueue_indirect_dma source(%dma_start3A_1333 : memref<8192x128xf32, #tpu.memory_space<hbm>>) target(%arg19 : memref<64x128xf32, #tpu.memory_space<vmem>>) offsets(%dma_start3A_1330 : memref<64xi32, #tpu.memory_space<vmem>>) semaphore(%arg25 : memref<!tpu.dma_semaphore, #tpu.memory_space<semaphore_mem>>) {add = true}
    %dma_start3A_1334 = arith.constant 128 : i32
    %dma_start3A_1335 = tpu.memref_slice %arg15[%dma_start3A_1334] : memref<448xi32, #tpu.memory_space<vmem>> -> memref<64xi32, #tpu.memory_space<vmem>>
    %dma_start3A_1336 = arith.constant 0 : i32
    %dma_start3A_1337 = arith.constant 0 : i32
    %dma_start3A_1338 = tpu.memref_slice %arg2[%dma_start3A_1336, %dma_start3A_1337] : memref<8192x128xf32, #tpu.memory_space<hbm>> -> memref<8192x128xf32, #tpu.memory_space<hbm>>
    tpu.enqueue_indirect_dma source(%dma_start3A_1338 : memref<8192x128xf32, #tpu.memory_space<hbm>>) target(%arg17 : memref<64x128xf32, #tpu.memory_space<vmem>>) offsets(%dma_start3A_1335 : memref<64xi32, #tpu.memory_space<vmem>>) semaphore(%arg25 : memref<!tpu.dma_semaphore, #tpu.memory_space<semaphore_mem>>) {add = true}
    %dma_start3A_1339 = arith.constant 128 : i32
    %dma_start3A_1340 = tpu.memref_slice %arg15[%dma_start3A_1339] : memref<448xi32, #tpu.memory_space<vmem>> -> memref<64xi32, #tpu.memory_space<vmem>>
    %dma_start3A_1341 = arith.constant 0 : i32
    %dma_start3A_1342 = arith.constant 0 : i32
    %dma_start3A_1343 = tpu.memref_slice %arg3[%dma_start3A_1341, %dma_start3A_1342] : memref<8192x128xf32, #tpu.memory_space<hbm>> -> memref<8192x128xf32, #tpu.memory_space<hbm>>
    tpu.enqueue_indirect_dma source(%dma_start3A_1343 : memref<8192x128xf32, #tpu.memory_space<hbm>>) target(%arg19 : memref<64x128xf32, #tpu.memory_space<vmem>>) offsets(%dma_start3A_1340 : memref<64xi32, #tpu.memory_space<vmem>>) semaphore(%arg25 : memref<!tpu.dma_semaphore, #tpu.memory_space<semaphore_mem>>) {add = true}
    %dma_start3A_1344 = arith.constant 192 : i32
    %dma_start3A_1345 = tpu.memref_slice %arg15[%dma_start3A_1344] : memref<448xi32, #tpu.memory_space<vmem>> -> memref<64xi32, #tpu.memory_space<vmem>>
    %dma_start3A_1346 = arith.constant 0 : i32
    %dma_start3A_1347 = arith.constant 0 : i32
    %dma_start3A_1348 = tpu.memref_slice %arg2[%dma_start3A_1346, %dma_start3A_1347] : memref<8192x128xf32, #tpu.memory_space<hbm>> -> memref<8192x128xf32, #tpu.memory_space<hbm>>
    tpu.enqueue_indirect_dma source(%dma_start3A_1348 : memref<8192x128xf32, #tpu.memory_space<hbm>>) target(%arg17 : memref<64x128xf32, #tpu.memory_space<vmem>>) offsets(%dma_start3A_1345 : memref<64xi32, #tpu.memory_space<vmem>>) semaphore(%arg25 : memref<!tpu.dma_semaphore, #tpu.memory_space<semaphore_mem>>) {add = true}
    %dma_start3A_1349 = arith.constant 192 : i32
    %dma_start3A_1350 = tpu.memref_slice %arg15[%dma_start3A_1349] : memref<448xi32, #tpu.memory_space<vmem>> -> memref<64xi32, #tpu.memory_space<vmem>>
    %dma_start3A_1351 = arith.constant 0 : i32
    %dma_start3A_1352 = arith.constant 0 : i32
    %dma_start3A_1353 = tpu.memref_slice %arg3[%dma_start3A_1351, %dma_start3A_1352] : memref<8192x128xf32, #tpu.memory_space<hbm>> -> memref<8192x128xf32, #tpu.memory_space<hbm>>
    tpu.enqueue_indirect_dma source(%dma_start3A_1353 : memref<8192x128xf32, #tpu.memory_space<hbm>>) target(%arg19 : memref<64x128xf32, #tpu.memory_space<vmem>>) offsets(%dma_start3A_1350 : memref<64xi32, #tpu.memory_space<vmem>>) semaphore(%arg25 : memref<!tpu.dma_semaphore, #tpu.memory_space<semaphore_mem>>) {add = true}
    %dma_start3A_1354 = arith.constant 256 : i32
    %dma_start3A_1355 = tpu.memref_slice %arg15[%dma_start3A_1354] : memref<448xi32, #tpu.memory_space<vmem>> -> memref<64xi32, #tpu.memory_space<vmem>>
    %dma_start3A_1356 = arith.constant 0 : i32
    %dma_start3A_1357 = arith.constant 0 : i32
    %dma_start3A_1358 = tpu.memref_slice %arg2[%dma_start3A_1356, %dma_start3A_1357] : memref<8192x128xf32, #tpu.memory_space<hbm>> -> memref<8192x128xf32, #tpu.memory_space<hbm>>
    tpu.enqueue_indirect_dma source(%dma_start3A_1358 : memref<8192x128xf32, #tpu.memory_space<hbm>>) target(%arg17 : memref<64x128xf32, #tpu.memory_space<vmem>>) offsets(%dma_start3A_1355 : memref<64xi32, #tpu.memory_space<vmem>>) semaphore(%arg25 : memref<!tpu.dma_semaphore, #tpu.memory_space<semaphore_mem>>) {add = true}
    %dma_start3A_1359 = arith.constant 256 : i32
    %dma_start3A_1360 = tpu.memref_slice %arg15[%dma_start3A_1359] : memref<448xi32, #tpu.memory_space<vmem>> -> memref<64xi32, #tpu.memory_space<vmem>>
    %dma_start3A_1361 = arith.constant 0 : i32
    %dma_start3A_1362 = arith.constant 0 : i32
    %dma_start3A_1363 = tpu.memref_slice %arg3[%dma_start3A_1361, %dma_start3A_1362] : memref<8192x128xf32, #tpu.memory_space<hbm>> -> memref<8192x128xf32, #tpu.memory_space<hbm>>
    tpu.enqueue_indirect_dma source(%dma_start3A_1363 : memref<8192x128xf32, #tpu.memory_space<hbm>>) target(%arg19 : memref<64x128xf32, #tpu.memory_space<vmem>>) offsets(%dma_start3A_1360 : memref<64xi32, #tpu.memory_space<vmem>>) semaphore(%arg25 : memref<!tpu.dma_semaphore, #tpu.memory_space<semaphore_mem>>) {add = true}
    %dma_start3A_1364 = arith.constant 320 : i32
    %dma_start3A_1365 = tpu.memref_slice %arg15[%dma_start3A_1364] : memref<448xi32, #tpu.memory_space<vmem>> -> memref<64xi32, #tpu.memory_space<vmem>>
    %dma_start3A_1366 = arith.constant 0 : i32
    %dma_start3A_1367 = arith.constant 0 : i32
    %dma_start3A_1368 = tpu.memref_slice %arg2[%dma_start3A_1366, %dma_start3A_1367] : memref<8192x128xf32, #tpu.memory_space<hbm>> -> memref<8192x128xf32, #tpu.memory_space<hbm>>
    tpu.enqueue_indirect_dma source(%dma_start3A_1368 : memref<8192x128xf32, #tpu.memory_space<hbm>>) target(%arg17 : memref<64x128xf32, #tpu.memory_space<vmem>>) offsets(%dma_start3A_1365 : memref<64xi32, #tpu.memory_space<vmem>>) semaphore(%arg25 : memref<!tpu.dma_semaphore, #tpu.memory_space<semaphore_mem>>) {add = true}
    %dma_start3A_1369 = arith.constant 320 : i32
    %dma_start3A_1370 = tpu.memref_slice %arg15[%dma_start3A_1369] : memref<448xi32, #tpu.memory_space<vmem>> -> memref<64xi32, #tpu.memory_space<vmem>>
    %dma_start3A_1371 = arith.constant 0 : i32
    %dma_start3A_1372 = arith.constant 0 : i32
    %dma_start3A_1373 = tpu.memref_slice %arg3[%dma_start3A_1371, %dma_start3A_1372] : memref<8192x128xf32, #tpu.memory_space<hbm>> -> memref<8192x128xf32, #tpu.memory_space<hbm>>
    tpu.enqueue_indirect_dma source(%dma_start3A_1373 : memref<8192x128xf32, #tpu.memory_space<hbm>>) target(%arg19 : memref<64x128xf32, #tpu.memory_space<vmem>>) offsets(%dma_start3A_1370 : memref<64xi32, #tpu.memory_space<vmem>>) semaphore(%arg25 : memref<!tpu.dma_semaphore, #tpu.memory_space<semaphore_mem>>) {add = true}
    %dma_start3A_1374 = arith.constant 384 : i32
    %dma_start3A_1375 = tpu.memref_slice %arg15[%dma_start3A_1374] : memref<448xi32, #tpu.memory_space<vmem>> -> memref<64xi32, #tpu.memory_space<vmem>>
    %dma_start3A_1376 = arith.constant 0 : i32
    %dma_start3A_1377 = arith.constant 0 : i32
    %dma_start3A_1378 = tpu.memref_slice %arg2[%dma_start3A_1376, %dma_start3A_1377] : memref<8192x128xf32, #tpu.memory_space<hbm>> -> memref<8192x128xf32, #tpu.memory_space<hbm>>
    tpu.enqueue_indirect_dma source(%dma_start3A_1378 : memref<8192x128xf32, #tpu.memory_space<hbm>>) target(%arg17 : memref<64x128xf32, #tpu.memory_space<vmem>>) offsets(%dma_start3A_1375 : memref<64xi32, #tpu.memory_space<vmem>>) semaphore(%arg25 : memref<!tpu.dma_semaphore, #tpu.memory_space<semaphore_mem>>) {add = true}
    %dma_start3A_1379 = arith.constant 384 : i32
    %dma_start3A_1380 = tpu.memref_slice %arg15[%dma_start3A_1379] : memref<448xi32, #tpu.memory_space<vmem>> -> memref<64xi32, #tpu.memory_space<vmem>>
    %dma_start3A_1381 = arith.constant 0 : i32
    %dma_start3A_1382 = arith.constant 0 : i32
    %dma_start3A_1383 = tpu.memref_slice %arg3[%dma_start3A_1381, %dma_start3A_1382] : memref<8192x128xf32, #tpu.memory_space<hbm>> -> memref<8192x128xf32, #tpu.memory_space<hbm>>
    tpu.enqueue_indirect_dma source(%dma_start3A_1383 : memref<8192x128xf32, #tpu.memory_space<hbm>>) target(%arg19 : memref<64x128xf32, #tpu.memory_space<vmem>>) offsets(%dma_start3A_1380 : memref<64xi32, #tpu.memory_space<vmem>>) semaphore(%arg25 : memref<!tpu.dma_semaphore, #tpu.memory_space<semaphore_mem>>) {add = true}
    %dma_wait3A_1384 = arith.constant 0 : i32
    %dma_wait3A_1385 = tpu.memref_slice %arg14[%dma_wait3A_1384] : memref<448xi32, #tpu.memory_space<vmem>> -> memref<64xi32, #tpu.memory_space<vmem>>
    %dma_wait3A_1386 = arith.constant 0 : i32
    %dma_wait3A_1387 = arith.constant 0 : i32
    %dma_wait3A_1388 = tpu.memref_slice %arg2[%dma_wait3A_1386, %dma_wait3A_1387] : memref<8192x128xf32, #tpu.memory_space<hbm>> -> memref<8192x128xf32, #tpu.memory_space<hbm>>
    tpu.wait_indirect_dma semaphore(%arg24 : memref<!tpu.dma_semaphore, #tpu.memory_space<semaphore_mem>>) src(%dma_wait3A_1388 : memref<8192x128xf32, #tpu.memory_space<hbm>>) dst(%arg16 : memref<64x128xf32, #tpu.memory_space<vmem>>)
    %dma_wait3A_1389 = arith.constant 0 : i32
    %dma_wait3A_1390 = tpu.memref_slice %arg14[%dma_wait3A_1389] : memref<448xi32, #tpu.memory_space<vmem>> -> memref<64xi32, #tpu.memory_space<vmem>>
    %dma_wait3A_1391 = arith.constant 0 : i32
    %dma_wait3A_1392 = arith.constant 0 : i32
    %dma_wait3A_1393 = tpu.memref_slice %arg3[%dma_wait3A_1391, %dma_wait3A_1392] : memref<8192x128xf32, #tpu.memory_space<hbm>> -> memref<8192x128xf32, #tpu.memory_space<hbm>>
    tpu.wait_indirect_dma semaphore(%arg24 : memref<!tpu.dma_semaphore, #tpu.memory_space<semaphore_mem>>) src(%dma_wait3A_1393 : memref<8192x128xf32, #tpu.memory_space<hbm>>) dst(%arg18 : memref<64x128xf32, #tpu.memory_space<vmem>>)
    %dma_wait3A_1394 = arith.constant 64 : i32
    %dma_wait3A_1395 = tpu.memref_slice %arg14[%dma_wait3A_1394] : memref<448xi32, #tpu.memory_space<vmem>> -> memref<64xi32, #tpu.memory_space<vmem>>
    %dma_wait3A_1396 = arith.constant 0 : i32
    %dma_wait3A_1397 = arith.constant 0 : i32
    %dma_wait3A_1398 = tpu.memref_slice %arg2[%dma_wait3A_1396, %dma_wait3A_1397] : memref<8192x128xf32, #tpu.memory_space<hbm>> -> memref<8192x128xf32, #tpu.memory_space<hbm>>
    tpu.wait_indirect_dma semaphore(%arg24 : memref<!tpu.dma_semaphore, #tpu.memory_space<semaphore_mem>>) src(%dma_wait3A_1398 : memref<8192x128xf32, #tpu.memory_space<hbm>>) dst(%arg16 : memref<64x128xf32, #tpu.memory_space<vmem>>)
    %dma_wait3A_1399 = arith.constant 64 : i32
    %dma_wait3A_1400 = tpu.memref_slice %arg14[%dma_wait3A_1399] : memref<448xi32, #tpu.memory_space<vmem>> -> memref<64xi32, #tpu.memory_space<vmem>>
    %dma_wait3A_1401 = arith.constant 0 : i32
    %dma_wait3A_1402 = arith.constant 0 : i32
    %dma_wait3A_1403 = tpu.memref_slice %arg3[%dma_wait3A_1401, %dma_wait3A_1402] : memref<8192x128xf32, #tpu.memory_space<hbm>> -> memref<8192x128xf32, #tpu.memory_space<hbm>>
    tpu.wait_indirect_dma semaphore(%arg24 : memref<!tpu.dma_semaphore, #tpu.memory_space<semaphore_mem>>) src(%dma_wait3A_1403 : memref<8192x128xf32, #tpu.memory_space<hbm>>) dst(%arg18 : memref<64x128xf32, #tpu.memory_space<vmem>>)
    %dma_wait3A_1404 = arith.constant 128 : i32
    %dma_wait3A_1405 = tpu.memref_slice %arg14[%dma_wait3A_1404] : memref<448xi32, #tpu.memory_space<vmem>> -> memref<64xi32, #tpu.memory_space<vmem>>
    %dma_wait3A_1406 = arith.constant 0 : i32
    %dma_wait3A_1407 = arith.constant 0 : i32
    %dma_wait3A_1408 = tpu.memref_slice %arg2[%dma_wait3A_1406, %dma_wait3A_1407] : memref<8192x128xf32, #tpu.memory_space<hbm>> -> memref<8192x128xf32, #tpu.memory_space<hbm>>
    tpu.wait_indirect_dma semaphore(%arg24 : memref<!tpu.dma_semaphore, #tpu.memory_space<semaphore_mem>>) src(%dma_wait3A_1408 : memref<8192x128xf32, #tpu.memory_space<hbm>>) dst(%arg16 : memref<64x128xf32, #tpu.memory_space<vmem>>)
    %dma_wait3A_1409 = arith.constant 128 : i32
    %dma_wait3A_1410 = tpu.memref_slice %arg14[%dma_wait3A_1409] : memref<448xi32, #tpu.memory_space<vmem>> -> memref<64xi32, #tpu.memory_space<vmem>>
    %dma_wait3A_1411 = arith.constant 0 : i32
    %dma_wait3A_1412 = arith.constant 0 : i32
    %dma_wait3A_1413 = tpu.memref_slice %arg3[%dma_wait3A_1411, %dma_wait3A_1412] : memref<8192x128xf32, #tpu.memory_space<hbm>> -> memref<8192x128xf32, #tpu.memory_space<hbm>>
    tpu.wait_indirect_dma semaphore(%arg24 : memref<!tpu.dma_semaphore, #tpu.memory_space<semaphore_mem>>) src(%dma_wait3A_1413 : memref<8192x128xf32, #tpu.memory_space<hbm>>) dst(%arg18 : memref<64x128xf32, #tpu.memory_space<vmem>>)
    %dma_wait3A_1414 = arith.constant 192 : i32
    %dma_wait3A_1415 = tpu.memref_slice %arg14[%dma_wait3A_1414] : memref<448xi32, #tpu.memory_space<vmem>> -> memref<64xi32, #tpu.memory_space<vmem>>
    %dma_wait3A_1416 = arith.constant 0 : i32
    %dma_wait3A_1417 = arith.constant 0 : i32
    %dma_wait3A_1418 = tpu.memref_slice %arg2[%dma_wait3A_1416, %dma_wait3A_1417] : memref<8192x128xf32, #tpu.memory_space<hbm>> -> memref<8192x128xf32, #tpu.memory_space<hbm>>
    tpu.wait_indirect_dma semaphore(%arg24 : memref<!tpu.dma_semaphore, #tpu.memory_space<semaphore_mem>>) src(%dma_wait3A_1418 : memref<8192x128xf32, #tpu.memory_space<hbm>>) dst(%arg16 : memref<64x128xf32, #tpu.memory_space<vmem>>)
    %dma_wait3A_1419 = arith.constant 192 : i32
    %dma_wait3A_1420 = tpu.memref_slice %arg14[%dma_wait3A_1419] : memref<448xi32, #tpu.memory_space<vmem>> -> memref<64xi32, #tpu.memory_space<vmem>>
    %dma_wait3A_1421 = arith.constant 0 : i32
    %dma_wait3A_1422 = arith.constant 0 : i32
    %dma_wait3A_1423 = tpu.memref_slice %arg3[%dma_wait3A_1421, %dma_wait3A_1422] : memref<8192x128xf32, #tpu.memory_space<hbm>> -> memref<8192x128xf32, #tpu.memory_space<hbm>>
    tpu.wait_indirect_dma semaphore(%arg24 : memref<!tpu.dma_semaphore, #tpu.memory_space<semaphore_mem>>) src(%dma_wait3A_1423 : memref<8192x128xf32, #tpu.memory_space<hbm>>) dst(%arg18 : memref<64x128xf32, #tpu.memory_space<vmem>>)
    %dma_wait3A_1424 = arith.constant 256 : i32
    %dma_wait3A_1425 = tpu.memref_slice %arg14[%dma_wait3A_1424] : memref<448xi32, #tpu.memory_space<vmem>> -> memref<64xi32, #tpu.memory_space<vmem>>
    %dma_wait3A_1426 = arith.constant 0 : i32
    %dma_wait3A_1427 = arith.constant 0 : i32
    %dma_wait3A_1428 = tpu.memref_slice %arg2[%dma_wait3A_1426, %dma_wait3A_1427] : memref<8192x128xf32, #tpu.memory_space<hbm>> -> memref<8192x128xf32, #tpu.memory_space<hbm>>
    tpu.wait_indirect_dma semaphore(%arg24 : memref<!tpu.dma_semaphore, #tpu.memory_space<semaphore_mem>>) src(%dma_wait3A_1428 : memref<8192x128xf32, #tpu.memory_space<hbm>>) dst(%arg16 : memref<64x128xf32, #tpu.memory_space<vmem>>)
    %dma_wait3A_1429 = arith.constant 256 : i32
    %dma_wait3A_1430 = tpu.memref_slice %arg14[%dma_wait3A_1429] : memref<448xi32, #tpu.memory_space<vmem>> -> memref<64xi32, #tpu.memory_space<vmem>>
    %dma_wait3A_1431 = arith.constant 0 : i32
    %dma_wait3A_1432 = arith.constant 0 : i32
    %dma_wait3A_1433 = tpu.memref_slice %arg3[%dma_wait3A_1431, %dma_wait3A_1432] : memref<8192x128xf32, #tpu.memory_space<hbm>> -> memref<8192x128xf32, #tpu.memory_space<hbm>>
    tpu.wait_indirect_dma semaphore(%arg24 : memref<!tpu.dma_semaphore, #tpu.memory_space<semaphore_mem>>) src(%dma_wait3A_1433 : memref<8192x128xf32, #tpu.memory_space<hbm>>) dst(%arg18 : memref<64x128xf32, #tpu.memory_space<vmem>>)
    %dma_wait3A_1434 = arith.constant 320 : i32
    %dma_wait3A_1435 = tpu.memref_slice %arg14[%dma_wait3A_1434] : memref<448xi32, #tpu.memory_space<vmem>> -> memref<64xi32, #tpu.memory_space<vmem>>
    %dma_wait3A_1436 = arith.constant 0 : i32
    %dma_wait3A_1437 = arith.constant 0 : i32
    %dma_wait3A_1438 = tpu.memref_slice %arg2[%dma_wait3A_1436, %dma_wait3A_1437] : memref<8192x128xf32, #tpu.memory_space<hbm>> -> memref<8192x128xf32, #tpu.memory_space<hbm>>
    tpu.wait_indirect_dma semaphore(%arg24 : memref<!tpu.dma_semaphore, #tpu.memory_space<semaphore_mem>>) src(%dma_wait3A_1438 : memref<8192x128xf32, #tpu.memory_space<hbm>>) dst(%arg16 : memref<64x128xf32, #tpu.memory_space<vmem>>)
    %dma_wait3A_1439 = arith.constant 320 : i32
    %dma_wait3A_1440 = tpu.memref_slice %arg14[%dma_wait3A_1439] : memref<448xi32, #tpu.memory_space<vmem>> -> memref<64xi32, #tpu.memory_space<vmem>>
    %dma_wait3A_1441 = arith.constant 0 : i32
    %dma_wait3A_1442 = arith.constant 0 : i32
    %dma_wait3A_1443 = tpu.memref_slice %arg3[%dma_wait3A_1441, %dma_wait3A_1442] : memref<8192x128xf32, #tpu.memory_space<hbm>> -> memref<8192x128xf32, #tpu.memory_space<hbm>>
    tpu.wait_indirect_dma semaphore(%arg24 : memref<!tpu.dma_semaphore, #tpu.memory_space<semaphore_mem>>) src(%dma_wait3A_1443 : memref<8192x128xf32, #tpu.memory_space<hbm>>) dst(%arg18 : memref<64x128xf32, #tpu.memory_space<vmem>>)
    %dma_wait3A_1444 = arith.constant 384 : i32
    %dma_wait3A_1445 = tpu.memref_slice %arg14[%dma_wait3A_1444] : memref<448xi32, #tpu.memory_space<vmem>> -> memref<64xi32, #tpu.memory_space<vmem>>
    %dma_wait3A_1446 = arith.constant 0 : i32
    %dma_wait3A_1447 = arith.constant 0 : i32
    %dma_wait3A_1448 = tpu.memref_slice %arg2[%dma_wait3A_1446, %dma_wait3A_1447] : memref<8192x128xf32, #tpu.memory_space<hbm>> -> memref<8192x128xf32, #tpu.memory_space<hbm>>
    tpu.wait_indirect_dma semaphore(%arg24 : memref<!tpu.dma_semaphore, #tpu.memory_space<semaphore_mem>>) src(%dma_wait3A_1448 : memref<8192x128xf32, #tpu.memory_space<hbm>>) dst(%arg16 : memref<64x128xf32, #tpu.memory_space<vmem>>)
    %dma_wait3A_1449 = arith.constant 384 : i32
    %dma_wait3A_1450 = tpu.memref_slice %arg14[%dma_wait3A_1449] : memref<448xi32, #tpu.memory_space<vmem>> -> memref<64xi32, #tpu.memory_space<vmem>>
    %dma_wait3A_1451 = arith.constant 0 : i32
    %dma_wait3A_1452 = arith.constant 0 : i32
    %dma_wait3A_1453 = tpu.memref_slice %arg3[%dma_wait3A_1451, %dma_wait3A_1452] : memref<8192x128xf32, #tpu.memory_space<hbm>> -> memref<8192x128xf32, #tpu.memory_space<hbm>>
    tpu.wait_indirect_dma semaphore(%arg24 : memref<!tpu.dma_semaphore, #tpu.memory_space<semaphore_mem>>) src(%dma_wait3A_1453 : memref<8192x128xf32, #tpu.memory_space<hbm>>) dst(%arg18 : memref<64x128xf32, #tpu.memory_space<vmem>>)
    %mul3A_1454 = arith.constant 256 : i32
    %mul3A_1455 = arith.muli %add3A, %mul3A_1454 : i32
    %add3A_1456 = arith.constant 128 : i32
    %add3A_1457 = arith.addi %mul3A_1455, %add3A_1456 : i32
    %scan3A_1458 = arith.constant 0 : i32
    %scan3A_1459 = arith.constant 0 : i32
    %scan3A_1460 = arith.constant 64 : i32
    %scan3A_1461 = arith.addi %scan3A_1459, %scan3A_1460 : i32
    %scan3A_1462 = arith.constant 1 : i32
    scf.for %scan3A_1544 = %scan3A_1459 to %scan3A_1461 step %scan3A_1462  : i32 {
      %broadcast_in_dim3A_1545 = arith.constant 0.000000e+00 : f32
      %broadcast_in_dim3A_1546 = vector.broadcast %broadcast_in_dim3A_1545 : f32 to vector<16xf32>
      %broadcast_in_dim3A_1547 = arith.constant 0.000000e+00 : f32
      %broadcast_in_dim3A_1548 = vector.broadcast %broadcast_in_dim3A_1547 : f32 to vector<16xf32>
      %get3A_1549 = arith.index_cast %scan3A_1544 : i32 to index
      %get3A_1550 = arith.constant 0 : index
      %get3A_1551 = tpu.vector_load %arg16[%get3A_1549, %get3A_1550] {strides = array<i32>} : memref<64x128xf32, #tpu.memory_space<vmem>>, vector<16xf32>,
      %add3A_1552 = arith.addf %broadcast_in_dim3A_1546, %get3A_1551 : vector<16xf32>
      %mul3A_1553 = arith.mulf %get3A_1551, %get3A_1551 : vector<16xf32>
      %add3A_1554 = arith.addf %broadcast_in_dim3A_1548, %mul3A_1553 : vector<16xf32>
      %get3A_1555 = arith.index_cast %scan3A_1544 : i32 to index
      %get3A_1556 = arith.constant 16 : index
      %get3A_1557 = tpu.vector_load %arg16[%get3A_1555, %get3A_1556] {strides = array<i32>} : memref<64x128xf32, #tpu.memory_space<vmem>>, vector<16xf32>,
      %add3A_1558 = arith.addf %add3A_1552, %get3A_1557 : vector<16xf32>
      %mul3A_1559 = arith.mulf %get3A_1557, %get3A_1557 : vector<16xf32>
      %add3A_1560 = arith.addf %add3A_1554, %mul3A_1559 : vector<16xf32>
      %get3A_1561 = arith.index_cast %scan3A_1544 : i32 to index
      %get3A_1562 = arith.constant 32 : index
      %get3A_1563 = tpu.vector_load %arg16[%get3A_1561, %get3A_1562] {strides = array<i32>} : memref<64x128xf32, #tpu.memory_space<vmem>>, vector<16xf32>,
      %add3A_1564 = arith.addf %add3A_1558, %get3A_1563 : vector<16xf32>
      %mul3A_1565 = arith.mulf %get3A_1563, %get3A_1563 : vector<16xf32>
      %add3A_1566 = arith.addf %add3A_1560, %mul3A_1565 : vector<16xf32>
      %get3A_1567 = arith.index_cast %scan3A_1544 : i32 to index
      %get3A_1568 = arith.constant 48 : index
      %get3A_1569 = tpu.vector_load %arg16[%get3A_1567, %get3A_1568] {strides = array<i32>} : memref<64x128xf32, #tpu.memory_space<vmem>>, vector<16xf32>,
      %add3A_1570 = arith.addf %add3A_1564, %get3A_1569 : vector<16xf32>
      %mul3A_1571 = arith.mulf %get3A_1569, %get3A_1569 : vector<16xf32>
      %add3A_1572 = arith.addf %add3A_1566, %mul3A_1571 : vector<16xf32>
      %get3A_1573 = arith.index_cast %scan3A_1544 : i32 to index
      %get3A_1574 = arith.constant 64 : index
      %get3A_1575 = tpu.vector_load %arg16[%get3A_1573, %get3A_1574] {strides = array<i32>} : memref<64x128xf32, #tpu.memory_space<vmem>>, vector<16xf32>,
      %add3A_1576 = arith.addf %add3A_1570, %get3A_1575 : vector<16xf32>
      %mul3A_1577 = arith.mulf %get3A_1575, %get3A_1575 : vector<16xf32>
      %add3A_1578 = arith.addf %add3A_1572, %mul3A_1577 : vector<16xf32>
      %get3A_1579 = arith.index_cast %scan3A_1544 : i32 to index
      %get3A_1580 = arith.constant 80 : index
      %get3A_1581 = tpu.vector_load %arg16[%get3A_1579, %get3A_1580] {strides = array<i32>} : memref<64x128xf32, #tpu.memory_space<vmem>>, vector<16xf32>,
      %add3A_1582 = arith.addf %add3A_1576, %get3A_1581 : vector<16xf32>
      %mul3A_1583 = arith.mulf %get3A_1581, %get3A_1581 : vector<16xf32>
      %add3A_1584 = arith.addf %add3A_1578, %mul3A_1583 : vector<16xf32>
      %get3A_1585 = arith.index_cast %scan3A_1544 : i32 to index
      %get3A_1586 = arith.constant 96 : index
      %get3A_1587 = tpu.vector_load %arg16[%get3A_1585, %get3A_1586] {strides = array<i32>} : memref<64x128xf32, #tpu.memory_space<vmem>>, vector<16xf32>,
      %add3A_1588 = arith.addf %add3A_1582, %get3A_1587 : vector<16xf32>
      %mul3A_1589 = arith.mulf %get3A_1587, %get3A_1587 : vector<16xf32>
      %add3A_1590 = arith.addf %add3A_1584, %mul3A_1589 : vector<16xf32>
      %get3A_1591 = arith.index_cast %scan3A_1544 : i32 to index
      %get3A_1592 = arith.constant 112 : index
      %get3A_1593 = tpu.vector_load %arg16[%get3A_1591, %get3A_1592] {strides = array<i32>} : memref<64x128xf32, #tpu.memory_space<vmem>>, vector<16xf32>,
      %add3A_1594 = arith.addf %add3A_1588, %get3A_1593 : vector<16xf32>
      %mul3A_1595 = arith.mulf %get3A_1593, %get3A_1593 : vector<16xf32>
      %add3A_1596 = arith.addf %add3A_1590, %mul3A_1595 : vector<16xf32>
      %get3A_1597 = arith.index_cast %scan3A_1544 : i32 to index
      %get3A_1598 = arith.constant 0 : index
      %get3A_1599 = tpu.vector_load %arg18[%get3A_1597, %get3A_1598] {strides = array<i32>} : memref<64x128xf32, #tpu.memory_space<vmem>>, vector<16xf32>,
      %add3A_1600 = arith.addf %add3A_1594, %get3A_1599 : vector<16xf32>
      %mul3A_1601 = arith.mulf %get3A_1599, %get3A_1599 : vector<16xf32>
      %add3A_1602 = arith.addf %add3A_1596, %mul3A_1601 : vector<16xf32>
      %get3A_1603 = arith.index_cast %scan3A_1544 : i32 to index
      %get3A_1604 = arith.constant 16 : index
      %get3A_1605 = tpu.vector_load %arg18[%get3A_1603, %get3A_1604] {strides = array<i32>} : memref<64x128xf32, #tpu.memory_space<vmem>>, vector<16xf32>,
      %add3A_1606 = arith.addf %add3A_1600, %get3A_1605 : vector<16xf32>
      %mul3A_1607 = arith.mulf %get3A_1605, %get3A_1605 : vector<16xf32>
      %add3A_1608 = arith.addf %add3A_1602, %mul3A_1607 : vector<16xf32>
      %get3A_1609 = arith.index_cast %scan3A_1544 : i32 to index
      %get3A_1610 = arith.constant 32 : index
      %get3A_1611 = tpu.vector_load %arg18[%get3A_1609, %get3A_1610] {strides = array<i32>} : memref<64x128xf32, #tpu.memory_space<vmem>>, vector<16xf32>,
      %add3A_1612 = arith.addf %add3A_1606, %get3A_1611 : vector<16xf32>
      %mul3A_1613 = arith.mulf %get3A_1611, %get3A_1611 : vector<16xf32>
      %add3A_1614 = arith.addf %add3A_1608, %mul3A_1613 : vector<16xf32>
      %get3A_1615 = arith.index_cast %scan3A_1544 : i32 to index
      %get3A_1616 = arith.constant 48 : index
      %get3A_1617 = tpu.vector_load %arg18[%get3A_1615, %get3A_1616] {strides = array<i32>} : memref<64x128xf32, #tpu.memory_space<vmem>>, vector<16xf32>,
      %add3A_1618 = arith.addf %add3A_1612, %get3A_1617 : vector<16xf32>
      %mul3A_1619 = arith.mulf %get3A_1617, %get3A_1617 : vector<16xf32>
      %add3A_1620 = arith.addf %add3A_1614, %mul3A_1619 : vector<16xf32>
      %reduce_sum3A = arith.constant true
      %reduce_sum3A_1621 = vector.broadcast %reduce_sum3A : i1 to vector<16xi1>
      %reduce_sum3A_1622 = tpu.scan <sum>, %add3A_1618 masked %reduce_sum3A_1621 : vector<16xf32>, vector<16xi1> -> vector<16xf32>
      %reduce_sum3A_1623 = vector.extract %reduce_sum3A_1622[15] : f32 from vector<16xf32>
      %broadcast_in_dim3A_1624 = vector.broadcast %reduce_sum3A_1623 : f32 to vector<16xf32>
      %mul3A_1625 = arith.constant 0.00520833349 : f32
      %mul3A_1626 = vector.broadcast %mul3A_1625 : f32 to vector<16xf32>
      %mul3A_1627 = arith.mulf %broadcast_in_dim3A_1624, %mul3A_1626 : vector<16xf32>
      %reduce_sum3A_1628 = arith.constant true
      %reduce_sum3A_1629 = vector.broadcast %reduce_sum3A_1628 : i1 to vector<16xi1>
      %reduce_sum3A_1630 = tpu.scan <sum>, %add3A_1620 masked %reduce_sum3A_1629 : vector<16xf32>, vector<16xi1> -> vector<16xf32>
      %reduce_sum3A_1631 = vector.extract %reduce_sum3A_1630[15] : f32 from vector<16xf32>
      %broadcast_in_dim3A_1632 = vector.broadcast %reduce_sum3A_1631 : f32 to vector<16xf32>
      %mul3A_1633 = arith.constant 0.00520833349 : f32
      %mul3A_1634 = vector.broadcast %mul3A_1633 : f32 to vector<16xf32>
      %mul3A_1635 = arith.mulf %broadcast_in_dim3A_1632, %mul3A_1634 : vector<16xf32>
      %mul3A_1636 = arith.mulf %mul3A_1627, %mul3A_1627 : vector<16xf32>
      %sub3A_1637 = arith.subf %mul3A_1635, %mul3A_1636 : vector<16xf32>
      %add3A_1638 = arith.constant 9.99999996E-13 : f32
      %add3A_1639 = vector.broadcast %add3A_1638 : f32 to vector<16xf32>
      %add3A_1640 = arith.addf %sub3A_1637, %add3A_1639 : vector<16xf32>
      %broadcast_in_dim3A_1641 = arith.constant 1597463007 : i32
      %broadcast_in_dim3A_1642 = vector.broadcast %broadcast_in_dim3A_1641 : i32 to vector<16xi32>
      %bitcast3A = vector.bitcast %add3A_1640 : vector<16xf32> to vector<16xi32>
      %broadcast_in_dim3A_1643 = arith.constant 1 : i32
      %broadcast_in_dim3A_1644 = vector.broadcast %broadcast_in_dim3A_1643 : i32 to vector<16xi32>
      %shift_right_logical3A = arith.shrui %bitcast3A, %broadcast_in_dim3A_1644 : vector<16xi32>
      %sub3A_1645 = arith.subi %broadcast_in_dim3A_1642, %shift_right_logical3A : vector<16xi32>
      %bitcast3A_1646 = vector.bitcast %sub3A_1645 : vector<16xi32> to vector<16xf32>
      %mul3A_1647 = arith.constant 5.000000e-01 : f32
      %mul3A_1648 = vector.broadcast %mul3A_1647 : f32 to vector<16xf32>
      %mul3A_1649 = arith.mulf %mul3A_1648, %add3A_1640 : vector<16xf32>
      %mul3A_1650 = arith.mulf %mul3A_1649, %bitcast3A_1646 : vector<16xf32>
      %mul3A_1651 = arith.mulf %mul3A_1650, %bitcast3A_1646 : vector<16xf32>
      %sub3A_1652 = arith.constant 1.500000e+00 : f32
      %sub3A_1653 = vector.broadcast %sub3A_1652 : f32 to vector<16xf32>
      %sub3A_1654 = arith.subf %sub3A_1653, %mul3A_1651 : vector<16xf32>
      %mul3A_1655 = arith.mulf %bitcast3A_1646, %sub3A_1654 : vector<16xf32>
      %mul3A_1656 = arith.constant 5.000000e-01 : f32
      %mul3A_1657 = vector.broadcast %mul3A_1656 : f32 to vector<16xf32>
      %mul3A_1658 = arith.mulf %mul3A_1657, %add3A_1640 : vector<16xf32>
      %mul3A_1659 = arith.mulf %mul3A_1658, %mul3A_1655 : vector<16xf32>
      %mul3A_1660 = arith.mulf %mul3A_1659, %mul3A_1655 : vector<16xf32>
      %sub3A_1661 = arith.constant 1.500000e+00 : f32
      %sub3A_1662 = vector.broadcast %sub3A_1661 : f32 to vector<16xf32>
      %sub3A_1663 = arith.subf %sub3A_1662, %mul3A_1660 : vector<16xf32>
      %mul3A_1664 = arith.mulf %mul3A_1655, %sub3A_1663 : vector<16xf32>
      %mul3A_1665 = arith.constant 5.000000e-01 : f32
      %mul3A_1666 = vector.broadcast %mul3A_1665 : f32 to vector<16xf32>
      %mul3A_1667 = arith.mulf %mul3A_1666, %add3A_1640 : vector<16xf32>
      %mul3A_1668 = arith.mulf %mul3A_1667, %mul3A_1664 : vector<16xf32>
      %mul3A_1669 = arith.mulf %mul3A_1668, %mul3A_1664 : vector<16xf32>
      %sub3A_1670 = arith.constant 1.500000e+00 : f32
      %sub3A_1671 = vector.broadcast %sub3A_1670 : f32 to vector<16xf32>
      %sub3A_1672 = arith.subf %sub3A_1671, %mul3A_1669 : vector<16xf32>
      %mul3A_1673 = arith.mulf %mul3A_1664, %sub3A_1672 : vector<16xf32>
      %get3A_1674 = arith.index_cast %scan3A_1544 : i32 to index
      %get3A_1675 = arith.constant 0 : index
      %get3A_1676 = tpu.vector_load %arg16[%get3A_1674, %get3A_1675] {strides = array<i32>} : memref<64x128xf32, #tpu.memory_space<vmem>>, vector<16xf32>,
      %sub3A_1677 = arith.subf %get3A_1676, %mul3A_1627 : vector<16xf32>
      %mul3A_1678 = arith.mulf %sub3A_1677, %mul3A_1673 : vector<16xf32>
      %get3A_1679 = arith.constant 0 : index
      %get3A_1680 = tpu.vector_load %arg22[%get3A_1679] {strides = array<i32>} : memref<192xf32, #tpu.memory_space<vmem>>, vector<16xf32>,
      %mul3A_1681 = arith.mulf %mul3A_1678, %get3A_1680 : vector<16xf32>
      %get3A_1682 = arith.constant 0 : index
      %get3A_1683 = tpu.vector_load %arg23[%get3A_1682] {strides = array<i32>} : memref<192xf32, #tpu.memory_space<vmem>>, vector<16xf32>,
      %add3A_1684 = arith.addf %mul3A_1681, %get3A_1683 : vector<16xf32>
      %swap3A_1685 = arith.index_cast %scan3A_1544 : i32 to index
      %swap3A_1686 = arith.constant 0 : index
      %swap3A_1687 = tpu.vector_load %arg20[%swap3A_1685, %swap3A_1686] {strides = array<i32>} : memref<64x128xf32, #tpu.memory_space<vmem>>, vector<16xf32>,
      tpu.vector_store %arg20[%swap3A_1685, %swap3A_1686], %add3A_1684 {strides = array<i32>} : memref<64x128xf32, #tpu.memory_space<vmem>>, vector<16xf32>,
      %get3A_1688 = arith.index_cast %scan3A_1544 : i32 to index
      %get3A_1689 = arith.constant 16 : index
      %get3A_1690 = tpu.vector_load %arg16[%get3A_1688, %get3A_1689] {strides = array<i32>} : memref<64x128xf32, #tpu.memory_space<vmem>>, vector<16xf32>,
      %sub3A_1691 = arith.subf %get3A_1690, %mul3A_1627 : vector<16xf32>
      %mul3A_1692 = arith.mulf %sub3A_1691, %mul3A_1673 : vector<16xf32>
      %get3A_1693 = arith.constant 16 : index
      %get3A_1694 = tpu.vector_load %arg22[%get3A_1693] {strides = array<i32>} : memref<192xf32, #tpu.memory_space<vmem>>, vector<16xf32>,
      %mul3A_1695 = arith.mulf %mul3A_1692, %get3A_1694 : vector<16xf32>
      %get3A_1696 = arith.constant 16 : index
      %get3A_1697 = tpu.vector_load %arg23[%get3A_1696] {strides = array<i32>} : memref<192xf32, #tpu.memory_space<vmem>>, vector<16xf32>,
      %add3A_1698 = arith.addf %mul3A_1695, %get3A_1697 : vector<16xf32>
      %swap3A_1699 = arith.index_cast %scan3A_1544 : i32 to index
      %swap3A_1700 = arith.constant 16 : index
      %swap3A_1701 = tpu.vector_load %arg20[%swap3A_1699, %swap3A_1700] {strides = array<i32>} : memref<64x128xf32, #tpu.memory_space<vmem>>, vector<16xf32>,
      tpu.vector_store %arg20[%swap3A_1699, %swap3A_1700], %add3A_1698 {strides = array<i32>} : memref<64x128xf32, #tpu.memory_space<vmem>>, vector<16xf32>,
      %get3A_1702 = arith.index_cast %scan3A_1544 : i32 to index
      %get3A_1703 = arith.constant 32 : index
      %get3A_1704 = tpu.vector_load %arg16[%get3A_1702, %get3A_1703] {strides = array<i32>} : memref<64x128xf32, #tpu.memory_space<vmem>>, vector<16xf32>,
      %sub3A_1705 = arith.subf %get3A_1704, %mul3A_1627 : vector<16xf32>
      %mul3A_1706 = arith.mulf %sub3A_1705, %mul3A_1673 : vector<16xf32>
      %get3A_1707 = arith.constant 32 : index
      %get3A_1708 = tpu.vector_load %arg22[%get3A_1707] {strides = array<i32>} : memref<192xf32, #tpu.memory_space<vmem>>, vector<16xf32>,
      %mul3A_1709 = arith.mulf %mul3A_1706, %get3A_1708 : vector<16xf32>
      %get3A_1710 = arith.constant 32 : index
      %get3A_1711 = tpu.vector_load %arg23[%get3A_1710] {strides = array<i32>} : memref<192xf32, #tpu.memory_space<vmem>>, vector<16xf32>,
      %add3A_1712 = arith.addf %mul3A_1709, %get3A_1711 : vector<16xf32>
      %swap3A_1713 = arith.index_cast %scan3A_1544 : i32 to index
      %swap3A_1714 = arith.constant 32 : index
      %swap3A_1715 = tpu.vector_load %arg20[%swap3A_1713, %swap3A_1714] {strides = array<i32>} : memref<64x128xf32, #tpu.memory_space<vmem>>, vector<16xf32>,
      tpu.vector_store %arg20[%swap3A_1713, %swap3A_1714], %add3A_1712 {strides = array<i32>} : memref<64x128xf32, #tpu.memory_space<vmem>>, vector<16xf32>,
      %get3A_1716 = arith.index_cast %scan3A_1544 : i32 to index
      %get3A_1717 = arith.constant 48 : index
      %get3A_1718 = tpu.vector_load %arg16[%get3A_1716, %get3A_1717] {strides = array<i32>} : memref<64x128xf32, #tpu.memory_space<vmem>>, vector<16xf32>,
      %sub3A_1719 = arith.subf %get3A_1718, %mul3A_1627 : vector<16xf32>
      %mul3A_1720 = arith.mulf %sub3A_1719, %mul3A_1673 : vector<16xf32>
      %get3A_1721 = arith.constant 48 : index
      %get3A_1722 = tpu.vector_load %arg22[%get3A_1721] {strides = array<i32>} : memref<192xf32, #tpu.memory_space<vmem>>, vector<16xf32>,
      %mul3A_1723 = arith.mulf %mul3A_1720, %get3A_1722 : vector<16xf32>
      %get3A_1724 = arith.constant 48 : index
      %get3A_1725 = tpu.vector_load %arg23[%get3A_1724] {strides = array<i32>} : memref<192xf32, #tpu.memory_space<vmem>>, vector<16xf32>,
      %add3A_1726 = arith.addf %mul3A_1723, %get3A_1725 : vector<16xf32>
      %swap3A_1727 = arith.index_cast %scan3A_1544 : i32 to index
      %swap3A_1728 = arith.constant 48 : index
      %swap3A_1729 = tpu.vector_load %arg20[%swap3A_1727, %swap3A_1728] {strides = array<i32>} : memref<64x128xf32, #tpu.memory_space<vmem>>, vector<16xf32>,
      tpu.vector_store %arg20[%swap3A_1727, %swap3A_1728], %add3A_1726 {strides = array<i32>} : memref<64x128xf32, #tpu.memory_space<vmem>>, vector<16xf32>,
      %get3A_1730 = arith.index_cast %scan3A_1544 : i32 to index
      %get3A_1731 = arith.constant 64 : index
      %get3A_1732 = tpu.vector_load %arg16[%get3A_1730, %get3A_1731] {strides = array<i32>} : memref<64x128xf32, #tpu.memory_space<vmem>>, vector<16xf32>,
      %sub3A_1733 = arith.subf %get3A_1732, %mul3A_1627 : vector<16xf32>
      %mul3A_1734 = arith.mulf %sub3A_1733, %mul3A_1673 : vector<16xf32>
      %get3A_1735 = arith.constant 64 : index
      %get3A_1736 = tpu.vector_load %arg22[%get3A_1735] {strides = array<i32>} : memref<192xf32, #tpu.memory_space<vmem>>, vector<16xf32>,
      %mul3A_1737 = arith.mulf %mul3A_1734, %get3A_1736 : vector<16xf32>
      %get3A_1738 = arith.constant 64 : index
      %get3A_1739 = tpu.vector_load %arg23[%get3A_1738] {strides = array<i32>} : memref<192xf32, #tpu.memory_space<vmem>>, vector<16xf32>,
      %add3A_1740 = arith.addf %mul3A_1737, %get3A_1739 : vector<16xf32>
      %swap3A_1741 = arith.index_cast %scan3A_1544 : i32 to index
      %swap3A_1742 = arith.constant 64 : index
      %swap3A_1743 = tpu.vector_load %arg20[%swap3A_1741, %swap3A_1742] {strides = array<i32>} : memref<64x128xf32, #tpu.memory_space<vmem>>, vector<16xf32>,
      tpu.vector_store %arg20[%swap3A_1741, %swap3A_1742], %add3A_1740 {strides = array<i32>} : memref<64x128xf32, #tpu.memory_space<vmem>>, vector<16xf32>,
      %get3A_1744 = arith.index_cast %scan3A_1544 : i32 to index
      %get3A_1745 = arith.constant 80 : index
      %get3A_1746 = tpu.vector_load %arg16[%get3A_1744, %get3A_1745] {strides = array<i32>} : memref<64x128xf32, #tpu.memory_space<vmem>>, vector<16xf32>,
      %sub3A_1747 = arith.subf %get3A_1746, %mul3A_1627 : vector<16xf32>
      %mul3A_1748 = arith.mulf %sub3A_1747, %mul3A_1673 : vector<16xf32>
      %get3A_1749 = arith.constant 80 : index
      %get3A_1750 = tpu.vector_load %arg22[%get3A_1749] {strides = array<i32>} : memref<192xf32, #tpu.memory_space<vmem>>, vector<16xf32>,
      %mul3A_1751 = arith.mulf %mul3A_1748, %get3A_1750 : vector<16xf32>
      %get3A_1752 = arith.constant 80 : index
      %get3A_1753 = tpu.vector_load %arg23[%get3A_1752] {strides = array<i32>} : memref<192xf32, #tpu.memory_space<vmem>>, vector<16xf32>,
      %add3A_1754 = arith.addf %mul3A_1751, %get3A_1753 : vector<16xf32>
      %swap3A_1755 = arith.index_cast %scan3A_1544 : i32 to index
      %swap3A_1756 = arith.constant 80 : index
      %swap3A_1757 = tpu.vector_load %arg20[%swap3A_1755, %swap3A_1756] {strides = array<i32>} : memref<64x128xf32, #tpu.memory_space<vmem>>, vector<16xf32>,
      tpu.vector_store %arg20[%swap3A_1755, %swap3A_1756], %add3A_1754 {strides = array<i32>} : memref<64x128xf32, #tpu.memory_space<vmem>>, vector<16xf32>,
      %get3A_1758 = arith.index_cast %scan3A_1544 : i32 to index
      %get3A_1759 = arith.constant 96 : index
      %get3A_1760 = tpu.vector_load %arg16[%get3A_1758, %get3A_1759] {strides = array<i32>} : memref<64x128xf32, #tpu.memory_space<vmem>>, vector<16xf32>,
      %sub3A_1761 = arith.subf %get3A_1760, %mul3A_1627 : vector<16xf32>
      %mul3A_1762 = arith.mulf %sub3A_1761, %mul3A_1673 : vector<16xf32>
      %get3A_1763 = arith.constant 96 : index
      %get3A_1764 = tpu.vector_load %arg22[%get3A_1763] {strides = array<i32>} : memref<192xf32, #tpu.memory_space<vmem>>, vector<16xf32>,
      %mul3A_1765 = arith.mulf %mul3A_1762, %get3A_1764 : vector<16xf32>
      %get3A_1766 = arith.constant 96 : index
      %get3A_1767 = tpu.vector_load %arg23[%get3A_1766] {strides = array<i32>} : memref<192xf32, #tpu.memory_space<vmem>>, vector<16xf32>,
      %add3A_1768 = arith.addf %mul3A_1765, %get3A_1767 : vector<16xf32>
      %swap3A_1769 = arith.index_cast %scan3A_1544 : i32 to index
      %swap3A_1770 = arith.constant 96 : index
      %swap3A_1771 = tpu.vector_load %arg20[%swap3A_1769, %swap3A_1770] {strides = array<i32>} : memref<64x128xf32, #tpu.memory_space<vmem>>, vector<16xf32>,
      tpu.vector_store %arg20[%swap3A_1769, %swap3A_1770], %add3A_1768 {strides = array<i32>} : memref<64x128xf32, #tpu.memory_space<vmem>>, vector<16xf32>,
      %get3A_1772 = arith.index_cast %scan3A_1544 : i32 to index
      %get3A_1773 = arith.constant 112 : index
      %get3A_1774 = tpu.vector_load %arg16[%get3A_1772, %get3A_1773] {strides = array<i32>} : memref<64x128xf32, #tpu.memory_space<vmem>>, vector<16xf32>,
      %sub3A_1775 = arith.subf %get3A_1774, %mul3A_1627 : vector<16xf32>
      %mul3A_1776 = arith.mulf %sub3A_1775, %mul3A_1673 : vector<16xf32>
      %get3A_1777 = arith.constant 112 : index
      %get3A_1778 = tpu.vector_load %arg22[%get3A_1777] {strides = array<i32>} : memref<192xf32, #tpu.memory_space<vmem>>, vector<16xf32>,
      %mul3A_1779 = arith.mulf %mul3A_1776, %get3A_1778 : vector<16xf32>
      %get3A_1780 = arith.constant 112 : index
      %get3A_1781 = tpu.vector_load %arg23[%get3A_1780] {strides = array<i32>} : memref<192xf32, #tpu.memory_space<vmem>>, vector<16xf32>,
      %add3A_1782 = arith.addf %mul3A_1779, %get3A_1781 : vector<16xf32>
      %swap3A_1783 = arith.index_cast %scan3A_1544 : i32 to index
      %swap3A_1784 = arith.constant 112 : index
      %swap3A_1785 = tpu.vector_load %arg20[%swap3A_1783, %swap3A_1784] {strides = array<i32>} : memref<64x128xf32, #tpu.memory_space<vmem>>, vector<16xf32>,
      tpu.vector_store %arg20[%swap3A_1783, %swap3A_1784], %add3A_1782 {strides = array<i32>} : memref<64x128xf32, #tpu.memory_space<vmem>>, vector<16xf32>,
      %get3A_1786 = arith.index_cast %scan3A_1544 : i32 to index
      %get3A_1787 = arith.constant 0 : index
      %get3A_1788 = tpu.vector_load %arg18[%get3A_1786, %get3A_1787] {strides = array<i32>} : memref<64x128xf32, #tpu.memory_space<vmem>>, vector<16xf32>,
      %sub3A_1789 = arith.subf %get3A_1788, %mul3A_1627 : vector<16xf32>
      %mul3A_1790 = arith.mulf %sub3A_1789, %mul3A_1673 : vector<16xf32>
      %get3A_1791 = arith.constant 128 : index
      %get3A_1792 = tpu.vector_load %arg22[%get3A_1791] {strides = array<i32>} : memref<192xf32, #tpu.memory_space<vmem>>, vector<16xf32>,
      %mul3A_1793 = arith.mulf %mul3A_1790, %get3A_1792 : vector<16xf32>
      %get3A_1794 = arith.constant 128 : index
      %get3A_1795 = tpu.vector_load %arg23[%get3A_1794] {strides = array<i32>} : memref<192xf32, #tpu.memory_space<vmem>>, vector<16xf32>,
      %add3A_1796 = arith.addf %mul3A_1793, %get3A_1795 : vector<16xf32>
      %swap3A_1797 = arith.index_cast %scan3A_1544 : i32 to index
      %swap3A_1798 = arith.constant 0 : index
      %swap3A_1799 = tpu.vector_load %arg21[%swap3A_1797, %swap3A_1798] {strides = array<i32>} : memref<64x128xf32, #tpu.memory_space<vmem>>, vector<16xf32>,
      tpu.vector_store %arg21[%swap3A_1797, %swap3A_1798], %add3A_1796 {strides = array<i32>} : memref<64x128xf32, #tpu.memory_space<vmem>>, vector<16xf32>,
      %get3A_1800 = arith.index_cast %scan3A_1544 : i32 to index
      %get3A_1801 = arith.constant 16 : index
      %get3A_1802 = tpu.vector_load %arg18[%get3A_1800, %get3A_1801] {strides = array<i32>} : memref<64x128xf32, #tpu.memory_space<vmem>>, vector<16xf32>,
      %sub3A_1803 = arith.subf %get3A_1802, %mul3A_1627 : vector<16xf32>
      %mul3A_1804 = arith.mulf %sub3A_1803, %mul3A_1673 : vector<16xf32>
      %get3A_1805 = arith.constant 144 : index
      %get3A_1806 = tpu.vector_load %arg22[%get3A_1805] {strides = array<i32>} : memref<192xf32, #tpu.memory_space<vmem>>, vector<16xf32>,
      %mul3A_1807 = arith.mulf %mul3A_1804, %get3A_1806 : vector<16xf32>
      %get3A_1808 = arith.constant 144 : index
      %get3A_1809 = tpu.vector_load %arg23[%get3A_1808] {strides = array<i32>} : memref<192xf32, #tpu.memory_space<vmem>>, vector<16xf32>,
      %add3A_1810 = arith.addf %mul3A_1807, %get3A_1809 : vector<16xf32>
      %swap3A_1811 = arith.index_cast %scan3A_1544 : i32 to index
      %swap3A_1812 = arith.constant 16 : index
      %swap3A_1813 = tpu.vector_load %arg21[%swap3A_1811, %swap3A_1812] {strides = array<i32>} : memref<64x128xf32, #tpu.memory_space<vmem>>, vector<16xf32>,
      tpu.vector_store %arg21[%swap3A_1811, %swap3A_1812], %add3A_1810 {strides = array<i32>} : memref<64x128xf32, #tpu.memory_space<vmem>>, vector<16xf32>,
      %get3A_1814 = arith.index_cast %scan3A_1544 : i32 to index
      %get3A_1815 = arith.constant 32 : index
      %get3A_1816 = tpu.vector_load %arg18[%get3A_1814, %get3A_1815] {strides = array<i32>} : memref<64x128xf32, #tpu.memory_space<vmem>>, vector<16xf32>,
      %sub3A_1817 = arith.subf %get3A_1816, %mul3A_1627 : vector<16xf32>
      %mul3A_1818 = arith.mulf %sub3A_1817, %mul3A_1673 : vector<16xf32>
      %get3A_1819 = arith.constant 160 : index
      %get3A_1820 = tpu.vector_load %arg22[%get3A_1819] {strides = array<i32>} : memref<192xf32, #tpu.memory_space<vmem>>, vector<16xf32>,
      %mul3A_1821 = arith.mulf %mul3A_1818, %get3A_1820 : vector<16xf32>
      %get3A_1822 = arith.constant 160 : index
      %get3A_1823 = tpu.vector_load %arg23[%get3A_1822] {strides = array<i32>} : memref<192xf32, #tpu.memory_space<vmem>>, vector<16xf32>,
      %add3A_1824 = arith.addf %mul3A_1821, %get3A_1823 : vector<16xf32>
      %swap3A_1825 = arith.index_cast %scan3A_1544 : i32 to index
      %swap3A_1826 = arith.constant 32 : index
      %swap3A_1827 = tpu.vector_load %arg21[%swap3A_1825, %swap3A_1826] {strides = array<i32>} : memref<64x128xf32, #tpu.memory_space<vmem>>, vector<16xf32>,
      tpu.vector_store %arg21[%swap3A_1825, %swap3A_1826], %add3A_1824 {strides = array<i32>} : memref<64x128xf32, #tpu.memory_space<vmem>>, vector<16xf32>,
      %get3A_1828 = arith.index_cast %scan3A_1544 : i32 to index
      %get3A_1829 = arith.constant 48 : index
      %get3A_1830 = tpu.vector_load %arg18[%get3A_1828, %get3A_1829] {strides = array<i32>} : memref<64x128xf32, #tpu.memory_space<vmem>>, vector<16xf32>,
      %sub3A_1831 = arith.subf %get3A_1830, %mul3A_1627 : vector<16xf32>
      %mul3A_1832 = arith.mulf %sub3A_1831, %mul3A_1673 : vector<16xf32>
      %get3A_1833 = arith.constant 176 : index
      %get3A_1834 = tpu.vector_load %arg22[%get3A_1833] {strides = array<i32>} : memref<192xf32, #tpu.memory_space<vmem>>, vector<16xf32>,
      %mul3A_1835 = arith.mulf %mul3A_1832, %get3A_1834 : vector<16xf32>
      %get3A_1836 = arith.constant 176 : index
      %get3A_1837 = tpu.vector_load %arg23[%get3A_1836] {strides = array<i32>} : memref<192xf32, #tpu.memory_space<vmem>>, vector<16xf32>,
      %add3A_1838 = arith.addf %mul3A_1835, %get3A_1837 : vector<16xf32>
      %swap3A_1839 = arith.index_cast %scan3A_1544 : i32 to index
      %swap3A_1840 = arith.constant 48 : index
      %swap3A_1841 = tpu.vector_load %arg21[%swap3A_1839, %swap3A_1840] {strides = array<i32>} : memref<64x128xf32, #tpu.memory_space<vmem>>, vector<16xf32>,
      tpu.vector_store %arg21[%swap3A_1839, %swap3A_1840], %add3A_1838 {strides = array<i32>} : memref<64x128xf32, #tpu.memory_space<vmem>>, vector<16xf32>,
    }
    %scan3A_1463 = arith.constant 64 : i32
    "tpu.region"() ({
      %run_scoped3A = tpu.sem_alloc : memref<!tpu.dma_semaphore, #tpu.memory_space<semaphore_mem>>
      %dma_start3A_1544 = arith.constant 0 : i32
      %dma_start3A_1545 = tpu.memref_slice %arg8[%add3A_1457, %dma_start3A_1544] : memref<8192x128xf32, #tpu.memory_space<hbm>> -> memref<64x128xf32, #tpu.memory_space<hbm>>
      %dma_start3A_1546 = arith.constant 0 : i32
      %dma_start3A_1547 = tpu.memref_slice %arg8[%add3A_1457, %dma_start3A_1546] : memref<8192x128xf32, #tpu.memory_space<hbm>> -> memref<64x128xf32, #tpu.memory_space<hbm>>
      tpu.enqueue_dma source(%arg20 : memref<64x128xf32, #tpu.memory_space<vmem>>) target(%dma_start3A_1547 : memref<64x128xf32, #tpu.memory_space<hbm>>) target_semaphore(%run_scoped3A : memref<!tpu.dma_semaphore, #tpu.memory_space<semaphore_mem>>)
      %dma_wait3A_1548 = arith.constant 0 : i32
      %dma_wait3A_1549 = tpu.memref_slice %arg8[%add3A_1457, %dma_wait3A_1548] : memref<8192x128xf32, #tpu.memory_space<hbm>> -> memref<64x128xf32, #tpu.memory_space<hbm>>
      %dma_wait3A_1550 = arith.constant 0 : i32
      %dma_wait3A_1551 = tpu.memref_slice %arg8[%add3A_1457, %dma_wait3A_1550] : memref<8192x128xf32, #tpu.memory_space<hbm>> -> memref<64x128xf32, #tpu.memory_space<hbm>>
      tpu.wait_dma2 semaphore(%run_scoped3A : memref<!tpu.dma_semaphore, #tpu.memory_space<semaphore_mem>>) src(%arg20 : memref<64x128xf32, #tpu.memory_space<vmem>>) dst(%dma_wait3A_1551 : memref<64x128xf32, #tpu.memory_space<hbm>>)
      tpu.yield
    }) : () -> ()
    "tpu.region"() ({
      %run_scoped3A = tpu.sem_alloc : memref<!tpu.dma_semaphore, #tpu.memory_space<semaphore_mem>>
      %dma_start3A_1544 = arith.constant 0 : i32
      %dma_start3A_1545 = tpu.memref_slice %arg9[%add3A_1457, %dma_start3A_1544] : memref<8192x128xf32, #tpu.memory_space<hbm>> -> memref<64x128xf32, #tpu.memory_space<hbm>>
      %dma_start3A_1546 = arith.constant 0 : i32
      %dma_start3A_1547 = tpu.memref_slice %arg9[%add3A_1457, %dma_start3A_1546] : memref<8192x128xf32, #tpu.memory_space<hbm>> -> memref<64x128xf32, #tpu.memory_space<hbm>>
      tpu.enqueue_dma source(%arg21 : memref<64x128xf32, #tpu.memory_space<vmem>>) target(%dma_start3A_1547 : memref<64x128xf32, #tpu.memory_space<hbm>>) target_semaphore(%run_scoped3A : memref<!tpu.dma_semaphore, #tpu.memory_space<semaphore_mem>>)
      %dma_wait3A_1548 = arith.constant 0 : i32
      %dma_wait3A_1549 = tpu.memref_slice %arg9[%add3A_1457, %dma_wait3A_1548] : memref<8192x128xf32, #tpu.memory_space<hbm>> -> memref<64x128xf32, #tpu.memory_space<hbm>>
      %dma_wait3A_1550 = arith.constant 0 : i32
      %dma_wait3A_1551 = tpu.memref_slice %arg9[%add3A_1457, %dma_wait3A_1550] : memref<8192x128xf32, #tpu.memory_space<hbm>> -> memref<64x128xf32, #tpu.memory_space<hbm>>
      tpu.wait_dma2 semaphore(%run_scoped3A : memref<!tpu.dma_semaphore, #tpu.memory_space<semaphore_mem>>) src(%arg21 : memref<64x128xf32, #tpu.memory_space<vmem>>) dst(%dma_wait3A_1551 : memref<64x128xf32, #tpu.memory_space<hbm>>)
      tpu.yield
    }) : () -> ()
    %dma_wait3A_1464 = arith.constant 0 : i32
    %dma_wait3A_1465 = tpu.memref_slice %arg15[%dma_wait3A_1464] : memref<448xi32, #tpu.memory_space<vmem>> -> memref<64xi32, #tpu.memory_space<vmem>>
    %dma_wait3A_1466 = arith.constant 0 : i32
    %dma_wait3A_1467 = arith.constant 0 : i32
    %dma_wait3A_1468 = tpu.memref_slice %arg2[%dma_wait3A_1466, %dma_wait3A_1467] : memref<8192x128xf32, #tpu.memory_space<hbm>> -> memref<8192x128xf32, #tpu.memory_space<hbm>>
    tpu.wait_indirect_dma semaphore(%arg25 : memref<!tpu.dma_semaphore, #tpu.memory_space<semaphore_mem>>) src(%dma_wait3A_1468 : memref<8192x128xf32, #tpu.memory_space<hbm>>) dst(%arg17 : memref<64x128xf32, #tpu.memory_space<vmem>>)
    %dma_wait3A_1469 = arith.constant 0 : i32
    %dma_wait3A_1470 = tpu.memref_slice %arg15[%dma_wait3A_1469] : memref<448xi32, #tpu.memory_space<vmem>> -> memref<64xi32, #tpu.memory_space<vmem>>
    %dma_wait3A_1471 = arith.constant 0 : i32
    %dma_wait3A_1472 = arith.constant 0 : i32
    %dma_wait3A_1473 = tpu.memref_slice %arg3[%dma_wait3A_1471, %dma_wait3A_1472] : memref<8192x128xf32, #tpu.memory_space<hbm>> -> memref<8192x128xf32, #tpu.memory_space<hbm>>
    tpu.wait_indirect_dma semaphore(%arg25 : memref<!tpu.dma_semaphore, #tpu.memory_space<semaphore_mem>>) src(%dma_wait3A_1473 : memref<8192x128xf32, #tpu.memory_space<hbm>>) dst(%arg19 : memref<64x128xf32, #tpu.memory_space<vmem>>)
    %dma_wait3A_1474 = arith.constant 64 : i32
    %dma_wait3A_1475 = tpu.memref_slice %arg15[%dma_wait3A_1474] : memref<448xi32, #tpu.memory_space<vmem>> -> memref<64xi32, #tpu.memory_space<vmem>>
    %dma_wait3A_1476 = arith.constant 0 : i32
    %dma_wait3A_1477 = arith.constant 0 : i32
    %dma_wait3A_1478 = tpu.memref_slice %arg2[%dma_wait3A_1476, %dma_wait3A_1477] : memref<8192x128xf32, #tpu.memory_space<hbm>> -> memref<8192x128xf32, #tpu.memory_space<hbm>>
    tpu.wait_indirect_dma semaphore(%arg25 : memref<!tpu.dma_semaphore, #tpu.memory_space<semaphore_mem>>) src(%dma_wait3A_1478 : memref<8192x128xf32, #tpu.memory_space<hbm>>) dst(%arg17 : memref<64x128xf32, #tpu.memory_space<vmem>>)
    %dma_wait3A_1479 = arith.constant 64 : i32
    %dma_wait3A_1480 = tpu.memref_slice %arg15[%dma_wait3A_1479] : memref<448xi32, #tpu.memory_space<vmem>> -> memref<64xi32, #tpu.memory_space<vmem>>
    %dma_wait3A_1481 = arith.constant 0 : i32
    %dma_wait3A_1482 = arith.constant 0 : i32
    %dma_wait3A_1483 = tpu.memref_slice %arg3[%dma_wait3A_1481, %dma_wait3A_1482] : memref<8192x128xf32, #tpu.memory_space<hbm>> -> memref<8192x128xf32, #tpu.memory_space<hbm>>
    tpu.wait_indirect_dma semaphore(%arg25 : memref<!tpu.dma_semaphore, #tpu.memory_space<semaphore_mem>>) src(%dma_wait3A_1483 : memref<8192x128xf32, #tpu.memory_space<hbm>>) dst(%arg19 : memref<64x128xf32, #tpu.memory_space<vmem>>)
    %dma_wait3A_1484 = arith.constant 128 : i32
    %dma_wait3A_1485 = tpu.memref_slice %arg15[%dma_wait3A_1484] : memref<448xi32, #tpu.memory_space<vmem>> -> memref<64xi32, #tpu.memory_space<vmem>>
    %dma_wait3A_1486 = arith.constant 0 : i32
    %dma_wait3A_1487 = arith.constant 0 : i32
    %dma_wait3A_1488 = tpu.memref_slice %arg2[%dma_wait3A_1486, %dma_wait3A_1487] : memref<8192x128xf32, #tpu.memory_space<hbm>> -> memref<8192x128xf32, #tpu.memory_space<hbm>>
    tpu.wait_indirect_dma semaphore(%arg25 : memref<!tpu.dma_semaphore, #tpu.memory_space<semaphore_mem>>) src(%dma_wait3A_1488 : memref<8192x128xf32, #tpu.memory_space<hbm>>) dst(%arg17 : memref<64x128xf32, #tpu.memory_space<vmem>>)
    %dma_wait3A_1489 = arith.constant 128 : i32
    %dma_wait3A_1490 = tpu.memref_slice %arg15[%dma_wait3A_1489] : memref<448xi32, #tpu.memory_space<vmem>> -> memref<64xi32, #tpu.memory_space<vmem>>
    %dma_wait3A_1491 = arith.constant 0 : i32
    %dma_wait3A_1492 = arith.constant 0 : i32
    %dma_wait3A_1493 = tpu.memref_slice %arg3[%dma_wait3A_1491, %dma_wait3A_1492] : memref<8192x128xf32, #tpu.memory_space<hbm>> -> memref<8192x128xf32, #tpu.memory_space<hbm>>
    tpu.wait_indirect_dma semaphore(%arg25 : memref<!tpu.dma_semaphore, #tpu.memory_space<semaphore_mem>>) src(%dma_wait3A_1493 : memref<8192x128xf32, #tpu.memory_space<hbm>>) dst(%arg19 : memref<64x128xf32, #tpu.memory_space<vmem>>)
    %dma_wait3A_1494 = arith.constant 192 : i32
    %dma_wait3A_1495 = tpu.memref_slice %arg15[%dma_wait3A_1494] : memref<448xi32, #tpu.memory_space<vmem>> -> memref<64xi32, #tpu.memory_space<vmem>>
    %dma_wait3A_1496 = arith.constant 0 : i32
    %dma_wait3A_1497 = arith.constant 0 : i32
    %dma_wait3A_1498 = tpu.memref_slice %arg2[%dma_wait3A_1496, %dma_wait3A_1497] : memref<8192x128xf32, #tpu.memory_space<hbm>> -> memref<8192x128xf32, #tpu.memory_space<hbm>>
    tpu.wait_indirect_dma semaphore(%arg25 : memref<!tpu.dma_semaphore, #tpu.memory_space<semaphore_mem>>) src(%dma_wait3A_1498 : memref<8192x128xf32, #tpu.memory_space<hbm>>) dst(%arg17 : memref<64x128xf32, #tpu.memory_space<vmem>>)
    %dma_wait3A_1499 = arith.constant 192 : i32
    %dma_wait3A_1500 = tpu.memref_slice %arg15[%dma_wait3A_1499] : memref<448xi32, #tpu.memory_space<vmem>> -> memref<64xi32, #tpu.memory_space<vmem>>
    %dma_wait3A_1501 = arith.constant 0 : i32
    %dma_wait3A_1502 = arith.constant 0 : i32
    %dma_wait3A_1503 = tpu.memref_slice %arg3[%dma_wait3A_1501, %dma_wait3A_1502] : memref<8192x128xf32, #tpu.memory_space<hbm>> -> memref<8192x128xf32, #tpu.memory_space<hbm>>
    tpu.wait_indirect_dma semaphore(%arg25 : memref<!tpu.dma_semaphore, #tpu.memory_space<semaphore_mem>>) src(%dma_wait3A_1503 : memref<8192x128xf32, #tpu.memory_space<hbm>>) dst(%arg19 : memref<64x128xf32, #tpu.memory_space<vmem>>)
    %dma_wait3A_1504 = arith.constant 256 : i32
    %dma_wait3A_1505 = tpu.memref_slice %arg15[%dma_wait3A_1504] : memref<448xi32, #tpu.memory_space<vmem>> -> memref<64xi32, #tpu.memory_space<vmem>>
    %dma_wait3A_1506 = arith.constant 0 : i32
    %dma_wait3A_1507 = arith.constant 0 : i32
    %dma_wait3A_1508 = tpu.memref_slice %arg2[%dma_wait3A_1506, %dma_wait3A_1507] : memref<8192x128xf32, #tpu.memory_space<hbm>> -> memref<8192x128xf32, #tpu.memory_space<hbm>>
    tpu.wait_indirect_dma semaphore(%arg25 : memref<!tpu.dma_semaphore, #tpu.memory_space<semaphore_mem>>) src(%dma_wait3A_1508 : memref<8192x128xf32, #tpu.memory_space<hbm>>) dst(%arg17 : memref<64x128xf32, #tpu.memory_space<vmem>>)
    %dma_wait3A_1509 = arith.constant 256 : i32
    %dma_wait3A_1510 = tpu.memref_slice %arg15[%dma_wait3A_1509] : memref<448xi32, #tpu.memory_space<vmem>> -> memref<64xi32, #tpu.memory_space<vmem>>
    %dma_wait3A_1511 = arith.constant 0 : i32
    %dma_wait3A_1512 = arith.constant 0 : i32
    %dma_wait3A_1513 = tpu.memref_slice %arg3[%dma_wait3A_1511, %dma_wait3A_1512] : memref<8192x128xf32, #tpu.memory_space<hbm>> -> memref<8192x128xf32, #tpu.memory_space<hbm>>
    tpu.wait_indirect_dma semaphore(%arg25 : memref<!tpu.dma_semaphore, #tpu.memory_space<semaphore_mem>>) src(%dma_wait3A_1513 : memref<8192x128xf32, #tpu.memory_space<hbm>>) dst(%arg19 : memref<64x128xf32, #tpu.memory_space<vmem>>)
    %dma_wait3A_1514 = arith.constant 320 : i32
    %dma_wait3A_1515 = tpu.memref_slice %arg15[%dma_wait3A_1514] : memref<448xi32, #tpu.memory_space<vmem>> -> memref<64xi32, #tpu.memory_space<vmem>>
    %dma_wait3A_1516 = arith.constant 0 : i32
    %dma_wait3A_1517 = arith.constant 0 : i32
    %dma_wait3A_1518 = tpu.memref_slice %arg2[%dma_wait3A_1516, %dma_wait3A_1517] : memref<8192x128xf32, #tpu.memory_space<hbm>> -> memref<8192x128xf32, #tpu.memory_space<hbm>>
    tpu.wait_indirect_dma semaphore(%arg25 : memref<!tpu.dma_semaphore, #tpu.memory_space<semaphore_mem>>) src(%dma_wait3A_1518 : memref<8192x128xf32, #tpu.memory_space<hbm>>) dst(%arg17 : memref<64x128xf32, #tpu.memory_space<vmem>>)
    %dma_wait3A_1519 = arith.constant 320 : i32
    %dma_wait3A_1520 = tpu.memref_slice %arg15[%dma_wait3A_1519] : memref<448xi32, #tpu.memory_space<vmem>> -> memref<64xi32, #tpu.memory_space<vmem>>
    %dma_wait3A_1521 = arith.constant 0 : i32
    %dma_wait3A_1522 = arith.constant 0 : i32
    %dma_wait3A_1523 = tpu.memref_slice %arg3[%dma_wait3A_1521, %dma_wait3A_1522] : memref<8192x128xf32, #tpu.memory_space<hbm>> -> memref<8192x128xf32, #tpu.memory_space<hbm>>
    tpu.wait_indirect_dma semaphore(%arg25 : memref<!tpu.dma_semaphore, #tpu.memory_space<semaphore_mem>>) src(%dma_wait3A_1523 : memref<8192x128xf32, #tpu.memory_space<hbm>>) dst(%arg19 : memref<64x128xf32, #tpu.memory_space<vmem>>)
    %dma_wait3A_1524 = arith.constant 384 : i32
    %dma_wait3A_1525 = tpu.memref_slice %arg15[%dma_wait3A_1524] : memref<448xi32, #tpu.memory_space<vmem>> -> memref<64xi32, #tpu.memory_space<vmem>>
    %dma_wait3A_1526 = arith.constant 0 : i32
    %dma_wait3A_1527 = arith.constant 0 : i32
    %dma_wait3A_1528 = tpu.memref_slice %arg2[%dma_wait3A_1526, %dma_wait3A_1527] : memref<8192x128xf32, #tpu.memory_space<hbm>> -> memref<8192x128xf32, #tpu.memory_space<hbm>>
    tpu.wait_indirect_dma semaphore(%arg25 : memref<!tpu.dma_semaphore, #tpu.memory_space<semaphore_mem>>) src(%dma_wait3A_1528 : memref<8192x128xf32, #tpu.memory_space<hbm>>) dst(%arg17 : memref<64x128xf32, #tpu.memory_space<vmem>>)
    %dma_wait3A_1529 = arith.constant 384 : i32
    %dma_wait3A_1530 = tpu.memref_slice %arg15[%dma_wait3A_1529] : memref<448xi32, #tpu.memory_space<vmem>> -> memref<64xi32, #tpu.memory_space<vmem>>
    %dma_wait3A_1531 = arith.constant 0 : i32
    %dma_wait3A_1532 = arith.constant 0 : i32
    %dma_wait3A_1533 = tpu.memref_slice %arg3[%dma_wait3A_1531, %dma_wait3A_1532] : memref<8192x128xf32, #tpu.memory_space<hbm>> -> memref<8192x128xf32, #tpu.memory_space<hbm>>
    tpu.wait_indirect_dma semaphore(%arg25 : memref<!tpu.dma_semaphore, #tpu.memory_space<semaphore_mem>>) src(%dma_wait3A_1533 : memref<8192x128xf32, #tpu.memory_space<hbm>>) dst(%arg19 : memref<64x128xf32, #tpu.memory_space<vmem>>)
    %mul3A_1534 = arith.constant 256 : i32
    %mul3A_1535 = arith.muli %add3A, %mul3A_1534 : i32
    %add3A_1536 = arith.constant 192 : i32
    %add3A_1537 = arith.addi %mul3A_1535, %add3A_1536 : i32
    %scan3A_1538 = arith.constant 0 : i32
    %scan3A_1539 = arith.constant 0 : i32
    %scan3A_1540 = arith.constant 64 : i32
    %scan3A_1541 = arith.addi %scan3A_1539, %scan3A_1540 : i32
    %scan3A_1542 = arith.constant 1 : i32
    scf.for %scan3A_1544 = %scan3A_1539 to %scan3A_1541 step %scan3A_1542  : i32 {
      %broadcast_in_dim3A_1545 = arith.constant 0.000000e+00 : f32
      %broadcast_in_dim3A_1546 = vector.broadcast %broadcast_in_dim3A_1545 : f32 to vector<16xf32>
      %broadcast_in_dim3A_1547 = arith.constant 0.000000e+00 : f32
      %broadcast_in_dim3A_1548 = vector.broadcast %broadcast_in_dim3A_1547 : f32 to vector<16xf32>
      %get3A_1549 = arith.index_cast %scan3A_1544 : i32 to index
      %get3A_1550 = arith.constant 0 : index
      %get3A_1551 = tpu.vector_load %arg17[%get3A_1549, %get3A_1550] {strides = array<i32>} : memref<64x128xf32, #tpu.memory_space<vmem>>, vector<16xf32>,
      %add3A_1552 = arith.addf %broadcast_in_dim3A_1546, %get3A_1551 : vector<16xf32>
      %mul3A_1553 = arith.mulf %get3A_1551, %get3A_1551 : vector<16xf32>
      %add3A_1554 = arith.addf %broadcast_in_dim3A_1548, %mul3A_1553 : vector<16xf32>
      %get3A_1555 = arith.index_cast %scan3A_1544 : i32 to index
      %get3A_1556 = arith.constant 16 : index
      %get3A_1557 = tpu.vector_load %arg17[%get3A_1555, %get3A_1556] {strides = array<i32>} : memref<64x128xf32, #tpu.memory_space<vmem>>, vector<16xf32>,
      %add3A_1558 = arith.addf %add3A_1552, %get3A_1557 : vector<16xf32>
      %mul3A_1559 = arith.mulf %get3A_1557, %get3A_1557 : vector<16xf32>
      %add3A_1560 = arith.addf %add3A_1554, %mul3A_1559 : vector<16xf32>
      %get3A_1561 = arith.index_cast %scan3A_1544 : i32 to index
      %get3A_1562 = arith.constant 32 : index
      %get3A_1563 = tpu.vector_load %arg17[%get3A_1561, %get3A_1562] {strides = array<i32>} : memref<64x128xf32, #tpu.memory_space<vmem>>, vector<16xf32>,
      %add3A_1564 = arith.addf %add3A_1558, %get3A_1563 : vector<16xf32>
      %mul3A_1565 = arith.mulf %get3A_1563, %get3A_1563 : vector<16xf32>
      %add3A_1566 = arith.addf %add3A_1560, %mul3A_1565 : vector<16xf32>
      %get3A_1567 = arith.index_cast %scan3A_1544 : i32 to index
      %get3A_1568 = arith.constant 48 : index
      %get3A_1569 = tpu.vector_load %arg17[%get3A_1567, %get3A_1568] {strides = array<i32>} : memref<64x128xf32, #tpu.memory_space<vmem>>, vector<16xf32>,
      %add3A_1570 = arith.addf %add3A_1564, %get3A_1569 : vector<16xf32>
      %mul3A_1571 = arith.mulf %get3A_1569, %get3A_1569 : vector<16xf32>
      %add3A_1572 = arith.addf %add3A_1566, %mul3A_1571 : vector<16xf32>
      %get3A_1573 = arith.index_cast %scan3A_1544 : i32 to index
      %get3A_1574 = arith.constant 64 : index
      %get3A_1575 = tpu.vector_load %arg17[%get3A_1573, %get3A_1574] {strides = array<i32>} : memref<64x128xf32, #tpu.memory_space<vmem>>, vector<16xf32>,
      %add3A_1576 = arith.addf %add3A_1570, %get3A_1575 : vector<16xf32>
      %mul3A_1577 = arith.mulf %get3A_1575, %get3A_1575 : vector<16xf32>
      %add3A_1578 = arith.addf %add3A_1572, %mul3A_1577 : vector<16xf32>
      %get3A_1579 = arith.index_cast %scan3A_1544 : i32 to index
      %get3A_1580 = arith.constant 80 : index
      %get3A_1581 = tpu.vector_load %arg17[%get3A_1579, %get3A_1580] {strides = array<i32>} : memref<64x128xf32, #tpu.memory_space<vmem>>, vector<16xf32>,
      %add3A_1582 = arith.addf %add3A_1576, %get3A_1581 : vector<16xf32>
      %mul3A_1583 = arith.mulf %get3A_1581, %get3A_1581 : vector<16xf32>
      %add3A_1584 = arith.addf %add3A_1578, %mul3A_1583 : vector<16xf32>
      %get3A_1585 = arith.index_cast %scan3A_1544 : i32 to index
      %get3A_1586 = arith.constant 96 : index
      %get3A_1587 = tpu.vector_load %arg17[%get3A_1585, %get3A_1586] {strides = array<i32>} : memref<64x128xf32, #tpu.memory_space<vmem>>, vector<16xf32>,
      %add3A_1588 = arith.addf %add3A_1582, %get3A_1587 : vector<16xf32>
      %mul3A_1589 = arith.mulf %get3A_1587, %get3A_1587 : vector<16xf32>
      %add3A_1590 = arith.addf %add3A_1584, %mul3A_1589 : vector<16xf32>
      %get3A_1591 = arith.index_cast %scan3A_1544 : i32 to index
      %get3A_1592 = arith.constant 112 : index
      %get3A_1593 = tpu.vector_load %arg17[%get3A_1591, %get3A_1592] {strides = array<i32>} : memref<64x128xf32, #tpu.memory_space<vmem>>, vector<16xf32>,
      %add3A_1594 = arith.addf %add3A_1588, %get3A_1593 : vector<16xf32>
      %mul3A_1595 = arith.mulf %get3A_1593, %get3A_1593 : vector<16xf32>
      %add3A_1596 = arith.addf %add3A_1590, %mul3A_1595 : vector<16xf32>
      %get3A_1597 = arith.index_cast %scan3A_1544 : i32 to index
      %get3A_1598 = arith.constant 0 : index
      %get3A_1599 = tpu.vector_load %arg19[%get3A_1597, %get3A_1598] {strides = array<i32>} : memref<64x128xf32, #tpu.memory_space<vmem>>, vector<16xf32>,
      %add3A_1600 = arith.addf %add3A_1594, %get3A_1599 : vector<16xf32>
      %mul3A_1601 = arith.mulf %get3A_1599, %get3A_1599 : vector<16xf32>
      %add3A_1602 = arith.addf %add3A_1596, %mul3A_1601 : vector<16xf32>
      %get3A_1603 = arith.index_cast %scan3A_1544 : i32 to index
      %get3A_1604 = arith.constant 16 : index
      %get3A_1605 = tpu.vector_load %arg19[%get3A_1603, %get3A_1604] {strides = array<i32>} : memref<64x128xf32, #tpu.memory_space<vmem>>, vector<16xf32>,
      %add3A_1606 = arith.addf %add3A_1600, %get3A_1605 : vector<16xf32>
      %mul3A_1607 = arith.mulf %get3A_1605, %get3A_1605 : vector<16xf32>
      %add3A_1608 = arith.addf %add3A_1602, %mul3A_1607 : vector<16xf32>
      %get3A_1609 = arith.index_cast %scan3A_1544 : i32 to index
      %get3A_1610 = arith.constant 32 : index
      %get3A_1611 = tpu.vector_load %arg19[%get3A_1609, %get3A_1610] {strides = array<i32>} : memref<64x128xf32, #tpu.memory_space<vmem>>, vector<16xf32>,
      %add3A_1612 = arith.addf %add3A_1606, %get3A_1611 : vector<16xf32>
      %mul3A_1613 = arith.mulf %get3A_1611, %get3A_1611 : vector<16xf32>
      %add3A_1614 = arith.addf %add3A_1608, %mul3A_1613 : vector<16xf32>
      %get3A_1615 = arith.index_cast %scan3A_1544 : i32 to index
      %get3A_1616 = arith.constant 48 : index
      %get3A_1617 = tpu.vector_load %arg19[%get3A_1615, %get3A_1616] {strides = array<i32>} : memref<64x128xf32, #tpu.memory_space<vmem>>, vector<16xf32>,
      %add3A_1618 = arith.addf %add3A_1612, %get3A_1617 : vector<16xf32>
      %mul3A_1619 = arith.mulf %get3A_1617, %get3A_1617 : vector<16xf32>
      %add3A_1620 = arith.addf %add3A_1614, %mul3A_1619 : vector<16xf32>
      %reduce_sum3A = arith.constant true
      %reduce_sum3A_1621 = vector.broadcast %reduce_sum3A : i1 to vector<16xi1>
      %reduce_sum3A_1622 = tpu.scan <sum>, %add3A_1618 masked %reduce_sum3A_1621 : vector<16xf32>, vector<16xi1> -> vector<16xf32>
      %reduce_sum3A_1623 = vector.extract %reduce_sum3A_1622[15] : f32 from vector<16xf32>
      %broadcast_in_dim3A_1624 = vector.broadcast %reduce_sum3A_1623 : f32 to vector<16xf32>
      %mul3A_1625 = arith.constant 0.00520833349 : f32
      %mul3A_1626 = vector.broadcast %mul3A_1625 : f32 to vector<16xf32>
      %mul3A_1627 = arith.mulf %broadcast_in_dim3A_1624, %mul3A_1626 : vector<16xf32>
      %reduce_sum3A_1628 = arith.constant true
      %reduce_sum3A_1629 = vector.broadcast %reduce_sum3A_1628 : i1 to vector<16xi1>
      %reduce_sum3A_1630 = tpu.scan <sum>, %add3A_1620 masked %reduce_sum3A_1629 : vector<16xf32>, vector<16xi1> -> vector<16xf32>
      %reduce_sum3A_1631 = vector.extract %reduce_sum3A_1630[15] : f32 from vector<16xf32>
      %broadcast_in_dim3A_1632 = vector.broadcast %reduce_sum3A_1631 : f32 to vector<16xf32>
      %mul3A_1633 = arith.constant 0.00520833349 : f32
      %mul3A_1634 = vector.broadcast %mul3A_1633 : f32 to vector<16xf32>
      %mul3A_1635 = arith.mulf %broadcast_in_dim3A_1632, %mul3A_1634 : vector<16xf32>
      %mul3A_1636 = arith.mulf %mul3A_1627, %mul3A_1627 : vector<16xf32>
      %sub3A_1637 = arith.subf %mul3A_1635, %mul3A_1636 : vector<16xf32>
      %add3A_1638 = arith.constant 9.99999996E-13 : f32
      %add3A_1639 = vector.broadcast %add3A_1638 : f32 to vector<16xf32>
      %add3A_1640 = arith.addf %sub3A_1637, %add3A_1639 : vector<16xf32>
      %broadcast_in_dim3A_1641 = arith.constant 1597463007 : i32
      %broadcast_in_dim3A_1642 = vector.broadcast %broadcast_in_dim3A_1641 : i32 to vector<16xi32>
      %bitcast3A = vector.bitcast %add3A_1640 : vector<16xf32> to vector<16xi32>
      %broadcast_in_dim3A_1643 = arith.constant 1 : i32
      %broadcast_in_dim3A_1644 = vector.broadcast %broadcast_in_dim3A_1643 : i32 to vector<16xi32>
      %shift_right_logical3A = arith.shrui %bitcast3A, %broadcast_in_dim3A_1644 : vector<16xi32>
      %sub3A_1645 = arith.subi %broadcast_in_dim3A_1642, %shift_right_logical3A : vector<16xi32>
      %bitcast3A_1646 = vector.bitcast %sub3A_1645 : vector<16xi32> to vector<16xf32>
      %mul3A_1647 = arith.constant 5.000000e-01 : f32
      %mul3A_1648 = vector.broadcast %mul3A_1647 : f32 to vector<16xf32>
      %mul3A_1649 = arith.mulf %mul3A_1648, %add3A_1640 : vector<16xf32>
      %mul3A_1650 = arith.mulf %mul3A_1649, %bitcast3A_1646 : vector<16xf32>
      %mul3A_1651 = arith.mulf %mul3A_1650, %bitcast3A_1646 : vector<16xf32>
      %sub3A_1652 = arith.constant 1.500000e+00 : f32
      %sub3A_1653 = vector.broadcast %sub3A_1652 : f32 to vector<16xf32>
      %sub3A_1654 = arith.subf %sub3A_1653, %mul3A_1651 : vector<16xf32>
      %mul3A_1655 = arith.mulf %bitcast3A_1646, %sub3A_1654 : vector<16xf32>
      %mul3A_1656 = arith.constant 5.000000e-01 : f32
      %mul3A_1657 = vector.broadcast %mul3A_1656 : f32 to vector<16xf32>
      %mul3A_1658 = arith.mulf %mul3A_1657, %add3A_1640 : vector<16xf32>
      %mul3A_1659 = arith.mulf %mul3A_1658, %mul3A_1655 : vector<16xf32>
      %mul3A_1660 = arith.mulf %mul3A_1659, %mul3A_1655 : vector<16xf32>
      %sub3A_1661 = arith.constant 1.500000e+00 : f32
      %sub3A_1662 = vector.broadcast %sub3A_1661 : f32 to vector<16xf32>
      %sub3A_1663 = arith.subf %sub3A_1662, %mul3A_1660 : vector<16xf32>
      %mul3A_1664 = arith.mulf %mul3A_1655, %sub3A_1663 : vector<16xf32>
      %mul3A_1665 = arith.constant 5.000000e-01 : f32
      %mul3A_1666 = vector.broadcast %mul3A_1665 : f32 to vector<16xf32>
      %mul3A_1667 = arith.mulf %mul3A_1666, %add3A_1640 : vector<16xf32>
      %mul3A_1668 = arith.mulf %mul3A_1667, %mul3A_1664 : vector<16xf32>
      %mul3A_1669 = arith.mulf %mul3A_1668, %mul3A_1664 : vector<16xf32>
      %sub3A_1670 = arith.constant 1.500000e+00 : f32
      %sub3A_1671 = vector.broadcast %sub3A_1670 : f32 to vector<16xf32>
      %sub3A_1672 = arith.subf %sub3A_1671, %mul3A_1669 : vector<16xf32>
      %mul3A_1673 = arith.mulf %mul3A_1664, %sub3A_1672 : vector<16xf32>
      %get3A_1674 = arith.index_cast %scan3A_1544 : i32 to index
      %get3A_1675 = arith.constant 0 : index
      %get3A_1676 = tpu.vector_load %arg17[%get3A_1674, %get3A_1675] {strides = array<i32>} : memref<64x128xf32, #tpu.memory_space<vmem>>, vector<16xf32>,
      %sub3A_1677 = arith.subf %get3A_1676, %mul3A_1627 : vector<16xf32>
      %mul3A_1678 = arith.mulf %sub3A_1677, %mul3A_1673 : vector<16xf32>
      %get3A_1679 = arith.constant 0 : index
      %get3A_1680 = tpu.vector_load %arg22[%get3A_1679] {strides = array<i32>} : memref<192xf32, #tpu.memory_space<vmem>>, vector<16xf32>,
      %mul3A_1681 = arith.mulf %mul3A_1678, %get3A_1680 : vector<16xf32>
      %get3A_1682 = arith.constant 0 : index
      %get3A_1683 = tpu.vector_load %arg23[%get3A_1682] {strides = array<i32>} : memref<192xf32, #tpu.memory_space<vmem>>, vector<16xf32>,
      %add3A_1684 = arith.addf %mul3A_1681, %get3A_1683 : vector<16xf32>
      %swap3A_1685 = arith.index_cast %scan3A_1544 : i32 to index
      %swap3A_1686 = arith.constant 0 : index
      %swap3A_1687 = tpu.vector_load %arg20[%swap3A_1685, %swap3A_1686] {strides = array<i32>} : memref<64x128xf32, #tpu.memory_space<vmem>>, vector<16xf32>,
      tpu.vector_store %arg20[%swap3A_1685, %swap3A_1686], %add3A_1684 {strides = array<i32>} : memref<64x128xf32, #tpu.memory_space<vmem>>, vector<16xf32>,
      %get3A_1688 = arith.index_cast %scan3A_1544 : i32 to index
      %get3A_1689 = arith.constant 16 : index
      %get3A_1690 = tpu.vector_load %arg17[%get3A_1688, %get3A_1689] {strides = array<i32>} : memref<64x128xf32, #tpu.memory_space<vmem>>, vector<16xf32>,
      %sub3A_1691 = arith.subf %get3A_1690, %mul3A_1627 : vector<16xf32>
      %mul3A_1692 = arith.mulf %sub3A_1691, %mul3A_1673 : vector<16xf32>
      %get3A_1693 = arith.constant 16 : index
      %get3A_1694 = tpu.vector_load %arg22[%get3A_1693] {strides = array<i32>} : memref<192xf32, #tpu.memory_space<vmem>>, vector<16xf32>,
      %mul3A_1695 = arith.mulf %mul3A_1692, %get3A_1694 : vector<16xf32>
      %get3A_1696 = arith.constant 16 : index
      %get3A_1697 = tpu.vector_load %arg23[%get3A_1696] {strides = array<i32>} : memref<192xf32, #tpu.memory_space<vmem>>, vector<16xf32>,
      %add3A_1698 = arith.addf %mul3A_1695, %get3A_1697 : vector<16xf32>
      %swap3A_1699 = arith.index_cast %scan3A_1544 : i32 to index
      %swap3A_1700 = arith.constant 16 : index
      %swap3A_1701 = tpu.vector_load %arg20[%swap3A_1699, %swap3A_1700] {strides = array<i32>} : memref<64x128xf32, #tpu.memory_space<vmem>>, vector<16xf32>,
      tpu.vector_store %arg20[%swap3A_1699, %swap3A_1700], %add3A_1698 {strides = array<i32>} : memref<64x128xf32, #tpu.memory_space<vmem>>, vector<16xf32>,
      %get3A_1702 = arith.index_cast %scan3A_1544 : i32 to index
      %get3A_1703 = arith.constant 32 : index
      %get3A_1704 = tpu.vector_load %arg17[%get3A_1702, %get3A_1703] {strides = array<i32>} : memref<64x128xf32, #tpu.memory_space<vmem>>, vector<16xf32>,
      %sub3A_1705 = arith.subf %get3A_1704, %mul3A_1627 : vector<16xf32>
      %mul3A_1706 = arith.mulf %sub3A_1705, %mul3A_1673 : vector<16xf32>
      %get3A_1707 = arith.constant 32 : index
      %get3A_1708 = tpu.vector_load %arg22[%get3A_1707] {strides = array<i32>} : memref<192xf32, #tpu.memory_space<vmem>>, vector<16xf32>,
      %mul3A_1709 = arith.mulf %mul3A_1706, %get3A_1708 : vector<16xf32>
      %get3A_1710 = arith.constant 32 : index
      %get3A_1711 = tpu.vector_load %arg23[%get3A_1710] {strides = array<i32>} : memref<192xf32, #tpu.memory_space<vmem>>, vector<16xf32>,
      %add3A_1712 = arith.addf %mul3A_1709, %get3A_1711 : vector<16xf32>
      %swap3A_1713 = arith.index_cast %scan3A_1544 : i32 to index
      %swap3A_1714 = arith.constant 32 : index
      %swap3A_1715 = tpu.vector_load %arg20[%swap3A_1713, %swap3A_1714] {strides = array<i32>} : memref<64x128xf32, #tpu.memory_space<vmem>>, vector<16xf32>,
      tpu.vector_store %arg20[%swap3A_1713, %swap3A_1714], %add3A_1712 {strides = array<i32>} : memref<64x128xf32, #tpu.memory_space<vmem>>, vector<16xf32>,
      %get3A_1716 = arith.index_cast %scan3A_1544 : i32 to index
      %get3A_1717 = arith.constant 48 : index
      %get3A_1718 = tpu.vector_load %arg17[%get3A_1716, %get3A_1717] {strides = array<i32>} : memref<64x128xf32, #tpu.memory_space<vmem>>, vector<16xf32>,
      %sub3A_1719 = arith.subf %get3A_1718, %mul3A_1627 : vector<16xf32>
      %mul3A_1720 = arith.mulf %sub3A_1719, %mul3A_1673 : vector<16xf32>
      %get3A_1721 = arith.constant 48 : index
      %get3A_1722 = tpu.vector_load %arg22[%get3A_1721] {strides = array<i32>} : memref<192xf32, #tpu.memory_space<vmem>>, vector<16xf32>,
      %mul3A_1723 = arith.mulf %mul3A_1720, %get3A_1722 : vector<16xf32>
      %get3A_1724 = arith.constant 48 : index
      %get3A_1725 = tpu.vector_load %arg23[%get3A_1724] {strides = array<i32>} : memref<192xf32, #tpu.memory_space<vmem>>, vector<16xf32>,
      %add3A_1726 = arith.addf %mul3A_1723, %get3A_1725 : vector<16xf32>
      %swap3A_1727 = arith.index_cast %scan3A_1544 : i32 to index
      %swap3A_1728 = arith.constant 48 : index
      %swap3A_1729 = tpu.vector_load %arg20[%swap3A_1727, %swap3A_1728] {strides = array<i32>} : memref<64x128xf32, #tpu.memory_space<vmem>>, vector<16xf32>,
      tpu.vector_store %arg20[%swap3A_1727, %swap3A_1728], %add3A_1726 {strides = array<i32>} : memref<64x128xf32, #tpu.memory_space<vmem>>, vector<16xf32>,
      %get3A_1730 = arith.index_cast %scan3A_1544 : i32 to index
      %get3A_1731 = arith.constant 64 : index
      %get3A_1732 = tpu.vector_load %arg17[%get3A_1730, %get3A_1731] {strides = array<i32>} : memref<64x128xf32, #tpu.memory_space<vmem>>, vector<16xf32>,
      %sub3A_1733 = arith.subf %get3A_1732, %mul3A_1627 : vector<16xf32>
      %mul3A_1734 = arith.mulf %sub3A_1733, %mul3A_1673 : vector<16xf32>
      %get3A_1735 = arith.constant 64 : index
      %get3A_1736 = tpu.vector_load %arg22[%get3A_1735] {strides = array<i32>} : memref<192xf32, #tpu.memory_space<vmem>>, vector<16xf32>,
      %mul3A_1737 = arith.mulf %mul3A_1734, %get3A_1736 : vector<16xf32>
      %get3A_1738 = arith.constant 64 : index
      %get3A_1739 = tpu.vector_load %arg23[%get3A_1738] {strides = array<i32>} : memref<192xf32, #tpu.memory_space<vmem>>, vector<16xf32>,
      %add3A_1740 = arith.addf %mul3A_1737, %get3A_1739 : vector<16xf32>
      %swap3A_1741 = arith.index_cast %scan3A_1544 : i32 to index
      %swap3A_1742 = arith.constant 64 : index
      %swap3A_1743 = tpu.vector_load %arg20[%swap3A_1741, %swap3A_1742] {strides = array<i32>} : memref<64x128xf32, #tpu.memory_space<vmem>>, vector<16xf32>,
      tpu.vector_store %arg20[%swap3A_1741, %swap3A_1742], %add3A_1740 {strides = array<i32>} : memref<64x128xf32, #tpu.memory_space<vmem>>, vector<16xf32>,
      %get3A_1744 = arith.index_cast %scan3A_1544 : i32 to index
      %get3A_1745 = arith.constant 80 : index
      %get3A_1746 = tpu.vector_load %arg17[%get3A_1744, %get3A_1745] {strides = array<i32>} : memref<64x128xf32, #tpu.memory_space<vmem>>, vector<16xf32>,
      %sub3A_1747 = arith.subf %get3A_1746, %mul3A_1627 : vector<16xf32>
      %mul3A_1748 = arith.mulf %sub3A_1747, %mul3A_1673 : vector<16xf32>
      %get3A_1749 = arith.constant 80 : index
      %get3A_1750 = tpu.vector_load %arg22[%get3A_1749] {strides = array<i32>} : memref<192xf32, #tpu.memory_space<vmem>>, vector<16xf32>,
      %mul3A_1751 = arith.mulf %mul3A_1748, %get3A_1750 : vector<16xf32>
      %get3A_1752 = arith.constant 80 : index
      %get3A_1753 = tpu.vector_load %arg23[%get3A_1752] {strides = array<i32>} : memref<192xf32, #tpu.memory_space<vmem>>, vector<16xf32>,
      %add3A_1754 = arith.addf %mul3A_1751, %get3A_1753 : vector<16xf32>
      %swap3A_1755 = arith.index_cast %scan3A_1544 : i32 to index
      %swap3A_1756 = arith.constant 80 : index
      %swap3A_1757 = tpu.vector_load %arg20[%swap3A_1755, %swap3A_1756] {strides = array<i32>} : memref<64x128xf32, #tpu.memory_space<vmem>>, vector<16xf32>,
      tpu.vector_store %arg20[%swap3A_1755, %swap3A_1756], %add3A_1754 {strides = array<i32>} : memref<64x128xf32, #tpu.memory_space<vmem>>, vector<16xf32>,
      %get3A_1758 = arith.index_cast %scan3A_1544 : i32 to index
      %get3A_1759 = arith.constant 96 : index
      %get3A_1760 = tpu.vector_load %arg17[%get3A_1758, %get3A_1759] {strides = array<i32>} : memref<64x128xf32, #tpu.memory_space<vmem>>, vector<16xf32>,
      %sub3A_1761 = arith.subf %get3A_1760, %mul3A_1627 : vector<16xf32>
      %mul3A_1762 = arith.mulf %sub3A_1761, %mul3A_1673 : vector<16xf32>
      %get3A_1763 = arith.constant 96 : index
      %get3A_1764 = tpu.vector_load %arg22[%get3A_1763] {strides = array<i32>} : memref<192xf32, #tpu.memory_space<vmem>>, vector<16xf32>,
      %mul3A_1765 = arith.mulf %mul3A_1762, %get3A_1764 : vector<16xf32>
      %get3A_1766 = arith.constant 96 : index
      %get3A_1767 = tpu.vector_load %arg23[%get3A_1766] {strides = array<i32>} : memref<192xf32, #tpu.memory_space<vmem>>, vector<16xf32>,
      %add3A_1768 = arith.addf %mul3A_1765, %get3A_1767 : vector<16xf32>
      %swap3A_1769 = arith.index_cast %scan3A_1544 : i32 to index
      %swap3A_1770 = arith.constant 96 : index
      %swap3A_1771 = tpu.vector_load %arg20[%swap3A_1769, %swap3A_1770] {strides = array<i32>} : memref<64x128xf32, #tpu.memory_space<vmem>>, vector<16xf32>,
      tpu.vector_store %arg20[%swap3A_1769, %swap3A_1770], %add3A_1768 {strides = array<i32>} : memref<64x128xf32, #tpu.memory_space<vmem>>, vector<16xf32>,
      %get3A_1772 = arith.index_cast %scan3A_1544 : i32 to index
      %get3A_1773 = arith.constant 112 : index
      %get3A_1774 = tpu.vector_load %arg17[%get3A_1772, %get3A_1773] {strides = array<i32>} : memref<64x128xf32, #tpu.memory_space<vmem>>, vector<16xf32>,
      %sub3A_1775 = arith.subf %get3A_1774, %mul3A_1627 : vector<16xf32>
      %mul3A_1776 = arith.mulf %sub3A_1775, %mul3A_1673 : vector<16xf32>
      %get3A_1777 = arith.constant 112 : index
      %get3A_1778 = tpu.vector_load %arg22[%get3A_1777] {strides = array<i32>} : memref<192xf32, #tpu.memory_space<vmem>>, vector<16xf32>,
      %mul3A_1779 = arith.mulf %mul3A_1776, %get3A_1778 : vector<16xf32>
      %get3A_1780 = arith.constant 112 : index
      %get3A_1781 = tpu.vector_load %arg23[%get3A_1780] {strides = array<i32>} : memref<192xf32, #tpu.memory_space<vmem>>, vector<16xf32>,
      %add3A_1782 = arith.addf %mul3A_1779, %get3A_1781 : vector<16xf32>
      %swap3A_1783 = arith.index_cast %scan3A_1544 : i32 to index
      %swap3A_1784 = arith.constant 112 : index
      %swap3A_1785 = tpu.vector_load %arg20[%swap3A_1783, %swap3A_1784] {strides = array<i32>} : memref<64x128xf32, #tpu.memory_space<vmem>>, vector<16xf32>,
      tpu.vector_store %arg20[%swap3A_1783, %swap3A_1784], %add3A_1782 {strides = array<i32>} : memref<64x128xf32, #tpu.memory_space<vmem>>, vector<16xf32>,
      %get3A_1786 = arith.index_cast %scan3A_1544 : i32 to index
      %get3A_1787 = arith.constant 0 : index
      %get3A_1788 = tpu.vector_load %arg19[%get3A_1786, %get3A_1787] {strides = array<i32>} : memref<64x128xf32, #tpu.memory_space<vmem>>, vector<16xf32>,
      %sub3A_1789 = arith.subf %get3A_1788, %mul3A_1627 : vector<16xf32>
      %mul3A_1790 = arith.mulf %sub3A_1789, %mul3A_1673 : vector<16xf32>
      %get3A_1791 = arith.constant 128 : index
      %get3A_1792 = tpu.vector_load %arg22[%get3A_1791] {strides = array<i32>} : memref<192xf32, #tpu.memory_space<vmem>>, vector<16xf32>,
      %mul3A_1793 = arith.mulf %mul3A_1790, %get3A_1792 : vector<16xf32>
      %get3A_1794 = arith.constant 128 : index
      %get3A_1795 = tpu.vector_load %arg23[%get3A_1794] {strides = array<i32>} : memref<192xf32, #tpu.memory_space<vmem>>, vector<16xf32>,
      %add3A_1796 = arith.addf %mul3A_1793, %get3A_1795 : vector<16xf32>
      %swap3A_1797 = arith.index_cast %scan3A_1544 : i32 to index
      %swap3A_1798 = arith.constant 0 : index
      %swap3A_1799 = tpu.vector_load %arg21[%swap3A_1797, %swap3A_1798] {strides = array<i32>} : memref<64x128xf32, #tpu.memory_space<vmem>>, vector<16xf32>,
      tpu.vector_store %arg21[%swap3A_1797, %swap3A_1798], %add3A_1796 {strides = array<i32>} : memref<64x128xf32, #tpu.memory_space<vmem>>, vector<16xf32>,
      %get3A_1800 = arith.index_cast %scan3A_1544 : i32 to index
      %get3A_1801 = arith.constant 16 : index
      %get3A_1802 = tpu.vector_load %arg19[%get3A_1800, %get3A_1801] {strides = array<i32>} : memref<64x128xf32, #tpu.memory_space<vmem>>, vector<16xf32>,
      %sub3A_1803 = arith.subf %get3A_1802, %mul3A_1627 : vector<16xf32>
      %mul3A_1804 = arith.mulf %sub3A_1803, %mul3A_1673 : vector<16xf32>
      %get3A_1805 = arith.constant 144 : index
      %get3A_1806 = tpu.vector_load %arg22[%get3A_1805] {strides = array<i32>} : memref<192xf32, #tpu.memory_space<vmem>>, vector<16xf32>,
      %mul3A_1807 = arith.mulf %mul3A_1804, %get3A_1806 : vector<16xf32>
      %get3A_1808 = arith.constant 144 : index
      %get3A_1809 = tpu.vector_load %arg23[%get3A_1808] {strides = array<i32>} : memref<192xf32, #tpu.memory_space<vmem>>, vector<16xf32>,
      %add3A_1810 = arith.addf %mul3A_1807, %get3A_1809 : vector<16xf32>
      %swap3A_1811 = arith.index_cast %scan3A_1544 : i32 to index
      %swap3A_1812 = arith.constant 16 : index
      %swap3A_1813 = tpu.vector_load %arg21[%swap3A_1811, %swap3A_1812] {strides = array<i32>} : memref<64x128xf32, #tpu.memory_space<vmem>>, vector<16xf32>,
      tpu.vector_store %arg21[%swap3A_1811, %swap3A_1812], %add3A_1810 {strides = array<i32>} : memref<64x128xf32, #tpu.memory_space<vmem>>, vector<16xf32>,
      %get3A_1814 = arith.index_cast %scan3A_1544 : i32 to index
      %get3A_1815 = arith.constant 32 : index
      %get3A_1816 = tpu.vector_load %arg19[%get3A_1814, %get3A_1815] {strides = array<i32>} : memref<64x128xf32, #tpu.memory_space<vmem>>, vector<16xf32>,
      %sub3A_1817 = arith.subf %get3A_1816, %mul3A_1627 : vector<16xf32>
      %mul3A_1818 = arith.mulf %sub3A_1817, %mul3A_1673 : vector<16xf32>
      %get3A_1819 = arith.constant 160 : index
      %get3A_1820 = tpu.vector_load %arg22[%get3A_1819] {strides = array<i32>} : memref<192xf32, #tpu.memory_space<vmem>>, vector<16xf32>,
      %mul3A_1821 = arith.mulf %mul3A_1818, %get3A_1820 : vector<16xf32>
      %get3A_1822 = arith.constant 160 : index
      %get3A_1823 = tpu.vector_load %arg23[%get3A_1822] {strides = array<i32>} : memref<192xf32, #tpu.memory_space<vmem>>, vector<16xf32>,
      %add3A_1824 = arith.addf %mul3A_1821, %get3A_1823 : vector<16xf32>
      %swap3A_1825 = arith.index_cast %scan3A_1544 : i32 to index
      %swap3A_1826 = arith.constant 32 : index
      %swap3A_1827 = tpu.vector_load %arg21[%swap3A_1825, %swap3A_1826] {strides = array<i32>} : memref<64x128xf32, #tpu.memory_space<vmem>>, vector<16xf32>,
      tpu.vector_store %arg21[%swap3A_1825, %swap3A_1826], %add3A_1824 {strides = array<i32>} : memref<64x128xf32, #tpu.memory_space<vmem>>, vector<16xf32>,
      %get3A_1828 = arith.index_cast %scan3A_1544 : i32 to index
      %get3A_1829 = arith.constant 48 : index
      %get3A_1830 = tpu.vector_load %arg19[%get3A_1828, %get3A_1829] {strides = array<i32>} : memref<64x128xf32, #tpu.memory_space<vmem>>, vector<16xf32>,
      %sub3A_1831 = arith.subf %get3A_1830, %mul3A_1627 : vector<16xf32>
      %mul3A_1832 = arith.mulf %sub3A_1831, %mul3A_1673 : vector<16xf32>
      %get3A_1833 = arith.constant 176 : index
      %get3A_1834 = tpu.vector_load %arg22[%get3A_1833] {strides = array<i32>} : memref<192xf32, #tpu.memory_space<vmem>>, vector<16xf32>,
      %mul3A_1835 = arith.mulf %mul3A_1832, %get3A_1834 : vector<16xf32>
      %get3A_1836 = arith.constant 176 : index
      %get3A_1837 = tpu.vector_load %arg23[%get3A_1836] {strides = array<i32>} : memref<192xf32, #tpu.memory_space<vmem>>, vector<16xf32>,
      %add3A_1838 = arith.addf %mul3A_1835, %get3A_1837 : vector<16xf32>
      %swap3A_1839 = arith.index_cast %scan3A_1544 : i32 to index
      %swap3A_1840 = arith.constant 48 : index
      %swap3A_1841 = tpu.vector_load %arg21[%swap3A_1839, %swap3A_1840] {strides = array<i32>} : memref<64x128xf32, #tpu.memory_space<vmem>>, vector<16xf32>,
      tpu.vector_store %arg21[%swap3A_1839, %swap3A_1840], %add3A_1838 {strides = array<i32>} : memref<64x128xf32, #tpu.memory_space<vmem>>, vector<16xf32>,
    }
    %scan3A_1543 = arith.constant 64 : i32
    "tpu.region"() ({
      %run_scoped3A = tpu.sem_alloc : memref<!tpu.dma_semaphore, #tpu.memory_space<semaphore_mem>>
      %dma_start3A_1544 = arith.constant 0 : i32
      %dma_start3A_1545 = tpu.memref_slice %arg8[%add3A_1537, %dma_start3A_1544] : memref<8192x128xf32, #tpu.memory_space<hbm>> -> memref<64x128xf32, #tpu.memory_space<hbm>>
      %dma_start3A_1546 = arith.constant 0 : i32
      %dma_start3A_1547 = tpu.memref_slice %arg8[%add3A_1537, %dma_start3A_1546] : memref<8192x128xf32, #tpu.memory_space<hbm>> -> memref<64x128xf32, #tpu.memory_space<hbm>>
      tpu.enqueue_dma source(%arg20 : memref<64x128xf32, #tpu.memory_space<vmem>>) target(%dma_start3A_1547 : memref<64x128xf32, #tpu.memory_space<hbm>>) target_semaphore(%run_scoped3A : memref<!tpu.dma_semaphore, #tpu.memory_space<semaphore_mem>>)
      %dma_wait3A_1548 = arith.constant 0 : i32
      %dma_wait3A_1549 = tpu.memref_slice %arg8[%add3A_1537, %dma_wait3A_1548] : memref<8192x128xf32, #tpu.memory_space<hbm>> -> memref<64x128xf32, #tpu.memory_space<hbm>>
      %dma_wait3A_1550 = arith.constant 0 : i32
      %dma_wait3A_1551 = tpu.memref_slice %arg8[%add3A_1537, %dma_wait3A_1550] : memref<8192x128xf32, #tpu.memory_space<hbm>> -> memref<64x128xf32, #tpu.memory_space<hbm>>
      tpu.wait_dma2 semaphore(%run_scoped3A : memref<!tpu.dma_semaphore, #tpu.memory_space<semaphore_mem>>) src(%arg20 : memref<64x128xf32, #tpu.memory_space<vmem>>) dst(%dma_wait3A_1551 : memref<64x128xf32, #tpu.memory_space<hbm>>)
      tpu.yield
    }) : () -> ()
    "tpu.region"() ({
      %run_scoped3A = tpu.sem_alloc : memref<!tpu.dma_semaphore, #tpu.memory_space<semaphore_mem>>
      %dma_start3A_1544 = arith.constant 0 : i32
      %dma_start3A_1545 = tpu.memref_slice %arg9[%add3A_1537, %dma_start3A_1544] : memref<8192x128xf32, #tpu.memory_space<hbm>> -> memref<64x128xf32, #tpu.memory_space<hbm>>
      %dma_start3A_1546 = arith.constant 0 : i32
      %dma_start3A_1547 = tpu.memref_slice %arg9[%add3A_1537, %dma_start3A_1546] : memref<8192x128xf32, #tpu.memory_space<hbm>> -> memref<64x128xf32, #tpu.memory_space<hbm>>
      tpu.enqueue_dma source(%arg21 : memref<64x128xf32, #tpu.memory_space<vmem>>) target(%dma_start3A_1547 : memref<64x128xf32, #tpu.memory_space<hbm>>) target_semaphore(%run_scoped3A : memref<!tpu.dma_semaphore, #tpu.memory_space<semaphore_mem>>)
      %dma_wait3A_1548 = arith.constant 0 : i32
      %dma_wait3A_1549 = tpu.memref_slice %arg9[%add3A_1537, %dma_wait3A_1548] : memref<8192x128xf32, #tpu.memory_space<hbm>> -> memref<64x128xf32, #tpu.memory_space<hbm>>
      %dma_wait3A_1550 = arith.constant 0 : i32
      %dma_wait3A_1551 = tpu.memref_slice %arg9[%add3A_1537, %dma_wait3A_1550] : memref<8192x128xf32, #tpu.memory_space<hbm>> -> memref<64x128xf32, #tpu.memory_space<hbm>>
      tpu.wait_dma2 semaphore(%run_scoped3A : memref<!tpu.dma_semaphore, #tpu.memory_space<semaphore_mem>>) src(%arg21 : memref<64x128xf32, #tpu.memory_space<vmem>>) dst(%dma_wait3A_1551 : memref<64x128xf32, #tpu.memory_space<hbm>>)
      tpu.yield
    }) : () -> ()
    return
  }
}

module attributes {stable_mosaic.version = 14 : i64} {
  func.func @_tc_table_body(%arg0: memref<1024x128xf32, #tpu.memory_space<vmem>>, %arg1: memref<1024x128xf32, #tpu.memory_space<vmem>>, %arg2: memref<1024x128xf32, #tpu.memory_space<vmem>>, %arg3: memref<1024x128xf32, #tpu.memory_space<vmem>>, %arg4: memref<2048x192xf32, #tpu.memory_space<vmem>>, %arg5: memref<768x192xf32, #tpu.memory_space<vmem>>, %arg6: memref<1x192xf32, #tpu.memory_space<vmem>>, %arg7: memref<8192x128xf32, #tpu.memory_space<vmem>>, %arg8: memref<8192x128xf32, #tpu.memory_space<vmem>>) attributes {dimension_semantics = [], scalar_prefetch = 0 : i64, scratch_operands = 0 : i64, tpu.core_type = #tpu.core_type<tc>} {
    %get3A = arith.constant 0 : index
    %get3A_0 = arith.constant 0 : index
    %get3A_1 = vector.load %arg0[%get3A, %get3A_0] : memref<1024x128xf32, #tpu.memory_space<vmem>>, vector<1024x128xf32>
    %get3A_2 = arith.constant 0 : index
    %get3A_3 = arith.constant 0 : index
    %get3A_4 = vector.load %arg5[%get3A_2, %get3A_3] : memref<768x192xf32, #tpu.memory_space<vmem>>, vector<128x192xf32>
    %dot_general3A = arith.constant dense<0.000000e+00> : vector<1024x192xf32>
    %dot_general3A_5 = tpu.matmul %get3A_1, %get3A_4, %dot_general3A {dimension_numbers = #tpu.dot_dimension_numbers<[1], [0], [0], [1], [0, 0, 1, 1], [], []>, transpose_lhs_hint = false} : vector<1024x128xf32>, vector<128x192xf32>, vector<1024x192xf32> -> vector<1024x192xf32>
    %slice3A = vector.extract_strided_slice %dot_general3A_5 {offsets = [0, 0], sizes = [1024, 128], strides = [1, 1]} : vector<1024x192xf32> to vector<1024x128xf32>
    %swap3A = arith.constant 0 : index
    %swap3A_6 = arith.constant 0 : index
    %swap3A_7 = vector.load %arg7[%swap3A, %swap3A_6] : memref<8192x128xf32, #tpu.memory_space<vmem>>, vector<1024x128xf32>
    tpu.vector_store %arg7[%swap3A, %swap3A_6], %slice3A {strides = array<i32>} : memref<8192x128xf32, #tpu.memory_space<vmem>>, vector<1024x128xf32>,
    %slice3A_8 = vector.extract_strided_slice %dot_general3A_5 {offsets = [0, 128], sizes = [1024, 64], strides = [1, 1]} : vector<1024x192xf32> to vector<1024x64xf32>
    %swap3A_9 = arith.constant 0 : index
    %swap3A_10 = arith.constant 0 : index
    %swap3A_11 = vector.load %arg8[%swap3A_9, %swap3A_10] : memref<8192x128xf32, #tpu.memory_space<vmem>>, vector<1024x64xf32>
    tpu.vector_store %arg8[%swap3A_9, %swap3A_10], %slice3A_8 {strides = array<i32>} : memref<8192x128xf32, #tpu.memory_space<vmem>>, vector<1024x64xf32>,
    %get3A_12 = arith.constant 0 : index
    %get3A_13 = arith.constant 0 : index
    %get3A_14 = vector.load %arg1[%get3A_12, %get3A_13] : memref<1024x128xf32, #tpu.memory_space<vmem>>, vector<1024x128xf32>
    %get3A_15 = arith.constant 128 : index
    %get3A_16 = arith.constant 0 : index
    %get3A_17 = vector.load %arg5[%get3A_15, %get3A_16] : memref<768x192xf32, #tpu.memory_space<vmem>>, vector<128x192xf32>
    %dot_general3A_18 = arith.constant dense<0.000000e+00> : vector<1024x192xf32>
    %dot_general3A_19 = tpu.matmul %get3A_14, %get3A_17, %dot_general3A_18 {dimension_numbers = #tpu.dot_dimension_numbers<[1], [0], [0], [1], [0, 0, 1, 1], [], []>, transpose_lhs_hint = false} : vector<1024x128xf32>, vector<128x192xf32>, vector<1024x192xf32> -> vector<1024x192xf32>
    %slice3A_20 = vector.extract_strided_slice %dot_general3A_19 {offsets = [0, 0], sizes = [1024, 128], strides = [1, 1]} : vector<1024x192xf32> to vector<1024x128xf32>
    %swap3A_21 = arith.constant 1024 : index
    %swap3A_22 = arith.constant 0 : index
    %swap3A_23 = vector.load %arg7[%swap3A_21, %swap3A_22] : memref<8192x128xf32, #tpu.memory_space<vmem>>, vector<1024x128xf32>
    tpu.vector_store %arg7[%swap3A_21, %swap3A_22], %slice3A_20 {strides = array<i32>} : memref<8192x128xf32, #tpu.memory_space<vmem>>, vector<1024x128xf32>,
    %slice3A_24 = vector.extract_strided_slice %dot_general3A_19 {offsets = [0, 128], sizes = [1024, 64], strides = [1, 1]} : vector<1024x192xf32> to vector<1024x64xf32>
    %swap3A_25 = arith.constant 1024 : index
    %swap3A_26 = arith.constant 0 : index
    %swap3A_27 = vector.load %arg8[%swap3A_25, %swap3A_26] : memref<8192x128xf32, #tpu.memory_space<vmem>>, vector<1024x64xf32>
    tpu.vector_store %arg8[%swap3A_25, %swap3A_26], %slice3A_24 {strides = array<i32>} : memref<8192x128xf32, #tpu.memory_space<vmem>>, vector<1024x64xf32>,
    %get3A_28 = arith.constant 0 : index
    %get3A_29 = arith.constant 0 : index
    %get3A_30 = vector.load %arg0[%get3A_28, %get3A_29] : memref<1024x128xf32, #tpu.memory_space<vmem>>, vector<1024x128xf32>
    %get3A_31 = arith.constant 256 : index
    %get3A_32 = arith.constant 0 : index
    %get3A_33 = vector.load %arg5[%get3A_31, %get3A_32] : memref<768x192xf32, #tpu.memory_space<vmem>>, vector<128x192xf32>
    %dot_general3A_34 = arith.constant dense<0.000000e+00> : vector<1024x192xf32>
    %dot_general3A_35 = tpu.matmul %get3A_30, %get3A_33, %dot_general3A_34 {dimension_numbers = #tpu.dot_dimension_numbers<[1], [0], [0], [1], [0, 0, 1, 1], [], []>, transpose_lhs_hint = false} : vector<1024x128xf32>, vector<128x192xf32>, vector<1024x192xf32> -> vector<1024x192xf32>
    %slice3A_36 = vector.extract_strided_slice %dot_general3A_35 {offsets = [0, 0], sizes = [1024, 128], strides = [1, 1]} : vector<1024x192xf32> to vector<1024x128xf32>
    %swap3A_37 = arith.constant 2048 : index
    %swap3A_38 = arith.constant 0 : index
    %swap3A_39 = vector.load %arg7[%swap3A_37, %swap3A_38] : memref<8192x128xf32, #tpu.memory_space<vmem>>, vector<1024x128xf32>
    tpu.vector_store %arg7[%swap3A_37, %swap3A_38], %slice3A_36 {strides = array<i32>} : memref<8192x128xf32, #tpu.memory_space<vmem>>, vector<1024x128xf32>,
    %slice3A_40 = vector.extract_strided_slice %dot_general3A_35 {offsets = [0, 128], sizes = [1024, 64], strides = [1, 1]} : vector<1024x192xf32> to vector<1024x64xf32>
    %swap3A_41 = arith.constant 2048 : index
    %swap3A_42 = arith.constant 0 : index
    %swap3A_43 = vector.load %arg8[%swap3A_41, %swap3A_42] : memref<8192x128xf32, #tpu.memory_space<vmem>>, vector<1024x64xf32>
    tpu.vector_store %arg8[%swap3A_41, %swap3A_42], %slice3A_40 {strides = array<i32>} : memref<8192x128xf32, #tpu.memory_space<vmem>>, vector<1024x64xf32>,
    %get3A_44 = arith.constant 0 : index
    %get3A_45 = arith.constant 0 : index
    %get3A_46 = vector.load %arg1[%get3A_44, %get3A_45] : memref<1024x128xf32, #tpu.memory_space<vmem>>, vector<1024x128xf32>
    %get3A_47 = arith.constant 384 : index
    %get3A_48 = arith.constant 0 : index
    %get3A_49 = vector.load %arg5[%get3A_47, %get3A_48] : memref<768x192xf32, #tpu.memory_space<vmem>>, vector<128x192xf32>
    %dot_general3A_50 = arith.constant dense<0.000000e+00> : vector<1024x192xf32>
    %dot_general3A_51 = tpu.matmul %get3A_46, %get3A_49, %dot_general3A_50 {dimension_numbers = #tpu.dot_dimension_numbers<[1], [0], [0], [1], [0, 0, 1, 1], [], []>, transpose_lhs_hint = false} : vector<1024x128xf32>, vector<128x192xf32>, vector<1024x192xf32> -> vector<1024x192xf32>
    %slice3A_52 = vector.extract_strided_slice %dot_general3A_51 {offsets = [0, 0], sizes = [1024, 128], strides = [1, 1]} : vector<1024x192xf32> to vector<1024x128xf32>
    %swap3A_53 = arith.constant 3072 : index
    %swap3A_54 = arith.constant 0 : index
    %swap3A_55 = vector.load %arg7[%swap3A_53, %swap3A_54] : memref<8192x128xf32, #tpu.memory_space<vmem>>, vector<1024x128xf32>
    tpu.vector_store %arg7[%swap3A_53, %swap3A_54], %slice3A_52 {strides = array<i32>} : memref<8192x128xf32, #tpu.memory_space<vmem>>, vector<1024x128xf32>,
    %slice3A_56 = vector.extract_strided_slice %dot_general3A_51 {offsets = [0, 128], sizes = [1024, 64], strides = [1, 1]} : vector<1024x192xf32> to vector<1024x64xf32>
    %swap3A_57 = arith.constant 3072 : index
    %swap3A_58 = arith.constant 0 : index
    %swap3A_59 = vector.load %arg8[%swap3A_57, %swap3A_58] : memref<8192x128xf32, #tpu.memory_space<vmem>>, vector<1024x64xf32>
    tpu.vector_store %arg8[%swap3A_57, %swap3A_58], %slice3A_56 {strides = array<i32>} : memref<8192x128xf32, #tpu.memory_space<vmem>>, vector<1024x64xf32>,
    %get3A_60 = arith.constant 0 : index
    %get3A_61 = arith.constant 0 : index
    %get3A_62 = vector.load %arg2[%get3A_60, %get3A_61] : memref<1024x128xf32, #tpu.memory_space<vmem>>, vector<1024x128xf32>
    %get3A_63 = arith.constant 512 : index
    %get3A_64 = arith.constant 0 : index
    %get3A_65 = vector.load %arg5[%get3A_63, %get3A_64] : memref<768x192xf32, #tpu.memory_space<vmem>>, vector<128x192xf32>
    %dot_general3A_66 = arith.constant dense<0.000000e+00> : vector<1024x192xf32>
    %dot_general3A_67 = tpu.matmul %get3A_62, %get3A_65, %dot_general3A_66 {dimension_numbers = #tpu.dot_dimension_numbers<[1], [0], [0], [1], [0, 0, 1, 1], [], []>, transpose_lhs_hint = false} : vector<1024x128xf32>, vector<128x192xf32>, vector<1024x192xf32> -> vector<1024x192xf32>
    %slice3A_68 = vector.extract_strided_slice %dot_general3A_67 {offsets = [0, 0], sizes = [1024, 128], strides = [1, 1]} : vector<1024x192xf32> to vector<1024x128xf32>
    %swap3A_69 = arith.constant 4096 : index
    %swap3A_70 = arith.constant 0 : index
    %swap3A_71 = vector.load %arg7[%swap3A_69, %swap3A_70] : memref<8192x128xf32, #tpu.memory_space<vmem>>, vector<1024x128xf32>
    tpu.vector_store %arg7[%swap3A_69, %swap3A_70], %slice3A_68 {strides = array<i32>} : memref<8192x128xf32, #tpu.memory_space<vmem>>, vector<1024x128xf32>,
    %slice3A_72 = vector.extract_strided_slice %dot_general3A_67 {offsets = [0, 128], sizes = [1024, 64], strides = [1, 1]} : vector<1024x192xf32> to vector<1024x64xf32>
    %swap3A_73 = arith.constant 4096 : index
    %swap3A_74 = arith.constant 0 : index
    %swap3A_75 = vector.load %arg8[%swap3A_73, %swap3A_74] : memref<8192x128xf32, #tpu.memory_space<vmem>>, vector<1024x64xf32>
    tpu.vector_store %arg8[%swap3A_73, %swap3A_74], %slice3A_72 {strides = array<i32>} : memref<8192x128xf32, #tpu.memory_space<vmem>>, vector<1024x64xf32>,
    %get3A_76 = arith.constant 0 : index
    %get3A_77 = arith.constant 0 : index
    %get3A_78 = vector.load %arg3[%get3A_76, %get3A_77] : memref<1024x128xf32, #tpu.memory_space<vmem>>, vector<1024x128xf32>
    %get3A_79 = arith.constant 640 : index
    %get3A_80 = arith.constant 0 : index
    %get3A_81 = vector.load %arg5[%get3A_79, %get3A_80] : memref<768x192xf32, #tpu.memory_space<vmem>>, vector<128x192xf32>
    %dot_general3A_82 = arith.constant dense<0.000000e+00> : vector<1024x192xf32>
    %dot_general3A_83 = tpu.matmul %get3A_78, %get3A_81, %dot_general3A_82 {dimension_numbers = #tpu.dot_dimension_numbers<[1], [0], [0], [1], [0, 0, 1, 1], [], []>, transpose_lhs_hint = false} : vector<1024x128xf32>, vector<128x192xf32>, vector<1024x192xf32> -> vector<1024x192xf32>
    %slice3A_84 = vector.extract_strided_slice %dot_general3A_83 {offsets = [0, 0], sizes = [1024, 128], strides = [1, 1]} : vector<1024x192xf32> to vector<1024x128xf32>
    %swap3A_85 = arith.constant 5120 : index
    %swap3A_86 = arith.constant 0 : index
    %swap3A_87 = vector.load %arg7[%swap3A_85, %swap3A_86] : memref<8192x128xf32, #tpu.memory_space<vmem>>, vector<1024x128xf32>
    tpu.vector_store %arg7[%swap3A_85, %swap3A_86], %slice3A_84 {strides = array<i32>} : memref<8192x128xf32, #tpu.memory_space<vmem>>, vector<1024x128xf32>,
    %slice3A_88 = vector.extract_strided_slice %dot_general3A_83 {offsets = [0, 128], sizes = [1024, 64], strides = [1, 1]} : vector<1024x192xf32> to vector<1024x64xf32>
    %swap3A_89 = arith.constant 5120 : index
    %swap3A_90 = arith.constant 0 : index
    %swap3A_91 = vector.load %arg8[%swap3A_89, %swap3A_90] : memref<8192x128xf32, #tpu.memory_space<vmem>>, vector<1024x64xf32>
    tpu.vector_store %arg8[%swap3A_89, %swap3A_90], %slice3A_88 {strides = array<i32>} : memref<8192x128xf32, #tpu.memory_space<vmem>>, vector<1024x64xf32>,
    %get3A_92 = arith.constant 0 : index
    %get3A_93 = arith.constant 0 : index
    %get3A_94 = vector.load %arg4[%get3A_92, %get3A_93] : memref<2048x192xf32, #tpu.memory_space<vmem>>, vector<2048x192xf32>
    %get3A_95 = arith.constant 0 : index
    %get3A_96 = arith.constant 0 : index
    %get3A_97 = vector.load %arg6[%get3A_95, %get3A_96] : memref<1x192xf32, #tpu.memory_space<vmem>>, vector<1x192xf32>
    %add3A = vector.broadcast %get3A_97 : vector<1x192xf32> to vector<2048x192xf32>
    %add3A_98 = arith.addf %get3A_94, %add3A : vector<2048x192xf32>
    %slice3A_99 = vector.extract_strided_slice %add3A_98 {offsets = [0, 0], sizes = [2048, 128], strides = [1, 1]} : vector<2048x192xf32> to vector<2048x128xf32>
    %swap3A_100 = arith.constant 6144 : index
    %swap3A_101 = arith.constant 0 : index
    %swap3A_102 = vector.load %arg7[%swap3A_100, %swap3A_101] : memref<8192x128xf32, #tpu.memory_space<vmem>>, vector<2048x128xf32>
    tpu.vector_store %arg7[%swap3A_100, %swap3A_101], %slice3A_99 {strides = array<i32>} : memref<8192x128xf32, #tpu.memory_space<vmem>>, vector<2048x128xf32>,
    %slice3A_103 = vector.extract_strided_slice %add3A_98 {offsets = [0, 128], sizes = [2048, 64], strides = [1, 1]} : vector<2048x192xf32> to vector<2048x64xf32>
    %swap3A_104 = arith.constant 6144 : index
    %swap3A_105 = arith.constant 0 : index
    %swap3A_106 = vector.load %arg8[%swap3A_104, %swap3A_105] : memref<8192x128xf32, #tpu.memory_space<vmem>>, vector<2048x64xf32>
    tpu.vector_store %arg8[%swap3A_104, %swap3A_105], %slice3A_103 {strides = array<i32>} : memref<8192x128xf32, #tpu.memory_space<vmem>>, vector<2048x64xf32>,
    %broadcast_in_dim3A = arith.constant 0.000000e+00 : f32
    %broadcast_in_dim3A_107 = vector.broadcast %broadcast_in_dim3A : f32 to vector<8192x64xf32>
    %swap3A_108 = arith.constant 0 : index
    %swap3A_109 = arith.constant 64 : index
    %swap3A_110 = vector.load %arg8[%swap3A_108, %swap3A_109] : memref<8192x128xf32, #tpu.memory_space<vmem>>, vector<8192x64xf32>
    tpu.vector_store %arg8[%swap3A_108, %swap3A_109], %broadcast_in_dim3A_107 {strides = array<i32>} : memref<8192x128xf32, #tpu.memory_space<vmem>>, vector<8192x64xf32>,
    return
  }
}

</mosaic_0001>

<sc_bundles>
// kernel: kernel.4.cloned.1.call-start
scs
__scs_entry_jumppad:
0x0: {  	(pc) =	sbr.rel $0x88, $3  }
0x1: {  	(tag) =	ssettag $0x0;
	lr =	simm.s32 $0x1  }
0x2: {  	[smem:$0x3F96] =	sst lr;
	_ =	strace $0xD0000000  }
0x3: {  	_ = 	snop  }
0x4: {  	_ = 	snop  }
0x5: {  	_ = 	snop  }
0x6: {  	_ = 	snop  }
0x7: {  	_ = 	snop  }
__scs_overlays_trampoline_lowered:
0x8: {  	[smem:$0x3FA5] =	sst s0  }
0x9: {  	[smem:$0x3FA6] =	sst s1  }
0xa: {  	[smem:$0x3FA7] =	sst s2  }
0xb: {  	[smem:$0x3FA8] =	sst s3  }
0xc: {  	[smem:$0x3FA9] =	sst s4  }
0xd: {  	[smem:$0x3FAA] =	sst s5  }
0xe: {  	[smem:$0x3FAB] =	sst s6  }
0xf: {  	[smem:$0x3FAC] =	sst s7  }
0x10: {  	[smem:$0x3FAD] =	sst s8  }
0x11: {  	[smem:$0x3FAE] =	sst s9;
	s0 =	simm.s32 @!p0 $0x0  }
0x12: {  	s1 =	sld [smem:$0x3F94];
	s0 =	simm.s32 @p0 $0x1  }
0x13: {  	[smem:$0x3FAF] =	sst s0;
	s0 =	simm.s32 @!p1 $0x0  }
0x14: {  	s2 =	sld [smem:$0x3F93];
	s0 =	simm.s32 @p1 $0x1  }
0x15: {  	[smem:$0x3FB0] =	sst s0;
	s0 =	simm.s32 @!p2 $0x0  }
0x16: {  	s3 =	sld [smem:$0x3FDB];
	s0 =	simm.s32 @p2 $0x1  }
0x17: {  	s4 =	simm.s32 $0x1BF5;
	[smem:$0x3FB2] =	sst s0  }
0x18: {  	s0 =	sld [smem:$0x3F95];
	_ =	swait.ge [sflag:s4], $0x0  }
0x19: {  	s7 =	sld [smem:$0x3F96]  }
0x1a: {  	s8 =	sadd.s32 $0xFFFFE003, lr  }
0x1b: {  	s9 =	sadd.s32 $0xFFFFFEF7, lr;
	s5 =	simm.s32 $0xFFFFFFFF;
	p2 =	slt.u32 s8, $0xFFFFF086  }
0x1c: {  	p1 =	slt.u32 s9, $0xF7A;
	s5 =	simm.s32 @!p2 $0x0  }
0x1d: {  	s5 =	simm.s32 @p1 $0x1;
	p0 =	seq.s32 s7, s2  }
0x1e: {  	s7 =	smul.u32 @!p0 $0xF7A, s2;
	p2 =	seq.s32 @!p0 s5, $0x0  }
0x1f: {  	s9 =	smul.u32 $0xF7A, s1;
	s8 =	simm.s32 @!p0 $0x1BF5;
	p2 =	por !p2, p0  }
0x20: {  	[sflag:s8] =	ssyncset.s32 @!p0 $0xFFFFF086;
	s6 =	sadd.s32 @!p0 s3, s7;
	s7 =	simm.s32 @!p0 $0x108  }
0x21: {  	s3 =	sadd.s32 s3, s9;
	s6 =	sadd.s32 @!p0 $0x88, s6;
	s7 =	simm.s32 @p2 $0x1082  }
0x22: {  	[simem:s7], [sflag:s8] =	dma.local @!p0 [hbm:s6], $0xF7A  }
0x23: {  	s9 =	sor.u32 $0xD0000000, s2;
	s6 =	simm.s32 $0x108;
	_ =	swait.ge @!p0 [sflag:s8], $0x0  }
0x24: {  	s3 =	sadd.s32 $0x88, s3;
	s6 =	simm.s32 @!p1 $0x1082;
	[sflag:s4] =	ssyncset.s32 $0xFFFFF086  }
0x25: {  	[simem:s6], [sflag:s4] =	dma.local [hbm:s3], $0xF7A  }
0x26: {  	[smem:$0x3F96] =	sst s1;
	(tag) =	ssettag s2;
	_ =	strace s9  }
0x27: {  	s1 =	sld [smem:$0x3FA6]  }
0x28: {  	s2 =	sld [smem:$0x3FA7]  }
0x29: {  	s4 =	sld [smem:$0x3FA9]  }
0x2a: {  	p0 =	seq.s32 s5, $0x0;
	s5 =	sld [smem:$0x3FAA]  }
0x2b: {  	s6 =	sld [smem:$0x3FAB]  }
0x2c: {  	s7 =	sld [smem:$0x3FAC]  }
0x2d: {  	s3 =	simm.s32 $0x108;
	s8 =	sld [smem:$0x3FAD]  }
0x2e: {  	s3 =	simm.s32 @!p0 $0x1082;
	s9 =	sld [smem:$0x3FAE]  }
0x2f: {  	lr =	sadd.s32 s0, s3;
	s0 =	sld [smem:$0x3FA5]  }
0x30: {  	s3 =	sld [smem:$0x3FA8]  }
0x31: {  	[smem:$0x3FB1] =	sst s10  }
0x32: {  	s10 =	sld [smem:$0x3FAF];
	_ =	sdelay $0x3  }
0x33: {  	p0 =	seq.s32 s10, $0x1;
	s10 =	sld [smem:$0x3FB1];
	_ =	sdelay $0x3  }
0x34: {  	[smem:$0x3FB1] =	sst s10  }
0x35: {  	s10 =	sld [smem:$0x3FB0];
	_ =	sdelay $0x3  }
0x36: {  	p1 =	seq.s32 s10, $0x1;
	s10 =	sld [smem:$0x3FB1];
	_ =	sdelay $0x3  }
0x37: {  	[smem:$0x3FB1] =	sst s10  }
0x38: {  	s10 =	sld [smem:$0x3FB2]  }
0x39: {  	_ = 	snop;
	(pc) =	sbr.ind lr, $3  }
0x3a: {  	_ = 	snop  }
0x3b: {  	_ = 	snop  }
0x3c: {  	p2 =	seq.s32 s10, $0x1;
	s10 =	sld [smem:$0x3FB1]  }
0x3d: {  	_ =	shalt  }
0x3e: {  	_ =	shalt  }
0x3f: {  	_ =	shalt  }
0x40: {  	_ =	shalt  }
0x41: {  	_ =	shalt  }
0x42: {  	_ =	shalt  }
0x43: {  	_ =	shalt  }
0x44: {  	_ =	shalt  }
0x45: {  	_ =	shalt  }
0x46: {  	_ =	shalt  }
0x47: {  	_ =	shalt  }
0x48: {  	_ =	shalt  }
0x49: {  	_ =	shalt  }
0x4a: {  	_ =	shalt  }
0x4b: {  	_ =	shalt  }
0x4c: {  	_ =	shalt  }
0x4d: {  	_ =	shalt  }
0x4e: {  	_ =	shalt  }
0x4f: {  	_ =	shalt  }
0x50: {  	_ =	shalt  }
0x51: {  	_ =	shalt  }
0x52: {  	_ =	shalt  }
0x53: {  	_ =	shalt  }
0x54: {  	_ =	shalt  }
0x55: {  	_ =	shalt  }
0x56: {  	_ =	shalt  }
0x57: {  	_ =	shalt  }
0x58: {  	_ =	shalt  }
0x59: {  	_ =	shalt  }
0x5a: {  	_ =	shalt  }
0x5b: {  	_ =	shalt  }
0x5c: {  	_ =	shalt  }
0x5d: {  	_ =	shalt  }
0x5e: {  	_ =	shalt  }
0x5f: {  	_ =	shalt  }
0x60: {  	_ =	shalt  }
0x61: {  	_ =	shalt  }
0x62: {  	_ =	shalt  }
0x63: {  	_ =	shalt  }
0x64: {  	_ =	shalt  }
0x65: {  	_ =	shalt  }
0x66: {  	_ =	shalt  }
0x67: {  	_ =	shalt  }
0x68: {  	_ =	shalt  }
0x69: {  	_ =	shalt  }
0x6a: {  	_ =	shalt  }
0x6b: {  	_ =	shalt  }
0x6c: {  	_ =	shalt  }
0x6d: {  	_ =	shalt  }
0x6e: {  	_ =	shalt  }
0x6f: {  	_ =	shalt  }
0x70: {  	_ =	shalt  }
0x71: {  	_ =	shalt  }
0x72: {  	_ =	shalt  }
0x73: {  	_ =	shalt  }
0x74: {  	_ =	shalt  }
0x75: {  	_ =	shalt  }
0x76: {  	_ =	shalt  }
0x77: {  	_ =	shalt  }
0x78: {  	_ =	shalt  }
0x79: {  	_ =	shalt  }
0x7a: {  	_ =	shalt  }
0x7b: {  	_ =	shalt  }
0x7c: {  	_ =	shalt  }
0x7d: {  	_ =	shalt  }
0x7e: {  	_ =	shalt  }
0x7f: {  	_ =	shalt  }
0x80: {  	_ =	shalt  }
0x81: {  	_ =	shalt  }
0x82: {  	_ =	shalt  }
0x83: {  	_ =	shalt  }
0x84: {  	_ =	shalt  }
0x85: {  	_ =	shalt  }
0x86: {  	_ =	shalt  }
0x87: {  	_ =	shalt  }
.Lfunc_end0:
.L_simem_size_0:
called_computation_lowered:
.L_overlay_start_0:
0x88: {  	s2 =	sld [smem:$0x3FD9]  }
0x89: {  	s3 =	sld [smem:$0x3FFE];
	_ =	sdelay $0x1  }
0x8a: {  	s1 =	srdreg.scid  }
0x8b: {  	s0 =	sand.u32 $0x1, s1  }
0x8c: {  	s17 =	sshll.u32 s0, $0xA;
	s2 =	sadd.s32 s3, s2  }
0x8d: {  	s2 =	sadd.s32 s2, s17  }
0x8e: {  	[smem:$0x3FBD] =	sst s2  }
0x8f: {  	_ = 	snop  }
0x90: {  	s2 =	sld [smem:$0x3FC0]  }
0x91: {  	s18 =	sld [smem:$0x3FBF]  }
0x92: {  	s4 =	sld [smem:$0x3FD0];
	(tm) =	ssettm $0x1  }
0x93: {  	s5 =	sld [smem:$0x3FFB];
	_ =	sdelay $0x3  }
0x94: {  	_ =	strace s5  }
0x95: {  	s5 =	sld [smem:$0x3FFC];
	_ =	sdelay $0x3  }
0x96: {  	_ =	strace s5  }
0x97: {  	s5 =	sld [smem:$0x3FFD];
	_ =	sdelay $0x3  }
0x98: {  	_ =	strace s5  }
0x99: {  	_ =	strace $0x8FFFFFFF  }
0x9a: {  	s19 =	sld [smem:$0x3FDB];
	_ =	sdelay $0x1  }
0x9b: {  	s6 =	simm.s32 $_scs_section_size  }
0x9c: {  	s7 =	simm.s32 $_size__tile_overlayer_lowered;
	s8 =	simm.s32 $_tile_overlayer_lowered  }
0x9d: {  	s22 =	simm.s32 $0x1BFF;
	s21 =	sshll.u32 s8, $0x1;
	s5 =	sadd.s32 s6, s19  }
0x9e: {  	s9 =	simm.s32 $0x0;
	s20 =	sshll.u32 s7, $0x1;
	s7 =	sadd.s32 s21, s5  }
0x9f: {  	[timem:s9], [sflag:s22] =	dma.local [hbm:s7], s20  }
0xa0: {  	_ =	swait.ge [sflag:s22], s20  }
0xa1: {  	s6 =	ssub.s32 $0x0, s20;
	[sflag:s22] =	ssyncset.done $0x0  }
0xa2: {  	[sflag:s22] =	ssyncadd.s32 s6;
	_ =	sdelay $0x1  }
0xa3: {  	s23 =	simm.s32 $0x1B8B  }
0xa4: {  	_ =	swait.ge [sflag:s23], $0x1  }
0xa5: {  	[sflag:s23] =	ssyncset.done $0x0  }
0xa6: {  	s25 =	simm.s32 $0x1B8E;
	s24 =	sld [smem:$0x3FFE];
	[sflag:s23] =	ssyncadd.s32 $0xFFFFFFFF  }
0xa7: {  	s26 =	simm.s32 $execute0_lowered;
	[smem:$0x3FD2] =	sst s25  }
0xa8: {  	s7 =	sshll.u32 s26, $0x1;
	_ =	strace $0x80000046;
	[dreg:$0x1] =	wrdreg $0xFFFFFFFF  }
0xa9: {  	s28 =	simm.s32 $_size_execute0_lowered;
	s5 =	sadd.s32 s5, s7;
	[dreg:$0x0] =	wrdreg $0x0  }
0xaa: {  	s7 =	sshll.u32 s28, $0x1;
	[dreg:$0x2] =	wrdreg s5  }
0xab: {  	[dreg:$0x3] =	wrdreg s7  }
0xac: {  	[dreg:$0x4] =	wrdreg $0xC0  }
0xad: {  	_ =	task [dreg:s9], $0x5FFFF  }
0xae: {  	[dreg:$0x1] =	wrdreg $0xFFFFFFFF  }
0xaf: {  	[dreg:$0x0] =	wrdreg $0x60  }
0xb0: {  	[dreg:$0x2] =	wrdreg s4  }
0xb1: {  	[dreg:$0x3] =	wrdreg s24  }
0xb2: {  	[dreg:$0x4] =	wrdreg s2  }
0xb3: {  	[dreg:$0x5] =	wrdreg s18  }
0xb4: {  	[dreg:$0x6] =	wrdreg $0x9  }
0xb5: {  	_ =	task.clear_ibuf [dreg:s9], $0x7FFFF;
	_ =	strace $0x90000046  }
0xb6: {  	s29 =	simm.s32 $0x9;
	_ =	strace $0x80000048  }
0xb7: {  	_ =	swait.ge [sflag:s29], $0x1  }
0xb8: {  	[sflag:s29] =	ssyncadd.s32 $0xFFFFFFFF  }
0xb9: {  	_ =	strace $0x90000048  }
0xba: {  	_ =	sfence  }
0xbb: {  	s30 =	sld [smem:$0x0];
	_ =	sdelay $0x2  }
0xbc: {  	s31 =	sshll.u32 s1, $0xD;
	s1 =	sshrl.u32 s1, $0x2  }
0xbd: {  	s3 =	sand.u32 $0x4000, s31;
	s1 =	sadd.s32 s1, s30  }
0xbe: {  	s0 =	sor.u32 s3, s0;
	s1 =	sshll.u32 s1, $0x11  }
0xbf: {  	s0 =	sor.u32 s1, s0  }
0xc0: {  	s0 =	sadd.s32 $0x8F2B, s0  }
0xc1: {  	[sflag:s0] =	ssyncadd.remote.s32 $0x1  }
0xc2: {  	_ =	sfence.sel $0xFFFF  }
0xc3: {  	[dreg:$0x0] =	wrdreg $0xFFFFFFFF;
	(pc) =	sbr.abs _section_cstart, $3  }
0xc4: {  	[dreg:$0x1] =	wrdreg $0xFFFFFFFF  }
0xc5: {  	_ =	task.clear_ibuf [dreg:s9], $0x2FFFF;
	_ =	strace $0x9FFFFFFF  }
0xc6: {  	(tm) =	ssettm $0x7FFFFFFF  }
0xc7: {  	_ =	shalt  }
tec
execute0_lowered:
.L_overlay_start_1:
0x0: {  	(tag) =	ssettag $0x1  }
0x1: {  	s1 =	rddreg [dreg:$0x0]  }
0x2: {  	s0 =	rddreg [dreg:$0x1]  }
0x3: {  	s4 =	simm.s32 $0x0;
	s3 =	srdreg.scid;
	s7 =	stileid.u32  }
0x4: {  	s29 =	simm.s32 $0x40;
	s31 =	simm.s32 $0x700;
	s28 =	simm.s32 $0x480  }
0x5: {  	[smem:$0x7FF] =	sst s4;
	s6 =	sadd.s32 $0x2E00, s0;
	s2 =	sadd.s32 $0x1E00, s0  }
0x6: {  	s5 =	sadd.s32 $0x1A00, s0;
	s3 =	sand.u32 $0x1, s3;
	s7 =	sshll.u32 s7, $0x1  }
0x7: {  	s8 =	sadd.s32 $0x22E00, s0;
	s0 =	sadd.s32 $0x42E00, s0;
	s9 =	ssub.s32 $0x2, s3  }
0x8: {  	_ =	strace $0x80000047;
	s3 =	sor.u32 s3, s7;
	s25 =	sshrl.u32 s9, $0x1  }
0x9: {  	s10 =	sshll.u32 s3, $0x8;
	s26 =	sshll.u32 s3, $0x7;
	s30 =	sshll.u32 s3, $0x5  }
0xa: {  	s3 =	sshll.u32 s3, $0xC;
	s7 =	ssub.s32 s9, s25;
	s11 =	sor.u32 $0x40, s10  }
0xb: {  	s9 =	sadd.s32 s2, s26;
	s14 =	sor.u32 $0x80, s10;
	s15 =	sadd.s32 s8, s3  }
0xc: {  	s3 =	sadd.s32 s0, s3;
	s19 =	sor.u32 $0xC0, s10;
	[dreg:$0x5] =	wrdreg s9  }
0xd: {  	s10 =	simm.s32 $0x6700;
	s12 =	sshrl.u32 s11, $0x1;
	[dreg:$0x9] =	wrdreg s15  }
0xe: {  	s9 =	sadd.s32 s5, s30;
	s13 =	sshrl.u32 s11, $0x3;
	[dreg:$0xa] =	wrdreg s3  }
0xf: {  	s16 =	sshrl.u32 s14, $0x1;
	s17 =	sshrl.u32 s14, $0x3;
	s11 =	sshll.u32 s11, $0x4  }
0x10: {  	s21 =	sshrl.u32 s19, $0x1;
	s22 =	sshrl.u32 s19, $0x3;
	s24 =	sshll.u32 s14, $0x4  }
0x11: {  	s26 =	sshll.u32 s19, $0x4;
	s30 =	smax.u32 s7, $0x1;
	[dreg:$0x6] =	wrdreg s9  }
0x12: {  	s7 =	simm.s32 $0x100;
	s12 =	sadd.s32 s2, s12;
	[dreg:$0x15] =	wrdreg s30  }
0x13: {  	s14 =	simm.s32 $0x600;
	s9 =	sadd.s32 s5, s13;
	[dreg:$0x7] =	wrdreg s12  }
0x14: {  	s15 =	simm.s32 $0x640;
	s3 =	sadd.s32 s2, s16;
	[dreg:$0x8] =	wrdreg s9  }
0x15: {  	s19 =	simm.s32 $0xA700;
	s18 =	sadd.s32 s8, s11;
	[dreg:$0xb] =	wrdreg s3  }
0x16: {  	s20 =	sadd.s32 s0, s11;
	s2 =	sadd.s32 s2, s21;
	[dreg:$0xd] =	wrdreg s18  }
0x17: {  	s23 =	sadd.s32 s5, s22;
	s25 =	sadd.s32 s8, s24;
	[dreg:$0xe] =	wrdreg s20  }
0x18: {  	s11 =	simm.s32 $0x540;
	s13 =	simm.s32 $0x5C0;
	[dreg:$0xf] =	wrdreg s2  }
0x19: {  	v0 =	vlaneseq.u32;
	s16 =	simm.s32 $0x680;
	s21 =	simm.s32 $0x0;
	[dreg:$0x10] =	wrdreg s23  }
0x1a: {  	v0 =	vmul.u32 $0x4, v0;
	s3 =	sadd.s32 s5, s17;
	[dreg:$0x11] =	wrdreg s25;
	s2 =	sadd.s32 s0, s24  }
0x1b: {  	v16 =	vimm.f32 $0.0e+00;
	s0 =	sadd.s32 s0, s26;
	s25 =	simm.s32 $0x3;
	s24 =	simm.s32 $0x400  }
0x1c: {  	v1 =	vor.u32 $0x1, v0;
	v2 =	vor.u32 $0x2, v0;
	v3 =	vor.u32 $0x3, v0;
	s9 =	simm.s32 $0x2700;
	s12 =	simm.s32 $0x580;
	[dreg:$0xc] =	wrdreg s3  }
0x1d: {  	v4 =	vor.u32 $0x40, v0;
	v5 =	vor.u32 $0x41, v0;
	v6 =	vor.u32 $0x42, v0;
	s17 =	simm.s32 $0x1;
	s18 =	simm.s32 $0x8700;
	[dreg:$0x12] =	wrdreg s2  }
0x1e: {  	v7 =	vor.u32 $0x43, v0;
	v8 =	vor.u32 $0x80, v0;
	v9 =	vor.u32 $0x81, v0;
	s20 =	simm.s32 $0x2;
	s3 =	sadd.s32 s8, s26;
	[dreg:$0x14] =	wrdreg s0  }
0x1f: {  	v10 =	vor.u32 $0x82, v0;
	v11 =	vor.u32 $0x83, v0;
	v12 =	vor.u32 $0xC0, v0;
	s0 =	simm.s32 $0x4700;
	s2 =	simm.s32 $0x380;
	s26 =	simm.s32 $0x440  }
0x20: {  	v13 =	vor.u32 $0xC1, v0;
	v14 =	vor.u32 $0xC2, v0;
	v15 =	vor.u32 $0xC3, v0;
	s8 =	simm.s32 $0x500;
	[dreg:$0x13] =	wrdreg s3;
	s3 =	simm.s32 $0x3C0  }
.LBB2_1:
0x21: {  	s5 =	rddreg [dreg:$0x2];
	s22 =	simm.s32 $0xC700  }
0x22: {  	[tilespmem:s22], [sflag:$0x3] =	stream.linear.gather [hbm4b:s5+s4], $0x100, $0x38;
	[tilespmem:$0xC900] =	vst v63  }
0x23: {  	_ =	swait.ge [sflag:s25], $0x100  }
0x24: {  	[sflag:s25] =	ssyncset.done $0x0  }
0x25: {  	[sflag:s25] =	ssyncadd.s32 $0xFFFFFF00  }
0x26: {  	s30 =	simm.s32 $0xC800;
	s23 =	rddreg [dreg:$0x3]  }
0x27: {  	[tilespmem:s30], [sflag:$0x3] =	stream.linear.gather [hbm4b:s23+s4], $0x100, $0x38;
	[tilespmem:$0xC900] =	vst v63  }
0x28: {  	_ =	swait.ge [sflag:s25], $0x100  }
0x29: {  	[sflag:s25] =	ssyncset.done $0x0  }
0x2a: {  	s22 =	rddreg [dreg:$0x5];
	[sflag:s25] =	ssyncadd.s32 $0xFFFFFF00  }
0x2b: {  	[tilespmem:s4], [sflag:$0x3] =	stream.linear.gather [hbm4b:s22+s4], $0x100, $0x38;
	[tilespmem:$0xC900] =	vst v63  }
0x2c: {  	_ =	swait.ge [sflag:s25], $0x100  }
0x2d: {  	[sflag:s25] =	ssyncset.done $0x0  }
0x2e: {  	s30 =	simm.s32 $0x200;
	s23 =	rddreg [dreg:$0x6];
	[sflag:s25] =	ssyncadd.s32 $0xFFFFFF00  }
0x2f: {  	[tilespmem:s30], [sflag:$0x3] =	stream.linear.gather [hbm4b:s23+s4], $0x40, $0x38;
	[tilespmem:$0xC900] =	vst v63  }
0x30: {  	_ =	swait.ge [sflag:s25], $0x40  }
0x31: {  	[sflag:s25] =	ssyncset.done $0x0  }
0x32: {  	[sflag:s25] =	ssyncadd.s32 $0xFFFFFFC0  }
0x33: {  	v17 =	vld.idx.msk [tilespmem:v0+s4+$0x0], $0xffff  }
0x34: {  	v18 =	vld.idx.msk [tilespmem:v1+s4+$0x0], $0xffff  }
0x35: {  	v19 =	vld.idx.msk [tilespmem:v2+s4+$0x0], $0xffff  }
0x36: {  	v20 =	vld.idx.msk [tilespmem:v3+s4+$0x0], $0xffff;
	_ =	sdelay $0x2  }
0x37: {  	v21 =	vld [tilespmem:$0x200];
	[tilespmem:$0x300] =	vst v17;
	v22 =	vadd.s32 $0x400, v18  }
0x38: {  	v47 =	vadd.s32 $0x800, v19;
	[tilespmem:$0x340] =	vst v22  }
0x39: {  	v48 =	vadd.s32 $0xC00, v20;
	v18 =	vsub.s32 v20, v18;
	[tilespmem:$0x380] =	vst v47  }
0x3a: {  	v17 =	vsub.s32 v19, v17;
	[tilespmem:$0x3C0] =	vst v48;
	v18 =	vadd.s32 $0x1000, v18  }
0x3b: {  	v17 =	vadd.s32 $0x1400, v17;
	[tilespmem:$0x400] =	vst v18  }
0x3c: {  	[tilespmem:$0x440] =	vst v17;
	v17 =	vadd.s32 $0x1800, v21  }
0x3d: {  	[tilespmem:$0x480] =	vst v17  }
0x3e: {  	v17 =	vld.idx.msk [tilespmem:v4+s4+$0x0], $0xffff  }
0x3f: {  	v18 =	vld.idx.msk [tilespmem:v5+s4+$0x0], $0xffff  }
0x40: {  	v19 =	vld.idx.msk [tilespmem:v6+s4+$0x0], $0xffff  }
0x41: {  	v49 =	vld.idx.msk [tilespmem:v7+s4+$0x0], $0xffff;
	_ =	sdelay $0x2  }
0x42: {  	v50 =	vld [tilespmem:$0x210];
	[tilespmem:$0x310] =	vst v17;
	v51 =	vadd.s32 $0x400, v18  }
0x43: {  	v52 =	vadd.s32 $0x800, v19;
	[tilespmem:$0x350] =	vst v51  }
0x44: {  	v53 =	vadd.s32 $0xC00, v49;
	v18 =	vsub.s32 v49, v18;
	[tilespmem:$0x390] =	vst v52  }
0x45: {  	v17 =	vsub.s32 v19, v17;
	[tilespmem:$0x3D0] =	vst v53;
	v18 =	vadd.s32 $0x1000, v18  }
0x46: {  	v17 =	vadd.s32 $0x1400, v17;
	[tilespmem:$0x410] =	vst v18  }
0x47: {  	[tilespmem:$0x450] =	vst v17;
	v17 =	vadd.s32 $0x1800, v50  }
0x48: {  	[tilespmem:$0x490] =	vst v17  }
0x49: {  	v17 =	vld.idx.msk [tilespmem:v8+s4+$0x0], $0xffff  }
0x4a: {  	v18 =	vld.idx.msk [tilespmem:v9+s4+$0x0], $0xffff  }
0x4b: {  	v19 =	vld.idx.msk [tilespmem:v10+s4+$0x0], $0xffff  }
0x4c: {  	v54 =	vld.idx.msk [tilespmem:v11+s4+$0x0], $0xffff;
	_ =	sdelay $0x2  }
0x4d: {  	v55 =	vld [tilespmem:$0x220];
	[tilespmem:$0x320] =	vst v17;
	v56 =	vadd.s32 $0x400, v18  }
0x4e: {  	v57 =	vadd.s32 $0x800, v19;
	[tilespmem:$0x360] =	vst v56  }
0x4f: {  	v58 =	vadd.s32 $0xC00, v54;
	v18 =	vsub.s32 v54, v18;
	[tilespmem:$0x3A0] =	vst v57  }
0x50: {  	v17 =	vsub.s32 v19, v17;
	[tilespmem:$0x3E0] =	vst v58;
	v18 =	vadd.s32 $0x1000, v18  }
0x51: {  	v17 =	vadd.s32 $0x1400, v17;
	[tilespmem:$0x420] =	vst v18  }
0x52: {  	[tilespmem:$0x460] =	vst v17;
	v17 =	vadd.s32 $0x1800, v55  }
0x53: {  	[tilespmem:$0x4A0] =	vst v17  }
0x54: {  	v17 =	vld.idx.msk [tilespmem:v12+s4+$0x0], $0xffff  }
0x55: {  	v18 =	vld.idx.msk [tilespmem:v13+s4+$0x0], $0xffff  }
0x56: {  	v19 =	vld.idx.msk [tilespmem:v14+s4+$0x0], $0xffff  }
0x57: {  	v59 =	vld.idx.msk [tilespmem:v15+s4+$0x0], $0xffff;
	_ =	sdelay $0x2  }
0x58: {  	v60 =	vld [tilespmem:$0x230];
	[tilespmem:$0x330] =	vst v17;
	v61 =	vadd.s32 $0x400, v18  }
0x59: {  	v62 =	vadd.s32 $0x800, v19;
	[tilespmem:$0x370] =	vst v61  }
0x5a: {  	v63 =	vadd.s32 $0xC00, v59;
	v18 =	vsub.s32 v59, v18;
	[tilespmem:$0x3B0] =	vst v62  }
0x5b: {  	v17 =	vsub.s32 v19, v17;
	[tilespmem:$0x3F0] =	vst v63;
	v18 =	vadd.s32 $0x1000, v18  }
0x5c: {  	v17 =	vadd.s32 $0x1400, v17;
	[tilespmem:$0x430] =	vst v18  }
0x5d: {  	[tilespmem:$0x470] =	vst v17;
	v17 =	vadd.s32 $0x1800, v60  }
0x5e: {  	s5 =	simm.s32 $0x0;
	s22 =	simm.s32 $0x200;
	[tilespmem:$0x4B0] =	vst v17  }
.LBB2_2:
0x5f: {  	p0 =	sne.s32 s22, $0x7E00;
	[tilespmem:s5+$0x4730] =	vst v16  }
0x60: {  	[tilespmem:s5+$0x700] =	vst v16  }
0x61: {  	[tilespmem:s5+$0x710] =	vst v16  }
0x62: {  	[tilespmem:s5+$0x720] =	vst v16  }
0x63: {  	[tilespmem:s5+$0x730] =	vst v16  }
0x64: {  	[tilespmem:s5+$0x740] =	vst v16  }
0x65: {  	[tilespmem:s5+$0x750] =	vst v16  }
.Ltmp0:
0x66: {  	[tilespmem:s5+$0x760] =	vst v16;
	(pc) =	sbr.rel @p0 .LBB2_2-.Ltmp0, $4  }
0x67: {  	[tilespmem:s5+$0x770] =	vst v16  }
0x68: {  	[tilespmem:s5+$0x4700] =	vst v16  }
0x69: {  	[tilespmem:s5+$0x4710] =	vst v16  }
0x6a: {  	[tilespmem:s5+$0x4720] =	vst v16;
	s5 =	sshra.s32 s22, $0x2;
	s22 =	sadd.s32 $0x200, s22  }
0x6b: {  	[tilespmem:s5+$0x4730] =	vst v16  }
0x6c: {  	[tilespmem:s5+$0x700] =	vst v16  }
0x6d: {  	[tilespmem:s5+$0x710] =	vst v16  }
0x6e: {  	[tilespmem:s5+$0x720] =	vst v16  }
0x6f: {  	[tilespmem:s5+$0x730] =	vst v16  }
0x70: {  	[tilespmem:s5+$0x740] =	vst v16  }
0x71: {  	[tilespmem:s5+$0x750] =	vst v16  }
0x72: {  	[tilespmem:s5+$0x760] =	vst v16  }
0x73: {  	[tilespmem:s5+$0x770] =	vst v16  }
0x74: {  	[tilespmem:s5+$0x4700] =	vst v16  }
0x75: {  	[tilespmem:s5+$0x4710] =	vst v16  }
0x76: {  	[tilespmem:s5+$0x4720] =	vst v16;
	s22 =	simm.s32 $0x300  }
0x77: {  	[tilespmem:s31], [sflag:$0x1] =	stream.indirect.gather.add.f32 [hbm:s1], $0x80, s22, s29, $0xb8;
	[tilespmem:$0xC900] =	vst v63  }
0x78: {  	_ = 	snop  }
0x79: {  	[tilespmem:s0], [sflag:$0x1] =	stream.indirect.gather.add.f32 [hbm:s6], $0x80, s22, s29, $0xb8;
	[tilespmem:$0xC900] =	vst v63  }
0x7a: {  	s23 =	simm.s32 $0x340  }
0x7b: {  	[tilespmem:s31], [sflag:$0x1] =	stream.indirect.gather.add.f32 [hbm:s1], $0x80, s23, s29, $0xb8;
	[tilespmem:$0xC900] =	vst v63  }
0x7c: {  	_ = 	snop  }
0x7d: {  	[tilespmem:s0], [sflag:$0x1] =	stream.indirect.gather.add.f32 [hbm:s6], $0x80, s23, s29, $0xb8;
	[tilespmem:$0xC900] =	vst v63  }
0x7e: {  	_ = 	snop  }
0x7f: {  	[tilespmem:s31], [sflag:$0x1] =	stream.indirect.gather.add.f32 [hbm:s1], $0x80, s2, s29, $0xb8;
	[tilespmem:$0xC900] =	vst v63  }
0x80: {  	_ = 	snop  }
0x81: {  	[tilespmem:s0], [sflag:$0x1] =	stream.indirect.gather.add.f32 [hbm:s6], $0x80, s2, s29, $0xb8;
	[tilespmem:$0xC900] =	vst v63  }
0x82: {  	_ = 	snop  }
0x83: {  	[tilespmem:s31], [sflag:$0x1] =	stream.indirect.gather.add.f32 [hbm:s1], $0x80, s3, s29, $0xb8;
	[tilespmem:$0xC900] =	vst v63  }
0x84: {  	_ = 	snop  }
0x85: {  	[tilespmem:s0], [sflag:$0x1] =	stream.indirect.gather.add.f32 [hbm:s6], $0x80, s3, s29, $0xb8;
	[tilespmem:$0xC900] =	vst v63  }
0x86: {  	_ = 	snop  }
0x87: {  	[tilespmem:s31], [sflag:$0x1] =	stream.indirect.gather.add.f32 [hbm:s1], $0x80, s24, s29, $0xb8;
	[tilespmem:$0xC900] =	vst v63  }
0x88: {  	_ = 	snop  }
0x89: {  	[tilespmem:s0], [sflag:$0x1] =	stream.indirect.gather.add.f32 [hbm:s6], $0x80, s24, s29, $0xb8;
	[tilespmem:$0xC900] =	vst v63  }
0x8a: {  	_ = 	snop  }
0x8b: {  	[tilespmem:s31], [sflag:$0x1] =	stream.indirect.gather.add.f32 [hbm:s1], $0x80, s26, s29, $0xb8;
	[tilespmem:$0xC900] =	vst v63  }
0x8c: {  	_ = 	snop  }
0x8d: {  	[tilespmem:s0], [sflag:$0x1] =	stream.indirect.gather.add.f32 [hbm:s6], $0x80, s26, s29, $0xb8;
	[tilespmem:$0xC900] =	vst v63  }
0x8e: {  	_ = 	snop  }
0x8f: {  	[tilespmem:s31], [sflag:$0x1] =	stream.indirect.gather.add.f32 [hbm:s1], $0x80, s28, s29, $0xb8;
	[tilespmem:$0xC900] =	vst v63  }
0x90: {  	_ = 	snop  }
0x91: {  	[tilespmem:s0], [sflag:$0x1] =	stream.indirect.gather.add.f32 [hbm:s6], $0x80, s28, s29, $0xb8;
	[tilespmem:$0xC900] =	vst v63  }
0x92: {  	s5 =	simm.s32 $0x0;
	s22 =	rddreg [dreg:$0x7]  }
0x93: {  	[tilespmem:s7], [sflag:$0x3] =	stream.linear.gather [hbm4b:s22+s5], $0x100, $0x38;
	[tilespmem:$0xC900] =	vst v63  }
0x94: {  	_ =	swait.ge [sflag:s25], $0x100  }
0x95: {  	[sflag:s25] =	ssyncset.done $0x0  }
0x96: {  	s23 =	simm.s32 $0x280;
	s30 =	rddreg [dreg:$0x8];
	[sflag:s25] =	ssyncadd.s32 $0xFFFFFF00  }
0x97: {  	[tilespmem:s23], [sflag:$0x3] =	stream.linear.gather [hbm4b:s30+s5], $0x40, $0x38;
	[tilespmem:$0xC900] =	vst v63  }
0x98: {  	_ =	swait.ge [sflag:s25], $0x40  }
0x99: {  	[sflag:s25] =	ssyncset.done $0x0  }
0x9a: {  	[sflag:s25] =	ssyncadd.s32 $0xFFFFFFC0  }
0x9b: {  	v17 =	vld.idx.msk [tilespmem:v0+s7+$0x0], $0xffff  }
0x9c: {  	v18 =	vld.idx.msk [tilespmem:v1+s7+$0x0], $0xffff  }
0x9d: {  	v19 =	vld.idx.msk [tilespmem:v2+s7+$0x0], $0xffff  }
0x9e: {  	v20 =	vld.idx.msk [tilespmem:v3+s7+$0x0], $0xffff;
	_ =	sdelay $0x2  }
0x9f: {  	v21 =	vld [tilespmem:$0x280];
	[tilespmem:$0x500] =	vst v17;
	v22 =	vadd.s32 $0x400, v18  }
0xa0: {  	v47 =	vadd.s32 $0x800, v19;
	[tilespmem:$0x540] =	vst v22  }
0xa1: {  	v48 =	vadd.s32 $0xC00, v20;
	v18 =	vsub.s32 v20, v18;
	[tilespmem:$0x580] =	vst v47  }
0xa2: {  	v17 =	vsub.s32 v19, v17;
	[tilespmem:$0x5C0] =	vst v48;
	v18 =	vadd.s32 $0x1000, v18  }
0xa3: {  	v17 =	vadd.s32 $0x1400, v17;
	[tilespmem:$0x600] =	vst v18  }
0xa4: {  	[tilespmem:$0x640] =	vst v17;
	v17 =	vadd.s32 $0x1800, v21  }
0xa5: {  	[tilespmem:$0x680] =	vst v17  }
0xa6: {  	v17 =	vld.idx.msk [tilespmem:v4+s7+$0x0], $0xffff  }
0xa7: {  	v18 =	vld.idx.msk [tilespmem:v5+s7+$0x0], $0xffff  }
0xa8: {  	v19 =	vld.idx.msk [tilespmem:v6+s7+$0x0], $0xffff  }
0xa9: {  	v49 =	vld.idx.msk [tilespmem:v7+s7+$0x0], $0xffff;
	_ =	sdelay $0x2  }
0xaa: {  	v50 =	vld [tilespmem:$0x290];
	[tilespmem:$0x510] =	vst v17;
	v51 =	vadd.s32 $0x400, v18  }
0xab: {  	v52 =	vadd.s32 $0x800, v19;
	[tilespmem:$0x550] =	vst v51  }
0xac: {  	v53 =	vadd.s32 $0xC00, v49;
	v18 =	vsub.s32 v49, v18;
	[tilespmem:$0x590] =	vst v52  }
0xad: {  	v17 =	vsub.s32 v19, v17;
	[tilespmem:$0x5D0] =	vst v53;
	v18 =	vadd.s32 $0x1000, v18  }
0xae: {  	v17 =	vadd.s32 $0x1400, v17;
	[tilespmem:$0x610] =	vst v18  }
0xaf: {  	[tilespmem:$0x650] =	vst v17;
	v17 =	vadd.s32 $0x1800, v50  }
0xb0: {  	[tilespmem:$0x690] =	vst v17  }
0xb1: {  	v17 =	vld.idx.msk [tilespmem:v8+s7+$0x0], $0xffff  }
0xb2: {  	v18 =	vld.idx.msk [tilespmem:v9+s7+$0x0], $0xffff  }
0xb3: {  	v19 =	vld.idx.msk [tilespmem:v10+s7+$0x0], $0xffff  }
0xb4: {  	v54 =	vld.idx.msk [tilespmem:v11+s7+$0x0], $0xffff;
	_ =	sdelay $0x2  }
0xb5: {  	v55 =	vld [tilespmem:$0x2A0];
	[tilespmem:$0x520] =	vst v17;
	v56 =	vadd.s32 $0x400, v18  }
0xb6: {  	v57 =	vadd.s32 $0x800, v19;
	[tilespmem:$0x560] =	vst v56  }
0xb7: {  	v58 =	vadd.s32 $0xC00, v54;
	v18 =	vsub.s32 v54, v18;
	[tilespmem:$0x5A0] =	vst v57  }
0xb8: {  	v17 =	vsub.s32 v19, v17;
	[tilespmem:$0x5E0] =	vst v58;
	v18 =	vadd.s32 $0x1000, v18  }
0xb9: {  	v17 =	vadd.s32 $0x1400, v17;
	[tilespmem:$0x620] =	vst v18  }
0xba: {  	[tilespmem:$0x660] =	vst v17;
	v17 =	vadd.s32 $0x1800, v55  }
0xbb: {  	[tilespmem:$0x6A0] =	vst v17  }
0xbc: {  	v17 =	vld.idx.msk [tilespmem:v12+s7+$0x0], $0xffff  }
0xbd: {  	v18 =	vld.idx.msk [tilespmem:v13+s7+$0x0], $0xffff  }
0xbe: {  	v19 =	vld.idx.msk [tilespmem:v14+s7+$0x0], $0xffff  }
0xbf: {  	v59 =	vld.idx.msk [tilespmem:v15+s7+$0x0], $0xffff;
	_ =	sdelay $0x2  }
0xc0: {  	v60 =	vld [tilespmem:$0x2B0];
	[tilespmem:$0x530] =	vst v17;
	v61 =	vadd.s32 $0x400, v18  }
0xc1: {  	v62 =	vadd.s32 $0x800, v19;
	[tilespmem:$0x570] =	vst v61  }
0xc2: {  	v63 =	vadd.s32 $0xC00, v59;
	v18 =	vsub.s32 v59, v18;
	[tilespmem:$0x5B0] =	vst v62  }
0xc3: {  	v17 =	vsub.s32 v19, v17;
	[tilespmem:$0x5F0] =	vst v63;
	v18 =	vadd.s32 $0x1000, v18  }
0xc4: {  	v17 =	vadd.s32 $0x1400, v17;
	[tilespmem:$0x630] =	vst v18  }
0xc5: {  	[tilespmem:$0x670] =	vst v17;
	v17 =	vadd.s32 $0x1800, v60  }
0xc6: {  	s22 =	simm.s32 $0x200;
	s5 =	simm.s32 $0x0;
	[tilespmem:$0x6B0] =	vst v17  }
.LBB2_4:
0xc7: {  	p0 =	sne.s32 s22, $0x7E00;
	[tilespmem:s5+$0x6730] =	vst v16  }
0xc8: {  	[tilespmem:s5+$0x2700] =	vst v16  }
0xc9: {  	[tilespmem:s5+$0x2710] =	vst v16  }
0xca: {  	[tilespmem:s5+$0x2720] =	vst v16  }
0xcb: {  	[tilespmem:s5+$0x2730] =	vst v16  }
0xcc: {  	[tilespmem:s5+$0x2740] =	vst v16  }
0xcd: {  	[tilespmem:s5+$0x2750] =	vst v16  }
.Ltmp1:
0xce: {  	[tilespmem:s5+$0x2760] =	vst v16;
	(pc) =	sbr.rel @p0 .LBB2_4-.Ltmp1, $4  }
0xcf: {  	[tilespmem:s5+$0x2770] =	vst v16  }
0xd0: {  	[tilespmem:s5+$0x6700] =	vst v16  }
0xd1: {  	[tilespmem:s5+$0x6710] =	vst v16  }
0xd2: {  	[tilespmem:s5+$0x6720] =	vst v16;
	s5 =	sshra.s32 s22, $0x2;
	s22 =	sadd.s32 $0x200, s22  }
0xd3: {  	[tilespmem:s5+$0x6730] =	vst v16  }
0xd4: {  	[tilespmem:s5+$0x2700] =	vst v16  }
0xd5: {  	[tilespmem:s5+$0x2710] =	vst v16  }
0xd6: {  	[tilespmem:s5+$0x2720] =	vst v16  }
0xd7: {  	[tilespmem:s5+$0x2730] =	vst v16  }
0xd8: {  	[tilespmem:s5+$0x2740] =	vst v16  }
0xd9: {  	[tilespmem:s5+$0x2750] =	vst v16  }
0xda: {  	[tilespmem:s5+$0x2760] =	vst v16  }
0xdb: {  	[tilespmem:s5+$0x2770] =	vst v16  }
0xdc: {  	[tilespmem:s5+$0x6700] =	vst v16  }
0xdd: {  	[tilespmem:s5+$0x6710] =	vst v16  }
0xde: {  	[tilespmem:s5+$0x6720] =	vst v16  }
0xdf: {  	[tilespmem:s9], [sflag:$0x2] =	stream.indirect.gather.add.f32 [hbm:s1], $0x80, s8, s29, $0xb8;
	[tilespmem:$0xC900] =	vst v63  }
0xe0: {  	_ = 	snop  }
0xe1: {  	[tilespmem:s10], [sflag:$0x2] =	stream.indirect.gather.add.f32 [hbm:s6], $0x80, s8, s29, $0xb8;
	[tilespmem:$0xC900] =	vst v63  }
0xe2: {  	_ = 	snop  }
0xe3: {  	[tilespmem:s9], [sflag:$0x2] =	stream.indirect.gather.add.f32 [hbm:s1], $0x80, s11, s29, $0xb8;
	[tilespmem:$0xC900] =	vst v63  }
0xe4: {  	_ = 	snop  }
0xe5: {  	[tilespmem:s10], [sflag:$0x2] =	stream.indirect.gather.add.f32 [hbm:s6], $0x80, s11, s29, $0xb8;
	[tilespmem:$0xC900] =	vst v63  }
0xe6: {  	_ = 	snop  }
0xe7: {  	[tilespmem:s9], [sflag:$0x2] =	stream.indirect.gather.add.f32 [hbm:s1], $0x80, s12, s29, $0xb8;
	[tilespmem:$0xC900] =	vst v63  }
0xe8: {  	_ = 	snop  }
0xe9: {  	[tilespmem:s10], [sflag:$0x2] =	stream.indirect.gather.add.f32 [hbm:s6], $0x80, s12, s29, $0xb8;
	[tilespmem:$0xC900] =	vst v63  }
0xea: {  	_ = 	snop  }
0xeb: {  	[tilespmem:s9], [sflag:$0x2] =	stream.indirect.gather.add.f32 [hbm:s1], $0x80, s13, s29, $0xb8;
	[tilespmem:$0xC900] =	vst v63  }
0xec: {  	_ = 	snop  }
0xed: {  	[tilespmem:s10], [sflag:$0x2] =	stream.indirect.gather.add.f32 [hbm:s6], $0x80, s13, s29, $0xb8;
	[tilespmem:$0xC900] =	vst v63  }
0xee: {  	_ = 	snop  }
0xef: {  	[tilespmem:s9], [sflag:$0x2] =	stream.indirect.gather.add.f32 [hbm:s1], $0x80, s14, s29, $0xb8;
	[tilespmem:$0xC900] =	vst v63  }
0xf0: {  	_ = 	snop  }
0xf1: {  	[tilespmem:s10], [sflag:$0x2] =	stream.indirect.gather.add.f32 [hbm:s6], $0x80, s14, s29, $0xb8;
	[tilespmem:$0xC900] =	vst v63  }
0xf2: {  	_ = 	snop  }
0xf3: {  	[tilespmem:s9], [sflag:$0x2] =	stream.indirect.gather.add.f32 [hbm:s1], $0x80, s15, s29, $0xb8;
	[tilespmem:$0xC900] =	vst v63  }
0xf4: {  	_ = 	snop  }
0xf5: {  	[tilespmem:s10], [sflag:$0x2] =	stream.indirect.gather.add.f32 [hbm:s6], $0x80, s15, s29, $0xb8;
	[tilespmem:$0xC900] =	vst v63  }
0xf6: {  	_ = 	snop  }
0xf7: {  	[tilespmem:s9], [sflag:$0x2] =	stream.indirect.gather.add.f32 [hbm:s1], $0x80, s16, s29, $0xb8;
	[tilespmem:$0xC900] =	vst v63  }
0xf8: {  	_ = 	snop  }
0xf9: {  	[tilespmem:s10], [sflag:$0x2] =	stream.indirect.gather.add.f32 [hbm:s6], $0x80, s16, s29, $0xb8;
	[tilespmem:$0xC900] =	vst v63  }
0xfa: {  	_ =	swait.ge [sflag:s17], $0x2000  }
0xfb: {  	[sflag:s17] =	ssyncset.done $0x0  }
0xfc: {  	[sflag:s17] =	ssyncadd.s32 $0xFFFFE000  }
0xfd: {  	_ =	swait.ge [sflag:s17], $0x2000  }
0xfe: {  	[sflag:s17] =	ssyncset.done $0x0  }
0xff: {  	[sflag:s17] =	ssyncadd.s32 $0xFFFFE000  }
0x100: {  	_ =	swait.ge [sflag:s17], $0x2000  }
0x101: {  	[sflag:s17] =	ssyncset.done $0x0  }
0x102: {  	[sflag:s17] =	ssyncadd.s32 $0xFFFFE000  }
0x103: {  	_ =	swait.ge [sflag:s17], $0x2000  }
0x104: {  	[sflag:s17] =	ssyncset.done $0x0  }
0x105: {  	[sflag:s17] =	ssyncadd.s32 $0xFFFFE000  }
0x106: {  	_ =	swait.ge [sflag:s17], $0x2000  }
0x107: {  	[sflag:s17] =	ssyncset.done $0x0  }
0x108: {  	[sflag:s17] =	ssyncadd.s32 $0xFFFFE000  }
0x109: {  	_ =	swait.ge [sflag:s17], $0x2000  }
0x10a: {  	[sflag:s17] =	ssyncset.done $0x0  }
0x10b: {  	[sflag:s17] =	ssyncadd.s32 $0xFFFFE000  }
0x10c: {  	_ =	swait.ge [sflag:s17], $0x2000  }
0x10d: {  	[sflag:s17] =	ssyncset.done $0x0  }
0x10e: {  	[sflag:s17] =	ssyncadd.s32 $0xFFFFE000  }
0x10f: {  	_ =	swait.ge [sflag:s17], $0x2000  }
0x110: {  	[sflag:s17] =	ssyncset.done $0x0  }
0x111: {  	[sflag:s17] =	ssyncadd.s32 $0xFFFFE000  }
0x112: {  	_ =	swait.ge [sflag:s17], $0x2000  }
0x113: {  	[sflag:s17] =	ssyncset.done $0x0  }
0x114: {  	[sflag:s17] =	ssyncadd.s32 $0xFFFFE000  }
0x115: {  	_ =	swait.ge [sflag:s17], $0x2000  }
0x116: {  	[sflag:s17] =	ssyncset.done $0x0  }
0x117: {  	[sflag:s17] =	ssyncadd.s32 $0xFFFFE000  }
0x118: {  	_ =	swait.ge [sflag:s17], $0x2000  }
0x119: {  	[sflag:s17] =	ssyncset.done $0x0  }
0x11a: {  	[sflag:s17] =	ssyncadd.s32 $0xFFFFE000  }
0x11b: {  	_ =	swait.ge [sflag:s17], $0x2000  }
0x11c: {  	[sflag:s17] =	ssyncset.done $0x0  }
0x11d: {  	[sflag:s17] =	ssyncadd.s32 $0xFFFFE000  }
0x11e: {  	_ =	swait.ge [sflag:s17], $0x2000  }
0x11f: {  	[sflag:s17] =	ssyncset.done $0x0  }
0x120: {  	[sflag:s17] =	ssyncadd.s32 $0xFFFFE000  }
0x121: {  	_ =	swait.ge [sflag:s17], $0x2000  }
0x122: {  	[sflag:s17] =	ssyncset.done $0x0  }
0x123: {  	s22 =	simm.s32 $0x0;
	[sflag:s17] =	ssyncadd.s32 $0xFFFFE000  }
0x124: {  	v18 =	vld [tilespmem:s22+$0x700];
	_ =	sdelay $0x1  }
0x125: {  	v20 =	vld [tilespmem:s22+$0x710];
	_ =	sdelay $0x1  }
0x126: {  	v17 =	vld [tilespmem:s22+$0x720]  }
0x127: {  	v19 =	vadd.f32 $0.0e+00, v18  }
0x128: {  	v21 =	vld [tilespmem:s22+$0x730]  }
0x129: {  	v22 =	vmul.f32 v18, v18;
	v23 =	vmul.f32 v20, v20;
	v19 =	vadd.f32 v20, v19  }
0x12a: {  	v24 =	vld [tilespmem:s22+$0x740]  }
0x12b: {  	v22 =	vadd.f32 v23, v22;
	v19 =	vadd.f32 v17, v19;
	v17 =	vmul.f32 v17, v17  }
0x12c: {  	v23 =	vld [tilespmem:s22+$0x750]  }
0x12d: {  	v17 =	vadd.f32 v17, v22;
	v19 =	vadd.f32 v21, v19;
	v21 =	vmul.f32 v21, v21  }
0x12e: {  	v22 =	vld [tilespmem:s22+$0x760]  }
0x12f: {  	v17 =	vadd.f32 v21, v17;
	v19 =	vadd.f32 v24, v19;
	v21 =	vmul.f32 v24, v24  }
0x130: {  	v25 =	vld [tilespmem:s22+$0x770]  }
0x131: {  	v17 =	vadd.f32 v21, v17;
	v19 =	vadd.f32 v23, v19;
	v21 =	vmul.f32 v23, v23  }
0x132: {  	v23 =	vld [tilespmem:s22+$0x4700]  }
0x133: {  	v17 =	vadd.f32 v21, v17;
	v19 =	vadd.f32 v22, v19;
	v21 =	vmul.f32 v22, v22  }
0x134: {  	v22 =	vld [tilespmem:s22+$0x4710]  }
0x135: {  	v17 =	vadd.f32 v21, v17;
	v19 =	vadd.f32 v25, v19;
	v21 =	vmul.f32 v25, v25  }
0x136: {  	v25 =	vld [tilespmem:s22+$0x4720]  }
0x137: {  	v17 =	vadd.f32 v21, v17;
	v19 =	vadd.f32 v23, v19;
	v21 =	vmul.f32 v23, v23  }
0x138: {  	v23 =	vld [tilespmem:s22+$0x4730]  }
0x139: {  	v17 =	vadd.f32 v21, v17;
	v19 =	vadd.f32 v22, v19;
	v21 =	vmul.f32 v22, v22;
	_ =	sdelay $0x1  }
0x13a: {  	v17 =	vadd.f32 v21, v17;
	v19 =	vadd.f32 v25, v19;
	v21 =	vmul.f32 v25, v25;
	_ =	sdelay $0x1  }
0x13b: {  	v17 =	vadd.f32 v21, v17;
	v19 =	vadd.f32 v23, v19;
	v21 =	vmul.f32 v23, v23;
	_ =	sdelay $0x1  }
0x13c: {  	v17 =	vadd.f32 v21, v17;
	(xrf2) =	vadd.scan.msk.f32 $0xffff, v19;
	_ =	sdelay $0x1  }
0x13d: {  	(xrf2) =	vadd.scan.msk.f32 $0xffff, v17;
	_ =	sdelay $0x7  }
0x13e: {  	v17, _, _ =	vpop (xrf2)  }
0x13f: {  	v17 =	vmul.f32 $5.208333490e-03, v17  }
0x140: {  	v19, _, _ =	vpop (xrf2)  }
0x141: {  	v21 =	vmul.f32 v17, v17;
	v19 =	vmul.f32 $5.208333490e-03, v19;
	_ =	sdelay $0x1  }
0x142: {  	v19 =	vsub.f32 v19, v21;
	_ =	sdelay $0x1  }
0x143: {  	v19 =	vadd.f32 $9.999999960e-13, v19;
	_ =	sdelay $0x1  }
0x144: {  	v19 =	vbroadcast v19, $0xF;
	_ =	sdelay $0x1  }
0x145: {  	v21 =	vshrl.u32 v19, $0x1;
	v19 =	vmul.f32 $5.000000000e-01, v19  }
0x146: {  	v21 =	vsub.s32 $0x5F3759DF, v21  }
0x147: {  	v22 =	vmul.f32 v21, v19;
	_ =	sdelay $0x1  }
0x148: {  	v22 =	vmul.f32 v21, v22;
	_ =	sdelay $0x1  }
0x149: {  	v22 =	vsub.f32 $1.500000000e+00, v22;
	_ =	sdelay $0x1  }
0x14a: {  	v21 =	vmul.f32 v21, v22;
	_ =	sdelay $0x1  }
0x14b: {  	v22 =	vmul.f32 v21, v19;
	_ =	sdelay $0x1  }
0x14c: {  	v22 =	vmul.f32 v22, v21;
	_ =	sdelay $0x1  }
0x14d: {  	v22 =	vsub.f32 $1.500000000e+00, v22;
	_ =	sdelay $0x1  }
0x14e: {  	v21 =	vmul.f32 v22, v21;
	_ =	sdelay $0x1  }
0x14f: {  	v19 =	vmul.f32 v21, v19;
	_ =	sdelay $0x1  }
0x150: {  	v19 =	vmul.f32 v19, v21;
	_ =	sdelay $0x1  }
0x151: {  	v17 =	vbroadcast v17, $0xF;
	v19 =	vsub.f32 $1.500000000e+00, v19  }
0x152: {  	v22 =	vld [tilespmem:$0xC700]  }
0x153: {  	v18 =	vsub.f32 v18, v17;
	v19 =	vmul.f32 v19, v21  }
0x154: {  	v21 =	vld [tilespmem:$0xC800]  }
0x155: {  	v18 =	vmul.f32 v19, v18;
	_ =	sdelay $0x1  }
0x156: {  	v18 =	vmul.f32 v18, v22;
	_ =	sdelay $0x1  }
0x157: {  	v18 =	vadd.f32 v18, v21;
	_ =	sdelay $0x1  }
0x158: {  	[tilespmem:s22+$0x8700] =	vst v18  }
0x159: {  	v18 =	vld [tilespmem:$0xC710]  }
0x15a: {  	v20 =	vsub.f32 v20, v17  }
0x15b: {  	v21 =	vld [tilespmem:$0xC810]  }
0x15c: {  	v20 =	vmul.f32 v19, v20;
	_ =	sdelay $0x1  }
0x15d: {  	v18 =	vmul.f32 v20, v18  }
0x15e: {  	v20 =	vld [tilespmem:s22+$0x720]  }
0x15f: {  	v18 =	vadd.f32 v18, v21;
	_ =	sdelay $0x1  }
0x160: {  	[tilespmem:s22+$0x8710] =	vst v18  }
0x161: {  	v18 =	vld [tilespmem:$0xC720]  }
0x162: {  	v20 =	vsub.f32 v20, v17  }
0x163: {  	v21 =	vld [tilespmem:$0xC820]  }
0x164: {  	v20 =	vmul.f32 v19, v20;
	_ =	sdelay $0x1  }
0x165: {  	v18 =	vmul.f32 v20, v18  }
0x166: {  	v20 =	vld [tilespmem:s22+$0x730]  }
0x167: {  	v18 =	vadd.f32 v18, v21;
	_ =	sdelay $0x1  }
0x168: {  	[tilespmem:s22+$0x8720] =	vst v18  }
0x169: {  	v18 =	vld [tilespmem:$0xC730]  }
0x16a: {  	v20 =	vsub.f32 v20, v17  }
0x16b: {  	v21 =	vld [tilespmem:$0xC830]  }
0x16c: {  	v20 =	vmul.f32 v19, v20;
	_ =	sdelay $0x1  }
0x16d: {  	v18 =	vmul.f32 v20, v18;
	_ =	sdelay $0x1  }
0x16e: {  	v18 =	vadd.f32 v18, v21;
	_ =	sdelay $0x1  }
0x16f: {  	[tilespmem:s22+$0x8730] =	vst v18  }
0x170: {  	v20 =	vld [tilespmem:$0xC740]  }
0x171: {  	v18 =	vsub.f32 v24, v17  }
0x172: {  	v21 =	vld [tilespmem:$0xC840]  }
0x173: {  	v22 =	vmul.f32 v19, v18  }
0x174: {  	s23 =	simm.s32 $0x80  }
0x175: {  	v18 =	vld [tilespmem:s23+$0x700];
	v20 =	vmul.f32 v22, v20  }
0x176: {  	v22 =	vld [tilespmem:s22+$0x750]  }
0x177: {  	v23 =	vld [tilespmem:s23+$0x710];
	v20 =	vadd.f32 v20, v21  }
0x178: {  	v24 =	vld [tilespmem:s23+$0x720]  }
0x179: {  	v21 =	vld [tilespmem:s23+$0x730];
	[tilespmem:s22+$0x8740] =	vst v20  }
0x17a: {  	v20 =	vadd.f32 $0.0e+00, v18;
	v25 =	vld [tilespmem:$0xC750]  }
0x17b: {  	v22 =	vsub.f32 v22, v17  }
0x17c: {  	v28 =	vmul.f32 v23, v23;
	v27 =	vmul.f32 v18, v18;
	v26 =	vld [tilespmem:$0xC850];
	v20 =	vadd.f32 v23, v20  }
0x17d: {  	v29 =	vld [tilespmem:s23+$0x740];
	v22 =	vmul.f32 v19, v22  }
0x17e: {  	v27 =	vadd.f32 v28, v27;
	v20 =	vadd.f32 v24, v20;
	v24 =	vmul.f32 v24, v24  }
0x17f: {  	v61 =	vld [tilespmem:s23+$0x750];
	v22 =	vmul.f32 v22, v25  }
0x180: {  	v25 =	vld [tilespmem:s22+$0x760];
	v24 =	vadd.f32 v24, v27;
	v20 =	vadd.f32 v21, v20;
	v21 =	vmul.f32 v21, v21  }
0x181: {  	v27 =	vld [tilespmem:s23+$0x760];
	v22 =	vadd.f32 v22, v26  }
0x182: {  	v21 =	vadd.f32 v21, v24;
	v20 =	vadd.f32 v29, v20;
	v24 =	vmul.f32 v29, v29  }
0x183: {  	v26 =	vld [tilespmem:s23+$0x770];
	[tilespmem:s22+$0x8750] =	vst v22  }
0x184: {  	v21 =	vadd.f32 v24, v21;
	v20 =	vadd.f32 v61, v20;
	v22 =	vmul.f32 v61, v61;
	v24 =	vld [tilespmem:$0xC760]  }
0x185: {  	v25 =	vsub.f32 v25, v17;
	v62 =	vld [tilespmem:s23+$0x4700]  }
0x186: {  	v21 =	vadd.f32 v22, v21;
	v20 =	vadd.f32 v27, v20;
	v22 =	vmul.f32 v27, v27;
	v27 =	vld [tilespmem:$0xC860]  }
0x187: {  	v30 =	vld [tilespmem:s23+$0x4710];
	v25 =	vmul.f32 v25, v19  }
0x188: {  	v21 =	vadd.f32 v22, v21;
	v22 =	vmul.f32 v26, v26  }
0x189: {  	v20 =	vadd.f32 v26, v20;
	v26 =	vld [tilespmem:s23+$0x4720];
	v24 =	vmul.f32 v25, v24  }
0x18a: {  	v25 =	vld [tilespmem:s22+$0x770];
	v21 =	vadd.f32 v22, v21;
	v22 =	vmul.f32 v62, v62  }
0x18b: {  	v20 =	vadd.f32 v62, v20;
	v24 =	vadd.f32 v24, v27  }
0x18c: {  	v63 =	vld [tilespmem:s23+$0x4730];
	v21 =	vadd.f32 v22, v21;
	v22 =	vmul.f32 v30, v30  }
0x18d: {  	v20 =	vadd.f32 v30, v20;
	[tilespmem:s22+$0x8760] =	vst v24  }
0x18e: {  	v21 =	vadd.f32 v22, v21;
	v22 =	vmul.f32 v26, v26;
	v24 =	vld [tilespmem:$0xC770]  }
0x18f: {  	v20 =	vadd.f32 v26, v20;
	v25 =	vsub.f32 v25, v17  }
0x190: {  	v26 =	vld [tilespmem:$0xC870];
	v21 =	vadd.f32 v22, v21  }
0x191: {  	v20 =	vadd.f32 v63, v20;
	v22 =	vmul.f32 v63, v63;
	v25 =	vmul.f32 v25, v19;
	_ =	sdelay $0x1  }
0x192: {  	v21 =	vadd.f32 v22, v21;
	(xrf2) =	vadd.scan.msk.f32 $0xffff, v20;
	v20 =	vmul.f32 v25, v24  }
0x193: {  	v22 =	vld [tilespmem:s22+$0x4700]  }
0x194: {  	(xrf2) =	vadd.scan.msk.f32 $0xffff, v21;
	v20 =	vadd.f32 v20, v26;
	_ =	sdelay $0x1  }
0x195: {  	[tilespmem:s22+$0x8770] =	vst v20  }
0x196: {  	v20 =	vld [tilespmem:$0xC780]  }
0x197: {  	v21 =	vsub.f32 v22, v17  }
0x198: {  	v22 =	vld [tilespmem:$0xC880]  }
0x199: {  	v21 =	vmul.f32 v21, v19;
	_ =	sdelay $0x1  }
0x19a: {  	v24, _, _ =	vpop (xrf2);
	v20 =	vmul.f32 v21, v20  }
0x19b: {  	v24 =	vmul.f32 $5.208333490e-03, v24;
	v21 =	vld [tilespmem:s22+$0x4710]  }
0x19c: {  	v25, _, _ =	vpop (xrf2);
	v20 =	vadd.f32 v20, v22  }
0x19d: {  	v26 =	vmul.f32 v24, v24;
	v22 =	vmul.f32 $5.208333490e-03, v25  }
0x19e: {  	[tilespmem:s22+$0xA700] =	vst v20  }
0x19f: {  	v20 =	vsub.f32 v22, v26;
	v22 =	vld [tilespmem:$0xC790]  }
0x1a0: {  	v21 =	vsub.f32 v21, v17  }
0x1a1: {  	v25 =	vld [tilespmem:$0xC890];
	v20 =	vadd.f32 $9.999999960e-13, v20  }
0x1a2: {  	v21 =	vmul.f32 v21, v19  }
0x1a3: {  	v20 =	vbroadcast v20, $0xF  }
0x1a4: {  	v21 =	vmul.f32 v21, v22  }
0x1a5: {  	v26 =	vld [tilespmem:s22+$0x4720];
	v22 =	vshrl.u32 v20, $0x1;
	v20 =	vmul.f32 $5.000000000e-01, v20  }
0x1a6: {  	v22 =	vsub.s32 $0x5F3759DF, v22;
	v21 =	vadd.f32 v21, v25  }
0x1a7: {  	v25 =	vmul.f32 v22, v20  }
0x1a8: {  	[tilespmem:s22+$0xA710] =	vst v21  }
0x1a9: {  	v21 =	vmul.f32 v22, v25;
	v25 =	vld [tilespmem:$0xC7A0]  }
0x1aa: {  	v26 =	vsub.f32 v26, v17  }
0x1ab: {  	v27 =	vld [tilespmem:$0xC8A0];
	v21 =	vsub.f32 $1.500000000e+00, v21  }
0x1ac: {  	v26 =	vmul.f32 v26, v19  }
0x1ad: {  	v21 =	vmul.f32 v22, v21  }
0x1ae: {  	v22 =	vmul.f32 v26, v25;
	v26 =	vld [tilespmem:s22+$0x4730]  }
0x1af: {  	v25 =	vmul.f32 v21, v20  }
0x1b0: {  	v22 =	vadd.f32 v22, v27  }
0x1b1: {  	v25 =	vmul.f32 v25, v21  }
0x1b2: {  	[tilespmem:s22+$0xA720] =	vst v22  }
0x1b3: {  	v22 =	vsub.f32 $1.500000000e+00, v25;
	v25 =	vld [tilespmem:$0xC7B0];
	v26 =	vsub.f32 v26, v17  }
0x1b4: {  	v17 =	vbroadcast v24, $0xF  }
0x1b5: {  	v22 =	vmul.f32 v22, v21;
	v24 =	vmul.f32 v26, v19;
	v19 =	vld [tilespmem:$0xC8B0];
	_ =	sdelay $0x1  }
0x1b6: {  	v26 =	vmul.f32 v22, v20  }
0x1b7: {  	v24 =	vmul.f32 v24, v25  }
0x1b8: {  	s30 =	simm.s32 $0x400;
	v21 =	vsub.f32 v23, v17;
	v20 =	vsub.f32 v29, v17;
	v23 =	vmul.f32 v26, v22  }
.LBB2_6:
0x1b9: {  	p0 =	sne.s32 s30, $0x7E00;
	v19 =	vadd.f32 v24, v19;
	s5 =	smov.u32 s30;
	s30 =	sadd.s32 $0x200, s30  }
0x1ba: {  	v23 =	vsub.f32 $1.500000000e+00, v23  }
0x1bb: {  	v18 =	vsub.f32 v18, v17;
	[tilespmem:s22+$0xA730] =	vst v19;
	s22 =	smov.u32 s23  }
0x1bc: {  	v19 =	vmul.f32 v23, v22;
	v22 =	vld [tilespmem:$0xC700];
	_ =	sdelay $0x1  }
0x1bd: {  	v18 =	vmul.f32 v19, v18;
	v23 =	vld [tilespmem:$0xC800];
	_ =	sdelay $0x2  }
0x1be: {  	v18 =	vmul.f32 v18, v22;
	_ =	sdelay $0x1  }
0x1bf: {  	v18 =	vadd.f32 v18, v23;
	_ =	sdelay $0x1  }
0x1c0: {  	[tilespmem:s22+$0x8700] =	vst v18  }
0x1c1: {  	v18 =	vld [tilespmem:$0xC710];
	_ =	sdelay $0x1  }
0x1c2: {  	v22 =	vld [tilespmem:$0xC810]  }
0x1c3: {  	v21 =	vmul.f32 v19, v21;
	_ =	sdelay $0x1  }
0x1c4: {  	v18 =	vmul.f32 v21, v18  }
0x1c5: {  	v21 =	vld [tilespmem:s22+$0x720]  }
0x1c6: {  	v18 =	vadd.f32 v18, v22;
	_ =	sdelay $0x1  }
0x1c7: {  	[tilespmem:s22+$0x8710] =	vst v18  }
0x1c8: {  	v18 =	vld [tilespmem:$0xC720]  }
0x1c9: {  	v21 =	vsub.f32 v21, v17  }
0x1ca: {  	v22 =	vld [tilespmem:$0xC820]  }
0x1cb: {  	v21 =	vmul.f32 v19, v21;
	_ =	sdelay $0x1  }
0x1cc: {  	v18 =	vmul.f32 v21, v18  }
0x1cd: {  	v21 =	vld [tilespmem:s22+$0x730]  }
0x1ce: {  	v18 =	vadd.f32 v18, v22;
	_ =	sdelay $0x1  }
0x1cf: {  	[tilespmem:s22+$0x8720] =	vst v18  }
0x1d0: {  	v18 =	vld [tilespmem:$0xC730]  }
0x1d1: {  	v21 =	vsub.f32 v21, v17  }
0x1d2: {  	v22 =	vld [tilespmem:$0xC830]  }
0x1d3: {  	v21 =	vmul.f32 v19, v21;
	_ =	sdelay $0x1  }
0x1d4: {  	v18 =	vmul.f32 v21, v18;
	_ =	sdelay $0x1  }
0x1d5: {  	v18 =	vadd.f32 v18, v22;
	_ =	sdelay $0x1  }
0x1d6: {  	[tilespmem:s22+$0x8730] =	vst v18  }
0x1d7: {  	v21 =	vld [tilespmem:$0xC740];
	_ =	sdelay $0x1  }
0x1d8: {  	v22 =	vld [tilespmem:$0xC840]  }
0x1d9: {  	v20 =	vmul.f32 v19, v20  }
0x1da: {  	s23 =	sshra.s32 s5, $0x2  }
0x1db: {  	v18 =	vld [tilespmem:s23+$0x700];
	v21 =	vmul.f32 v20, v21  }
0x1dc: {  	v23 =	vld [tilespmem:s22+$0x750]  }
0x1dd: {  	v20 =	vld [tilespmem:s23+$0x710];
	v21 =	vadd.f32 v21, v22  }
0x1de: {  	v22 =	vld [tilespmem:s23+$0x730]  }
0x1df: {  	v24 =	vld [tilespmem:s23+$0x720];
	[tilespmem:s22+$0x8740] =	vst v21  }
0x1e0: {  	v21 =	vadd.f32 $0.0e+00, v18;
	v25 =	vld [tilespmem:$0xC750]  }
0x1e1: {  	v23 =	vsub.f32 v23, v17;
	v26 =	vld [tilespmem:$0xC850]  }
0x1e2: {  	v27 =	vmul.f32 v18, v18;
	v21 =	vadd.f32 v20, v21;
	v28 =	vmul.f32 v20, v20  }
0x1e3: {  	v29 =	vld [tilespmem:s23+$0x740];
	v23 =	vmul.f32 v19, v23  }
0x1e4: {  	v27 =	vadd.f32 v28, v27;
	v21 =	vadd.f32 v24, v21;
	v24 =	vmul.f32 v24, v24;
	v28 =	vld [tilespmem:s22+$0x760]  }
0x1e5: {  	v30 =	vld [tilespmem:s23+$0x750];
	v23 =	vmul.f32 v23, v25  }
0x1e6: {  	v24 =	vadd.f32 v24, v27;
	v21 =	vadd.f32 v22, v21;
	v22 =	vmul.f32 v22, v22  }
0x1e7: {  	v25 =	vld [tilespmem:s23+$0x760];
	v23 =	vadd.f32 v23, v26  }
0x1e8: {  	v22 =	vadd.f32 v22, v24;
	v21 =	vadd.f32 v29, v21;
	v24 =	vmul.f32 v29, v29  }
0x1e9: {  	v26 =	vld [tilespmem:s23+$0x770];
	[tilespmem:s22+$0x8750] =	vst v23;
	v23 =	vsub.f32 v28, v17  }
0x1ea: {  	v22 =	vadd.f32 v24, v22;
	v21 =	vadd.f32 v30, v21;
	v24 =	vmul.f32 v30, v30;
	v27 =	vld [tilespmem:$0xC760]  }
0x1eb: {  	v28 =	vld [tilespmem:s23+$0x4700];
	v23 =	vmul.f32 v23, v19  }
0x1ec: {  	v22 =	vadd.f32 v24, v22;
	v21 =	vadd.f32 v25, v21;
	v24 =	vmul.f32 v25, v25;
	v25 =	vld [tilespmem:$0xC860]  }
0x1ed: {  	v30 =	vld [tilespmem:s23+$0x4710]  }
0x1ee: {  	v22 =	vadd.f32 v24, v22;
	v21 =	vadd.f32 v26, v21;
	v24 =	vmul.f32 v26, v26;
	v26 =	vld [tilespmem:s22+$0x770]  }
0x1ef: {  	v31 =	vld [tilespmem:s23+$0x4720];
	v23 =	vmul.f32 v23, v27  }
0x1f0: {  	v22 =	vadd.f32 v24, v22;
	v21 =	vadd.f32 v28, v21;
	v24 =	vmul.f32 v28, v28  }
0x1f1: {  	v27 =	vld [tilespmem:s23+$0x4730];
	v23 =	vadd.f32 v23, v25  }
0x1f2: {  	v22 =	vadd.f32 v24, v22;
	v21 =	vadd.f32 v30, v21;
	v24 =	vmul.f32 v30, v30  }
0x1f3: {  	[tilespmem:s22+$0x8760] =	vst v23;
	v23 =	vsub.f32 v26, v17  }
0x1f4: {  	v22 =	vadd.f32 v24, v22;
	v21 =	vadd.f32 v31, v21;
	v24 =	vmul.f32 v31, v31;
	v25 =	vld [tilespmem:$0xC770]  }
0x1f5: {  	v23 =	vmul.f32 v23, v19;
	v26 =	vld [tilespmem:$0xC870]  }
0x1f6: {  	v22 =	vadd.f32 v24, v22;
	v21 =	vadd.f32 v27, v21;
	v24 =	vmul.f32 v27, v27;
	_ =	sdelay $0x1  }
0x1f7: {  	v22 =	vadd.f32 v24, v22;
	(xrf2) =	vadd.scan.msk.f32 $0xffff, v21;
	v21 =	vld [tilespmem:s22+$0x4700]  }
0x1f8: {  	v23 =	vmul.f32 v23, v25;
	_ =	sdelay $0x1  }
0x1f9: {  	(xrf2) =	vadd.scan.msk.f32 $0xffff, v22;
	v22 =	vadd.f32 v23, v26;
	_ =	sdelay $0x1  }
0x1fa: {  	[tilespmem:s22+$0x8770] =	vst v22;
	v21 =	vsub.f32 v21, v17  }
0x1fb: {  	v22 =	vld [tilespmem:$0xC780]  }
0x1fc: {  	v21 =	vmul.f32 v21, v19;
	v23 =	vld [tilespmem:$0xC880];
	_ =	sdelay $0x1  }
0x1fd: {  	v24 =	vld [tilespmem:s22+$0x4710]  }
0x1fe: {  	v25, _, _ =	vpop (xrf2)  }
0x1ff: {  	v25 =	vmul.f32 $5.208333490e-03, v25;
	v21 =	vmul.f32 v21, v22;
	_ =	sdelay $0x1  }
0x200: {  	v22 =	vbroadcast v25, $0xF;
	v25 =	vmul.f32 v25, v25;
	v26, _, _ =	vpop (xrf2);
	v23 =	vadd.f32 v21, v23  }
0x201: {  	v26 =	vmul.f32 $5.208333490e-03, v26;
	v24 =	vsub.f32 v24, v17  }
0x202: {  	v21 =	vsub.f32 v20, v22;
	v20 =	vsub.f32 v29, v22;
	[tilespmem:s22+$0xA700] =	vst v23  }
0x203: {  	v23 =	vsub.f32 v26, v25;
	v25 =	vld [tilespmem:$0xC790]  }
0x204: {  	v24 =	vmul.f32 v24, v19;
	v26 =	vld [tilespmem:$0xC890]  }
0x205: {  	v23 =	vadd.f32 $9.999999960e-13, v23;
	_ =	sdelay $0x1  }
0x206: {  	v23 =	vbroadcast v23, $0xF;
	v27 =	vld [tilespmem:s22+$0x4720]  }
0x207: {  	v24 =	vmul.f32 v24, v25  }
0x208: {  	v25 =	vshrl.u32 v23, $0x1;
	v23 =	vmul.f32 $5.000000000e-01, v23  }
0x209: {  	v25 =	vsub.s32 $0x5F3759DF, v25;
	v24 =	vadd.f32 v24, v26  }
0x20a: {  	v26 =	vmul.f32 v25, v23  }
0x20b: {  	[tilespmem:s22+$0xA710] =	vst v24;
	v24 =	vsub.f32 v27, v17  }
0x20c: {  	v26 =	vmul.f32 v25, v26;
	v27 =	vld [tilespmem:$0xC7A0]  }
0x20d: {  	v24 =	vmul.f32 v24, v19;
	v28 =	vld [tilespmem:$0xC8A0]  }
0x20e: {  	v26 =	vsub.f32 $1.500000000e+00, v26;
	_ =	sdelay $0x1  }
0x20f: {  	v25 =	vmul.f32 v25, v26;
	v26 =	vld [tilespmem:s22+$0x4730]  }
0x210: {  	v24 =	vmul.f32 v24, v27  }
0x211: {  	v27 =	vmul.f32 v25, v23  }
0x212: {  	v24 =	vadd.f32 v24, v28  }
0x213: {  	v27 =	vmul.f32 v27, v25  }
0x214: {  	[tilespmem:s22+$0xA720] =	vst v24;
	v24 =	vsub.f32 v26, v17;
	v17 =	vmov v22  }
0x215: {  	v22 =	vsub.f32 $1.500000000e+00, v27;
	v26 =	vld [tilespmem:$0xC7B0]  }
0x216: {  	v24 =	vmul.f32 v24, v19;
	v19 =	vld [tilespmem:$0xC8B0]  }
.Ltmp2:
0x217: {  	v22 =	vmul.f32 v22, v25;
	(pc) =	sbr.rel @p0 .LBB2_6-.Ltmp2, $4  }
0x218: {  	_ = 	snop  }
0x219: {  	v23 =	vmul.f32 v22, v23  }
0x21a: {  	v24 =	vmul.f32 v24, v26  }
0x21b: {  	v23 =	vmul.f32 v23, v22  }
0x21c: {  	v19 =	vadd.f32 v24, v19;
	_ =	sdelay $0x1  }
0x21d: {  	v23 =	vsub.f32 $1.500000000e+00, v23;
	[tilespmem:s22+$0xA730] =	vst v19  }
0x21e: {  	v19 =	vld [tilespmem:$0xC700]  }
0x21f: {  	v18 =	vsub.f32 v18, v17;
	v22 =	vmul.f32 v23, v22  }
0x220: {  	v33 =	vld [tilespmem:$0xC800]  }
0x221: {  	v18 =	vmul.f32 v22, v18;
	_ =	sdelay $0x1  }
0x222: {  	v18 =	vmul.f32 v18, v19;
	_ =	sdelay $0x1  }
0x223: {  	v18 =	vadd.f32 v18, v33;
	_ =	sdelay $0x1  }
0x224: {  	[tilespmem:s23+$0x8700] =	vst v18  }
0x225: {  	v18 =	vld [tilespmem:$0xC710];
	_ =	sdelay $0x1  }
0x226: {  	v19 =	vld [tilespmem:$0xC810]  }
0x227: {  	v21 =	vmul.f32 v22, v21;
	_ =	sdelay $0x1  }
0x228: {  	v18 =	vmul.f32 v21, v18  }
0x229: {  	v34 =	vld [tilespmem:s23+$0x720]  }
0x22a: {  	v18 =	vadd.f32 v18, v19;
	_ =	sdelay $0x1  }
0x22b: {  	[tilespmem:s23+$0x8710] =	vst v18  }
0x22c: {  	v18 =	vld [tilespmem:$0xC720]  }
0x22d: {  	v19 =	vsub.f32 v34, v17  }
0x22e: {  	v35 =	vld [tilespmem:$0xC820]  }
0x22f: {  	v19 =	vmul.f32 v22, v19;
	_ =	sdelay $0x1  }
0x230: {  	v18 =	vmul.f32 v19, v18  }
0x231: {  	v19 =	vld [tilespmem:s23+$0x730]  }
0x232: {  	v18 =	vadd.f32 v18, v35;
	_ =	sdelay $0x1  }
0x233: {  	[tilespmem:s23+$0x8720] =	vst v18  }
0x234: {  	v18 =	vld [tilespmem:$0xC730]  }
0x235: {  	v19 =	vsub.f32 v19, v17  }
0x236: {  	v36 =	vld [tilespmem:$0xC830]  }
0x237: {  	v19 =	vmul.f32 v22, v19;
	_ =	sdelay $0x1  }
0x238: {  	v18 =	vmul.f32 v19, v18;
	_ =	sdelay $0x1  }
0x239: {  	v18 =	vadd.f32 v18, v36;
	_ =	sdelay $0x1  }
0x23a: {  	[tilespmem:s23+$0x8730] =	vst v18  }
0x23b: {  	v18 =	vld [tilespmem:$0xC740];
	_ =	sdelay $0x1  }
0x23c: {  	v19 =	vld [tilespmem:$0xC840]  }
0x23d: {  	v20 =	vmul.f32 v22, v20;
	_ =	sdelay $0x1  }
0x23e: {  	v18 =	vmul.f32 v20, v18  }
0x23f: {  	v37 =	vld [tilespmem:s23+$0x750]  }
0x240: {  	v18 =	vadd.f32 v18, v19;
	_ =	sdelay $0x1  }
0x241: {  	[tilespmem:s23+$0x8740] =	vst v18  }
0x242: {  	v18 =	vld [tilespmem:$0xC750]  }
0x243: {  	v19 =	vsub.f32 v37, v17  }
0x244: {  	v38 =	vld [tilespmem:$0xC850]  }
0x245: {  	v19 =	vmul.f32 v22, v19;
	_ =	sdelay $0x1  }
0x246: {  	v18 =	vmul.f32 v19, v18  }
0x247: {  	v19 =	vld [tilespmem:s23+$0x760]  }
0x248: {  	v18 =	vadd.f32 v18, v38;
	_ =	sdelay $0x1  }
0x249: {  	[tilespmem:s23+$0x8750] =	vst v18  }
0x24a: {  	v18 =	vld [tilespmem:$0xC760]  }
0x24b: {  	v19 =	vsub.f32 v19, v17  }
0x24c: {  	v39 =	vld [tilespmem:$0xC860]  }
0x24d: {  	v19 =	vmul.f32 v19, v22;
	_ =	sdelay $0x1  }
0x24e: {  	v18 =	vmul.f32 v19, v18  }
0x24f: {  	v19 =	vld [tilespmem:s23+$0x770]  }
0x250: {  	v18 =	vadd.f32 v18, v39;
	_ =	sdelay $0x1  }
0x251: {  	[tilespmem:s23+$0x8760] =	vst v18  }
0x252: {  	v18 =	vld [tilespmem:$0xC770]  }
0x253: {  	v19 =	vsub.f32 v19, v17  }
0x254: {  	v40 =	vld [tilespmem:$0xC870]  }
0x255: {  	v19 =	vmul.f32 v19, v22;
	_ =	sdelay $0x1  }
0x256: {  	v18 =	vmul.f32 v19, v18  }
0x257: {  	v19 =	vld [tilespmem:s23+$0x4700]  }
0x258: {  	v18 =	vadd.f32 v18, v40;
	_ =	sdelay $0x1  }
0x259: {  	[tilespmem:s23+$0x8770] =	vst v18  }
0x25a: {  	v18 =	vld [tilespmem:$0xC780]  }
0x25b: {  	v19 =	vsub.f32 v19, v17  }
0x25c: {  	v41 =	vld [tilespmem:$0xC880]  }
0x25d: {  	v19 =	vmul.f32 v19, v22;
	_ =	sdelay $0x1  }
0x25e: {  	v18 =	vmul.f32 v19, v18  }
0x25f: {  	v19 =	vld [tilespmem:s23+$0x4710]  }
0x260: {  	v18 =	vadd.f32 v18, v41;
	_ =	sdelay $0x1  }
0x261: {  	[tilespmem:s23+$0xA700] =	vst v18  }
0x262: {  	v18 =	vld [tilespmem:$0xC790]  }
0x263: {  	v19 =	vsub.f32 v19, v17  }
0x264: {  	v42 =	vld [tilespmem:$0xC890]  }
0x265: {  	v19 =	vmul.f32 v19, v22;
	_ =	sdelay $0x1  }
0x266: {  	v18 =	vmul.f32 v19, v18  }
0x267: {  	v19 =	vld [tilespmem:s23+$0x4720]  }
0x268: {  	v18 =	vadd.f32 v18, v42;
	_ =	sdelay $0x1  }
0x269: {  	[tilespmem:s23+$0xA710] =	vst v18  }
0x26a: {  	v18 =	vld [tilespmem:$0xC7A0]  }
0x26b: {  	v19 =	vsub.f32 v19, v17  }
0x26c: {  	v43 =	vld [tilespmem:$0xC8A0]  }
0x26d: {  	v19 =	vmul.f32 v19, v22;
	_ =	sdelay $0x1  }
0x26e: {  	v18 =	vmul.f32 v19, v18  }
0x26f: {  	v19 =	vld [tilespmem:s23+$0x4730]  }
0x270: {  	v18 =	vadd.f32 v18, v43;
	_ =	sdelay $0x1  }
0x271: {  	[tilespmem:s23+$0xA720] =	vst v18  }
0x272: {  	v18 =	vld [tilespmem:$0xC7B0]  }
0x273: {  	v17 =	vsub.f32 v19, v17  }
0x274: {  	v19 =	vld [tilespmem:$0xC8B0]  }
0x275: {  	v17 =	vmul.f32 v17, v22;
	_ =	sdelay $0x1  }
0x276: {  	v17 =	vmul.f32 v17, v18;
	_ =	sdelay $0x1  }
0x277: {  	v17 =	vadd.f32 v17, v19;
	_ =	sdelay $0x1  }
0x278: {  	s5 =	simm.s32 $0x0;
	s30 =	rddreg [dreg:$0x9];
	[tilespmem:s23+$0xA730] =	vst v17  }
0x279: {  	[hbm4b:s30+s5] =	stream.linear.scatter [tilespmem:s18], [sflag:$0x3], $0x2000, $0x38;
	[tilespmem:$0xC900] =	vst v63  }
0x27a: {  	_ =	swait.ge [sflag:s25], $0x2000  }
0x27b: {  	[sflag:s25] =	ssyncset.done $0x0  }
0x27c: {  	s23 =	rddreg [dreg:$0xa];
	[sflag:s25] =	ssyncadd.s32 $0xFFFFE000  }
0x27d: {  	[hbm4b:s23+s5] =	stream.linear.scatter [tilespmem:s19], [sflag:$0x3], $0x2000, $0x38;
	[tilespmem:$0xC900] =	vst v63  }
0x27e: {  	_ =	swait.ge [sflag:s25], $0x2000  }
0x27f: {  	[sflag:s25] =	ssyncset.done $0x0  }
0x280: {  	s30 =	rddreg [dreg:$0xb];
	[sflag:s25] =	ssyncadd.s32 $0xFFFFE000  }
0x281: {  	[tilespmem:s5], [sflag:$0x3] =	stream.linear.gather [hbm4b:s30+s5], $0x100, $0x38;
	[tilespmem:$0xC900] =	vst v63  }
0x282: {  	_ =	swait.ge [sflag:s25], $0x100  }
0x283: {  	[sflag:s25] =	ssyncset.done $0x0  }
0x284: {  	s30 =	simm.s32 $0x200;
	s23 =	rddreg [dreg:$0xc];
	[sflag:s25] =	ssyncadd.s32 $0xFFFFFF00  }
0x285: {  	[tilespmem:s30], [sflag:$0x3] =	stream.linear.gather [hbm4b:s23+s5], $0x40, $0x38;
	[tilespmem:$0xC900] =	vst v63  }
0x286: {  	_ =	swait.ge [sflag:s25], $0x40  }
0x287: {  	[sflag:s25] =	ssyncset.done $0x0  }
0x288: {  	[sflag:s25] =	ssyncadd.s32 $0xFFFFFFC0  }
0x289: {  	v17 =	vld.idx.msk [tilespmem:v0+s5+$0x0], $0xffff  }
0x28a: {  	v18 =	vld.idx.msk [tilespmem:v1+s5+$0x0], $0xffff  }
0x28b: {  	v19 =	vld.idx.msk [tilespmem:v2+s5+$0x0], $0xffff  }
0x28c: {  	v44 =	vld.idx.msk [tilespmem:v3+s5+$0x0], $0xffff;
	_ =	sdelay $0x2  }
0x28d: {  	v45 =	vld [tilespmem:$0x200];
	[tilespmem:$0x300] =	vst v17;
	v46 =	vadd.s32 $0x400, v18  }
0x28e: {  	v47 =	vadd.s32 $0x800, v19;
	[tilespmem:$0x340] =	vst v46  }
0x28f: {  	v48 =	vadd.s32 $0xC00, v44;
	v18 =	vsub.s32 v44, v18;
	[tilespmem:$0x380] =	vst v47  }
0x290: {  	v17 =	vsub.s32 v19, v17;
	[tilespmem:$0x3C0] =	vst v48;
	v18 =	vadd.s32 $0x1000, v18  }
0x291: {  	v17 =	vadd.s32 $0x1400, v17;
	[tilespmem:$0x400] =	vst v18  }
0x292: {  	[tilespmem:$0x440] =	vst v17;
	v17 =	vadd.s32 $0x1800, v45  }
0x293: {  	[tilespmem:$0x480] =	vst v17  }
0x294: {  	v17 =	vld.idx.msk [tilespmem:v4+s5+$0x0], $0xffff  }
0x295: {  	v18 =	vld.idx.msk [tilespmem:v5+s5+$0x0], $0xffff  }
0x296: {  	v19 =	vld.idx.msk [tilespmem:v6+s5+$0x0], $0xffff  }
0x297: {  	v49 =	vld.idx.msk [tilespmem:v7+s5+$0x0], $0xffff;
	_ =	sdelay $0x2  }
0x298: {  	v50 =	vld [tilespmem:$0x210];
	[tilespmem:$0x310] =	vst v17;
	v51 =	vadd.s32 $0x400, v18  }
0x299: {  	v52 =	vadd.s32 $0x800, v19;
	[tilespmem:$0x350] =	vst v51  }
0x29a: {  	v53 =	vadd.s32 $0xC00, v49;
	v18 =	vsub.s32 v49, v18;
	[tilespmem:$0x390] =	vst v52  }
0x29b: {  	v17 =	vsub.s32 v19, v17;
	[tilespmem:$0x3D0] =	vst v53;
	v18 =	vadd.s32 $0x1000, v18  }
0x29c: {  	v17 =	vadd.s32 $0x1400, v17;
	[tilespmem:$0x410] =	vst v18  }
0x29d: {  	[tilespmem:$0x450] =	vst v17;
	v17 =	vadd.s32 $0x1800, v50  }
0x29e: {  	[tilespmem:$0x490] =	vst v17  }
0x29f: {  	v17 =	vld.idx.msk [tilespmem:v8+s5+$0x0], $0xffff  }
0x2a0: {  	v18 =	vld.idx.msk [tilespmem:v9+s5+$0x0], $0xffff  }
0x2a1: {  	v19 =	vld.idx.msk [tilespmem:v10+s5+$0x0], $0xffff  }
0x2a2: {  	v54 =	vld.idx.msk [tilespmem:v11+s5+$0x0], $0xffff;
	_ =	sdelay $0x2  }
0x2a3: {  	v55 =	vld [tilespmem:$0x220];
	[tilespmem:$0x320] =	vst v17;
	v56 =	vadd.s32 $0x400, v18  }
0x2a4: {  	v57 =	vadd.s32 $0x800, v19;
	[tilespmem:$0x360] =	vst v56  }
0x2a5: {  	v58 =	vadd.s32 $0xC00, v54;
	v18 =	vsub.s32 v54, v18;
	[tilespmem:$0x3A0] =	vst v57  }
0x2a6: {  	v17 =	vsub.s32 v19, v17;
	[tilespmem:$0x3E0] =	vst v58;
	v18 =	vadd.s32 $0x1000, v18  }
0x2a7: {  	v17 =	vadd.s32 $0x1400, v17;
	[tilespmem:$0x420] =	vst v18  }
0x2a8: {  	[tilespmem:$0x460] =	vst v17;
	v17 =	vadd.s32 $0x1800, v55  }
0x2a9: {  	[tilespmem:$0x4A0] =	vst v17  }
0x2aa: {  	v17 =	vld.idx.msk [tilespmem:v12+s5+$0x0], $0xffff  }
0x2ab: {  	v18 =	vld.idx.msk [tilespmem:v13+s5+$0x0], $0xffff  }
0x2ac: {  	v19 =	vld.idx.msk [tilespmem:v14+s5+$0x0], $0xffff  }
0x2ad: {  	v59 =	vld.idx.msk [tilespmem:v15+s5+$0x0], $0xffff;
	_ =	sdelay $0x2  }
0x2ae: {  	v60 =	vld [tilespmem:$0x230];
	[tilespmem:$0x330] =	vst v17;
	v61 =	vadd.s32 $0x400, v18  }
0x2af: {  	v62 =	vadd.s32 $0x800, v19;
	[tilespmem:$0x370] =	vst v61  }
0x2b0: {  	v63 =	vadd.s32 $0xC00, v59;
	v18 =	vsub.s32 v59, v18;
	[tilespmem:$0x3B0] =	vst v62  }
0x2b1: {  	v17 =	vsub.s32 v19, v17;
	[tilespmem:$0x3F0] =	vst v63;
	v18 =	vadd.s32 $0x1000, v18  }
0x2b2: {  	v17 =	vadd.s32 $0x1400, v17;
	[tilespmem:$0x430] =	vst v18  }
0x2b3: {  	[tilespmem:$0x470] =	vst v17;
	v17 =	vadd.s32 $0x1800, v60  }
0x2b4: {  	s22 =	simm.s32 $0x200;
	s5 =	simm.s32 $0x0;
	[tilespmem:$0x4B0] =	vst v17  }
.LBB2_8:
0x2b5: {  	p0 =	sne.s32 s22, $0x7E00;
	[tilespmem:s5+$0x4730] =	vst v16  }
0x2b6: {  	[tilespmem:s5+$0x700] =	vst v16  }
0x2b7: {  	[tilespmem:s5+$0x710] =	vst v16  }
0x2b8: {  	[tilespmem:s5+$0x720] =	vst v16  }
0x2b9: {  	[tilespmem:s5+$0x730] =	vst v16  }
0x2ba: {  	[tilespmem:s5+$0x740] =	vst v16  }
0x2bb: {  	[tilespmem:s5+$0x750] =	vst v16  }
.Ltmp3:
0x2bc: {  	[tilespmem:s5+$0x760] =	vst v16;
	(pc) =	sbr.rel @p0 .LBB2_8-.Ltmp3, $4  }
0x2bd: {  	[tilespmem:s5+$0x770] =	vst v16  }
0x2be: {  	[tilespmem:s5+$0x4700] =	vst v16  }
0x2bf: {  	[tilespmem:s5+$0x4710] =	vst v16  }
0x2c0: {  	[tilespmem:s5+$0x4720] =	vst v16;
	s5 =	sshra.s32 s22, $0x2;
	s22 =	sadd.s32 $0x200, s22  }
0x2c1: {  	[tilespmem:s5+$0x4730] =	vst v16  }
0x2c2: {  	[tilespmem:s5+$0x700] =	vst v16  }
0x2c3: {  	[tilespmem:s5+$0x710] =	vst v16  }
0x2c4: {  	[tilespmem:s5+$0x720] =	vst v16  }
0x2c5: {  	[tilespmem:s5+$0x730] =	vst v16  }
0x2c6: {  	[tilespmem:s5+$0x740] =	vst v16  }
0x2c7: {  	[tilespmem:s5+$0x750] =	vst v16  }
0x2c8: {  	[tilespmem:s5+$0x760] =	vst v16  }
0x2c9: {  	[tilespmem:s5+$0x770] =	vst v16  }
0x2ca: {  	[tilespmem:s5+$0x4700] =	vst v16  }
0x2cb: {  	[tilespmem:s5+$0x4710] =	vst v16  }
0x2cc: {  	[tilespmem:s5+$0x4720] =	vst v16;
	s22 =	simm.s32 $0x300  }
0x2cd: {  	[tilespmem:s31], [sflag:$0x1] =	stream.indirect.gather.add.f32 [hbm:s1], $0x80, s22, s29, $0xb8;
	[tilespmem:$0xC900] =	vst v63  }
0x2ce: {  	_ = 	snop  }
0x2cf: {  	[tilespmem:s0], [sflag:$0x1] =	stream.indirect.gather.add.f32 [hbm:s6], $0x80, s22, s29, $0xb8;
	[tilespmem:$0xC900] =	vst v63  }
0x2d0: {  	s23 =	simm.s32 $0x340  }
0x2d1: {  	[tilespmem:s31], [sflag:$0x1] =	stream.indirect.gather.add.f32 [hbm:s1], $0x80, s23, s29, $0xb8;
	[tilespmem:$0xC900] =	vst v63  }
0x2d2: {  	_ = 	snop  }
0x2d3: {  	[tilespmem:s0], [sflag:$0x1] =	stream.indirect.gather.add.f32 [hbm:s6], $0x80, s23, s29, $0xb8;
	[tilespmem:$0xC900] =	vst v63  }
0x2d4: {  	_ = 	snop  }
0x2d5: {  	[tilespmem:s31], [sflag:$0x1] =	stream.indirect.gather.add.f32 [hbm:s1], $0x80, s2, s29, $0xb8;
	[tilespmem:$0xC900] =	vst v63  }
0x2d6: {  	_ = 	snop  }
0x2d7: {  	[tilespmem:s0], [sflag:$0x1] =	stream.indirect.gather.add.f32 [hbm:s6], $0x80, s2, s29, $0xb8;
	[tilespmem:$0xC900] =	vst v63  }
0x2d8: {  	_ = 	snop  }
0x2d9: {  	[tilespmem:s31], [sflag:$0x1] =	stream.indirect.gather.add.f32 [hbm:s1], $0x80, s3, s29, $0xb8;
	[tilespmem:$0xC900] =	vst v63  }
0x2da: {  	_ = 	snop  }
0x2db: {  	[tilespmem:s0], [sflag:$0x1] =	stream.indirect.gather.add.f32 [hbm:s6], $0x80, s3, s29, $0xb8;
	[tilespmem:$0xC900] =	vst v63  }
0x2dc: {  	_ = 	snop  }
0x2dd: {  	[tilespmem:s31], [sflag:$0x1] =	stream.indirect.gather.add.f32 [hbm:s1], $0x80, s24, s29, $0xb8;
	[tilespmem:$0xC900] =	vst v63  }
0x2de: {  	_ = 	snop  }
0x2df: {  	[tilespmem:s0], [sflag:$0x1] =	stream.indirect.gather.add.f32 [hbm:s6], $0x80, s24, s29, $0xb8;
	[tilespmem:$0xC900] =	vst v63  }
0x2e0: {  	_ = 	snop  }
0x2e1: {  	[tilespmem:s31], [sflag:$0x1] =	stream.indirect.gather.add.f32 [hbm:s1], $0x80, s26, s29, $0xb8;
	[tilespmem:$0xC900] =	vst v63  }
0x2e2: {  	_ = 	snop  }
0x2e3: {  	[tilespmem:s0], [sflag:$0x1] =	stream.indirect.gather.add.f32 [hbm:s6], $0x80, s26, s29, $0xb8;
	[tilespmem:$0xC900] =	vst v63  }
0x2e4: {  	_ = 	snop  }
0x2e5: {  	[tilespmem:s31], [sflag:$0x1] =	stream.indirect.gather.add.f32 [hbm:s1], $0x80, s28, s29, $0xb8;
	[tilespmem:$0xC900] =	vst v63  }
0x2e6: {  	_ = 	snop  }
0x2e7: {  	[tilespmem:s0], [sflag:$0x1] =	stream.indirect.gather.add.f32 [hbm:s6], $0x80, s28, s29, $0xb8;
	[tilespmem:$0xC900] =	vst v63  }
0x2e8: {  	_ =	swait.ge [sflag:s20], $0x2000  }
0x2e9: {  	[sflag:s20] =	ssyncset.done $0x0  }
0x2ea: {  	[sflag:s20] =	ssyncadd.s32 $0xFFFFE000  }
0x2eb: {  	_ =	swait.ge [sflag:s20], $0x2000  }
0x2ec: {  	[sflag:s20] =	ssyncset.done $0x0  }
0x2ed: {  	[sflag:s20] =	ssyncadd.s32 $0xFFFFE000  }
0x2ee: {  	_ =	swait.ge [sflag:s20], $0x2000  }
0x2ef: {  	[sflag:s20] =	ssyncset.done $0x0  }
0x2f0: {  	[sflag:s20] =	ssyncadd.s32 $0xFFFFE000  }
0x2f1: {  	_ =	swait.ge [sflag:s20], $0x2000  }
0x2f2: {  	[sflag:s20] =	ssyncset.done $0x0  }
0x2f3: {  	[sflag:s20] =	ssyncadd.s32 $0xFFFFE000  }
0x2f4: {  	_ =	swait.ge [sflag:s20], $0x2000  }
0x2f5: {  	[sflag:s20] =	ssyncset.done $0x0  }
0x2f6: {  	[sflag:s20] =	ssyncadd.s32 $0xFFFFE000  }
0x2f7: {  	_ =	swait.ge [sflag:s20], $0x2000  }
0x2f8: {  	[sflag:s20] =	ssyncset.done $0x0  }
0x2f9: {  	[sflag:s20] =	ssyncadd.s32 $0xFFFFE000  }
0x2fa: {  	_ =	swait.ge [sflag:s20], $0x2000  }
0x2fb: {  	[sflag:s20] =	ssyncset.done $0x0  }
0x2fc: {  	[sflag:s20] =	ssyncadd.s32 $0xFFFFE000  }
0x2fd: {  	_ =	swait.ge [sflag:s20], $0x2000  }
0x2fe: {  	[sflag:s20] =	ssyncset.done $0x0  }
0x2ff: {  	[sflag:s20] =	ssyncadd.s32 $0xFFFFE000  }
0x300: {  	_ =	swait.ge [sflag:s20], $0x2000  }
0x301: {  	[sflag:s20] =	ssyncset.done $0x0  }
0x302: {  	[sflag:s20] =	ssyncadd.s32 $0xFFFFE000  }
0x303: {  	_ =	swait.ge [sflag:s20], $0x2000  }
0x304: {  	[sflag:s20] =	ssyncset.done $0x0  }
0x305: {  	[sflag:s20] =	ssyncadd.s32 $0xFFFFE000  }
0x306: {  	_ =	swait.ge [sflag:s20], $0x2000  }
0x307: {  	[sflag:s20] =	ssyncset.done $0x0  }
0x308: {  	[sflag:s20] =	ssyncadd.s32 $0xFFFFE000  }
0x309: {  	_ =	swait.ge [sflag:s20], $0x2000  }
0x30a: {  	[sflag:s20] =	ssyncset.done $0x0  }
0x30b: {  	[sflag:s20] =	ssyncadd.s32 $0xFFFFE000  }
0x30c: {  	_ =	swait.ge [sflag:s20], $0x2000  }
0x30d: {  	[sflag:s20] =	ssyncset.done $0x0  }
0x30e: {  	[sflag:s20] =	ssyncadd.s32 $0xFFFFE000  }
0x30f: {  	_ =	swait.ge [sflag:s20], $0x2000  }
0x310: {  	[sflag:s20] =	ssyncset.done $0x0  }
0x311: {  	s22 =	simm.s32 $0x0;
	[sflag:s20] =	ssyncadd.s32 $0xFFFFE000  }
0x312: {  	v18 =	vld [tilespmem:s22+$0x2700];
	_ =	sdelay $0x1  }
0x313: {  	v20 =	vld [tilespmem:s22+$0x2710];
	_ =	sdelay $0x1  }
0x314: {  	v17 =	vld [tilespmem:s22+$0x2720]  }
0x315: {  	v19 =	vadd.f32 $0.0e+00, v18  }
0x316: {  	v21 =	vld [tilespmem:s22+$0x2730]  }
0x317: {  	v22 =	vmul.f32 v18, v18;
	v23 =	vmul.f32 v20, v20;
	v19 =	vadd.f32 v20, v19  }
0x318: {  	v24 =	vld [tilespmem:s22+$0x2740]  }
0x319: {  	v22 =	vadd.f32 v23, v22;
	v19 =	vadd.f32 v17, v19;
	v17 =	vmul.f32 v17, v17  }
0x31a: {  	v23 =	vld [tilespmem:s22+$0x2750]  }
0x31b: {  	v17 =	vadd.f32 v17, v22;
	v19 =	vadd.f32 v21, v19;
	v21 =	vmul.f32 v21, v21  }
0x31c: {  	v22 =	vld [tilespmem:s22+$0x2760]  }
0x31d: {  	v17 =	vadd.f32 v21, v17;
	v19 =	vadd.f32 v24, v19;
	v21 =	vmul.f32 v24, v24  }
0x31e: {  	v25 =	vld [tilespmem:s22+$0x2770]  }
0x31f: {  	v17 =	vadd.f32 v21, v17;
	v19 =	vadd.f32 v23, v19;
	v21 =	vmul.f32 v23, v23  }
0x320: {  	v23 =	vld [tilespmem:s22+$0x6700]  }
0x321: {  	v17 =	vadd.f32 v21, v17;
	v19 =	vadd.f32 v22, v19;
	v21 =	vmul.f32 v22, v22  }
0x322: {  	v22 =	vld [tilespmem:s22+$0x6710]  }
0x323: {  	v17 =	vadd.f32 v21, v17;
	v19 =	vadd.f32 v25, v19;
	v21 =	vmul.f32 v25, v25  }
0x324: {  	v25 =	vld [tilespmem:s22+$0x6720]  }
0x325: {  	v17 =	vadd.f32 v21, v17;
	v19 =	vadd.f32 v23, v19;
	v21 =	vmul.f32 v23, v23  }
0x326: {  	v23 =	vld [tilespmem:s22+$0x6730]  }
0x327: {  	v17 =	vadd.f32 v21, v17;
	v19 =	vadd.f32 v22, v19;
	v21 =	vmul.f32 v22, v22;
	_ =	sdelay $0x1  }
0x328: {  	v17 =	vadd.f32 v21, v17;
	v19 =	vadd.f32 v25, v19;
	v21 =	vmul.f32 v25, v25;
	_ =	sdelay $0x1  }
0x329: {  	v17 =	vadd.f32 v21, v17;
	v19 =	vadd.f32 v23, v19;
	v21 =	vmul.f32 v23, v23;
	_ =	sdelay $0x1  }
0x32a: {  	v17 =	vadd.f32 v21, v17;
	(xrf2) =	vadd.scan.msk.f32 $0xffff, v19;
	_ =	sdelay $0x1  }
0x32b: {  	(xrf2) =	vadd.scan.msk.f32 $0xffff, v17;
	_ =	sdelay $0x7  }
0x32c: {  	v17, _, _ =	vpop (xrf2)  }
0x32d: {  	v17 =	vmul.f32 $5.208333490e-03, v17  }
0x32e: {  	v19, _, _ =	vpop (xrf2)  }
0x32f: {  	v21 =	vmul.f32 v17, v17;
	v19 =	vmul.f32 $5.208333490e-03, v19;
	_ =	sdelay $0x1  }
0x330: {  	v19 =	vsub.f32 v19, v21;
	_ =	sdelay $0x1  }
0x331: {  	v19 =	vadd.f32 $9.999999960e-13, v19;
	_ =	sdelay $0x1  }
0x332: {  	v19 =	vbroadcast v19, $0xF;
	_ =	sdelay $0x1  }
0x333: {  	v21 =	vshrl.u32 v19, $0x1;
	v19 =	vmul.f32 $5.000000000e-01, v19  }
0x334: {  	v21 =	vsub.s32 $0x5F3759DF, v21  }
0x335: {  	v22 =	vmul.f32 v21, v19;
	_ =	sdelay $0x1  }
0x336: {  	v22 =	vmul.f32 v21, v22;
	_ =	sdelay $0x1  }
0x337: {  	v22 =	vsub.f32 $1.500000000e+00, v22;
	_ =	sdelay $0x1  }
0x338: {  	v21 =	vmul.f32 v21, v22;
	_ =	sdelay $0x1  }
0x339: {  	v22 =	vmul.f32 v21, v19;
	_ =	sdelay $0x1  }
0x33a: {  	v22 =	vmul.f32 v22, v21;
	_ =	sdelay $0x1  }
0x33b: {  	v22 =	vsub.f32 $1.500000000e+00, v22;
	_ =	sdelay $0x1  }
0x33c: {  	v21 =	vmul.f32 v22, v21;
	_ =	sdelay $0x1  }
0x33d: {  	v19 =	vmul.f32 v21, v19;
	_ =	sdelay $0x1  }
0x33e: {  	v19 =	vmul.f32 v19, v21;
	_ =	sdelay $0x1  }
0x33f: {  	v17 =	vbroadcast v17, $0xF;
	v19 =	vsub.f32 $1.500000000e+00, v19  }
0x340: {  	v22 =	vld [tilespmem:$0xC700]  }
0x341: {  	v18 =	vsub.f32 v18, v17;
	v19 =	vmul.f32 v19, v21  }
0x342: {  	v21 =	vld [tilespmem:$0xC800]  }
0x343: {  	v18 =	vmul.f32 v19, v18;
	_ =	sdelay $0x1  }
0x344: {  	v18 =	vmul.f32 v18, v22;
	_ =	sdelay $0x1  }
0x345: {  	v18 =	vadd.f32 v18, v21;
	_ =	sdelay $0x1  }
0x346: {  	[tilespmem:s22+$0x8700] =	vst v18  }
0x347: {  	v18 =	vld [tilespmem:$0xC710]  }
0x348: {  	v20 =	vsub.f32 v20, v17  }
0x349: {  	v21 =	vld [tilespmem:$0xC810]  }
0x34a: {  	v20 =	vmul.f32 v19, v20;
	_ =	sdelay $0x1  }
0x34b: {  	v18 =	vmul.f32 v20, v18  }
0x34c: {  	v20 =	vld [tilespmem:s22+$0x2720]  }
0x34d: {  	v18 =	vadd.f32 v18, v21;
	_ =	sdelay $0x1  }
0x34e: {  	[tilespmem:s22+$0x8710] =	vst v18  }
0x34f: {  	v18 =	vld [tilespmem:$0xC720]  }
0x350: {  	v20 =	vsub.f32 v20, v17  }
0x351: {  	v21 =	vld [tilespmem:$0xC820]  }
0x352: {  	v20 =	vmul.f32 v19, v20;
	_ =	sdelay $0x1  }
0x353: {  	v18 =	vmul.f32 v20, v18  }
0x354: {  	v20 =	vld [tilespmem:s22+$0x2730]  }
0x355: {  	v18 =	vadd.f32 v18, v21;
	_ =	sdelay $0x1  }
0x356: {  	[tilespmem:s22+$0x8720] =	vst v18  }
0x357: {  	v18 =	vld [tilespmem:$0xC730]  }
0x358: {  	v20 =	vsub.f32 v20, v17  }
0x359: {  	v21 =	vld [tilespmem:$0xC830]  }
0x35a: {  	v20 =	vmul.f32 v19, v20;
	_ =	sdelay $0x1  }
0x35b: {  	v18 =	vmul.f32 v20, v18;
	_ =	sdelay $0x1  }
0x35c: {  	v18 =	vadd.f32 v18, v21;
	_ =	sdelay $0x1  }
0x35d: {  	[tilespmem:s22+$0x8730] =	vst v18  }
0x35e: {  	v20 =	vld [tilespmem:$0xC740]  }
0x35f: {  	v18 =	vsub.f32 v24, v17  }
0x360: {  	v21 =	vld [tilespmem:$0xC840]  }
0x361: {  	v22 =	vmul.f32 v19, v18  }
0x362: {  	s23 =	simm.s32 $0x80  }
0x363: {  	v18 =	vld [tilespmem:s23+$0x2700];
	v20 =	vmul.f32 v22, v20  }
0x364: {  	v22 =	vld [tilespmem:s22+$0x2750]  }
0x365: {  	v23 =	vld [tilespmem:s23+$0x2710];
	v20 =	vadd.f32 v20, v21  }
0x366: {  	v24 =	vld [tilespmem:s23+$0x2720]  }
0x367: {  	v21 =	vld [tilespmem:s23+$0x2730];
	[tilespmem:s22+$0x8740] =	vst v20  }
0x368: {  	v20 =	vadd.f32 $0.0e+00, v18;
	v25 =	vld [tilespmem:$0xC750]  }
0x369: {  	v22 =	vsub.f32 v22, v17  }
0x36a: {  	v28 =	vmul.f32 v23, v23;
	v27 =	vmul.f32 v18, v18;
	v26 =	vld [tilespmem:$0xC850];
	v20 =	vadd.f32 v23, v20  }
0x36b: {  	v29 =	vld [tilespmem:s23+$0x2740];
	v22 =	vmul.f32 v19, v22  }
0x36c: {  	v27 =	vadd.f32 v28, v27;
	v20 =	vadd.f32 v24, v20;
	v24 =	vmul.f32 v24, v24  }
0x36d: {  	v61 =	vld [tilespmem:s23+$0x2750];
	v22 =	vmul.f32 v22, v25  }
0x36e: {  	v25 =	vld [tilespmem:s22+$0x2760];
	v24 =	vadd.f32 v24, v27;
	v20 =	vadd.f32 v21, v20;
	v21 =	vmul.f32 v21, v21  }
0x36f: {  	v27 =	vld [tilespmem:s23+$0x2760];
	v22 =	vadd.f32 v22, v26  }
0x370: {  	v21 =	vadd.f32 v21, v24;
	v20 =	vadd.f32 v29, v20;
	v24 =	vmul.f32 v29, v29  }
0x371: {  	v26 =	vld [tilespmem:s23+$0x2770];
	[tilespmem:s22+$0x8750] =	vst v22  }
0x372: {  	v21 =	vadd.f32 v24, v21;
	v20 =	vadd.f32 v61, v20;
	v22 =	vmul.f32 v61, v61;
	v24 =	vld [tilespmem:$0xC760]  }
0x373: {  	v25 =	vsub.f32 v25, v17;
	v62 =	vld [tilespmem:s23+$0x6700]  }
0x374: {  	v21 =	vadd.f32 v22, v21;
	v20 =	vadd.f32 v27, v20;
	v22 =	vmul.f32 v27, v27;
	v27 =	vld [tilespmem:$0xC860]  }
0x375: {  	v30 =	vld [tilespmem:s23+$0x6710];
	v25 =	vmul.f32 v25, v19  }
0x376: {  	v21 =	vadd.f32 v22, v21;
	v22 =	vmul.f32 v26, v26  }
0x377: {  	v20 =	vadd.f32 v26, v20;
	v26 =	vld [tilespmem:s23+$0x6720];
	v24 =	vmul.f32 v25, v24  }
0x378: {  	v25 =	vld [tilespmem:s22+$0x2770];
	v21 =	vadd.f32 v22, v21;
	v22 =	vmul.f32 v62, v62  }
0x379: {  	v20 =	vadd.f32 v62, v20;
	v24 =	vadd.f32 v24, v27  }
0x37a: {  	v63 =	vld [tilespmem:s23+$0x6730];
	v21 =	vadd.f32 v22, v21;
	v22 =	vmul.f32 v30, v30  }
0x37b: {  	v20 =	vadd.f32 v30, v20;
	[tilespmem:s22+$0x8760] =	vst v24  }
0x37c: {  	v21 =	vadd.f32 v22, v21;
	v22 =	vmul.f32 v26, v26;
	v24 =	vld [tilespmem:$0xC770]  }
0x37d: {  	v20 =	vadd.f32 v26, v20;
	v25 =	vsub.f32 v25, v17  }
0x37e: {  	v26 =	vld [tilespmem:$0xC870];
	v21 =	vadd.f32 v22, v21  }
0x37f: {  	v20 =	vadd.f32 v63, v20;
	v22 =	vmul.f32 v63, v63;
	v25 =	vmul.f32 v25, v19;
	_ =	sdelay $0x1  }
0x380: {  	v21 =	vadd.f32 v22, v21;
	(xrf2) =	vadd.scan.msk.f32 $0xffff, v20;
	v20 =	vmul.f32 v25, v24  }
0x381: {  	v22 =	vld [tilespmem:s22+$0x6700]  }
0x382: {  	(xrf2) =	vadd.scan.msk.f32 $0xffff, v21;
	v20 =	vadd.f32 v20, v26;
	_ =	sdelay $0x1  }
0x383: {  	[tilespmem:s22+$0x8770] =	vst v20  }
0x384: {  	v20 =	vld [tilespmem:$0xC780]  }
0x385: {  	v21 =	vsub.f32 v22, v17  }
0x386: {  	v22 =	vld [tilespmem:$0xC880]  }
0x387: {  	v21 =	vmul.f32 v21, v19;
	_ =	sdelay $0x1  }
0x388: {  	v24, _, _ =	vpop (xrf2);
	v20 =	vmul.f32 v21, v20  }
0x389: {  	v24 =	vmul.f32 $5.208333490e-03, v24;
	v21 =	vld [tilespmem:s22+$0x6710]  }
0x38a: {  	v25, _, _ =	vpop (xrf2);
	v20 =	vadd.f32 v20, v22  }
0x38b: {  	v26 =	vmul.f32 v24, v24;
	v22 =	vmul.f32 $5.208333490e-03, v25  }
0x38c: {  	[tilespmem:s22+$0xA700] =	vst v20  }
0x38d: {  	v20 =	vsub.f32 v22, v26;
	v22 =	vld [tilespmem:$0xC790]  }
0x38e: {  	v21 =	vsub.f32 v21, v17  }
0x38f: {  	v25 =	vld [tilespmem:$0xC890];
	v20 =	vadd.f32 $9.999999960e-13, v20  }
0x390: {  	v21 =	vmul.f32 v21, v19  }
0x391: {  	v20 =	vbroadcast v20, $0xF  }
0x392: {  	v21 =	vmul.f32 v21, v22  }
0x393: {  	v26 =	vld [tilespmem:s22+$0x6720];
	v22 =	vshrl.u32 v20, $0x1;
	v20 =	vmul.f32 $5.000000000e-01, v20  }
0x394: {  	v22 =	vsub.s32 $0x5F3759DF, v22;
	v21 =	vadd.f32 v21, v25  }
0x395: {  	v25 =	vmul.f32 v22, v20  }
0x396: {  	[tilespmem:s22+$0xA710] =	vst v21  }
0x397: {  	v21 =	vmul.f32 v22, v25;
	v25 =	vld [tilespmem:$0xC7A0]  }
0x398: {  	v26 =	vsub.f32 v26, v17  }
0x399: {  	v27 =	vld [tilespmem:$0xC8A0];
	v21 =	vsub.f32 $1.500000000e+00, v21  }
0x39a: {  	v26 =	vmul.f32 v26, v19  }
0x39b: {  	v21 =	vmul.f32 v22, v21  }
0x39c: {  	v22 =	vmul.f32 v26, v25;
	v26 =	vld [tilespmem:s22+$0x6730]  }
0x39d: {  	v25 =	vmul.f32 v21, v20  }
0x39e: {  	v22 =	vadd.f32 v22, v27  }
0x39f: {  	v25 =	vmul.f32 v25, v21  }
0x3a0: {  	[tilespmem:s22+$0xA720] =	vst v22  }
0x3a1: {  	v22 =	vsub.f32 $1.500000000e+00, v25;
	v25 =	vld [tilespmem:$0xC7B0];
	v26 =	vsub.f32 v26, v17  }
0x3a2: {  	v17 =	vbroadcast v24, $0xF  }
0x3a3: {  	v22 =	vmul.f32 v22, v21;
	v24 =	vmul.f32 v26, v19;
	v19 =	vld [tilespmem:$0xC8B0];
	_ =	sdelay $0x1  }
0x3a4: {  	v26 =	vmul.f32 v22, v20  }
0x3a5: {  	v24 =	vmul.f32 v24, v25  }
0x3a6: {  	s30 =	simm.s32 $0x400;
	v21 =	vsub.f32 v23, v17;
	v20 =	vsub.f32 v29, v17;
	v23 =	vmul.f32 v26, v22  }
.LBB2_10:
0x3a7: {  	p0 =	sne.s32 s30, $0x7E00;
	v19 =	vadd.f32 v24, v19;
	s5 =	smov.u32 s30;
	s30 =	sadd.s32 $0x200, s30  }
0x3a8: {  	v23 =	vsub.f32 $1.500000000e+00, v23  }
0x3a9: {  	v18 =	vsub.f32 v18, v17;
	[tilespmem:s22+$0xA730] =	vst v19;
	s22 =	smov.u32 s23  }
0x3aa: {  	v19 =	vmul.f32 v23, v22;
	v22 =	vld [tilespmem:$0xC700];
	_ =	sdelay $0x1  }
0x3ab: {  	v18 =	vmul.f32 v19, v18;
	v23 =	vld [tilespmem:$0xC800];
	_ =	sdelay $0x2  }
0x3ac: {  	v18 =	vmul.f32 v18, v22;
	_ =	sdelay $0x1  }
0x3ad: {  	v18 =	vadd.f32 v18, v23;
	_ =	sdelay $0x1  }
0x3ae: {  	[tilespmem:s22+$0x8700] =	vst v18  }
0x3af: {  	v18 =	vld [tilespmem:$0xC710];
	_ =	sdelay $0x1  }
0x3b0: {  	v22 =	vld [tilespmem:$0xC810]  }
0x3b1: {  	v21 =	vmul.f32 v19, v21;
	_ =	sdelay $0x1  }
0x3b2: {  	v18 =	vmul.f32 v21, v18  }
0x3b3: {  	v21 =	vld [tilespmem:s22+$0x2720]  }
0x3b4: {  	v18 =	vadd.f32 v18, v22;
	_ =	sdelay $0x1  }
0x3b5: {  	[tilespmem:s22+$0x8710] =	vst v18  }
0x3b6: {  	v18 =	vld [tilespmem:$0xC720]  }
0x3b7: {  	v21 =	vsub.f32 v21, v17  }
0x3b8: {  	v22 =	vld [tilespmem:$0xC820]  }
0x3b9: {  	v21 =	vmul.f32 v19, v21;
	_ =	sdelay $0x1  }
0x3ba: {  	v18 =	vmul.f32 v21, v18  }
0x3bb: {  	v21 =	vld [tilespmem:s22+$0x2730]  }
0x3bc: {  	v18 =	vadd.f32 v18, v22;
	_ =	sdelay $0x1  }
0x3bd: {  	[tilespmem:s22+$0x8720] =	vst v18  }
0x3be: {  	v18 =	vld [tilespmem:$0xC730]  }
0x3bf: {  	v21 =	vsub.f32 v21, v17  }
0x3c0: {  	v22 =	vld [tilespmem:$0xC830]  }
0x3c1: {  	v21 =	vmul.f32 v19, v21;
	_ =	sdelay $0x1  }
0x3c2: {  	v18 =	vmul.f32 v21, v18;
	_ =	sdelay $0x1  }
0x3c3: {  	v18 =	vadd.f32 v18, v22;
	_ =	sdelay $0x1  }
0x3c4: {  	[tilespmem:s22+$0x8730] =	vst v18  }
0x3c5: {  	v21 =	vld [tilespmem:$0xC740];
	_ =	sdelay $0x1  }
0x3c6: {  	v22 =	vld [tilespmem:$0xC840]  }
0x3c7: {  	v20 =	vmul.f32 v19, v20  }
0x3c8: {  	s23 =	sshra.s32 s5, $0x2  }
0x3c9: {  	v18 =	vld [tilespmem:s23+$0x2700];
	v21 =	vmul.f32 v20, v21  }
0x3ca: {  	v23 =	vld [tilespmem:s22+$0x2750]  }
0x3cb: {  	v20 =	vld [tilespmem:s23+$0x2710];
	v21 =	vadd.f32 v21, v22  }
0x3cc: {  	v22 =	vld [tilespmem:s23+$0x2730]  }
0x3cd: {  	v24 =	vld [tilespmem:s23+$0x2720];
	[tilespmem:s22+$0x8740] =	vst v21  }
0x3ce: {  	v21 =	vadd.f32 $0.0e+00, v18;
	v25 =	vld [tilespmem:$0xC750]  }
0x3cf: {  	v23 =	vsub.f32 v23, v17;
	v26 =	vld [tilespmem:$0xC850]  }
0x3d0: {  	v27 =	vmul.f32 v18, v18;
	v21 =	vadd.f32 v20, v21;
	v28 =	vmul.f32 v20, v20  }
0x3d1: {  	v29 =	vld [tilespmem:s23+$0x2740];
	v23 =	vmul.f32 v19, v23  }
0x3d2: {  	v27 =	vadd.f32 v28, v27;
	v21 =	vadd.f32 v24, v21;
	v24 =	vmul.f32 v24, v24;
	v28 =	vld [tilespmem:s22+$0x2760]  }
0x3d3: {  	v30 =	vld [tilespmem:s23+$0x2750];
	v23 =	vmul.f32 v23, v25  }
0x3d4: {  	v24 =	vadd.f32 v24, v27;
	v21 =	vadd.f32 v22, v21;
	v22 =	vmul.f32 v22, v22  }
0x3d5: {  	v25 =	vld [tilespmem:s23+$0x2760];
	v23 =	vadd.f32 v23, v26  }
0x3d6: {  	v22 =	vadd.f32 v22, v24;
	v21 =	vadd.f32 v29, v21;
	v24 =	vmul.f32 v29, v29  }
0x3d7: {  	v26 =	vld [tilespmem:s23+$0x2770];
	[tilespmem:s22+$0x8750] =	vst v23;
	v23 =	vsub.f32 v28, v17  }
0x3d8: {  	v22 =	vadd.f32 v24, v22;
	v21 =	vadd.f32 v30, v21;
	v24 =	vmul.f32 v30, v30;
	v27 =	vld [tilespmem:$0xC760]  }
0x3d9: {  	v28 =	vld [tilespmem:s23+$0x6700];
	v23 =	vmul.f32 v23, v19  }
0x3da: {  	v22 =	vadd.f32 v24, v22;
	v21 =	vadd.f32 v25, v21;
	v24 =	vmul.f32 v25, v25;
	v25 =	vld [tilespmem:$0xC860]  }
0x3db: {  	v30 =	vld [tilespmem:s23+$0x6710]  }
0x3dc: {  	v22 =	vadd.f32 v24, v22;
	v21 =	vadd.f32 v26, v21;
	v24 =	vmul.f32 v26, v26;
	v26 =	vld [tilespmem:s22+$0x2770]  }
0x3dd: {  	v31 =	vld [tilespmem:s23+$0x6720];
	v23 =	vmul.f32 v23, v27  }
0x3de: {  	v22 =	vadd.f32 v24, v22;
	v21 =	vadd.f32 v28, v21;
	v24 =	vmul.f32 v28, v28  }
0x3df: {  	v27 =	vld [tilespmem:s23+$0x6730];
	v23 =	vadd.f32 v23, v25  }
0x3e0: {  	v22 =	vadd.f32 v24, v22;
	v21 =	vadd.f32 v30, v21;
	v24 =	vmul.f32 v30, v30  }
0x3e1: {  	[tilespmem:s22+$0x8760] =	vst v23;
	v23 =	vsub.f32 v26, v17  }
0x3e2: {  	v22 =	vadd.f32 v24, v22;
	v21 =	vadd.f32 v31, v21;
	v24 =	vmul.f32 v31, v31;
	v25 =	vld [tilespmem:$0xC770]  }
0x3e3: {  	v23 =	vmul.f32 v23, v19;
	v26 =	vld [tilespmem:$0xC870]  }
0x3e4: {  	v22 =	vadd.f32 v24, v22;
	v21 =	vadd.f32 v27, v21;
	v24 =	vmul.f32 v27, v27;
	_ =	sdelay $0x1  }
0x3e5: {  	v22 =	vadd.f32 v24, v22;
	(xrf2) =	vadd.scan.msk.f32 $0xffff, v21;
	v21 =	vld [tilespmem:s22+$0x6700]  }
0x3e6: {  	v23 =	vmul.f32 v23, v25;
	_ =	sdelay $0x1  }
0x3e7: {  	(xrf2) =	vadd.scan.msk.f32 $0xffff, v22;
	v22 =	vadd.f32 v23, v26;
	_ =	sdelay $0x1  }
0x3e8: {  	[tilespmem:s22+$0x8770] =	vst v22;
	v21 =	vsub.f32 v21, v17  }
0x3e9: {  	v22 =	vld [tilespmem:$0xC780]  }
0x3ea: {  	v21 =	vmul.f32 v21, v19;
	v23 =	vld [tilespmem:$0xC880];
	_ =	sdelay $0x1  }
0x3eb: {  	v24 =	vld [tilespmem:s22+$0x6710]  }
0x3ec: {  	v25, _, _ =	vpop (xrf2)  }
0x3ed: {  	v25 =	vmul.f32 $5.208333490e-03, v25;
	v21 =	vmul.f32 v21, v22;
	_ =	sdelay $0x1  }
0x3ee: {  	v22 =	vbroadcast v25, $0xF;
	v25 =	vmul.f32 v25, v25;
	v26, _, _ =	vpop (xrf2);
	v23 =	vadd.f32 v21, v23  }
0x3ef: {  	v26 =	vmul.f32 $5.208333490e-03, v26;
	v24 =	vsub.f32 v24, v17  }
0x3f0: {  	v21 =	vsub.f32 v20, v22;
	v20 =	vsub.f32 v29, v22;
	[tilespmem:s22+$0xA700] =	vst v23  }
0x3f1: {  	v23 =	vsub.f32 v26, v25;
	v25 =	vld [tilespmem:$0xC790]  }
0x3f2: {  	v24 =	vmul.f32 v24, v19;
	v26 =	vld [tilespmem:$0xC890]  }
0x3f3: {  	v23 =	vadd.f32 $9.999999960e-13, v23;
	_ =	sdelay $0x1  }
0x3f4: {  	v23 =	vbroadcast v23, $0xF;
	v27 =	vld [tilespmem:s22+$0x6720]  }
0x3f5: {  	v24 =	vmul.f32 v24, v25  }
0x3f6: {  	v25 =	vshrl.u32 v23, $0x1;
	v23 =	vmul.f32 $5.000000000e-01, v23  }
0x3f7: {  	v25 =	vsub.s32 $0x5F3759DF, v25;
	v24 =	vadd.f32 v24, v26  }
0x3f8: {  	v26 =	vmul.f32 v25, v23  }
0x3f9: {  	[tilespmem:s22+$0xA710] =	vst v24;
	v24 =	vsub.f32 v27, v17  }
0x3fa: {  	v26 =	vmul.f32 v25, v26;
	v27 =	vld [tilespmem:$0xC7A0]  }
0x3fb: {  	v24 =	vmul.f32 v24, v19;
	v28 =	vld [tilespmem:$0xC8A0]  }
0x3fc: {  	v26 =	vsub.f32 $1.500000000e+00, v26;
	_ =	sdelay $0x1  }
0x3fd: {  	v25 =	vmul.f32 v25, v26;
	v26 =	vld [tilespmem:s22+$0x6730]  }
0x3fe: {  	v24 =	vmul.f32 v24, v27  }
0x3ff: {  	v27 =	vmul.f32 v25, v23  }
0x400: {  	v24 =	vadd.f32 v24, v28  }
0x401: {  	v27 =	vmul.f32 v27, v25  }
0x402: {  	[tilespmem:s22+$0xA720] =	vst v24;
	v24 =	vsub.f32 v26, v17;
	v17 =	vmov v22  }
0x403: {  	v22 =	vsub.f32 $1.500000000e+00, v27;
	v26 =	vld [tilespmem:$0xC7B0]  }
0x404: {  	v24 =	vmul.f32 v24, v19;
	v19 =	vld [tilespmem:$0xC8B0]  }
.Ltmp4:
0x405: {  	v22 =	vmul.f32 v22, v25;
	(pc) =	sbr.rel @p0 .LBB2_10-.Ltmp4, $4  }
0x406: {  	_ = 	snop  }
0x407: {  	v23 =	vmul.f32 v22, v23  }
0x408: {  	v24 =	vmul.f32 v24, v26  }
0x409: {  	v23 =	vmul.f32 v23, v22  }
0x40a: {  	v19 =	vadd.f32 v24, v19;
	_ =	sdelay $0x1  }
0x40b: {  	v23 =	vsub.f32 $1.500000000e+00, v23;
	[tilespmem:s22+$0xA730] =	vst v19  }
0x40c: {  	v19 =	vld [tilespmem:$0xC700]  }
0x40d: {  	v18 =	vsub.f32 v18, v17;
	v22 =	vmul.f32 v23, v22  }
0x40e: {  	v33 =	vld [tilespmem:$0xC800]  }
0x40f: {  	v18 =	vmul.f32 v22, v18;
	_ =	sdelay $0x1  }
0x410: {  	v18 =	vmul.f32 v18, v19;
	_ =	sdelay $0x1  }
0x411: {  	v18 =	vadd.f32 v18, v33;
	_ =	sdelay $0x1  }
0x412: {  	[tilespmem:s23+$0x8700] =	vst v18  }
0x413: {  	v18 =	vld [tilespmem:$0xC710];
	_ =	sdelay $0x1  }
0x414: {  	v19 =	vld [tilespmem:$0xC810]  }
0x415: {  	v21 =	vmul.f32 v22, v21;
	_ =	sdelay $0x1  }
0x416: {  	v18 =	vmul.f32 v21, v18  }
0x417: {  	v34 =	vld [tilespmem:s23+$0x2720]  }
0x418: {  	v18 =	vadd.f32 v18, v19;
	_ =	sdelay $0x1  }
0x419: {  	[tilespmem:s23+$0x8710] =	vst v18  }
0x41a: {  	v18 =	vld [tilespmem:$0xC720]  }
0x41b: {  	v19 =	vsub.f32 v34, v17  }
0x41c: {  	v35 =	vld [tilespmem:$0xC820]  }
0x41d: {  	v19 =	vmul.f32 v22, v19;
	_ =	sdelay $0x1  }
0x41e: {  	v18 =	vmul.f32 v19, v18  }
0x41f: {  	v19 =	vld [tilespmem:s23+$0x2730]  }
0x420: {  	v18 =	vadd.f32 v18, v35;
	_ =	sdelay $0x1  }
0x421: {  	[tilespmem:s23+$0x8720] =	vst v18  }
0x422: {  	v18 =	vld [tilespmem:$0xC730]  }
0x423: {  	v19 =	vsub.f32 v19, v17  }
0x424: {  	v36 =	vld [tilespmem:$0xC830]  }
0x425: {  	v19 =	vmul.f32 v22, v19;
	_ =	sdelay $0x1  }
0x426: {  	v18 =	vmul.f32 v19, v18;
	_ =	sdelay $0x1  }
0x427: {  	v18 =	vadd.f32 v18, v36;
	_ =	sdelay $0x1  }
0x428: {  	[tilespmem:s23+$0x8730] =	vst v18  }
0x429: {  	v18 =	vld [tilespmem:$0xC740];
	_ =	sdelay $0x1  }
0x42a: {  	v19 =	vld [tilespmem:$0xC840]  }
0x42b: {  	v20 =	vmul.f32 v22, v20;
	_ =	sdelay $0x1  }
0x42c: {  	v18 =	vmul.f32 v20, v18  }
0x42d: {  	v37 =	vld [tilespmem:s23+$0x2750]  }
0x42e: {  	v18 =	vadd.f32 v18, v19;
	_ =	sdelay $0x1  }
0x42f: {  	[tilespmem:s23+$0x8740] =	vst v18  }
0x430: {  	v18 =	vld [tilespmem:$0xC750]  }
0x431: {  	v19 =	vsub.f32 v37, v17  }
0x432: {  	v38 =	vld [tilespmem:$0xC850]  }
0x433: {  	v19 =	vmul.f32 v22, v19;
	_ =	sdelay $0x1  }
0x434: {  	v18 =	vmul.f32 v19, v18  }
0x435: {  	v19 =	vld [tilespmem:s23+$0x2760]  }
0x436: {  	v18 =	vadd.f32 v18, v38;
	_ =	sdelay $0x1  }
0x437: {  	[tilespmem:s23+$0x8750] =	vst v18  }
0x438: {  	v18 =	vld [tilespmem:$0xC760]  }
0x439: {  	v19 =	vsub.f32 v19, v17  }
0x43a: {  	v39 =	vld [tilespmem:$0xC860]  }
0x43b: {  	v19 =	vmul.f32 v19, v22;
	_ =	sdelay $0x1  }
0x43c: {  	v18 =	vmul.f32 v19, v18  }
0x43d: {  	v19 =	vld [tilespmem:s23+$0x2770]  }
0x43e: {  	v18 =	vadd.f32 v18, v39;
	_ =	sdelay $0x1  }
0x43f: {  	[tilespmem:s23+$0x8760] =	vst v18  }
0x440: {  	v18 =	vld [tilespmem:$0xC770]  }
0x441: {  	v19 =	vsub.f32 v19, v17  }
0x442: {  	v40 =	vld [tilespmem:$0xC870]  }
0x443: {  	v19 =	vmul.f32 v19, v22;
	_ =	sdelay $0x1  }
0x444: {  	v18 =	vmul.f32 v19, v18  }
0x445: {  	v19 =	vld [tilespmem:s23+$0x6700]  }
0x446: {  	v18 =	vadd.f32 v18, v40;
	_ =	sdelay $0x1  }
0x447: {  	[tilespmem:s23+$0x8770] =	vst v18  }
0x448: {  	v18 =	vld [tilespmem:$0xC780]  }
0x449: {  	v19 =	vsub.f32 v19, v17  }
0x44a: {  	v41 =	vld [tilespmem:$0xC880]  }
0x44b: {  	v19 =	vmul.f32 v19, v22;
	_ =	sdelay $0x1  }
0x44c: {  	v18 =	vmul.f32 v19, v18  }
0x44d: {  	v19 =	vld [tilespmem:s23+$0x6710]  }
0x44e: {  	v18 =	vadd.f32 v18, v41;
	_ =	sdelay $0x1  }
0x44f: {  	[tilespmem:s23+$0xA700] =	vst v18  }
0x450: {  	v18 =	vld [tilespmem:$0xC790]  }
0x451: {  	v19 =	vsub.f32 v19, v17  }
0x452: {  	v42 =	vld [tilespmem:$0xC890]  }
0x453: {  	v19 =	vmul.f32 v19, v22;
	_ =	sdelay $0x1  }
0x454: {  	v18 =	vmul.f32 v19, v18  }
0x455: {  	v19 =	vld [tilespmem:s23+$0x6720]  }
0x456: {  	v18 =	vadd.f32 v18, v42;
	_ =	sdelay $0x1  }
0x457: {  	[tilespmem:s23+$0xA710] =	vst v18  }
0x458: {  	v18 =	vld [tilespmem:$0xC7A0]  }
0x459: {  	v19 =	vsub.f32 v19, v17  }
0x45a: {  	v43 =	vld [tilespmem:$0xC8A0]  }
0x45b: {  	v19 =	vmul.f32 v19, v22;
	_ =	sdelay $0x1  }
0x45c: {  	v18 =	vmul.f32 v19, v18  }
0x45d: {  	v19 =	vld [tilespmem:s23+$0x6730]  }
0x45e: {  	v18 =	vadd.f32 v18, v43;
	_ =	sdelay $0x1  }
0x45f: {  	[tilespmem:s23+$0xA720] =	vst v18  }
0x460: {  	v18 =	vld [tilespmem:$0xC7B0]  }
0x461: {  	v17 =	vsub.f32 v19, v17  }
0x462: {  	v19 =	vld [tilespmem:$0xC8B0]  }
0x463: {  	v17 =	vmul.f32 v17, v22;
	_ =	sdelay $0x1  }
0x464: {  	v17 =	vmul.f32 v17, v18;
	_ =	sdelay $0x1  }
0x465: {  	v17 =	vadd.f32 v17, v19;
	_ =	sdelay $0x1  }
0x466: {  	s5 =	simm.s32 $0x0;
	s30 =	rddreg [dreg:$0xd];
	[tilespmem:s23+$0xA730] =	vst v17  }
0x467: {  	[hbm4b:s30+s5] =	stream.linear.scatter [tilespmem:s18], [sflag:$0x3], $0x2000, $0x38;
	[tilespmem:$0xC900] =	vst v63  }
0x468: {  	_ =	swait.ge [sflag:s25], $0x2000  }
0x469: {  	[sflag:s25] =	ssyncset.done $0x0  }
0x46a: {  	s23 =	rddreg [dreg:$0xe];
	[sflag:s25] =	ssyncadd.s32 $0xFFFFE000  }
0x46b: {  	[hbm4b:s23+s5] =	stream.linear.scatter [tilespmem:s19], [sflag:$0x3], $0x2000, $0x38;
	[tilespmem:$0xC900] =	vst v63  }
0x46c: {  	_ =	swait.ge [sflag:s25], $0x2000  }
0x46d: {  	[sflag:s25] =	ssyncset.done $0x0  }
0x46e: {  	s30 =	rddreg [dreg:$0xf];
	[sflag:s25] =	ssyncadd.s32 $0xFFFFE000  }
0x46f: {  	[tilespmem:s7], [sflag:$0x3] =	stream.linear.gather [hbm4b:s30+s5], $0x100, $0x38;
	[tilespmem:$0xC900] =	vst v63  }
0x470: {  	_ =	swait.ge [sflag:s25], $0x100  }
0x471: {  	[sflag:s25] =	ssyncset.done $0x0  }
0x472: {  	s30 =	simm.s32 $0x280;
	s23 =	rddreg [dreg:$0x10];
	[sflag:s25] =	ssyncadd.s32 $0xFFFFFF00  }
0x473: {  	[tilespmem:s30], [sflag:$0x3] =	stream.linear.gather [hbm4b:s23+s5], $0x40, $0x38;
	[tilespmem:$0xC900] =	vst v63  }
0x474: {  	_ =	swait.ge [sflag:s25], $0x40  }
0x475: {  	[sflag:s25] =	ssyncset.done $0x0  }
0x476: {  	[sflag:s25] =	ssyncadd.s32 $0xFFFFFFC0  }
0x477: {  	v17 =	vld.idx.msk [tilespmem:v0+s7+$0x0], $0xffff  }
0x478: {  	v18 =	vld.idx.msk [tilespmem:v1+s7+$0x0], $0xffff  }
0x479: {  	v19 =	vld.idx.msk [tilespmem:v2+s7+$0x0], $0xffff  }
0x47a: {  	v44 =	vld.idx.msk [tilespmem:v3+s7+$0x0], $0xffff;
	_ =	sdelay $0x2  }
0x47b: {  	v45 =	vld [tilespmem:$0x280];
	[tilespmem:$0x500] =	vst v17;
	v46 =	vadd.s32 $0x400, v18  }
0x47c: {  	v47 =	vadd.s32 $0x800, v19;
	[tilespmem:$0x540] =	vst v46  }
0x47d: {  	v48 =	vadd.s32 $0xC00, v44;
	v18 =	vsub.s32 v44, v18;
	[tilespmem:$0x580] =	vst v47  }
0x47e: {  	v17 =	vsub.s32 v19, v17;
	[tilespmem:$0x5C0] =	vst v48;
	v18 =	vadd.s32 $0x1000, v18  }
0x47f: {  	v17 =	vadd.s32 $0x1400, v17;
	[tilespmem:$0x600] =	vst v18  }
0x480: {  	[tilespmem:$0x640] =	vst v17;
	v17 =	vadd.s32 $0x1800, v45  }
0x481: {  	[tilespmem:$0x680] =	vst v17  }
0x482: {  	v17 =	vld.idx.msk [tilespmem:v4+s7+$0x0], $0xffff  }
0x483: {  	v18 =	vld.idx.msk [tilespmem:v5+s7+$0x0], $0xffff  }
0x484: {  	v19 =	vld.idx.msk [tilespmem:v6+s7+$0x0], $0xffff  }
0x485: {  	v49 =	vld.idx.msk [tilespmem:v7+s7+$0x0], $0xffff;
	_ =	sdelay $0x2  }
0x486: {  	v50 =	vld [tilespmem:$0x290];
	[tilespmem:$0x510] =	vst v17;
	v51 =	vadd.s32 $0x400, v18  }
0x487: {  	v52 =	vadd.s32 $0x800, v19;
	[tilespmem:$0x550] =	vst v51  }
0x488: {  	v53 =	vadd.s32 $0xC00, v49;
	v18 =	vsub.s32 v49, v18;
	[tilespmem:$0x590] =	vst v52  }
0x489: {  	v17 =	vsub.s32 v19, v17;
	[tilespmem:$0x5D0] =	vst v53;
	v18 =	vadd.s32 $0x1000, v18  }
0x48a: {  	v17 =	vadd.s32 $0x1400, v17;
	[tilespmem:$0x610] =	vst v18  }
0x48b: {  	[tilespmem:$0x650] =	vst v17;
	v17 =	vadd.s32 $0x1800, v50  }
0x48c: {  	[tilespmem:$0x690] =	vst v17  }
0x48d: {  	v17 =	vld.idx.msk [tilespmem:v8+s7+$0x0], $0xffff  }
0x48e: {  	v18 =	vld.idx.msk [tilespmem:v9+s7+$0x0], $0xffff  }
0x48f: {  	v19 =	vld.idx.msk [tilespmem:v10+s7+$0x0], $0xffff  }
0x490: {  	v54 =	vld.idx.msk [tilespmem:v11+s7+$0x0], $0xffff;
	_ =	sdelay $0x2  }
0x491: {  	v55 =	vld [tilespmem:$0x2A0];
	[tilespmem:$0x520] =	vst v17;
	v56 =	vadd.s32 $0x400, v18  }
0x492: {  	v57 =	vadd.s32 $0x800, v19;
	[tilespmem:$0x560] =	vst v56  }
0x493: {  	v58 =	vadd.s32 $0xC00, v54;
	v18 =	vsub.s32 v54, v18;
	[tilespmem:$0x5A0] =	vst v57  }
0x494: {  	v17 =	vsub.s32 v19, v17;
	[tilespmem:$0x5E0] =	vst v58;
	v18 =	vadd.s32 $0x1000, v18  }
0x495: {  	v17 =	vadd.s32 $0x1400, v17;
	[tilespmem:$0x620] =	vst v18  }
0x496: {  	[tilespmem:$0x660] =	vst v17;
	v17 =	vadd.s32 $0x1800, v55  }
0x497: {  	[tilespmem:$0x6A0] =	vst v17  }
0x498: {  	v17 =	vld.idx.msk [tilespmem:v12+s7+$0x0], $0xffff  }
0x499: {  	v18 =	vld.idx.msk [tilespmem:v13+s7+$0x0], $0xffff  }
0x49a: {  	v19 =	vld.idx.msk [tilespmem:v14+s7+$0x0], $0xffff  }
0x49b: {  	v59 =	vld.idx.msk [tilespmem:v15+s7+$0x0], $0xffff;
	_ =	sdelay $0x2  }
0x49c: {  	v60 =	vld [tilespmem:$0x2B0];
	[tilespmem:$0x530] =	vst v17;
	v61 =	vadd.s32 $0x400, v18  }
0x49d: {  	v62 =	vadd.s32 $0x800, v19;
	[tilespmem:$0x570] =	vst v61  }
0x49e: {  	v63 =	vadd.s32 $0xC00, v59;
	v18 =	vsub.s32 v59, v18;
	[tilespmem:$0x5B0] =	vst v62  }
0x49f: {  	v17 =	vsub.s32 v19, v17;
	[tilespmem:$0x5F0] =	vst v63;
	v18 =	vadd.s32 $0x1000, v18  }
0x4a0: {  	v17 =	vadd.s32 $0x1400, v17;
	[tilespmem:$0x630] =	vst v18  }
0x4a1: {  	[tilespmem:$0x670] =	vst v17;
	v17 =	vadd.s32 $0x1800, v60  }
0x4a2: {  	s22 =	simm.s32 $0x200;
	s5 =	simm.s32 $0x0;
	[tilespmem:$0x6B0] =	vst v17  }
.LBB2_12:
0x4a3: {  	p0 =	sne.s32 s22, $0x7E00;
	[tilespmem:s5+$0x6730] =	vst v16  }
0x4a4: {  	[tilespmem:s5+$0x2700] =	vst v16  }
0x4a5: {  	[tilespmem:s5+$0x2710] =	vst v16  }
0x4a6: {  	[tilespmem:s5+$0x2720] =	vst v16  }
0x4a7: {  	[tilespmem:s5+$0x2730] =	vst v16  }
0x4a8: {  	[tilespmem:s5+$0x2740] =	vst v16  }
0x4a9: {  	[tilespmem:s5+$0x2750] =	vst v16  }
.Ltmp5:
0x4aa: {  	[tilespmem:s5+$0x2760] =	vst v16;
	(pc) =	sbr.rel @p0 .LBB2_12-.Ltmp5, $4  }
0x4ab: {  	[tilespmem:s5+$0x2770] =	vst v16  }
0x4ac: {  	[tilespmem:s5+$0x6700] =	vst v16  }
0x4ad: {  	[tilespmem:s5+$0x6710] =	vst v16  }
0x4ae: {  	[tilespmem:s5+$0x6720] =	vst v16;
	s5 =	sshra.s32 s22, $0x2;
	s22 =	sadd.s32 $0x200, s22  }
0x4af: {  	[tilespmem:s5+$0x6730] =	vst v16  }
0x4b0: {  	[tilespmem:s5+$0x2700] =	vst v16  }
0x4b1: {  	[tilespmem:s5+$0x2710] =	vst v16  }
0x4b2: {  	[tilespmem:s5+$0x2720] =	vst v16  }
0x4b3: {  	[tilespmem:s5+$0x2730] =	vst v16  }
0x4b4: {  	[tilespmem:s5+$0x2740] =	vst v16  }
0x4b5: {  	[tilespmem:s5+$0x2750] =	vst v16  }
0x4b6: {  	[tilespmem:s5+$0x2760] =	vst v16  }
0x4b7: {  	[tilespmem:s5+$0x2770] =	vst v16  }
0x4b8: {  	[tilespmem:s5+$0x6700] =	vst v16  }
0x4b9: {  	[tilespmem:s5+$0x6710] =	vst v16  }
0x4ba: {  	[tilespmem:s5+$0x6720] =	vst v16  }
0x4bb: {  	[tilespmem:s9], [sflag:$0x2] =	stream.indirect.gather.add.f32 [hbm:s1], $0x80, s8, s29, $0xb8;
	[tilespmem:$0xC900] =	vst v63  }
0x4bc: {  	_ = 	snop  }
0x4bd: {  	[tilespmem:s10], [sflag:$0x2] =	stream.indirect.gather.add.f32 [hbm:s6], $0x80, s8, s29, $0xb8;
	[tilespmem:$0xC900] =	vst v63  }
0x4be: {  	_ = 	snop  }
0x4bf: {  	[tilespmem:s9], [sflag:$0x2] =	stream.indirect.gather.add.f32 [hbm:s1], $0x80, s11, s29, $0xb8;
	[tilespmem:$0xC900] =	vst v63  }
0x4c0: {  	_ = 	snop  }
0x4c1: {  	[tilespmem:s10], [sflag:$0x2] =	stream.indirect.gather.add.f32 [hbm:s6], $0x80, s11, s29, $0xb8;
	[tilespmem:$0xC900] =	vst v63  }
0x4c2: {  	_ = 	snop  }
0x4c3: {  	[tilespmem:s9], [sflag:$0x2] =	stream.indirect.gather.add.f32 [hbm:s1], $0x80, s12, s29, $0xb8;
	[tilespmem:$0xC900] =	vst v63  }
0x4c4: {  	_ = 	snop  }
0x4c5: {  	[tilespmem:s10], [sflag:$0x2] =	stream.indirect.gather.add.f32 [hbm:s6], $0x80, s12, s29, $0xb8;
	[tilespmem:$0xC900] =	vst v63  }
0x4c6: {  	_ = 	snop  }
0x4c7: {  	[tilespmem:s9], [sflag:$0x2] =	stream.indirect.gather.add.f32 [hbm:s1], $0x80, s13, s29, $0xb8;
	[tilespmem:$0xC900] =	vst v63  }
0x4c8: {  	_ = 	snop  }
0x4c9: {  	[tilespmem:s10], [sflag:$0x2] =	stream.indirect.gather.add.f32 [hbm:s6], $0x80, s13, s29, $0xb8;
	[tilespmem:$0xC900] =	vst v63  }
0x4ca: {  	_ = 	snop  }
0x4cb: {  	[tilespmem:s9], [sflag:$0x2] =	stream.indirect.gather.add.f32 [hbm:s1], $0x80, s14, s29, $0xb8;
	[tilespmem:$0xC900] =	vst v63  }
0x4cc: {  	_ = 	snop  }
0x4cd: {  	[tilespmem:s10], [sflag:$0x2] =	stream.indirect.gather.add.f32 [hbm:s6], $0x80, s14, s29, $0xb8;
	[tilespmem:$0xC900] =	vst v63  }
0x4ce: {  	_ = 	snop  }
0x4cf: {  	[tilespmem:s9], [sflag:$0x2] =	stream.indirect.gather.add.f32 [hbm:s1], $0x80, s15, s29, $0xb8;
	[tilespmem:$0xC900] =	vst v63  }
0x4d0: {  	_ = 	snop  }
0x4d1: {  	[tilespmem:s10], [sflag:$0x2] =	stream.indirect.gather.add.f32 [hbm:s6], $0x80, s15, s29, $0xb8;
	[tilespmem:$0xC900] =	vst v63  }
0x4d2: {  	_ = 	snop  }
0x4d3: {  	[tilespmem:s9], [sflag:$0x2] =	stream.indirect.gather.add.f32 [hbm:s1], $0x80, s16, s29, $0xb8;
	[tilespmem:$0xC900] =	vst v63  }
0x4d4: {  	_ = 	snop  }
0x4d5: {  	[tilespmem:s10], [sflag:$0x2] =	stream.indirect.gather.add.f32 [hbm:s6], $0x80, s16, s29, $0xb8;
	[tilespmem:$0xC900] =	vst v63  }
0x4d6: {  	_ =	swait.ge [sflag:s17], $0x2000  }
0x4d7: {  	[sflag:s17] =	ssyncset.done $0x0  }
0x4d8: {  	[sflag:s17] =	ssyncadd.s32 $0xFFFFE000  }
0x4d9: {  	_ =	swait.ge [sflag:s17], $0x2000  }
0x4da: {  	[sflag:s17] =	ssyncset.done $0x0  }
0x4db: {  	[sflag:s17] =	ssyncadd.s32 $0xFFFFE000  }
0x4dc: {  	_ =	swait.ge [sflag:s17], $0x2000  }
0x4dd: {  	[sflag:s17] =	ssyncset.done $0x0  }
0x4de: {  	[sflag:s17] =	ssyncadd.s32 $0xFFFFE000  }
0x4df: {  	_ =	swait.ge [sflag:s17], $0x2000  }
0x4e0: {  	[sflag:s17] =	ssyncset.done $0x0  }
0x4e1: {  	[sflag:s17] =	ssyncadd.s32 $0xFFFFE000  }
0x4e2: {  	_ =	swait.ge [sflag:s17], $0x2000  }
0x4e3: {  	[sflag:s17] =	ssyncset.done $0x0  }
0x4e4: {  	[sflag:s17] =	ssyncadd.s32 $0xFFFFE000  }
0x4e5: {  	_ =	swait.ge [sflag:s17], $0x2000  }
0x4e6: {  	[sflag:s17] =	ssyncset.done $0x0  }
0x4e7: {  	[sflag:s17] =	ssyncadd.s32 $0xFFFFE000  }
0x4e8: {  	_ =	swait.ge [sflag:s17], $0x2000  }
0x4e9: {  	[sflag:s17] =	ssyncset.done $0x0  }
0x4ea: {  	[sflag:s17] =	ssyncadd.s32 $0xFFFFE000  }
0x4eb: {  	_ =	swait.ge [sflag:s17], $0x2000  }
0x4ec: {  	[sflag:s17] =	ssyncset.done $0x0  }
0x4ed: {  	[sflag:s17] =	ssyncadd.s32 $0xFFFFE000  }
0x4ee: {  	_ =	swait.ge [sflag:s17], $0x2000  }
0x4ef: {  	[sflag:s17] =	ssyncset.done $0x0  }
0x4f0: {  	[sflag:s17] =	ssyncadd.s32 $0xFFFFE000  }
0x4f1: {  	_ =	swait.ge [sflag:s17], $0x2000  }
0x4f2: {  	[sflag:s17] =	ssyncset.done $0x0  }
0x4f3: {  	[sflag:s17] =	ssyncadd.s32 $0xFFFFE000  }
0x4f4: {  	_ =	swait.ge [sflag:s17], $0x2000  }
0x4f5: {  	[sflag:s17] =	ssyncset.done $0x0  }
0x4f6: {  	[sflag:s17] =	ssyncadd.s32 $0xFFFFE000  }
0x4f7: {  	_ =	swait.ge [sflag:s17], $0x2000  }
0x4f8: {  	[sflag:s17] =	ssyncset.done $0x0  }
0x4f9: {  	[sflag:s17] =	ssyncadd.s32 $0xFFFFE000  }
0x4fa: {  	_ =	swait.ge [sflag:s17], $0x2000  }
0x4fb: {  	[sflag:s17] =	ssyncset.done $0x0  }
0x4fc: {  	[sflag:s17] =	ssyncadd.s32 $0xFFFFE000  }
0x4fd: {  	_ =	swait.ge [sflag:s17], $0x2000  }
0x4fe: {  	[sflag:s17] =	ssyncset.done $0x0  }
0x4ff: {  	s22 =	simm.s32 $0x0;
	[sflag:s17] =	ssyncadd.s32 $0xFFFFE000  }
0x500: {  	v18 =	vld [tilespmem:s22+$0x700];
	_ =	sdelay $0x1  }
0x501: {  	v20 =	vld [tilespmem:s22+$0x710];
	_ =	sdelay $0x1  }
0x502: {  	v17 =	vld [tilespmem:s22+$0x720]  }
0x503: {  	v19 =	vadd.f32 $0.0e+00, v18  }
0x504: {  	v21 =	vld [tilespmem:s22+$0x730]  }
0x505: {  	v22 =	vmul.f32 v18, v18;
	v23 =	vmul.f32 v20, v20;
	v19 =	vadd.f32 v20, v19  }
0x506: {  	v24 =	vld [tilespmem:s22+$0x740]  }
0x507: {  	v22 =	vadd.f32 v23, v22;
	v19 =	vadd.f32 v17, v19;
	v17 =	vmul.f32 v17, v17  }
0x508: {  	v23 =	vld [tilespmem:s22+$0x750]  }
0x509: {  	v17 =	vadd.f32 v17, v22;
	v19 =	vadd.f32 v21, v19;
	v21 =	vmul.f32 v21, v21  }
0x50a: {  	v22 =	vld [tilespmem:s22+$0x760]  }
0x50b: {  	v17 =	vadd.f32 v21, v17;
	v19 =	vadd.f32 v24, v19;
	v21 =	vmul.f32 v24, v24  }
0x50c: {  	v25 =	vld [tilespmem:s22+$0x770]  }
0x50d: {  	v17 =	vadd.f32 v21, v17;
	v19 =	vadd.f32 v23, v19;
	v21 =	vmul.f32 v23, v23  }
0x50e: {  	v23 =	vld [tilespmem:s22+$0x4700]  }
0x50f: {  	v17 =	vadd.f32 v21, v17;
	v19 =	vadd.f32 v22, v19;
	v21 =	vmul.f32 v22, v22  }
0x510: {  	v22 =	vld [tilespmem:s22+$0x4710]  }
0x511: {  	v17 =	vadd.f32 v21, v17;
	v19 =	vadd.f32 v25, v19;
	v21 =	vmul.f32 v25, v25  }
0x512: {  	v25 =	vld [tilespmem:s22+$0x4720]  }
0x513: {  	v17 =	vadd.f32 v21, v17;
	v19 =	vadd.f32 v23, v19;
	v21 =	vmul.f32 v23, v23  }
0x514: {  	v23 =	vld [tilespmem:s22+$0x4730]  }
0x515: {  	v17 =	vadd.f32 v21, v17;
	v19 =	vadd.f32 v22, v19;
	v21 =	vmul.f32 v22, v22;
	_ =	sdelay $0x1  }
0x516: {  	v17 =	vadd.f32 v21, v17;
	v19 =	vadd.f32 v25, v19;
	v21 =	vmul.f32 v25, v25;
	_ =	sdelay $0x1  }
0x517: {  	v17 =	vadd.f32 v21, v17;
	v19 =	vadd.f32 v23, v19;
	v21 =	vmul.f32 v23, v23;
	_ =	sdelay $0x1  }
0x518: {  	v17 =	vadd.f32 v21, v17;
	(xrf2) =	vadd.scan.msk.f32 $0xffff, v19;
	_ =	sdelay $0x1  }
0x519: {  	(xrf2) =	vadd.scan.msk.f32 $0xffff, v17;
	_ =	sdelay $0x7  }
0x51a: {  	v17, _, _ =	vpop (xrf2)  }
0x51b: {  	v17 =	vmul.f32 $5.208333490e-03, v17  }
0x51c: {  	v19, _, _ =	vpop (xrf2)  }
0x51d: {  	v21 =	vmul.f32 v17, v17;
	v19 =	vmul.f32 $5.208333490e-03, v19;
	_ =	sdelay $0x1  }
0x51e: {  	v19 =	vsub.f32 v19, v21;
	_ =	sdelay $0x1  }
0x51f: {  	v19 =	vadd.f32 $9.999999960e-13, v19;
	_ =	sdelay $0x1  }
0x520: {  	v19 =	vbroadcast v19, $0xF;
	_ =	sdelay $0x1  }
0x521: {  	v21 =	vshrl.u32 v19, $0x1;
	v19 =	vmul.f32 $5.000000000e-01, v19  }
0x522: {  	v21 =	vsub.s32 $0x5F3759DF, v21  }
0x523: {  	v22 =	vmul.f32 v21, v19;
	_ =	sdelay $0x1  }
0x524: {  	v22 =	vmul.f32 v21, v22;
	_ =	sdelay $0x1  }
0x525: {  	v22 =	vsub.f32 $1.500000000e+00, v22;
	_ =	sdelay $0x1  }
0x526: {  	v21 =	vmul.f32 v21, v22;
	_ =	sdelay $0x1  }
0x527: {  	v22 =	vmul.f32 v21, v19;
	_ =	sdelay $0x1  }
0x528: {  	v22 =	vmul.f32 v22, v21;
	_ =	sdelay $0x1  }
0x529: {  	v22 =	vsub.f32 $1.500000000e+00, v22;
	_ =	sdelay $0x1  }
0x52a: {  	v21 =	vmul.f32 v22, v21;
	_ =	sdelay $0x1  }
0x52b: {  	v19 =	vmul.f32 v21, v19;
	_ =	sdelay $0x1  }
0x52c: {  	v19 =	vmul.f32 v19, v21;
	_ =	sdelay $0x1  }
0x52d: {  	v17 =	vbroadcast v17, $0xF;
	v19 =	vsub.f32 $1.500000000e+00, v19  }
0x52e: {  	v22 =	vld [tilespmem:$0xC700]  }
0x52f: {  	v18 =	vsub.f32 v18, v17;
	v19 =	vmul.f32 v19, v21  }
0x530: {  	v21 =	vld [tilespmem:$0xC800]  }
0x531: {  	v18 =	vmul.f32 v19, v18;
	_ =	sdelay $0x1  }
0x532: {  	v18 =	vmul.f32 v18, v22;
	_ =	sdelay $0x1  }
0x533: {  	v18 =	vadd.f32 v18, v21;
	_ =	sdelay $0x1  }
0x534: {  	[tilespmem:s22+$0x8700] =	vst v18  }
0x535: {  	v18 =	vld [tilespmem:$0xC710]  }
0x536: {  	v20 =	vsub.f32 v20, v17  }
0x537: {  	v21 =	vld [tilespmem:$0xC810]  }
0x538: {  	v20 =	vmul.f32 v19, v20;
	_ =	sdelay $0x1  }
0x539: {  	v18 =	vmul.f32 v20, v18  }
0x53a: {  	v20 =	vld [tilespmem:s22+$0x720]  }
0x53b: {  	v18 =	vadd.f32 v18, v21;
	_ =	sdelay $0x1  }
0x53c: {  	[tilespmem:s22+$0x8710] =	vst v18  }
0x53d: {  	v18 =	vld [tilespmem:$0xC720]  }
0x53e: {  	v20 =	vsub.f32 v20, v17  }
0x53f: {  	v21 =	vld [tilespmem:$0xC820]  }
0x540: {  	v20 =	vmul.f32 v19, v20;
	_ =	sdelay $0x1  }
0x541: {  	v18 =	vmul.f32 v20, v18  }
0x542: {  	v20 =	vld [tilespmem:s22+$0x730]  }
0x543: {  	v18 =	vadd.f32 v18, v21;
	_ =	sdelay $0x1  }
0x544: {  	[tilespmem:s22+$0x8720] =	vst v18  }
0x545: {  	v18 =	vld [tilespmem:$0xC730]  }
0x546: {  	v20 =	vsub.f32 v20, v17  }
0x547: {  	v21 =	vld [tilespmem:$0xC830]  }
0x548: {  	v20 =	vmul.f32 v19, v20;
	_ =	sdelay $0x1  }
0x549: {  	v18 =	vmul.f32 v20, v18;
	_ =	sdelay $0x1  }
0x54a: {  	v18 =	vadd.f32 v18, v21;
	_ =	sdelay $0x1  }
0x54b: {  	[tilespmem:s22+$0x8730] =	vst v18  }
0x54c: {  	v20 =	vld [tilespmem:$0xC740]  }
0x54d: {  	v18 =	vsub.f32 v24, v17  }
0x54e: {  	v21 =	vld [tilespmem:$0xC840]  }
0x54f: {  	v22 =	vmul.f32 v19, v18  }
0x550: {  	s23 =	simm.s32 $0x80  }
0x551: {  	v18 =	vld [tilespmem:s23+$0x700];
	v20 =	vmul.f32 v22, v20  }
0x552: {  	v22 =	vld [tilespmem:s22+$0x750]  }
0x553: {  	v23 =	vld [tilespmem:s23+$0x710];
	v20 =	vadd.f32 v20, v21  }
0x554: {  	v24 =	vld [tilespmem:s23+$0x720]  }
0x555: {  	v21 =	vld [tilespmem:s23+$0x730];
	[tilespmem:s22+$0x8740] =	vst v20  }
0x556: {  	v20 =	vadd.f32 $0.0e+00, v18;
	v25 =	vld [tilespmem:$0xC750]  }
0x557: {  	v22 =	vsub.f32 v22, v17  }
0x558: {  	v28 =	vmul.f32 v23, v23;
	v27 =	vmul.f32 v18, v18;
	v26 =	vld [tilespmem:$0xC850];
	v20 =	vadd.f32 v23, v20  }
0x559: {  	v29 =	vld [tilespmem:s23+$0x740];
	v22 =	vmul.f32 v19, v22  }
0x55a: {  	v27 =	vadd.f32 v28, v27;
	v20 =	vadd.f32 v24, v20;
	v24 =	vmul.f32 v24, v24  }
0x55b: {  	v61 =	vld [tilespmem:s23+$0x750];
	v22 =	vmul.f32 v22, v25  }
0x55c: {  	v25 =	vld [tilespmem:s22+$0x760];
	v24 =	vadd.f32 v24, v27;
	v20 =	vadd.f32 v21, v20;
	v21 =	vmul.f32 v21, v21  }
0x55d: {  	v27 =	vld [tilespmem:s23+$0x760];
	v22 =	vadd.f32 v22, v26  }
0x55e: {  	v21 =	vadd.f32 v21, v24;
	v20 =	vadd.f32 v29, v20;
	v24 =	vmul.f32 v29, v29  }
0x55f: {  	v26 =	vld [tilespmem:s23+$0x770];
	[tilespmem:s22+$0x8750] =	vst v22  }
0x560: {  	v21 =	vadd.f32 v24, v21;
	v20 =	vadd.f32 v61, v20;
	v22 =	vmul.f32 v61, v61;
	v24 =	vld [tilespmem:$0xC760]  }
0x561: {  	v25 =	vsub.f32 v25, v17;
	v62 =	vld [tilespmem:s23+$0x4700]  }
0x562: {  	v21 =	vadd.f32 v22, v21;
	v20 =	vadd.f32 v27, v20;
	v22 =	vmul.f32 v27, v27;
	v27 =	vld [tilespmem:$0xC860]  }
0x563: {  	v30 =	vld [tilespmem:s23+$0x4710];
	v25 =	vmul.f32 v25, v19  }
0x564: {  	v21 =	vadd.f32 v22, v21;
	v22 =	vmul.f32 v26, v26  }
0x565: {  	v20 =	vadd.f32 v26, v20;
	v26 =	vld [tilespmem:s23+$0x4720];
	v24 =	vmul.f32 v25, v24  }
0x566: {  	v25 =	vld [tilespmem:s22+$0x770];
	v21 =	vadd.f32 v22, v21;
	v22 =	vmul.f32 v62, v62  }
0x567: {  	v20 =	vadd.f32 v62, v20;
	v24 =	vadd.f32 v24, v27  }
0x568: {  	v63 =	vld [tilespmem:s23+$0x4730];
	v21 =	vadd.f32 v22, v21;
	v22 =	vmul.f32 v30, v30  }
0x569: {  	v20 =	vadd.f32 v30, v20;
	[tilespmem:s22+$0x8760] =	vst v24  }
0x56a: {  	v21 =	vadd.f32 v22, v21;
	v22 =	vmul.f32 v26, v26;
	v24 =	vld [tilespmem:$0xC770]  }
0x56b: {  	v20 =	vadd.f32 v26, v20;
	v25 =	vsub.f32 v25, v17  }
0x56c: {  	v26 =	vld [tilespmem:$0xC870];
	v21 =	vadd.f32 v22, v21  }
0x56d: {  	v20 =	vadd.f32 v63, v20;
	v22 =	vmul.f32 v63, v63;
	v25 =	vmul.f32 v25, v19;
	_ =	sdelay $0x1  }
0x56e: {  	v21 =	vadd.f32 v22, v21;
	(xrf2) =	vadd.scan.msk.f32 $0xffff, v20;
	v20 =	vmul.f32 v25, v24  }
0x56f: {  	v22 =	vld [tilespmem:s22+$0x4700]  }
0x570: {  	(xrf2) =	vadd.scan.msk.f32 $0xffff, v21;
	v20 =	vadd.f32 v20, v26;
	_ =	sdelay $0x1  }
0x571: {  	[tilespmem:s22+$0x8770] =	vst v20  }
0x572: {  	v20 =	vld [tilespmem:$0xC780]  }
0x573: {  	v21 =	vsub.f32 v22, v17  }
0x574: {  	v22 =	vld [tilespmem:$0xC880]  }
0x575: {  	v21 =	vmul.f32 v21, v19;
	_ =	sdelay $0x1  }
0x576: {  	v24, _, _ =	vpop (xrf2);
	v20 =	vmul.f32 v21, v20  }
0x577: {  	v24 =	vmul.f32 $5.208333490e-03, v24;
	v21 =	vld [tilespmem:s22+$0x4710]  }
0x578: {  	v25, _, _ =	vpop (xrf2);
	v20 =	vadd.f32 v20, v22  }
0x579: {  	v26 =	vmul.f32 v24, v24;
	v22 =	vmul.f32 $5.208333490e-03, v25  }
0x57a: {  	[tilespmem:s22+$0xA700] =	vst v20  }
0x57b: {  	v20 =	vsub.f32 v22, v26;
	v22 =	vld [tilespmem:$0xC790]  }
0x57c: {  	v21 =	vsub.f32 v21, v17  }
0x57d: {  	v25 =	vld [tilespmem:$0xC890];
	v20 =	vadd.f32 $9.999999960e-13, v20  }
0x57e: {  	v21 =	vmul.f32 v21, v19  }
0x57f: {  	v20 =	vbroadcast v20, $0xF  }
0x580: {  	v21 =	vmul.f32 v21, v22  }
0x581: {  	v26 =	vld [tilespmem:s22+$0x4720];
	v22 =	vshrl.u32 v20, $0x1;
	v20 =	vmul.f32 $5.000000000e-01, v20  }
0x582: {  	v22 =	vsub.s32 $0x5F3759DF, v22;
	v21 =	vadd.f32 v21, v25  }
0x583: {  	v25 =	vmul.f32 v22, v20  }
0x584: {  	[tilespmem:s22+$0xA710] =	vst v21  }
0x585: {  	v21 =	vmul.f32 v22, v25;
	v25 =	vld [tilespmem:$0xC7A0]  }
0x586: {  	v26 =	vsub.f32 v26, v17  }
0x587: {  	v27 =	vld [tilespmem:$0xC8A0];
	v21 =	vsub.f32 $1.500000000e+00, v21  }
0x588: {  	v26 =	vmul.f32 v26, v19  }
0x589: {  	v21 =	vmul.f32 v22, v21  }
0x58a: {  	v22 =	vmul.f32 v26, v25;
	v26 =	vld [tilespmem:s22+$0x4730]  }
0x58b: {  	v25 =	vmul.f32 v21, v20  }
0x58c: {  	v22 =	vadd.f32 v22, v27  }
0x58d: {  	v25 =	vmul.f32 v25, v21  }
0x58e: {  	[tilespmem:s22+$0xA720] =	vst v22  }
0x58f: {  	v22 =	vsub.f32 $1.500000000e+00, v25;
	v25 =	vld [tilespmem:$0xC7B0];
	v26 =	vsub.f32 v26, v17  }
0x590: {  	v17 =	vbroadcast v24, $0xF  }
0x591: {  	v22 =	vmul.f32 v22, v21;
	v24 =	vmul.f32 v26, v19;
	v19 =	vld [tilespmem:$0xC8B0];
	_ =	sdelay $0x1  }
0x592: {  	v26 =	vmul.f32 v22, v20  }
0x593: {  	v24 =	vmul.f32 v24, v25  }
0x594: {  	s30 =	simm.s32 $0x400;
	v21 =	vsub.f32 v23, v17;
	v20 =	vsub.f32 v29, v17;
	v23 =	vmul.f32 v26, v22  }
.LBB2_14:
0x595: {  	p0 =	sne.s32 s30, $0x7E00;
	v19 =	vadd.f32 v24, v19;
	s5 =	smov.u32 s30;
	s30 =	sadd.s32 $0x200, s30  }
0x596: {  	v23 =	vsub.f32 $1.500000000e+00, v23  }
0x597: {  	v18 =	vsub.f32 v18, v17;
	[tilespmem:s22+$0xA730] =	vst v19;
	s22 =	smov.u32 s23  }
0x598: {  	v19 =	vmul.f32 v23, v22;
	v22 =	vld [tilespmem:$0xC700];
	_ =	sdelay $0x1  }
0x599: {  	v18 =	vmul.f32 v19, v18;
	v23 =	vld [tilespmem:$0xC800];
	_ =	sdelay $0x2  }
0x59a: {  	v18 =	vmul.f32 v18, v22;
	_ =	sdelay $0x1  }
0x59b: {  	v18 =	vadd.f32 v18, v23;
	_ =	sdelay $0x1  }
0x59c: {  	[tilespmem:s22+$0x8700] =	vst v18  }
0x59d: {  	v18 =	vld [tilespmem:$0xC710];
	_ =	sdelay $0x1  }
0x59e: {  	v22 =	vld [tilespmem:$0xC810]  }
0x59f: {  	v21 =	vmul.f32 v19, v21;
	_ =	sdelay $0x1  }
0x5a0: {  	v18 =	vmul.f32 v21, v18  }
0x5a1: {  	v21 =	vld [tilespmem:s22+$0x720]  }
0x5a2: {  	v18 =	vadd.f32 v18, v22;
	_ =	sdelay $0x1  }
0x5a3: {  	[tilespmem:s22+$0x8710] =	vst v18  }
0x5a4: {  	v18 =	vld [tilespmem:$0xC720]  }
0x5a5: {  	v21 =	vsub.f32 v21, v17  }
0x5a6: {  	v22 =	vld [tilespmem:$0xC820]  }
0x5a7: {  	v21 =	vmul.f32 v19, v21;
	_ =	sdelay $0x1  }
0x5a8: {  	v18 =	vmul.f32 v21, v18  }
0x5a9: {  	v21 =	vld [tilespmem:s22+$0x730]  }
0x5aa: {  	v18 =	vadd.f32 v18, v22;
	_ =	sdelay $0x1  }
0x5ab: {  	[tilespmem:s22+$0x8720] =	vst v18  }
0x5ac: {  	v18 =	vld [tilespmem:$0xC730]  }
0x5ad: {  	v21 =	vsub.f32 v21, v17  }
0x5ae: {  	v22 =	vld [tilespmem:$0xC830]  }
0x5af: {  	v21 =	vmul.f32 v19, v21;
	_ =	sdelay $0x1  }
0x5b0: {  	v18 =	vmul.f32 v21, v18;
	_ =	sdelay $0x1  }
0x5b1: {  	v18 =	vadd.f32 v18, v22;
	_ =	sdelay $0x1  }
0x5b2: {  	[tilespmem:s22+$0x8730] =	vst v18  }
0x5b3: {  	v21 =	vld [tilespmem:$0xC740];
	_ =	sdelay $0x1  }
0x5b4: {  	v22 =	vld [tilespmem:$0xC840]  }
0x5b5: {  	v20 =	vmul.f32 v19, v20  }
0x5b6: {  	s23 =	sshra.s32 s5, $0x2  }
0x5b7: {  	v18 =	vld [tilespmem:s23+$0x700];
	v21 =	vmul.f32 v20, v21  }
0x5b8: {  	v23 =	vld [tilespmem:s22+$0x750]  }
0x5b9: {  	v20 =	vld [tilespmem:s23+$0x710];
	v21 =	vadd.f32 v21, v22  }
0x5ba: {  	v22 =	vld [tilespmem:s23+$0x730]  }
0x5bb: {  	v24 =	vld [tilespmem:s23+$0x720];
	[tilespmem:s22+$0x8740] =	vst v21  }
0x5bc: {  	v21 =	vadd.f32 $0.0e+00, v18;
	v25 =	vld [tilespmem:$0xC750]  }
0x5bd: {  	v23 =	vsub.f32 v23, v17;
	v26 =	vld [tilespmem:$0xC850]  }
0x5be: {  	v27 =	vmul.f32 v18, v18;
	v21 =	vadd.f32 v20, v21;
	v28 =	vmul.f32 v20, v20  }
0x5bf: {  	v29 =	vld [tilespmem:s23+$0x740];
	v23 =	vmul.f32 v19, v23  }
0x5c0: {  	v27 =	vadd.f32 v28, v27;
	v21 =	vadd.f32 v24, v21;
	v24 =	vmul.f32 v24, v24;
	v28 =	vld [tilespmem:s22+$0x760]  }
0x5c1: {  	v30 =	vld [tilespmem:s23+$0x750];
	v23 =	vmul.f32 v23, v25  }
0x5c2: {  	v24 =	vadd.f32 v24, v27;
	v21 =	vadd.f32 v22, v21;
	v22 =	vmul.f32 v22, v22  }
0x5c3: {  	v25 =	vld [tilespmem:s23+$0x760];
	v23 =	vadd.f32 v23, v26  }
0x5c4: {  	v22 =	vadd.f32 v22, v24;
	v21 =	vadd.f32 v29, v21;
	v24 =	vmul.f32 v29, v29  }
0x5c5: {  	v26 =	vld [tilespmem:s23+$0x770];
	[tilespmem:s22+$0x8750] =	vst v23;
	v23 =	vsub.f32 v28, v17  }
0x5c6: {  	v22 =	vadd.f32 v24, v22;
	v21 =	vadd.f32 v30, v21;
	v24 =	vmul.f32 v30, v30;
	v27 =	vld [tilespmem:$0xC760]  }
0x5c7: {  	v28 =	vld [tilespmem:s23+$0x4700];
	v23 =	vmul.f32 v23, v19  }
0x5c8: {  	v22 =	vadd.f32 v24, v22;
	v21 =	vadd.f32 v25, v21;
	v24 =	vmul.f32 v25, v25;
	v25 =	vld [tilespmem:$0xC860]  }
0x5c9: {  	v30 =	vld [tilespmem:s23+$0x4710]  }
0x5ca: {  	v22 =	vadd.f32 v24, v22;
	v21 =	vadd.f32 v26, v21;
	v24 =	vmul.f32 v26, v26;
	v26 =	vld [tilespmem:s22+$0x770]  }
0x5cb: {  	v31 =	vld [tilespmem:s23+$0x4720];
	v23 =	vmul.f32 v23, v27  }
0x5cc: {  	v22 =	vadd.f32 v24, v22;
	v21 =	vadd.f32 v28, v21;
	v24 =	vmul.f32 v28, v28  }
0x5cd: {  	v27 =	vld [tilespmem:s23+$0x4730];
	v23 =	vadd.f32 v23, v25  }
0x5ce: {  	v22 =	vadd.f32 v24, v22;
	v21 =	vadd.f32 v30, v21;
	v24 =	vmul.f32 v30, v30  }
0x5cf: {  	[tilespmem:s22+$0x8760] =	vst v23;
	v23 =	vsub.f32 v26, v17  }
0x5d0: {  	v22 =	vadd.f32 v24, v22;
	v21 =	vadd.f32 v31, v21;
	v24 =	vmul.f32 v31, v31;
	v25 =	vld [tilespmem:$0xC770]  }
0x5d1: {  	v23 =	vmul.f32 v23, v19;
	v26 =	vld [tilespmem:$0xC870]  }
0x5d2: {  	v22 =	vadd.f32 v24, v22;
	v21 =	vadd.f32 v27, v21;
	v24 =	vmul.f32 v27, v27;
	_ =	sdelay $0x1  }
0x5d3: {  	v22 =	vadd.f32 v24, v22;
	(xrf2) =	vadd.scan.msk.f32 $0xffff, v21;
	v21 =	vld [tilespmem:s22+$0x4700]  }
0x5d4: {  	v23 =	vmul.f32 v23, v25;
	_ =	sdelay $0x1  }
0x5d5: {  	(xrf2) =	vadd.scan.msk.f32 $0xffff, v22;
	v22 =	vadd.f32 v23, v26;
	_ =	sdelay $0x1  }
0x5d6: {  	[tilespmem:s22+$0x8770] =	vst v22;
	v21 =	vsub.f32 v21, v17  }
0x5d7: {  	v22 =	vld [tilespmem:$0xC780]  }
0x5d8: {  	v21 =	vmul.f32 v21, v19;
	v23 =	vld [tilespmem:$0xC880];
	_ =	sdelay $0x1  }
0x5d9: {  	v24 =	vld [tilespmem:s22+$0x4710]  }
0x5da: {  	v25, _, _ =	vpop (xrf2)  }
0x5db: {  	v25 =	vmul.f32 $5.208333490e-03, v25;
	v21 =	vmul.f32 v21, v22;
	_ =	sdelay $0x1  }
0x5dc: {  	v22 =	vbroadcast v25, $0xF;
	v25 =	vmul.f32 v25, v25;
	v26, _, _ =	vpop (xrf2);
	v23 =	vadd.f32 v21, v23  }
0x5dd: {  	v26 =	vmul.f32 $5.208333490e-03, v26;
	v24 =	vsub.f32 v24, v17  }
0x5de: {  	v21 =	vsub.f32 v20, v22;
	v20 =	vsub.f32 v29, v22;
	[tilespmem:s22+$0xA700] =	vst v23  }
0x5df: {  	v23 =	vsub.f32 v26, v25;
	v25 =	vld [tilespmem:$0xC790]  }
0x5e0: {  	v24 =	vmul.f32 v24, v19;
	v26 =	vld [tilespmem:$0xC890]  }
0x5e1: {  	v23 =	vadd.f32 $9.999999960e-13, v23;
	_ =	sdelay $0x1  }
0x5e2: {  	v23 =	vbroadcast v23, $0xF;
	v27 =	vld [tilespmem:s22+$0x4720]  }
0x5e3: {  	v24 =	vmul.f32 v24, v25  }
0x5e4: {  	v25 =	vshrl.u32 v23, $0x1;
	v23 =	vmul.f32 $5.000000000e-01, v23  }
0x5e5: {  	v25 =	vsub.s32 $0x5F3759DF, v25;
	v24 =	vadd.f32 v24, v26  }
0x5e6: {  	v26 =	vmul.f32 v25, v23  }
0x5e7: {  	[tilespmem:s22+$0xA710] =	vst v24;
	v24 =	vsub.f32 v27, v17  }
0x5e8: {  	v26 =	vmul.f32 v25, v26;
	v27 =	vld [tilespmem:$0xC7A0]  }
0x5e9: {  	v24 =	vmul.f32 v24, v19;
	v28 =	vld [tilespmem:$0xC8A0]  }
0x5ea: {  	v26 =	vsub.f32 $1.500000000e+00, v26;
	_ =	sdelay $0x1  }
0x5eb: {  	v25 =	vmul.f32 v25, v26;
	v26 =	vld [tilespmem:s22+$0x4730]  }
0x5ec: {  	v24 =	vmul.f32 v24, v27  }
0x5ed: {  	v27 =	vmul.f32 v25, v23  }
0x5ee: {  	v24 =	vadd.f32 v24, v28  }
0x5ef: {  	v27 =	vmul.f32 v27, v25  }
0x5f0: {  	[tilespmem:s22+$0xA720] =	vst v24;
	v24 =	vsub.f32 v26, v17;
	v17 =	vmov v22  }
0x5f1: {  	v22 =	vsub.f32 $1.500000000e+00, v27;
	v26 =	vld [tilespmem:$0xC7B0]  }
0x5f2: {  	v24 =	vmul.f32 v24, v19;
	v19 =	vld [tilespmem:$0xC8B0]  }
.Ltmp6:
0x5f3: {  	v22 =	vmul.f32 v22, v25;
	(pc) =	sbr.rel @p0 .LBB2_14-.Ltmp6, $4  }
0x5f4: {  	_ = 	snop  }
0x5f5: {  	v23 =	vmul.f32 v22, v23  }
0x5f6: {  	v24 =	vmul.f32 v24, v26  }
0x5f7: {  	v23 =	vmul.f32 v23, v22  }
0x5f8: {  	v19 =	vadd.f32 v24, v19;
	_ =	sdelay $0x1  }
0x5f9: {  	v23 =	vsub.f32 $1.500000000e+00, v23;
	[tilespmem:s22+$0xA730] =	vst v19  }
0x5fa: {  	v19 =	vld [tilespmem:$0xC700]  }
0x5fb: {  	v18 =	vsub.f32 v18, v17;
	v22 =	vmul.f32 v23, v22  }
0x5fc: {  	v23 =	vld [tilespmem:$0xC800]  }
0x5fd: {  	v18 =	vmul.f32 v22, v18;
	_ =	sdelay $0x1  }
0x5fe: {  	v18 =	vmul.f32 v18, v19;
	_ =	sdelay $0x1  }
0x5ff: {  	v18 =	vadd.f32 v18, v23;
	_ =	sdelay $0x1  }
0x600: {  	[tilespmem:s23+$0x8700] =	vst v18  }
0x601: {  	v18 =	vld [tilespmem:$0xC710];
	_ =	sdelay $0x1  }
0x602: {  	v19 =	vld [tilespmem:$0xC810]  }
0x603: {  	v21 =	vmul.f32 v22, v21;
	_ =	sdelay $0x1  }
0x604: {  	v18 =	vmul.f32 v21, v18  }
0x605: {  	v21 =	vld [tilespmem:s23+$0x720]  }
0x606: {  	v18 =	vadd.f32 v18, v19;
	_ =	sdelay $0x1  }
0x607: {  	[tilespmem:s23+$0x8710] =	vst v18  }
0x608: {  	v18 =	vld [tilespmem:$0xC720]  }
0x609: {  	v19 =	vsub.f32 v21, v17  }
0x60a: {  	v21 =	vld [tilespmem:$0xC820]  }
0x60b: {  	v19 =	vmul.f32 v22, v19;
	_ =	sdelay $0x1  }
0x60c: {  	v18 =	vmul.f32 v19, v18  }
0x60d: {  	v19 =	vld [tilespmem:s23+$0x730]  }
0x60e: {  	v18 =	vadd.f32 v18, v21;
	_ =	sdelay $0x1  }
0x60f: {  	[tilespmem:s23+$0x8720] =	vst v18  }
0x610: {  	v18 =	vld [tilespmem:$0xC730]  }
0x611: {  	v19 =	vsub.f32 v19, v17  }
0x612: {  	v21 =	vld [tilespmem:$0xC830]  }
0x613: {  	v19 =	vmul.f32 v22, v19;
	_ =	sdelay $0x1  }
0x614: {  	v18 =	vmul.f32 v19, v18;
	_ =	sdelay $0x1  }
0x615: {  	v18 =	vadd.f32 v18, v21;
	_ =	sdelay $0x1  }
0x616: {  	[tilespmem:s23+$0x8730] =	vst v18  }
0x617: {  	v18 =	vld [tilespmem:$0xC740];
	_ =	sdelay $0x1  }
0x618: {  	v19 =	vld [tilespmem:$0xC840]  }
0x619: {  	v20 =	vmul.f32 v22, v20;
	_ =	sdelay $0x1  }
0x61a: {  	v18 =	vmul.f32 v20, v18  }
0x61b: {  	v20 =	vld [tilespmem:s23+$0x750]  }
0x61c: {  	v18 =	vadd.f32 v18, v19;
	_ =	sdelay $0x1  }
0x61d: {  	[tilespmem:s23+$0x8740] =	vst v18  }
0x61e: {  	v18 =	vld [tilespmem:$0xC750]  }
0x61f: {  	v19 =	vsub.f32 v20, v17  }
0x620: {  	v20 =	vld [tilespmem:$0xC850]  }
0x621: {  	v19 =	vmul.f32 v22, v19;
	_ =	sdelay $0x1  }
0x622: {  	v18 =	vmul.f32 v19, v18  }
0x623: {  	v19 =	vld [tilespmem:s23+$0x760]  }
0x624: {  	v18 =	vadd.f32 v18, v20;
	_ =	sdelay $0x1  }
0x625: {  	[tilespmem:s23+$0x8750] =	vst v18  }
0x626: {  	v18 =	vld [tilespmem:$0xC760]  }
0x627: {  	v19 =	vsub.f32 v19, v17  }
0x628: {  	v20 =	vld [tilespmem:$0xC860]  }
0x629: {  	v19 =	vmul.f32 v19, v22;
	_ =	sdelay $0x1  }
0x62a: {  	v18 =	vmul.f32 v19, v18  }
0x62b: {  	v19 =	vld [tilespmem:s23+$0x770]  }
0x62c: {  	v18 =	vadd.f32 v18, v20;
	_ =	sdelay $0x1  }
0x62d: {  	[tilespmem:s23+$0x8760] =	vst v18  }
0x62e: {  	v18 =	vld [tilespmem:$0xC770]  }
0x62f: {  	v19 =	vsub.f32 v19, v17  }
0x630: {  	v20 =	vld [tilespmem:$0xC870]  }
0x631: {  	v19 =	vmul.f32 v19, v22;
	_ =	sdelay $0x1  }
0x632: {  	v18 =	vmul.f32 v19, v18  }
0x633: {  	v19 =	vld [tilespmem:s23+$0x4700]  }
0x634: {  	v18 =	vadd.f32 v18, v20;
	_ =	sdelay $0x1  }
0x635: {  	[tilespmem:s23+$0x8770] =	vst v18  }
0x636: {  	v18 =	vld [tilespmem:$0xC780]  }
0x637: {  	v19 =	vsub.f32 v19, v17  }
0x638: {  	v20 =	vld [tilespmem:$0xC880]  }
0x639: {  	v19 =	vmul.f32 v19, v22;
	_ =	sdelay $0x1  }
0x63a: {  	v18 =	vmul.f32 v19, v18  }
0x63b: {  	v19 =	vld [tilespmem:s23+$0x4710]  }
0x63c: {  	v18 =	vadd.f32 v18, v20;
	_ =	sdelay $0x1  }
0x63d: {  	[tilespmem:s23+$0xA700] =	vst v18  }
0x63e: {  	v18 =	vld [tilespmem:$0xC790]  }
0x63f: {  	v19 =	vsub.f32 v19, v17  }
0x640: {  	v20 =	vld [tilespmem:$0xC890]  }
0x641: {  	v19 =	vmul.f32 v19, v22;
	_ =	sdelay $0x1  }
0x642: {  	v18 =	vmul.f32 v19, v18  }
0x643: {  	v19 =	vld [tilespmem:s23+$0x4720]  }
0x644: {  	v18 =	vadd.f32 v18, v20;
	_ =	sdelay $0x1  }
0x645: {  	[tilespmem:s23+$0xA710] =	vst v18  }
0x646: {  	v18 =	vld [tilespmem:$0xC7A0]  }
0x647: {  	v19 =	vsub.f32 v19, v17  }
0x648: {  	v20 =	vld [tilespmem:$0xC8A0]  }
0x649: {  	v19 =	vmul.f32 v19, v22;
	_ =	sdelay $0x1  }
0x64a: {  	v18 =	vmul.f32 v19, v18  }
0x64b: {  	v19 =	vld [tilespmem:s23+$0x4730]  }
0x64c: {  	v18 =	vadd.f32 v18, v20;
	_ =	sdelay $0x1  }
0x64d: {  	[tilespmem:s23+$0xA720] =	vst v18  }
0x64e: {  	v18 =	vld [tilespmem:$0xC7B0]  }
0x64f: {  	v17 =	vsub.f32 v19, v17  }
0x650: {  	v19 =	vld [tilespmem:$0xC8B0]  }
0x651: {  	v17 =	vmul.f32 v17, v22;
	_ =	sdelay $0x1  }
0x652: {  	v17 =	vmul.f32 v17, v18;
	_ =	sdelay $0x1  }
0x653: {  	v17 =	vadd.f32 v17, v19;
	_ =	sdelay $0x1  }
0x654: {  	s5 =	simm.s32 $0x0;
	[tilespmem:s23+$0xA730] =	vst v17;
	s23 =	rddreg [dreg:$0x11]  }
0x655: {  	[hbm4b:s23+s5] =	stream.linear.scatter [tilespmem:s18], [sflag:$0x3], $0x2000, $0x38;
	[tilespmem:$0xC900] =	vst v63  }
0x656: {  	_ =	swait.ge [sflag:s25], $0x2000  }
0x657: {  	[sflag:s25] =	ssyncset.done $0x0  }
0x658: {  	s23 =	rddreg [dreg:$0x12];
	[sflag:s25] =	ssyncadd.s32 $0xFFFFE000  }
0x659: {  	[hbm4b:s23+s5] =	stream.linear.scatter [tilespmem:s19], [sflag:$0x3], $0x2000, $0x38;
	[tilespmem:$0xC900] =	vst v63  }
0x65a: {  	_ =	swait.ge [sflag:s25], $0x2000  }
0x65b: {  	[sflag:s25] =	ssyncset.done $0x0  }
0x65c: {  	[sflag:s25] =	ssyncadd.s32 $0xFFFFE000  }
0x65d: {  	_ =	swait.ge [sflag:s20], $0x2000  }
0x65e: {  	[sflag:s20] =	ssyncset.done $0x0  }
0x65f: {  	[sflag:s20] =	ssyncadd.s32 $0xFFFFE000  }
0x660: {  	_ =	swait.ge [sflag:s20], $0x2000  }
0x661: {  	[sflag:s20] =	ssyncset.done $0x0  }
0x662: {  	[sflag:s20] =	ssyncadd.s32 $0xFFFFE000  }
0x663: {  	_ =	swait.ge [sflag:s20], $0x2000  }
0x664: {  	[sflag:s20] =	ssyncset.done $0x0  }
0x665: {  	[sflag:s20] =	ssyncadd.s32 $0xFFFFE000  }
0x666: {  	_ =	swait.ge [sflag:s20], $0x2000  }
0x667: {  	[sflag:s20] =	ssyncset.done $0x0  }
0x668: {  	[sflag:s20] =	ssyncadd.s32 $0xFFFFE000  }
0x669: {  	_ =	swait.ge [sflag:s20], $0x2000  }
0x66a: {  	[sflag:s20] =	ssyncset.done $0x0  }
0x66b: {  	[sflag:s20] =	ssyncadd.s32 $0xFFFFE000  }
0x66c: {  	_ =	swait.ge [sflag:s20], $0x2000  }
0x66d: {  	[sflag:s20] =	ssyncset.done $0x0  }
0x66e: {  	[sflag:s20] =	ssyncadd.s32 $0xFFFFE000  }
0x66f: {  	_ =	swait.ge [sflag:s20], $0x2000  }
0x670: {  	[sflag:s20] =	ssyncset.done $0x0  }
0x671: {  	[sflag:s20] =	ssyncadd.s32 $0xFFFFE000  }
0x672: {  	_ =	swait.ge [sflag:s20], $0x2000  }
0x673: {  	[sflag:s20] =	ssyncset.done $0x0  }
0x674: {  	[sflag:s20] =	ssyncadd.s32 $0xFFFFE000  }
0x675: {  	_ =	swait.ge [sflag:s20], $0x2000  }
0x676: {  	[sflag:s20] =	ssyncset.done $0x0  }
0x677: {  	[sflag:s20] =	ssyncadd.s32 $0xFFFFE000  }
0x678: {  	_ =	swait.ge [sflag:s20], $0x2000  }
0x679: {  	[sflag:s20] =	ssyncset.done $0x0  }
0x67a: {  	[sflag:s20] =	ssyncadd.s32 $0xFFFFE000  }
0x67b: {  	_ =	swait.ge [sflag:s20], $0x2000  }
0x67c: {  	[sflag:s20] =	ssyncset.done $0x0  }
0x67d: {  	[sflag:s20] =	ssyncadd.s32 $0xFFFFE000  }
0x67e: {  	_ =	swait.ge [sflag:s20], $0x2000  }
0x67f: {  	[sflag:s20] =	ssyncset.done $0x0  }
0x680: {  	[sflag:s20] =	ssyncadd.s32 $0xFFFFE000  }
0x681: {  	_ =	swait.ge [sflag:s20], $0x2000  }
0x682: {  	[sflag:s20] =	ssyncset.done $0x0  }
0x683: {  	[sflag:s20] =	ssyncadd.s32 $0xFFFFE000  }
0x684: {  	_ =	swait.ge [sflag:s20], $0x2000  }
0x685: {  	[sflag:s20] =	ssyncset.done $0x0  }
0x686: {  	s22 =	simm.s32 $0x0;
	[sflag:s20] =	ssyncadd.s32 $0xFFFFE000  }
0x687: {  	v18 =	vld [tilespmem:s22+$0x2700];
	_ =	sdelay $0x1  }
0x688: {  	v20 =	vld [tilespmem:s22+$0x2710];
	_ =	sdelay $0x1  }
0x689: {  	v17 =	vld [tilespmem:s22+$0x2720]  }
0x68a: {  	v19 =	vadd.f32 $0.0e+00, v18  }
0x68b: {  	v21 =	vld [tilespmem:s22+$0x2730]  }
0x68c: {  	v22 =	vmul.f32 v18, v18;
	v23 =	vmul.f32 v20, v20;
	v19 =	vadd.f32 v20, v19  }
0x68d: {  	v24 =	vld [tilespmem:s22+$0x2740]  }
0x68e: {  	v22 =	vadd.f32 v23, v22;
	v19 =	vadd.f32 v17, v19;
	v17 =	vmul.f32 v17, v17  }
0x68f: {  	v23 =	vld [tilespmem:s22+$0x2750]  }
0x690: {  	v17 =	vadd.f32 v17, v22;
	v19 =	vadd.f32 v21, v19;
	v21 =	vmul.f32 v21, v21  }
0x691: {  	v22 =	vld [tilespmem:s22+$0x2760]  }
0x692: {  	v17 =	vadd.f32 v21, v17;
	v19 =	vadd.f32 v24, v19;
	v21 =	vmul.f32 v24, v24  }
0x693: {  	v25 =	vld [tilespmem:s22+$0x2770]  }
0x694: {  	v17 =	vadd.f32 v21, v17;
	v19 =	vadd.f32 v23, v19;
	v21 =	vmul.f32 v23, v23  }
0x695: {  	v23 =	vld [tilespmem:s22+$0x6700]  }
0x696: {  	v17 =	vadd.f32 v21, v17;
	v19 =	vadd.f32 v22, v19;
	v21 =	vmul.f32 v22, v22  }
0x697: {  	v22 =	vld [tilespmem:s22+$0x6710]  }
0x698: {  	v17 =	vadd.f32 v21, v17;
	v19 =	vadd.f32 v25, v19;
	v21 =	vmul.f32 v25, v25  }
0x699: {  	v25 =	vld [tilespmem:s22+$0x6720]  }
0x69a: {  	v17 =	vadd.f32 v21, v17;
	v19 =	vadd.f32 v23, v19;
	v21 =	vmul.f32 v23, v23  }
0x69b: {  	v23 =	vld [tilespmem:s22+$0x6730]  }
0x69c: {  	v17 =	vadd.f32 v21, v17;
	v19 =	vadd.f32 v22, v19;
	v21 =	vmul.f32 v22, v22;
	_ =	sdelay $0x1  }
0x69d: {  	v17 =	vadd.f32 v21, v17;
	v19 =	vadd.f32 v25, v19;
	v21 =	vmul.f32 v25, v25;
	_ =	sdelay $0x1  }
0x69e: {  	v17 =	vadd.f32 v21, v17;
	v19 =	vadd.f32 v23, v19;
	v21 =	vmul.f32 v23, v23;
	_ =	sdelay $0x1  }
0x69f: {  	v17 =	vadd.f32 v21, v17;
	(xrf2) =	vadd.scan.msk.f32 $0xffff, v19;
	_ =	sdelay $0x1  }
0x6a0: {  	(xrf2) =	vadd.scan.msk.f32 $0xffff, v17;
	_ =	sdelay $0x7  }
0x6a1: {  	v17, _, _ =	vpop (xrf2)  }
0x6a2: {  	v17 =	vmul.f32 $5.208333490e-03, v17  }
0x6a3: {  	v19, _, _ =	vpop (xrf2)  }
0x6a4: {  	v21 =	vmul.f32 v17, v17;
	v19 =	vmul.f32 $5.208333490e-03, v19;
	_ =	sdelay $0x1  }
0x6a5: {  	v19 =	vsub.f32 v19, v21;
	_ =	sdelay $0x1  }
0x6a6: {  	v19 =	vadd.f32 $9.999999960e-13, v19;
	_ =	sdelay $0x1  }
0x6a7: {  	v19 =	vbroadcast v19, $0xF;
	_ =	sdelay $0x1  }
0x6a8: {  	v21 =	vshrl.u32 v19, $0x1;
	v19 =	vmul.f32 $5.000000000e-01, v19  }
0x6a9: {  	v21 =	vsub.s32 $0x5F3759DF, v21  }
0x6aa: {  	v22 =	vmul.f32 v21, v19;
	_ =	sdelay $0x1  }
0x6ab: {  	v22 =	vmul.f32 v21, v22;
	_ =	sdelay $0x1  }
0x6ac: {  	v22 =	vsub.f32 $1.500000000e+00, v22;
	_ =	sdelay $0x1  }
0x6ad: {  	v21 =	vmul.f32 v21, v22;
	_ =	sdelay $0x1  }
0x6ae: {  	v22 =	vmul.f32 v21, v19;
	_ =	sdelay $0x1  }
0x6af: {  	v22 =	vmul.f32 v22, v21;
	_ =	sdelay $0x1  }
0x6b0: {  	v22 =	vsub.f32 $1.500000000e+00, v22;
	_ =	sdelay $0x1  }
0x6b1: {  	v21 =	vmul.f32 v22, v21;
	_ =	sdelay $0x1  }
0x6b2: {  	v19 =	vmul.f32 v21, v19;
	_ =	sdelay $0x1  }
0x6b3: {  	v19 =	vmul.f32 v19, v21;
	_ =	sdelay $0x1  }
0x6b4: {  	v17 =	vbroadcast v17, $0xF;
	v19 =	vsub.f32 $1.500000000e+00, v19  }
0x6b5: {  	v22 =	vld [tilespmem:$0xC700]  }
0x6b6: {  	v18 =	vsub.f32 v18, v17;
	v19 =	vmul.f32 v19, v21  }
0x6b7: {  	v21 =	vld [tilespmem:$0xC800]  }
0x6b8: {  	v18 =	vmul.f32 v19, v18;
	_ =	sdelay $0x1  }
0x6b9: {  	v18 =	vmul.f32 v18, v22;
	_ =	sdelay $0x1  }
0x6ba: {  	v18 =	vadd.f32 v18, v21;
	_ =	sdelay $0x1  }
0x6bb: {  	[tilespmem:s22+$0x8700] =	vst v18  }
0x6bc: {  	v18 =	vld [tilespmem:$0xC710]  }
0x6bd: {  	v20 =	vsub.f32 v20, v17  }
0x6be: {  	v21 =	vld [tilespmem:$0xC810]  }
0x6bf: {  	v20 =	vmul.f32 v19, v20;
	_ =	sdelay $0x1  }
0x6c0: {  	v18 =	vmul.f32 v20, v18  }
0x6c1: {  	v20 =	vld [tilespmem:s22+$0x2720]  }
0x6c2: {  	v18 =	vadd.f32 v18, v21;
	_ =	sdelay $0x1  }
0x6c3: {  	[tilespmem:s22+$0x8710] =	vst v18  }
0x6c4: {  	v18 =	vld [tilespmem:$0xC720]  }
0x6c5: {  	v20 =	vsub.f32 v20, v17  }
0x6c6: {  	v21 =	vld [tilespmem:$0xC820]  }
0x6c7: {  	v20 =	vmul.f32 v19, v20;
	_ =	sdelay $0x1  }
0x6c8: {  	v18 =	vmul.f32 v20, v18  }
0x6c9: {  	v20 =	vld [tilespmem:s22+$0x2730]  }
0x6ca: {  	v18 =	vadd.f32 v18, v21;
	_ =	sdelay $0x1  }
0x6cb: {  	[tilespmem:s22+$0x8720] =	vst v18  }
0x6cc: {  	v18 =	vld [tilespmem:$0xC730]  }
0x6cd: {  	v20 =	vsub.f32 v20, v17  }
0x6ce: {  	v21 =	vld [tilespmem:$0xC830]  }
0x6cf: {  	v20 =	vmul.f32 v19, v20;
	_ =	sdelay $0x1  }
0x6d0: {  	v18 =	vmul.f32 v20, v18;
	_ =	sdelay $0x1  }
0x6d1: {  	v18 =	vadd.f32 v18, v21;
	_ =	sdelay $0x1  }
0x6d2: {  	[tilespmem:s22+$0x8730] =	vst v18  }
0x6d3: {  	v20 =	vld [tilespmem:$0xC740]  }
0x6d4: {  	v18 =	vsub.f32 v24, v17  }
0x6d5: {  	v21 =	vld [tilespmem:$0xC840]  }
0x6d6: {  	v22 =	vmul.f32 v19, v18  }
0x6d7: {  	s23 =	simm.s32 $0x80  }
0x6d8: {  	v18 =	vld [tilespmem:s23+$0x2700];
	v20 =	vmul.f32 v22, v20  }
0x6d9: {  	v22 =	vld [tilespmem:s22+$0x2750]  }
0x6da: {  	v23 =	vld [tilespmem:s23+$0x2710];
	v20 =	vadd.f32 v20, v21  }
0x6db: {  	v24 =	vld [tilespmem:s23+$0x2720]  }
0x6dc: {  	v21 =	vld [tilespmem:s23+$0x2730];
	[tilespmem:s22+$0x8740] =	vst v20  }
0x6dd: {  	v20 =	vadd.f32 $0.0e+00, v18;
	v25 =	vld [tilespmem:$0xC750]  }
0x6de: {  	v22 =	vsub.f32 v22, v17  }
0x6df: {  	v28 =	vmul.f32 v23, v23;
	v27 =	vmul.f32 v18, v18;
	v26 =	vld [tilespmem:$0xC850];
	v20 =	vadd.f32 v23, v20  }
0x6e0: {  	v29 =	vld [tilespmem:s23+$0x2740];
	v22 =	vmul.f32 v19, v22  }
0x6e1: {  	v27 =	vadd.f32 v28, v27;
	v20 =	vadd.f32 v24, v20;
	v24 =	vmul.f32 v24, v24  }
0x6e2: {  	v61 =	vld [tilespmem:s23+$0x2750];
	v22 =	vmul.f32 v22, v25  }
0x6e3: {  	v25 =	vld [tilespmem:s22+$0x2760];
	v24 =	vadd.f32 v24, v27;
	v20 =	vadd.f32 v21, v20;
	v21 =	vmul.f32 v21, v21  }
0x6e4: {  	v27 =	vld [tilespmem:s23+$0x2760];
	v22 =	vadd.f32 v22, v26  }
0x6e5: {  	v21 =	vadd.f32 v21, v24;
	v20 =	vadd.f32 v29, v20;
	v24 =	vmul.f32 v29, v29  }
0x6e6: {  	v26 =	vld [tilespmem:s23+$0x2770];
	[tilespmem:s22+$0x8750] =	vst v22  }
0x6e7: {  	v21 =	vadd.f32 v24, v21;
	v20 =	vadd.f32 v61, v20;
	v22 =	vmul.f32 v61, v61;
	v24 =	vld [tilespmem:$0xC760]  }
0x6e8: {  	v25 =	vsub.f32 v25, v17;
	v62 =	vld [tilespmem:s23+$0x6700]  }
0x6e9: {  	v21 =	vadd.f32 v22, v21;
	v20 =	vadd.f32 v27, v20;
	v22 =	vmul.f32 v27, v27;
	v27 =	vld [tilespmem:$0xC860]  }
0x6ea: {  	v30 =	vld [tilespmem:s23+$0x6710];
	v25 =	vmul.f32 v25, v19  }
0x6eb: {  	v21 =	vadd.f32 v22, v21;
	v22 =	vmul.f32 v26, v26  }
0x6ec: {  	v20 =	vadd.f32 v26, v20;
	v26 =	vld [tilespmem:s23+$0x6720];
	v24 =	vmul.f32 v25, v24  }
0x6ed: {  	v25 =	vld [tilespmem:s22+$0x2770];
	v21 =	vadd.f32 v22, v21;
	v22 =	vmul.f32 v62, v62  }
0x6ee: {  	v20 =	vadd.f32 v62, v20;
	v24 =	vadd.f32 v24, v27  }
0x6ef: {  	v63 =	vld [tilespmem:s23+$0x6730];
	v21 =	vadd.f32 v22, v21;
	v22 =	vmul.f32 v30, v30  }
0x6f0: {  	v20 =	vadd.f32 v30, v20;
	[tilespmem:s22+$0x8760] =	vst v24  }
0x6f1: {  	v21 =	vadd.f32 v22, v21;
	v22 =	vmul.f32 v26, v26;
	v24 =	vld [tilespmem:$0xC770]  }
0x6f2: {  	v20 =	vadd.f32 v26, v20;
	v25 =	vsub.f32 v25, v17  }
0x6f3: {  	v26 =	vld [tilespmem:$0xC870];
	v21 =	vadd.f32 v22, v21  }
0x6f4: {  	v20 =	vadd.f32 v63, v20;
	v22 =	vmul.f32 v63, v63;
	v25 =	vmul.f32 v25, v19;
	_ =	sdelay $0x1  }
0x6f5: {  	v21 =	vadd.f32 v22, v21;
	(xrf2) =	vadd.scan.msk.f32 $0xffff, v20;
	v20 =	vmul.f32 v25, v24  }
0x6f6: {  	v22 =	vld [tilespmem:s22+$0x6700]  }
0x6f7: {  	(xrf2) =	vadd.scan.msk.f32 $0xffff, v21;
	v20 =	vadd.f32 v20, v26;
	_ =	sdelay $0x1  }
0x6f8: {  	[tilespmem:s22+$0x8770] =	vst v20  }
0x6f9: {  	v20 =	vld [tilespmem:$0xC780]  }
0x6fa: {  	v21 =	vsub.f32 v22, v17  }
0x6fb: {  	v22 =	vld [tilespmem:$0xC880]  }
0x6fc: {  	v21 =	vmul.f32 v21, v19;
	_ =	sdelay $0x1  }
0x6fd: {  	v24, _, _ =	vpop (xrf2);
	v20 =	vmul.f32 v21, v20  }
0x6fe: {  	v24 =	vmul.f32 $5.208333490e-03, v24;
	v21 =	vld [tilespmem:s22+$0x6710]  }
0x6ff: {  	v25, _, _ =	vpop (xrf2);
	v20 =	vadd.f32 v20, v22  }
0x700: {  	v26 =	vmul.f32 v24, v24;
	v22 =	vmul.f32 $5.208333490e-03, v25  }
0x701: {  	[tilespmem:s22+$0xA700] =	vst v20  }
0x702: {  	v20 =	vsub.f32 v22, v26;
	v22 =	vld [tilespmem:$0xC790]  }
0x703: {  	v21 =	vsub.f32 v21, v17  }
0x704: {  	v25 =	vld [tilespmem:$0xC890];
	v20 =	vadd.f32 $9.999999960e-13, v20  }
0x705: {  	v21 =	vmul.f32 v21, v19  }
0x706: {  	v20 =	vbroadcast v20, $0xF  }
0x707: {  	v21 =	vmul.f32 v21, v22  }
0x708: {  	v26 =	vld [tilespmem:s22+$0x6720];
	v22 =	vshrl.u32 v20, $0x1;
	v20 =	vmul.f32 $5.000000000e-01, v20  }
0x709: {  	v22 =	vsub.s32 $0x5F3759DF, v22;
	v21 =	vadd.f32 v21, v25  }
0x70a: {  	v25 =	vmul.f32 v22, v20  }
0x70b: {  	[tilespmem:s22+$0xA710] =	vst v21  }
0x70c: {  	v21 =	vmul.f32 v22, v25;
	v25 =	vld [tilespmem:$0xC7A0]  }
0x70d: {  	v26 =	vsub.f32 v26, v17  }
0x70e: {  	v27 =	vld [tilespmem:$0xC8A0];
	v21 =	vsub.f32 $1.500000000e+00, v21  }
0x70f: {  	v26 =	vmul.f32 v26, v19  }
0x710: {  	v21 =	vmul.f32 v22, v21  }
0x711: {  	v22 =	vmul.f32 v26, v25;
	v26 =	vld [tilespmem:s22+$0x6730]  }
0x712: {  	v25 =	vmul.f32 v21, v20  }
0x713: {  	v22 =	vadd.f32 v22, v27  }
0x714: {  	v25 =	vmul.f32 v25, v21  }
0x715: {  	[tilespmem:s22+$0xA720] =	vst v22  }
0x716: {  	v22 =	vsub.f32 $1.500000000e+00, v25;
	v25 =	vld [tilespmem:$0xC7B0];
	v26 =	vsub.f32 v26, v17  }
0x717: {  	v17 =	vbroadcast v24, $0xF  }
0x718: {  	v22 =	vmul.f32 v22, v21;
	v24 =	vmul.f32 v26, v19;
	v19 =	vld [tilespmem:$0xC8B0];
	_ =	sdelay $0x1  }
0x719: {  	v26 =	vmul.f32 v22, v20  }
0x71a: {  	v24 =	vmul.f32 v24, v25  }
0x71b: {  	s30 =	simm.s32 $0x400;
	v21 =	vsub.f32 v23, v17;
	v20 =	vsub.f32 v29, v17;
	v23 =	vmul.f32 v26, v22  }
.LBB2_16:
0x71c: {  	p0 =	sne.s32 s30, $0x7E00;
	v19 =	vadd.f32 v24, v19;
	s5 =	smov.u32 s30;
	s30 =	sadd.s32 $0x200, s30  }
0x71d: {  	v23 =	vsub.f32 $1.500000000e+00, v23  }
0x71e: {  	v18 =	vsub.f32 v18, v17;
	[tilespmem:s22+$0xA730] =	vst v19;
	s22 =	smov.u32 s23  }
0x71f: {  	v19 =	vmul.f32 v23, v22;
	v22 =	vld [tilespmem:$0xC700];
	_ =	sdelay $0x1  }
0x720: {  	v18 =	vmul.f32 v19, v18;
	v23 =	vld [tilespmem:$0xC800];
	_ =	sdelay $0x2  }
0x721: {  	v18 =	vmul.f32 v18, v22;
	_ =	sdelay $0x1  }
0x722: {  	v18 =	vadd.f32 v18, v23;
	_ =	sdelay $0x1  }
0x723: {  	[tilespmem:s22+$0x8700] =	vst v18  }
0x724: {  	v18 =	vld [tilespmem:$0xC710];
	_ =	sdelay $0x1  }
0x725: {  	v22 =	vld [tilespmem:$0xC810]  }
0x726: {  	v21 =	vmul.f32 v19, v21;
	_ =	sdelay $0x1  }
0x727: {  	v18 =	vmul.f32 v21, v18  }
0x728: {  	v21 =	vld [tilespmem:s22+$0x2720]  }
0x729: {  	v18 =	vadd.f32 v18, v22;
	_ =	sdelay $0x1  }
0x72a: {  	[tilespmem:s22+$0x8710] =	vst v18  }
0x72b: {  	v18 =	vld [tilespmem:$0xC720]  }
0x72c: {  	v21 =	vsub.f32 v21, v17  }
0x72d: {  	v22 =	vld [tilespmem:$0xC820]  }
0x72e: {  	v21 =	vmul.f32 v19, v21;
	_ =	sdelay $0x1  }
0x72f: {  	v18 =	vmul.f32 v21, v18  }
0x730: {  	v21 =	vld [tilespmem:s22+$0x2730]  }
0x731: {  	v18 =	vadd.f32 v18, v22;
	_ =	sdelay $0x1  }
0x732: {  	[tilespmem:s22+$0x8720] =	vst v18  }
0x733: {  	v18 =	vld [tilespmem:$0xC730]  }
0x734: {  	v21 =	vsub.f32 v21, v17  }
0x735: {  	v22 =	vld [tilespmem:$0xC830]  }
0x736: {  	v21 =	vmul.f32 v19, v21;
	_ =	sdelay $0x1  }
0x737: {  	v18 =	vmul.f32 v21, v18;
	_ =	sdelay $0x1  }
0x738: {  	v18 =	vadd.f32 v18, v22;
	_ =	sdelay $0x1  }
0x739: {  	[tilespmem:s22+$0x8730] =	vst v18  }
0x73a: {  	v21 =	vld [tilespmem:$0xC740];
	_ =	sdelay $0x1  }
0x73b: {  	v22 =	vld [tilespmem:$0xC840]  }
0x73c: {  	v20 =	vmul.f32 v19, v20  }
0x73d: {  	s23 =	sshra.s32 s5, $0x2  }
0x73e: {  	v18 =	vld [tilespmem:s23+$0x2700];
	v21 =	vmul.f32 v20, v21  }
0x73f: {  	v23 =	vld [tilespmem:s22+$0x2750]  }
0x740: {  	v20 =	vld [tilespmem:s23+$0x2710];
	v21 =	vadd.f32 v21, v22  }
0x741: {  	v22 =	vld [tilespmem:s23+$0x2730]  }
0x742: {  	v24 =	vld [tilespmem:s23+$0x2720];
	[tilespmem:s22+$0x8740] =	vst v21  }
0x743: {  	v21 =	vadd.f32 $0.0e+00, v18;
	v25 =	vld [tilespmem:$0xC750]  }
0x744: {  	v23 =	vsub.f32 v23, v17;
	v26 =	vld [tilespmem:$0xC850]  }
0x745: {  	v27 =	vmul.f32 v18, v18;
	v21 =	vadd.f32 v20, v21;
	v28 =	vmul.f32 v20, v20  }
0x746: {  	v29 =	vld [tilespmem:s23+$0x2740];
	v23 =	vmul.f32 v19, v23  }
0x747: {  	v27 =	vadd.f32 v28, v27;
	v21 =	vadd.f32 v24, v21;
	v24 =	vmul.f32 v24, v24;
	v28 =	vld [tilespmem:s22+$0x2760]  }
0x748: {  	v30 =	vld [tilespmem:s23+$0x2750];
	v23 =	vmul.f32 v23, v25  }
0x749: {  	v24 =	vadd.f32 v24, v27;
	v21 =	vadd.f32 v22, v21;
	v22 =	vmul.f32 v22, v22  }
0x74a: {  	v25 =	vld [tilespmem:s23+$0x2760];
	v23 =	vadd.f32 v23, v26  }
0x74b: {  	v22 =	vadd.f32 v22, v24;
	v21 =	vadd.f32 v29, v21;
	v24 =	vmul.f32 v29, v29  }
0x74c: {  	v26 =	vld [tilespmem:s23+$0x2770];
	[tilespmem:s22+$0x8750] =	vst v23;
	v23 =	vsub.f32 v28, v17  }
0x74d: {  	v22 =	vadd.f32 v24, v22;
	v21 =	vadd.f32 v30, v21;
	v24 =	vmul.f32 v30, v30;
	v27 =	vld [tilespmem:$0xC760]  }
0x74e: {  	v28 =	vld [tilespmem:s23+$0x6700];
	v23 =	vmul.f32 v23, v19  }
0x74f: {  	v22 =	vadd.f32 v24, v22;
	v21 =	vadd.f32 v25, v21;
	v24 =	vmul.f32 v25, v25;
	v25 =	vld [tilespmem:$0xC860]  }
0x750: {  	v30 =	vld [tilespmem:s23+$0x6710]  }
0x751: {  	v22 =	vadd.f32 v24, v22;
	v21 =	vadd.f32 v26, v21;
	v24 =	vmul.f32 v26, v26;
	v26 =	vld [tilespmem:s22+$0x2770]  }
0x752: {  	v31 =	vld [tilespmem:s23+$0x6720];
	v23 =	vmul.f32 v23, v27  }
0x753: {  	v22 =	vadd.f32 v24, v22;
	v21 =	vadd.f32 v28, v21;
	v24 =	vmul.f32 v28, v28  }
0x754: {  	v27 =	vld [tilespmem:s23+$0x6730];
	v23 =	vadd.f32 v23, v25  }
0x755: {  	v22 =	vadd.f32 v24, v22;
	v21 =	vadd.f32 v30, v21;
	v24 =	vmul.f32 v30, v30  }
0x756: {  	[tilespmem:s22+$0x8760] =	vst v23;
	v23 =	vsub.f32 v26, v17  }
0x757: {  	v22 =	vadd.f32 v24, v22;
	v21 =	vadd.f32 v31, v21;
	v24 =	vmul.f32 v31, v31;
	v25 =	vld [tilespmem:$0xC770]  }
0x758: {  	v23 =	vmul.f32 v23, v19;
	v26 =	vld [tilespmem:$0xC870]  }
0x759: {  	v22 =	vadd.f32 v24, v22;
	v21 =	vadd.f32 v27, v21;
	v24 =	vmul.f32 v27, v27;
	_ =	sdelay $0x1  }
0x75a: {  	v22 =	vadd.f32 v24, v22;
	(xrf2) =	vadd.scan.msk.f32 $0xffff, v21;
	v21 =	vld [tilespmem:s22+$0x6700]  }
0x75b: {  	v23 =	vmul.f32 v23, v25;
	_ =	sdelay $0x1  }
0x75c: {  	(xrf2) =	vadd.scan.msk.f32 $0xffff, v22;
	v22 =	vadd.f32 v23, v26;
	_ =	sdelay $0x1  }
0x75d: {  	[tilespmem:s22+$0x8770] =	vst v22;
	v21 =	vsub.f32 v21, v17  }
0x75e: {  	v22 =	vld [tilespmem:$0xC780]  }
0x75f: {  	v21 =	vmul.f32 v21, v19;
	v23 =	vld [tilespmem:$0xC880];
	_ =	sdelay $0x1  }
0x760: {  	v24 =	vld [tilespmem:s22+$0x6710]  }
0x761: {  	v25, _, _ =	vpop (xrf2)  }
0x762: {  	v25 =	vmul.f32 $5.208333490e-03, v25;
	v21 =	vmul.f32 v21, v22;
	_ =	sdelay $0x1  }
0x763: {  	v22 =	vbroadcast v25, $0xF;
	v25 =	vmul.f32 v25, v25;
	v26, _, _ =	vpop (xrf2);
	v23 =	vadd.f32 v21, v23  }
0x764: {  	v26 =	vmul.f32 $5.208333490e-03, v26;
	v24 =	vsub.f32 v24, v17  }
0x765: {  	v21 =	vsub.f32 v20, v22;
	v20 =	vsub.f32 v29, v22;
	[tilespmem:s22+$0xA700] =	vst v23  }
0x766: {  	v23 =	vsub.f32 v26, v25;
	v25 =	vld [tilespmem:$0xC790]  }
0x767: {  	v24 =	vmul.f32 v24, v19;
	v26 =	vld [tilespmem:$0xC890]  }
0x768: {  	v23 =	vadd.f32 $9.999999960e-13, v23;
	_ =	sdelay $0x1  }
0x769: {  	v23 =	vbroadcast v23, $0xF;
	v27 =	vld [tilespmem:s22+$0x6720]  }
0x76a: {  	v24 =	vmul.f32 v24, v25  }
0x76b: {  	v25 =	vshrl.u32 v23, $0x1;
	v23 =	vmul.f32 $5.000000000e-01, v23  }
0x76c: {  	v25 =	vsub.s32 $0x5F3759DF, v25;
	v24 =	vadd.f32 v24, v26  }
0x76d: {  	v26 =	vmul.f32 v25, v23  }
0x76e: {  	[tilespmem:s22+$0xA710] =	vst v24;
	v24 =	vsub.f32 v27, v17  }
0x76f: {  	v26 =	vmul.f32 v25, v26;
	v27 =	vld [tilespmem:$0xC7A0]  }
0x770: {  	v24 =	vmul.f32 v24, v19;
	v28 =	vld [tilespmem:$0xC8A0]  }
0x771: {  	v26 =	vsub.f32 $1.500000000e+00, v26;
	_ =	sdelay $0x1  }
0x772: {  	v25 =	vmul.f32 v25, v26;
	v26 =	vld [tilespmem:s22+$0x6730]  }
0x773: {  	v24 =	vmul.f32 v24, v27  }
0x774: {  	v27 =	vmul.f32 v25, v23  }
0x775: {  	v24 =	vadd.f32 v24, v28  }
0x776: {  	v27 =	vmul.f32 v27, v25  }
0x777: {  	[tilespmem:s22+$0xA720] =	vst v24;
	v24 =	vsub.f32 v26, v17;
	v17 =	vmov v22  }
0x778: {  	v22 =	vsub.f32 $1.500000000e+00, v27;
	v26 =	vld [tilespmem:$0xC7B0]  }
0x779: {  	v24 =	vmul.f32 v24, v19;
	v19 =	vld [tilespmem:$0xC8B0]  }
.Ltmp7:
0x77a: {  	v22 =	vmul.f32 v22, v25;
	(pc) =	sbr.rel @p0 .LBB2_16-.Ltmp7, $4  }
0x77b: {  	_ = 	snop  }
0x77c: {  	v23 =	vmul.f32 v22, v23  }
0x77d: {  	v24 =	vmul.f32 v24, v26  }
0x77e: {  	v23 =	vmul.f32 v23, v22  }
0x77f: {  	v19 =	vadd.f32 v24, v19;
	_ =	sdelay $0x1  }
0x780: {  	v23 =	vsub.f32 $1.500000000e+00, v23;
	[tilespmem:s22+$0xA730] =	vst v19  }
0x781: {  	v19 =	vld [tilespmem:$0xC700]  }
0x782: {  	v18 =	vsub.f32 v18, v17;
	v22 =	vmul.f32 v23, v22  }
0x783: {  	v53 =	vld [tilespmem:$0xC800]  }
0x784: {  	v18 =	vmul.f32 v22, v18;
	_ =	sdelay $0x1  }
0x785: {  	v18 =	vmul.f32 v18, v19;
	_ =	sdelay $0x1  }
0x786: {  	v18 =	vadd.f32 v18, v53;
	_ =	sdelay $0x1  }
0x787: {  	[tilespmem:s23+$0x8700] =	vst v18  }
0x788: {  	v18 =	vld [tilespmem:$0xC710];
	_ =	sdelay $0x1  }
0x789: {  	v19 =	vld [tilespmem:$0xC810]  }
0x78a: {  	v21 =	vmul.f32 v22, v21;
	_ =	sdelay $0x1  }
0x78b: {  	v18 =	vmul.f32 v21, v18  }
0x78c: {  	v54 =	vld [tilespmem:s23+$0x2720]  }
0x78d: {  	v18 =	vadd.f32 v18, v19;
	_ =	sdelay $0x1  }
0x78e: {  	[tilespmem:s23+$0x8710] =	vst v18  }
0x78f: {  	v18 =	vld [tilespmem:$0xC720]  }
0x790: {  	v19 =	vsub.f32 v54, v17  }
0x791: {  	v55 =	vld [tilespmem:$0xC820]  }
0x792: {  	v19 =	vmul.f32 v22, v19;
	_ =	sdelay $0x1  }
0x793: {  	v18 =	vmul.f32 v19, v18  }
0x794: {  	v19 =	vld [tilespmem:s23+$0x2730]  }
0x795: {  	v18 =	vadd.f32 v18, v55;
	_ =	sdelay $0x1  }
0x796: {  	[tilespmem:s23+$0x8720] =	vst v18  }
0x797: {  	v18 =	vld [tilespmem:$0xC730]  }
0x798: {  	v19 =	vsub.f32 v19, v17  }
0x799: {  	v56 =	vld [tilespmem:$0xC830]  }
0x79a: {  	v19 =	vmul.f32 v22, v19;
	_ =	sdelay $0x1  }
0x79b: {  	v18 =	vmul.f32 v19, v18;
	_ =	sdelay $0x1  }
0x79c: {  	v18 =	vadd.f32 v18, v56;
	_ =	sdelay $0x1  }
0x79d: {  	[tilespmem:s23+$0x8730] =	vst v18  }
0x79e: {  	v18 =	vld [tilespmem:$0xC740];
	_ =	sdelay $0x1  }
0x79f: {  	v19 =	vld [tilespmem:$0xC840]  }
0x7a0: {  	v20 =	vmul.f32 v22, v20;
	_ =	sdelay $0x1  }
0x7a1: {  	v18 =	vmul.f32 v20, v18  }
0x7a2: {  	v57 =	vld [tilespmem:s23+$0x2750]  }
0x7a3: {  	v18 =	vadd.f32 v18, v19;
	_ =	sdelay $0x1  }
0x7a4: {  	[tilespmem:s23+$0x8740] =	vst v18  }
0x7a5: {  	v18 =	vld [tilespmem:$0xC750]  }
0x7a6: {  	v19 =	vsub.f32 v57, v17  }
0x7a7: {  	v58 =	vld [tilespmem:$0xC850]  }
0x7a8: {  	v19 =	vmul.f32 v22, v19;
	_ =	sdelay $0x1  }
0x7a9: {  	v18 =	vmul.f32 v19, v18  }
0x7aa: {  	v19 =	vld [tilespmem:s23+$0x2760]  }
0x7ab: {  	v18 =	vadd.f32 v18, v58;
	_ =	sdelay $0x1  }
0x7ac: {  	[tilespmem:s23+$0x8750] =	vst v18  }
0x7ad: {  	v18 =	vld [tilespmem:$0xC760]  }
0x7ae: {  	v19 =	vsub.f32 v19, v17  }
0x7af: {  	v59 =	vld [tilespmem:$0xC860]  }
0x7b0: {  	v19 =	vmul.f32 v19, v22;
	_ =	sdelay $0x1  }
0x7b1: {  	v18 =	vmul.f32 v19, v18  }
0x7b2: {  	v19 =	vld [tilespmem:s23+$0x2770]  }
0x7b3: {  	v18 =	vadd.f32 v18, v59;
	_ =	sdelay $0x1  }
0x7b4: {  	[tilespmem:s23+$0x8760] =	vst v18  }
0x7b5: {  	v18 =	vld [tilespmem:$0xC770]  }
0x7b6: {  	v19 =	vsub.f32 v19, v17  }
0x7b7: {  	v60 =	vld [tilespmem:$0xC870]  }
0x7b8: {  	v19 =	vmul.f32 v19, v22;
	_ =	sdelay $0x1  }
0x7b9: {  	v18 =	vmul.f32 v19, v18  }
0x7ba: {  	v19 =	vld [tilespmem:s23+$0x6700]  }
0x7bb: {  	v18 =	vadd.f32 v18, v60;
	_ =	sdelay $0x1  }
0x7bc: {  	[tilespmem:s23+$0x8770] =	vst v18  }
0x7bd: {  	v18 =	vld [tilespmem:$0xC780]  }
0x7be: {  	v19 =	vsub.f32 v19, v17  }
0x7bf: {  	v61 =	vld [tilespmem:$0xC880]  }
0x7c0: {  	v19 =	vmul.f32 v19, v22;
	_ =	sdelay $0x1  }
0x7c1: {  	v18 =	vmul.f32 v19, v18  }
0x7c2: {  	v19 =	vld [tilespmem:s23+$0x6710]  }
0x7c3: {  	v18 =	vadd.f32 v18, v61;
	_ =	sdelay $0x1  }
0x7c4: {  	[tilespmem:s23+$0xA700] =	vst v18  }
0x7c5: {  	v18 =	vld [tilespmem:$0xC790]  }
0x7c6: {  	v19 =	vsub.f32 v19, v17  }
0x7c7: {  	v62 =	vld [tilespmem:$0xC890]  }
0x7c8: {  	v19 =	vmul.f32 v19, v22;
	_ =	sdelay $0x1  }
0x7c9: {  	v18 =	vmul.f32 v19, v18  }
0x7ca: {  	v19 =	vld [tilespmem:s23+$0x6720]  }
0x7cb: {  	v18 =	vadd.f32 v18, v62;
	_ =	sdelay $0x1  }
0x7cc: {  	[tilespmem:s23+$0xA710] =	vst v18  }
0x7cd: {  	v18 =	vld [tilespmem:$0xC7A0]  }
0x7ce: {  	v19 =	vsub.f32 v19, v17  }
0x7cf: {  	v63 =	vld [tilespmem:$0xC8A0]  }
0x7d0: {  	v19 =	vmul.f32 v19, v22;
	_ =	sdelay $0x1  }
0x7d1: {  	v18 =	vmul.f32 v19, v18  }
0x7d2: {  	v19 =	vld [tilespmem:s23+$0x6730]  }
0x7d3: {  	v18 =	vadd.f32 v18, v63;
	_ =	sdelay $0x1  }
0x7d4: {  	[tilespmem:s23+$0xA720] =	vst v18  }
0x7d5: {  	v18 =	vld [tilespmem:$0xC7B0]  }
0x7d6: {  	v17 =	vsub.f32 v19, v17  }
0x7d7: {  	v19 =	vld [tilespmem:$0xC8B0]  }
0x7d8: {  	v17 =	vmul.f32 v17, v22;
	_ =	sdelay $0x1  }
0x7d9: {  	v17 =	vmul.f32 v17, v18;
	_ =	sdelay $0x1  }
0x7da: {  	v17 =	vadd.f32 v17, v19;
	_ =	sdelay $0x1  }
0x7db: {  	s5 =	rddreg [dreg:$0x13];
	[tilespmem:s23+$0xA730] =	vst v17  }
0x7dc: {  	[hbm4b:s5+s4] =	stream.linear.scatter [tilespmem:s18], [sflag:$0x3], $0x2000, $0x38;
	[tilespmem:$0xC900] =	vst v63  }
0x7dd: {  	_ =	swait.ge [sflag:s25], $0x2000  }
0x7de: {  	[sflag:s25] =	ssyncset.done $0x0  }
0x7df: {  	s23 =	rddreg [dreg:$0x14];
	[sflag:s25] =	ssyncadd.s32 $0xFFFFE000  }
0x7e0: {  	[hbm4b:s23+s4] =	stream.linear.scatter [tilespmem:s19], [sflag:$0x3], $0x2000, $0x38;
	[tilespmem:$0xC900] =	vst v63  }
0x7e1: {  	_ =	swait.ge [sflag:s25], $0x2000  }
0x7e2: {  	s21 =	sadd.s32 $0x1, s21;
	s30 =	rddreg [dreg:$0x15]  }
0x7e3: {  	p0 =	sne.s32 s21, s30  }
.Ltmp8:
0x7e4: {  	_ = 	snop;
	(pc) =	sbr.rel @p0 .LBB2_1-.Ltmp8, $3  }
0x7e5: {  	_ =	sdelay $0x1  }
0x7e6: {  	[sflag:s25] =	ssyncset.done $0x0  }
0x7e7: {  	[sflag:s25] =	ssyncadd.s32 $0xFFFFE000  }
0x7e8: {  	_ =	sfence.sel $0x180000  }
0x7e9: {  	[bflag:$0x0] =	sbarrier.arrive $0xFFFF  }
0x7ea: {  	_ =	strace $0x90000047  }
0x7eb: {  	s0 =	stileid.u32;
	[bflag:$0x2] =	sbarrier.arrive $0xFFFF  }
0x7ec: {  	p0 =	sne.s32 s0, $0x0;
	s0 =	rddreg [dreg:$0x4]  }
0x7ed: {  	s0 =	sadd.s32 @!p0 $0x100000, s0  }
0x7ee: {  	[sflag:s0] =	ssyncadd.tile.s32 @!p0 $0x1;
	_ =	shalt  }
.Lfunc_end2:
_tile_overlayer_lowered:
.L_overlay_start_2:
0x7ef: {  	(tag) =	ssettag $0x2  }
0x7f0: {  	s0 =	rddreg [dreg:$0x0];
	s2 =	stileid.u32  }
0x7f1: {  	s1 =	rddreg [dreg:$0x1];
	p0 =	sne.s32 s2, $0x0  }
0x7f2: {  	s3 =	rddreg [dreg:$0x2];
	[bflag:$0x3] =	sbarrier.arrive $0xFFFF;
	s2 =	simm.s32 @!p0 $0x1C03  }
0x7f3: {  	[timem:s3], [sflag:s2] =	dma.local @!p0 [hbm:s0], s1  }
0x7f4: {  	s0 =	simm.s32 @!p0 $0x3  }
0x7f5: {  	_ =	swait.ge @!p0 [sflag:s0], s1  }
0x7f6: {  	s1 =	ssub.s32 @!p0 $0x0, s1;
	[sflag:s0] =	ssyncset.done @!p0 $0x0  }
0x7f7: {  	[sflag:s0] =	ssyncadd.s32 @!p0 s1  }
0x7f8: {  	[bflag:$0x3] =	sbarrier.arrive $0xFFFF  }
0x7f9: {  	_ =	shalt  }

</sc_bundles>
